<compile_context>
chip_gen: v7x
topology: tpu7x:2x2x1
jax: 0.10.2.dev20260603
libtpu: 0.0.44.dev20260713+nightly
codegen_flags: <defaults>
</compile_context>

<pallas_src>
import functools

import jax
import jax.numpy as jnp
from jax import lax
from jax.experimental import pallas as pl
from jax.experimental.pallas import tpu as pltpu
from jax.experimental.pallas import tpu_sc as plsc

N = 10000
E = 320000
D = 128
H = 128
G = 64

NC = 2
NS = 16
NW = NC * NS
EC = 128
CH0 = 144
CH1 = 16
CR = (CH0 + 1) // 2
Q = 1
E_PAD = NS * (CH0 + CH1) * EC
ZR = 632
N_PAD = NS * ZR

_sc_mesh = plsc.VectorSubcoreMesh(core_axis_name="c", subcore_axis_name="s")


@functools.partial(
    pl.kernel,
    out_type=jax.ShapeDtypeStruct((NC, N_PAD, D), jnp.float32),
    mesh=_sc_mesh,
    scratch_types=[
        pltpu.VMEM((CR, EC), jnp.int32),
        pltpu.VMEM((CR, EC), jnp.int32),
        pltpu.VMEM((Q * EC,), jnp.int32),
        pltpu.VMEM((Q * EC,), jnp.int32),
        pltpu.VMEM((Q * EC, D), jnp.float32),
        pltpu.VMEM_SHARED((N_PAD, D), jnp.float32),
        pltpu.SemaphoreType.DMA,
    ],
)
def _seg_sum_sc(h_hbm, psrc_hbm, pdst_hbm, zeros_hbm, out_hbm,
                psrc_v, pdst_v, sidx2, didx2, rows_v, accum, s0):
    cid = lax.axis_index("c")
    sid = lax.axis_index("s")
    wid = cid * NS + sid

    pltpu.sync_copy(psrc_hbm.at[wid], psrc_v)
    pltpu.sync_copy(pdst_hbm.at[wid], pdst_v)

    def unpack_chunk(packed_ref, out_ref, row, b, base):
        for g in range(4):
            w = packed_ref[row, pl.ds(b * 64 + g * 16, 16)]
            out_ref[pl.ds(base + g * 32, 16)] = w & 0xFFFF
            out_ref[pl.ds(base + g * 32 + 16, 16)] = w >> 16

    for q in range(Q):
        unpack_chunk(psrc_v, sidx2, q // 2, q % 2, q * EC)
        unpack_chunk(pdst_v, didx2, q // 2, q % 2, q * EC)

    pltpu.sync_copy(zeros_hbm, accum.at[pl.ds(sid * ZR, ZR)])
    plsc.subcore_barrier()

    def do_super(g):
        jn = (g + 1) * Q
        pltpu.async_copy(h_hbm.at[sidx2], rows_v, s0).wait()
        for q in range(Q):
            unpack_chunk(psrc_v, sidx2, (jn + q) // 2, (jn + q) % 2, q * EC)
        pltpu.sync_copy(rows_v, accum.at[didx2], add=True)
        for q in range(Q):
            unpack_chunk(pdst_v, didx2, (jn + q) // 2, (jn + q) % 2, q * EC)

    def body(g, carry):
        do_super(g)
        return carry

    n_super = lax.select(cid == 0, CH0 // Q, CH1 // Q)
    lax.fori_loop(0, n_super - 1, body, 0)
    pltpu.async_copy(h_hbm.at[sidx2], rows_v, s0).wait()
    pltpu.sync_copy(rows_v, accum.at[didx2], add=True)
    plsc.subcore_barrier()

    pltpu.sync_copy(accum.at[pl.ds(sid * ZR, ZR)],
                    out_hbm.at[cid, pl.ds(sid * ZR, ZR)])


def _sn_prep_body(ws_ref, out_ref):
    for i in range(6):
        W = ws_ref[i]
        u = jnp.full((1, H), 1.0 / jnp.sqrt(float(H)), jnp.float32)
        for _ in range(3):
            v = jax.lax.dot_general(u, W, (((1,), (0,)), ((), ())),
                                    preferred_element_type=jnp.float32)
            v = v / (jnp.sqrt(jnp.sum(v * v)) + 1e-12)
            u = jax.lax.dot_general(v, W, (((1,), (1,)), ((), ())),
                                    preferred_element_type=jnp.float32)
            u = u / (jnp.sqrt(jnp.sum(u * u)) + 1e-12)
        wv = jax.lax.dot_general(v, W, (((1,), (1,)), ((), ())),
                                 preferred_element_type=jnp.float32)
        sigma = jnp.sum(u * wv)
        out_ref[i] = W / sigma


_sn_prep = pl.pallas_call(
    _sn_prep_body,
    out_shape=jax.ShapeDtypeStruct((6, H, H), jnp.float32),
)

R = 2000


def _mlp_body(h_ref, p0_ref, p1_ref, wa_ref, ba_ref, wb_ref, bb_ref, out_ref):
    z = h_ref[...] + p0_ref[0] + p1_ref[0]
    y = jax.lax.dot_general(z, wa_ref[...], (((1,), (1,)), ((), ())),
                            preferred_element_type=jnp.float32)
    y = jnp.maximum(y + ba_ref[...], 0.0)
    o = jax.lax.dot_general(y, wb_ref[...], (((1,), (1,)), ((), ())),
                            preferred_element_type=jnp.float32)
    out_ref[...] = o + bb_ref[...]


_mlp = pl.pallas_call(
    _mlp_body,
    grid=(N // R,),
    in_specs=[
        pl.BlockSpec((R, D), lambda i: (i, 0)),
        pl.BlockSpec((1, R, D), lambda i: (0, i, 0)),
        pl.BlockSpec((1, R, D), lambda i: (1, i, 0)),
        pl.BlockSpec((H, H), lambda i: (0, 0)),
        pl.BlockSpec((1, H), lambda i: (0, 0)),
        pl.BlockSpec((H, H), lambda i: (0, 0)),
        pl.BlockSpec((1, H), lambda i: (0, 0)),
    ],
    out_specs=pl.BlockSpec((R, D), lambda i: (i, 0)),
    out_shape=jax.ShapeDtypeStruct((N, D), jnp.float32),
)


def _pool_body(h_ref, b_ref, wf_ref, bf_ref, out_ref, sums, counts):
    i = pl.program_id(0)

    @pl.when(i == 0)
    def _():
        sums[...] = jnp.zeros((G, D), jnp.float32)
        counts[...] = jnp.zeros((G, 128), jnp.float32)

    ids = jax.lax.broadcasted_iota(jnp.int32, (G, R), 0)
    m = (ids == b_ref[0, 0][None, :]).astype(jnp.float32)
    sums[...] += jax.lax.dot_general(m, h_ref[...], (((1,), (0,)), ((), ())),
                                     preferred_element_type=jnp.float32)
    counts[...] += jnp.broadcast_to(jnp.sum(m, axis=1, keepdims=True), (G, 128))

    @pl.when(i == pl.num_programs(0) - 1)
    def _():
        pooled = sums[...] / jnp.maximum(counts[...], 1.0)
        s = jnp.sum(pooled * wf_ref[...], axis=1, keepdims=True)
        out_ref[...] = jax.nn.sigmoid(s + bf_ref[0, 0])


_pool = pl.pallas_call(
    _pool_body,
    grid=(N // R,),
    in_specs=[
        pl.BlockSpec((R, D), lambda i: (i, 0)),
        pl.BlockSpec((1, 1, R), lambda i: (i, 0, 0)),
        pl.BlockSpec((1, H), lambda i: (0, 0)),
        pl.BlockSpec((1, 1), lambda i: (0, 0)),
    ],
    out_specs=pl.BlockSpec((G, 1), lambda i: (0, 0)),
    out_shape=jax.ShapeDtypeStruct((G, 1), jnp.float32),
    scratch_shapes=[
        pltpu.VMEM((G, D), jnp.float32),
        pltpu.VMEM((G, 128), jnp.float32),
    ],
)


def kernel(x, edge_index, batch, A0, a0, B0, b0, A1, a1, B1, b1,
           A2, a2, B2, b2, Wf, bf):
    pad = E_PAD - E
    src = jnp.concatenate([edge_index[0], jnp.zeros((pad,), jnp.int32)])
    dst = jnp.concatenate([edge_index[1], jnp.full((pad,), N, jnp.int32)])

    def pack_u16(a):
        def pk(part, ch):
            c = part.reshape(NS, ch, 4, 2, 16)
            return (c[:, :, :, 0, :] | (c[:, :, :, 1, :] << 16)).reshape(
                NS, ch // 2, EC)
        p0 = pk(a[:NS * CH0 * EC], CH0)
        p1 = pk(a[NS * CH0 * EC:], CH1)
        p1 = jnp.concatenate(
            [p1, jnp.zeros((NS, CR - CH1 // 2, EC), jnp.int32)], axis=1)
        return jnp.concatenate([p0, p1], axis=0)

    src_r = pack_u16(src)
    dst_r = pack_u16(dst)
    zeros = jnp.zeros((ZR, D), jnp.float32)

    wn = _sn_prep(jnp.stack([A0, B0, A1, B1, A2, B2]))
    biases = [(a0.reshape(1, H), b0.reshape(1, H)),
              (a1.reshape(1, H), b1.reshape(1, H)),
              (a2.reshape(1, H), b2.reshape(1, H))]

    h = x
    for layer in range(3):
        partials = _seg_sum_sc(h, src_r, dst_r, zeros)
        ba, bb = biases[layer]
        h = _mlp(h, partials, partials, wn[2 * layer], ba,
                 wn[2 * layer + 1], bb)

    batch_r = batch.reshape(N // R, 1, R)
    return _pool(h, batch_r, Wf, bf.reshape(1, 1))

# --- scband reference (transcript-rebuilt; emitter-appended) ---
"""Pipeline reference for scband-discriminator-24008867185216 (READ-ONLY COPY).

The authoritative reference and input builder live on the scoring server;
editing this copy changes nothing except your own understanding.
"""

import jax, jax.numpy as jnp
import numpy as np

N = 10000
E = 320000
D = 128
H = 128
G = 64


def _sn(W):
    # spectral norm via power iteration (u, v detached, as in torch.nn.utils.spectral_norm)
    u = jnp.ones((W.shape[0],), jnp.float32) / jnp.sqrt(float(W.shape[0]))
    for _ in range(3):
        v = W.T @ u
        v = v / (jnp.linalg.norm(v) + 1e-12)
        u = W @ v
        u = u / (jnp.linalg.norm(u) + 1e-12)
    u = jax.lax.stop_gradient(u)
    v = jax.lax.stop_gradient(v)
    sigma = jnp.dot(u, W @ v)
    return W / sigma


def setup_inputs(seed: int = 0) -> dict:
    key = jax.random.key(seed)
    ks = jax.random.split(key, 16)
    inp = {}
    inp["x"] = jax.random.normal(ks[0], (N, D), jnp.float32)
    inp["edge_index"] = jax.random.randint(ks[1], (2, E), 0, N, dtype=jnp.int32)
    inp["batch"] = jnp.sort(jax.random.randint(ks[2], (N,), 0, G, dtype=jnp.int32))
    dims = [(H, D), (H, H), (H, H), (H, H), (H, H), (H, H)]
    names = ["A0", "B0", "A1", "B1", "A2", "B2"]
    for i, (nm, (o, ii)) in enumerate(zip(names, dims)):
        inp[nm] = jax.random.normal(ks[3 + i], (o, ii), jnp.float32) * 0.05
        inp[nm.lower()] = jnp.zeros((o,), jnp.float32)
    inp["Wf"] = jax.random.normal(ks[9], (1, H), jnp.float32) * 0.05
    inp["bf"] = jnp.zeros((1,), jnp.float32)
    return inp


def reference(x, edge_index, batch, A0, a0, B0, b0, A1, a1, B1, b1, A2, a2, B2, b2, Wf, bf):
    src = edge_index[0]
    dst = edge_index[1]
    params = [(A0, a0, B0, b0), (A1, a1, B1, b1), (A2, a2, B2, b2)]
    h = x
    for (Wa, ba, Wb, bb) in params:
        # GINConv with eps=0: nn((1+eps)*x + sum_{j in N(i)} x_j)
        aggr = jax.ops.segment_sum(h[src], dst, num_segments=N)
        z = h + aggr
        z = z @ _sn(Wa).T + ba
        z = jax.nn.relu(z)
        z = z @ _sn(Wb).T + bb
        h = z
    # global_mean_pool
    sums = jax.ops.segment_sum(h, batch, num_segments=G)
    counts = jax.ops.segment_sum(jnp.ones((N, 1), jnp.float32), batch, num_segments=G)
    pooled = sums / jnp.maximum(counts, 1.0)
    out = pooled @ Wf.T + bf
    return jax.nn.sigmoid(out)

if __name__ == "__main__":
    import jax
    _d = setup_inputs()
    print(jax.jit(kernel)(*tuple(_d.values())))

</pallas_src>

<mosaic_0001>
#map = affine_map<(d0, d1) -> (0, 0)>
#map1 = affine_map<(d0, d1) -> (0, 0, 0)>
module attributes {stable_mosaic.version = 14 : i64} {
  func.func @_seg_sum_sc(%arg0: i32, %arg1: i32, %arg2: memref<10000x128xf32, #tpu.memory_space<hbm>>, %arg3: memref<32x72x128xi32, #tpu.memory_space<hbm>>, %arg4: memref<32x72x128xi32, #tpu.memory_space<hbm>>, %arg5: memref<632x128xf32, #tpu.memory_space<hbm>>, %arg6: memref<2x10112x128xf32, #tpu.memory_space<hbm>>, %arg7: memref<72x128xi32, #tpu.memory_space<vmem>>, %arg8: memref<72x128xi32, #tpu.memory_space<vmem>>, %arg9: memref<128xi32, #tpu.memory_space<vmem>>, %arg10: memref<128xi32, #tpu.memory_space<vmem>>, %arg11: memref<128x128xf32, #tpu.memory_space<vmem>>, %arg12: memref<10112x128xf32, #tpu.memory_space<vmem_shared>>, %arg13: memref<!tpu.dma_semaphore, #tpu.memory_space<semaphore_mem>>) attributes {dimension_semantics = [#tpu.dimension_semantics<core_parallel>, #tpu.dimension_semantics<subcore_parallel>], iteration_bounds = array<i64: 2, 16>, scalar_prefetch = 0 : i64, scratch_operands = 7 : i64, tpu.core_type = #tpu.core_type<sc_vector_subcore>, window_params = [{transform_indices = #map}, {transform_indices = #map1}, {transform_indices = #map1}, {transform_indices = #map}, {transform_indices = #map1}]} {
    %mul3A = arith.constant 16 : i32
    %mul3A_0 = arith.muli %arg0, %mul3A : i32
    %add3A = arith.addi %mul3A_0, %arg1 : i32
    "tpu.region"() ({
      %run_scoped3A = tpu.sem_alloc : memref<!tpu.dma_semaphore, #tpu.memory_space<semaphore_mem>>
      %dma_start3A_173 = arith.constant 0 : i32
      %dma_start3A_174 = arith.constant 0 : i32
      %dma_start3A_175 = tpu.memref_slice %arg3[%add3A, %dma_start3A_173, %dma_start3A_174] : memref<32x72x128xi32, #tpu.memory_space<hbm>> -> memref<1x72x128xi32, #tpu.memory_space<hbm>>
      %dma_start3A_176 = tpu.memref_squeeze %dma_start3A_175 : memref<1x72x128xi32, #tpu.memory_space<hbm>> -> memref<72x128xi32, #tpu.memory_space<hbm>>
      %dma_start3A_177 = arith.constant 0 : i32
      %dma_start3A_178 = arith.constant 0 : i32
      %dma_start3A_179 = tpu.memref_slice %arg3[%add3A, %dma_start3A_177, %dma_start3A_178] : memref<32x72x128xi32, #tpu.memory_space<hbm>> -> memref<1x72x128xi32, #tpu.memory_space<hbm>>
      %dma_start3A_180 = tpu.memref_squeeze %dma_start3A_179 : memref<1x72x128xi32, #tpu.memory_space<hbm>> -> memref<72x128xi32, #tpu.memory_space<hbm>>
      tpu.enqueue_dma source(%dma_start3A_180 : memref<72x128xi32, #tpu.memory_space<hbm>>) target(%arg7 : memref<72x128xi32, #tpu.memory_space<vmem>>) target_semaphore(%run_scoped3A : memref<!tpu.dma_semaphore, #tpu.memory_space<semaphore_mem>>)
      %dma_wait3A_181 = arith.constant 0 : i32
      %dma_wait3A_182 = arith.constant 0 : i32
      %dma_wait3A_183 = tpu.memref_slice %arg3[%add3A, %dma_wait3A_181, %dma_wait3A_182] : memref<32x72x128xi32, #tpu.memory_space<hbm>> -> memref<1x72x128xi32, #tpu.memory_space<hbm>>
      %dma_wait3A_184 = tpu.memref_squeeze %dma_wait3A_183 : memref<1x72x128xi32, #tpu.memory_space<hbm>> -> memref<72x128xi32, #tpu.memory_space<hbm>>
      %dma_wait3A_185 = arith.constant 0 : i32
      %dma_wait3A_186 = arith.constant 0 : i32
      %dma_wait3A_187 = tpu.memref_slice %arg3[%add3A, %dma_wait3A_185, %dma_wait3A_186] : memref<32x72x128xi32, #tpu.memory_space<hbm>> -> memref<1x72x128xi32, #tpu.memory_space<hbm>>
      %dma_wait3A_188 = tpu.memref_squeeze %dma_wait3A_187 : memref<1x72x128xi32, #tpu.memory_space<hbm>> -> memref<72x128xi32, #tpu.memory_space<hbm>>
      tpu.wait_dma2 semaphore(%run_scoped3A : memref<!tpu.dma_semaphore, #tpu.memory_space<semaphore_mem>>) src(%dma_wait3A_188 : memref<72x128xi32, #tpu.memory_space<hbm>>) dst(%arg7 : memref<72x128xi32, #tpu.memory_space<vmem>>)
      tpu.yield
    }) : () -> ()
    "tpu.region"() ({
      %run_scoped3A = tpu.sem_alloc : memref<!tpu.dma_semaphore, #tpu.memory_space<semaphore_mem>>
      %dma_start3A_173 = arith.constant 0 : i32
      %dma_start3A_174 = arith.constant 0 : i32
      %dma_start3A_175 = tpu.memref_slice %arg4[%add3A, %dma_start3A_173, %dma_start3A_174] : memref<32x72x128xi32, #tpu.memory_space<hbm>> -> memref<1x72x128xi32, #tpu.memory_space<hbm>>
      %dma_start3A_176 = tpu.memref_squeeze %dma_start3A_175 : memref<1x72x128xi32, #tpu.memory_space<hbm>> -> memref<72x128xi32, #tpu.memory_space<hbm>>
      %dma_start3A_177 = arith.constant 0 : i32
      %dma_start3A_178 = arith.constant 0 : i32
      %dma_start3A_179 = tpu.memref_slice %arg4[%add3A, %dma_start3A_177, %dma_start3A_178] : memref<32x72x128xi32, #tpu.memory_space<hbm>> -> memref<1x72x128xi32, #tpu.memory_space<hbm>>
      %dma_start3A_180 = tpu.memref_squeeze %dma_start3A_179 : memref<1x72x128xi32, #tpu.memory_space<hbm>> -> memref<72x128xi32, #tpu.memory_space<hbm>>
      tpu.enqueue_dma source(%dma_start3A_180 : memref<72x128xi32, #tpu.memory_space<hbm>>) target(%arg8 : memref<72x128xi32, #tpu.memory_space<vmem>>) target_semaphore(%run_scoped3A : memref<!tpu.dma_semaphore, #tpu.memory_space<semaphore_mem>>)
      %dma_wait3A_181 = arith.constant 0 : i32
      %dma_wait3A_182 = arith.constant 0 : i32
      %dma_wait3A_183 = tpu.memref_slice %arg4[%add3A, %dma_wait3A_181, %dma_wait3A_182] : memref<32x72x128xi32, #tpu.memory_space<hbm>> -> memref<1x72x128xi32, #tpu.memory_space<hbm>>
      %dma_wait3A_184 = tpu.memref_squeeze %dma_wait3A_183 : memref<1x72x128xi32, #tpu.memory_space<hbm>> -> memref<72x128xi32, #tpu.memory_space<hbm>>
      %dma_wait3A_185 = arith.constant 0 : i32
      %dma_wait3A_186 = arith.constant 0 : i32
      %dma_wait3A_187 = tpu.memref_slice %arg4[%add3A, %dma_wait3A_185, %dma_wait3A_186] : memref<32x72x128xi32, #tpu.memory_space<hbm>> -> memref<1x72x128xi32, #tpu.memory_space<hbm>>
      %dma_wait3A_188 = tpu.memref_squeeze %dma_wait3A_187 : memref<1x72x128xi32, #tpu.memory_space<hbm>> -> memref<72x128xi32, #tpu.memory_space<hbm>>
      tpu.wait_dma2 semaphore(%run_scoped3A : memref<!tpu.dma_semaphore, #tpu.memory_space<semaphore_mem>>) src(%dma_wait3A_188 : memref<72x128xi32, #tpu.memory_space<hbm>>) dst(%arg8 : memref<72x128xi32, #tpu.memory_space<vmem>>)
      tpu.yield
    }) : () -> ()
    %get3A = arith.constant 0 : i32
    %get3A_1 = arith.index_cast %get3A : i32 to index
    %get3A_2 = arith.constant 0 : index
    %get3A_3 = tpu.vector_load %arg7[%get3A_1, %get3A_2] {strides = array<i32>} : memref<72x128xi32, #tpu.memory_space<vmem>>, vector<1x16xi32>,
    %get3A_4 = vector.shape_cast %get3A_3 : vector<1x16xi32> to vector<16xi32>
    %and3A = arith.constant 65535 : i32
    %and3A_5 = vector.broadcast %and3A : i32 to vector<16xi32>
    %and3A_6 = arith.andi %get3A_4, %and3A_5 : vector<16xi32>
    %swap3A = arith.constant 0 : index
    %swap3A_7 = tpu.vector_load %arg9[%swap3A] {strides = array<i32>} : memref<128xi32, #tpu.memory_space<vmem>>, vector<16xi32>,
    %swap3A_8 = vector.shape_cast %swap3A_7 : vector<16xi32> to vector<16xi32>
    %swap3A_9 = vector.shape_cast %and3A_6 : vector<16xi32> to vector<16xi32>
    tpu.vector_store %arg9[%swap3A], %swap3A_9 {strides = array<i32>} : memref<128xi32, #tpu.memory_space<vmem>>, vector<16xi32>,
    %shift_right_arithmetic3A = arith.constant 16 : i32
    %shift_right_arithmetic3A_10 = vector.broadcast %shift_right_arithmetic3A : i32 to vector<16xi32>
    %shift_right_arithmetic3A_11 = arith.shrsi %get3A_4, %shift_right_arithmetic3A_10 : vector<16xi32>
    %swap3A_12 = arith.constant 16 : index
    %swap3A_13 = tpu.vector_load %arg9[%swap3A_12] {strides = array<i32>} : memref<128xi32, #tpu.memory_space<vmem>>, vector<16xi32>,
    %swap3A_14 = vector.shape_cast %swap3A_13 : vector<16xi32> to vector<16xi32>
    %swap3A_15 = vector.shape_cast %shift_right_arithmetic3A_11 : vector<16xi32> to vector<16xi32>
    tpu.vector_store %arg9[%swap3A_12], %swap3A_15 {strides = array<i32>} : memref<128xi32, #tpu.memory_space<vmem>>, vector<16xi32>,
    %get3A_16 = arith.constant 0 : i32
    %get3A_17 = arith.index_cast %get3A_16 : i32 to index
    %get3A_18 = arith.constant 16 : index
    %get3A_19 = tpu.vector_load %arg7[%get3A_17, %get3A_18] {strides = array<i32>} : memref<72x128xi32, #tpu.memory_space<vmem>>, vector<1x16xi32>,
    %get3A_20 = vector.shape_cast %get3A_19 : vector<1x16xi32> to vector<16xi32>
    %and3A_21 = arith.constant 65535 : i32
    %and3A_22 = vector.broadcast %and3A_21 : i32 to vector<16xi32>
    %and3A_23 = arith.andi %get3A_20, %and3A_22 : vector<16xi32>
    %swap3A_24 = arith.constant 32 : index
    %swap3A_25 = tpu.vector_load %arg9[%swap3A_24] {strides = array<i32>} : memref<128xi32, #tpu.memory_space<vmem>>, vector<16xi32>,
    %swap3A_26 = vector.shape_cast %swap3A_25 : vector<16xi32> to vector<16xi32>
    %swap3A_27 = vector.shape_cast %and3A_23 : vector<16xi32> to vector<16xi32>
    tpu.vector_store %arg9[%swap3A_24], %swap3A_27 {strides = array<i32>} : memref<128xi32, #tpu.memory_space<vmem>>, vector<16xi32>,
    %shift_right_arithmetic3A_28 = arith.constant 16 : i32
    %shift_right_arithmetic3A_29 = vector.broadcast %shift_right_arithmetic3A_28 : i32 to vector<16xi32>
    %shift_right_arithmetic3A_30 = arith.shrsi %get3A_20, %shift_right_arithmetic3A_29 : vector<16xi32>
    %swap3A_31 = arith.constant 48 : index
    %swap3A_32 = tpu.vector_load %arg9[%swap3A_31] {strides = array<i32>} : memref<128xi32, #tpu.memory_space<vmem>>, vector<16xi32>,
    %swap3A_33 = vector.shape_cast %swap3A_32 : vector<16xi32> to vector<16xi32>
    %swap3A_34 = vector.shape_cast %shift_right_arithmetic3A_30 : vector<16xi32> to vector<16xi32>
    tpu.vector_store %arg9[%swap3A_31], %swap3A_34 {strides = array<i32>} : memref<128xi32, #tpu.memory_space<vmem>>, vector<16xi32>,
    %get3A_35 = arith.constant 0 : i32
    %get3A_36 = arith.index_cast %get3A_35 : i32 to index
    %get3A_37 = arith.constant 32 : index
    %get3A_38 = tpu.vector_load %arg7[%get3A_36, %get3A_37] {strides = array<i32>} : memref<72x128xi32, #tpu.memory_space<vmem>>, vector<1x16xi32>,
    %get3A_39 = vector.shape_cast %get3A_38 : vector<1x16xi32> to vector<16xi32>
    %and3A_40 = arith.constant 65535 : i32
    %and3A_41 = vector.broadcast %and3A_40 : i32 to vector<16xi32>
    %and3A_42 = arith.andi %get3A_39, %and3A_41 : vector<16xi32>
    %swap3A_43 = arith.constant 64 : index
    %swap3A_44 = tpu.vector_load %arg9[%swap3A_43] {strides = array<i32>} : memref<128xi32, #tpu.memory_space<vmem>>, vector<16xi32>,
    %swap3A_45 = vector.shape_cast %swap3A_44 : vector<16xi32> to vector<16xi32>
    %swap3A_46 = vector.shape_cast %and3A_42 : vector<16xi32> to vector<16xi32>
    tpu.vector_store %arg9[%swap3A_43], %swap3A_46 {strides = array<i32>} : memref<128xi32, #tpu.memory_space<vmem>>, vector<16xi32>,
    %shift_right_arithmetic3A_47 = arith.constant 16 : i32
    %shift_right_arithmetic3A_48 = vector.broadcast %shift_right_arithmetic3A_47 : i32 to vector<16xi32>
    %shift_right_arithmetic3A_49 = arith.shrsi %get3A_39, %shift_right_arithmetic3A_48 : vector<16xi32>
    %swap3A_50 = arith.constant 80 : index
    %swap3A_51 = tpu.vector_load %arg9[%swap3A_50] {strides = array<i32>} : memref<128xi32, #tpu.memory_space<vmem>>, vector<16xi32>,
    %swap3A_52 = vector.shape_cast %swap3A_51 : vector<16xi32> to vector<16xi32>
    %swap3A_53 = vector.shape_cast %shift_right_arithmetic3A_49 : vector<16xi32> to vector<16xi32>
    tpu.vector_store %arg9[%swap3A_50], %swap3A_53 {strides = array<i32>} : memref<128xi32, #tpu.memory_space<vmem>>, vector<16xi32>,
    %get3A_54 = arith.constant 0 : i32
    %get3A_55 = arith.index_cast %get3A_54 : i32 to index
    %get3A_56 = arith.constant 48 : index
    %get3A_57 = tpu.vector_load %arg7[%get3A_55, %get3A_56] {strides = array<i32>} : memref<72x128xi32, #tpu.memory_space<vmem>>, vector<1x16xi32>,
    %get3A_58 = vector.shape_cast %get3A_57 : vector<1x16xi32> to vector<16xi32>
    %and3A_59 = arith.constant 65535 : i32
    %and3A_60 = vector.broadcast %and3A_59 : i32 to vector<16xi32>
    %and3A_61 = arith.andi %get3A_58, %and3A_60 : vector<16xi32>
    %swap3A_62 = arith.constant 96 : index
    %swap3A_63 = tpu.vector_load %arg9[%swap3A_62] {strides = array<i32>} : memref<128xi32, #tpu.memory_space<vmem>>, vector<16xi32>,
    %swap3A_64 = vector.shape_cast %swap3A_63 : vector<16xi32> to vector<16xi32>
    %swap3A_65 = vector.shape_cast %and3A_61 : vector<16xi32> to vector<16xi32>
    tpu.vector_store %arg9[%swap3A_62], %swap3A_65 {strides = array<i32>} : memref<128xi32, #tpu.memory_space<vmem>>, vector<16xi32>,
    %shift_right_arithmetic3A_66 = arith.constant 16 : i32
    %shift_right_arithmetic3A_67 = vector.broadcast %shift_right_arithmetic3A_66 : i32 to vector<16xi32>
    %shift_right_arithmetic3A_68 = arith.shrsi %get3A_58, %shift_right_arithmetic3A_67 : vector<16xi32>
    %swap3A_69 = arith.constant 112 : index
    %swap3A_70 = tpu.vector_load %arg9[%swap3A_69] {strides = array<i32>} : memref<128xi32, #tpu.memory_space<vmem>>, vector<16xi32>,
    %swap3A_71 = vector.shape_cast %swap3A_70 : vector<16xi32> to vector<16xi32>
    %swap3A_72 = vector.shape_cast %shift_right_arithmetic3A_68 : vector<16xi32> to vector<16xi32>
    tpu.vector_store %arg9[%swap3A_69], %swap3A_72 {strides = array<i32>} : memref<128xi32, #tpu.memory_space<vmem>>, vector<16xi32>,
    %get3A_73 = arith.constant 0 : i32
    %get3A_74 = arith.index_cast %get3A_73 : i32 to index
    %get3A_75 = arith.constant 0 : index
    %get3A_76 = tpu.vector_load %arg8[%get3A_74, %get3A_75] {strides = array<i32>} : memref<72x128xi32, #tpu.memory_space<vmem>>, vector<1x16xi32>,
    %get3A_77 = vector.shape_cast %get3A_76 : vector<1x16xi32> to vector<16xi32>
    %and3A_78 = arith.constant 65535 : i32
    %and3A_79 = vector.broadcast %and3A_78 : i32 to vector<16xi32>
    %and3A_80 = arith.andi %get3A_77, %and3A_79 : vector<16xi32>
    %swap3A_81 = arith.constant 0 : index
    %swap3A_82 = tpu.vector_load %arg10[%swap3A_81] {strides = array<i32>} : memref<128xi32, #tpu.memory_space<vmem>>, vector<16xi32>,
    %swap3A_83 = vector.shape_cast %swap3A_82 : vector<16xi32> to vector<16xi32>
    %swap3A_84 = vector.shape_cast %and3A_80 : vector<16xi32> to vector<16xi32>
    tpu.vector_store %arg10[%swap3A_81], %swap3A_84 {strides = array<i32>} : memref<128xi32, #tpu.memory_space<vmem>>, vector<16xi32>,
    %shift_right_arithmetic3A_85 = arith.constant 16 : i32
    %shift_right_arithmetic3A_86 = vector.broadcast %shift_right_arithmetic3A_85 : i32 to vector<16xi32>
    %shift_right_arithmetic3A_87 = arith.shrsi %get3A_77, %shift_right_arithmetic3A_86 : vector<16xi32>
    %swap3A_88 = arith.constant 16 : index
    %swap3A_89 = tpu.vector_load %arg10[%swap3A_88] {strides = array<i32>} : memref<128xi32, #tpu.memory_space<vmem>>, vector<16xi32>,
    %swap3A_90 = vector.shape_cast %swap3A_89 : vector<16xi32> to vector<16xi32>
    %swap3A_91 = vector.shape_cast %shift_right_arithmetic3A_87 : vector<16xi32> to vector<16xi32>
    tpu.vector_store %arg10[%swap3A_88], %swap3A_91 {strides = array<i32>} : memref<128xi32, #tpu.memory_space<vmem>>, vector<16xi32>,
    %get3A_92 = arith.constant 0 : i32
    %get3A_93 = arith.index_cast %get3A_92 : i32 to index
    %get3A_94 = arith.constant 16 : index
    %get3A_95 = tpu.vector_load %arg8[%get3A_93, %get3A_94] {strides = array<i32>} : memref<72x128xi32, #tpu.memory_space<vmem>>, vector<1x16xi32>,
    %get3A_96 = vector.shape_cast %get3A_95 : vector<1x16xi32> to vector<16xi32>
    %and3A_97 = arith.constant 65535 : i32
    %and3A_98 = vector.broadcast %and3A_97 : i32 to vector<16xi32>
    %and3A_99 = arith.andi %get3A_96, %and3A_98 : vector<16xi32>
    %swap3A_100 = arith.constant 32 : index
    %swap3A_101 = tpu.vector_load %arg10[%swap3A_100] {strides = array<i32>} : memref<128xi32, #tpu.memory_space<vmem>>, vector<16xi32>,
    %swap3A_102 = vector.shape_cast %swap3A_101 : vector<16xi32> to vector<16xi32>
    %swap3A_103 = vector.shape_cast %and3A_99 : vector<16xi32> to vector<16xi32>
    tpu.vector_store %arg10[%swap3A_100], %swap3A_103 {strides = array<i32>} : memref<128xi32, #tpu.memory_space<vmem>>, vector<16xi32>,
    %shift_right_arithmetic3A_104 = arith.constant 16 : i32
    %shift_right_arithmetic3A_105 = vector.broadcast %shift_right_arithmetic3A_104 : i32 to vector<16xi32>
    %shift_right_arithmetic3A_106 = arith.shrsi %get3A_96, %shift_right_arithmetic3A_105 : vector<16xi32>
    %swap3A_107 = arith.constant 48 : index
    %swap3A_108 = tpu.vector_load %arg10[%swap3A_107] {strides = array<i32>} : memref<128xi32, #tpu.memory_space<vmem>>, vector<16xi32>,
    %swap3A_109 = vector.shape_cast %swap3A_108 : vector<16xi32> to vector<16xi32>
    %swap3A_110 = vector.shape_cast %shift_right_arithmetic3A_106 : vector<16xi32> to vector<16xi32>
    tpu.vector_store %arg10[%swap3A_107], %swap3A_110 {strides = array<i32>} : memref<128xi32, #tpu.memory_space<vmem>>, vector<16xi32>,
    %get3A_111 = arith.constant 0 : i32
    %get3A_112 = arith.index_cast %get3A_111 : i32 to index
    %get3A_113 = arith.constant 32 : index
    %get3A_114 = tpu.vector_load %arg8[%get3A_112, %get3A_113] {strides = array<i32>} : memref<72x128xi32, #tpu.memory_space<vmem>>, vector<1x16xi32>,
    %get3A_115 = vector.shape_cast %get3A_114 : vector<1x16xi32> to vector<16xi32>
    %and3A_116 = arith.constant 65535 : i32
    %and3A_117 = vector.broadcast %and3A_116 : i32 to vector<16xi32>
    %and3A_118 = arith.andi %get3A_115, %and3A_117 : vector<16xi32>
    %swap3A_119 = arith.constant 64 : index
    %swap3A_120 = tpu.vector_load %arg10[%swap3A_119] {strides = array<i32>} : memref<128xi32, #tpu.memory_space<vmem>>, vector<16xi32>,
    %swap3A_121 = vector.shape_cast %swap3A_120 : vector<16xi32> to vector<16xi32>
    %swap3A_122 = vector.shape_cast %and3A_118 : vector<16xi32> to vector<16xi32>
    tpu.vector_store %arg10[%swap3A_119], %swap3A_122 {strides = array<i32>} : memref<128xi32, #tpu.memory_space<vmem>>, vector<16xi32>,
    %shift_right_arithmetic3A_123 = arith.constant 16 : i32
    %shift_right_arithmetic3A_124 = vector.broadcast %shift_right_arithmetic3A_123 : i32 to vector<16xi32>
    %shift_right_arithmetic3A_125 = arith.shrsi %get3A_115, %shift_right_arithmetic3A_124 : vector<16xi32>
    %swap3A_126 = arith.constant 80 : index
    %swap3A_127 = tpu.vector_load %arg10[%swap3A_126] {strides = array<i32>} : memref<128xi32, #tpu.memory_space<vmem>>, vector<16xi32>,
    %swap3A_128 = vector.shape_cast %swap3A_127 : vector<16xi32> to vector<16xi32>
    %swap3A_129 = vector.shape_cast %shift_right_arithmetic3A_125 : vector<16xi32> to vector<16xi32>
    tpu.vector_store %arg10[%swap3A_126], %swap3A_129 {strides = array<i32>} : memref<128xi32, #tpu.memory_space<vmem>>, vector<16xi32>,
    %get3A_130 = arith.constant 0 : i32
    %get3A_131 = arith.index_cast %get3A_130 : i32 to index
    %get3A_132 = arith.constant 48 : index
    %get3A_133 = tpu.vector_load %arg8[%get3A_131, %get3A_132] {strides = array<i32>} : memref<72x128xi32, #tpu.memory_space<vmem>>, vector<1x16xi32>,
    %get3A_134 = vector.shape_cast %get3A_133 : vector<1x16xi32> to vector<16xi32>
    %and3A_135 = arith.constant 65535 : i32
    %and3A_136 = vector.broadcast %and3A_135 : i32 to vector<16xi32>
    %and3A_137 = arith.andi %get3A_134, %and3A_136 : vector<16xi32>
    %swap3A_138 = arith.constant 96 : index
    %swap3A_139 = tpu.vector_load %arg10[%swap3A_138] {strides = array<i32>} : memref<128xi32, #tpu.memory_space<vmem>>, vector<16xi32>,
    %swap3A_140 = vector.shape_cast %swap3A_139 : vector<16xi32> to vector<16xi32>
    %swap3A_141 = vector.shape_cast %and3A_137 : vector<16xi32> to vector<16xi32>
    tpu.vector_store %arg10[%swap3A_138], %swap3A_141 {strides = array<i32>} : memref<128xi32, #tpu.memory_space<vmem>>, vector<16xi32>,
    %shift_right_arithmetic3A_142 = arith.constant 16 : i32
    %shift_right_arithmetic3A_143 = vector.broadcast %shift_right_arithmetic3A_142 : i32 to vector<16xi32>
    %shift_right_arithmetic3A_144 = arith.shrsi %get3A_134, %shift_right_arithmetic3A_143 : vector<16xi32>
    %swap3A_145 = arith.constant 112 : index
    %swap3A_146 = tpu.vector_load %arg10[%swap3A_145] {strides = array<i32>} : memref<128xi32, #tpu.memory_space<vmem>>, vector<16xi32>,
    %swap3A_147 = vector.shape_cast %swap3A_146 : vector<16xi32> to vector<16xi32>
    %swap3A_148 = vector.shape_cast %shift_right_arithmetic3A_144 : vector<16xi32> to vector<16xi32>
    tpu.vector_store %arg10[%swap3A_145], %swap3A_148 {strides = array<i32>} : memref<128xi32, #tpu.memory_space<vmem>>, vector<16xi32>,
    %mul3A_149 = arith.constant 632 : i32
    %mul3A_150 = arith.muli %arg1, %mul3A_149 : i32
    "tpu.region"() ({
      %run_scoped3A = tpu.sem_alloc : memref<!tpu.dma_semaphore, #tpu.memory_space<semaphore_mem>>
      %dma_start3A_173 = arith.constant 0 : i32
      %dma_start3A_174 = tpu.memref_slice %arg12[%mul3A_150, %dma_start3A_173] : memref<10112x128xf32, #tpu.memory_space<vmem_shared>> -> memref<632x128xf32, #tpu.memory_space<vmem_shared>>
      tpu.enqueue_dma source(%arg5 : memref<632x128xf32, #tpu.memory_space<hbm>>) target(%dma_start3A_174 : memref<632x128xf32, #tpu.memory_space<vmem_shared>>) target_semaphore(%run_scoped3A : memref<!tpu.dma_semaphore, #tpu.memory_space<semaphore_mem>>)
      %dma_wait3A_175 = arith.constant 0 : i32
      %dma_wait3A_176 = tpu.memref_slice %arg12[%mul3A_150, %dma_wait3A_175] : memref<10112x128xf32, #tpu.memory_space<vmem_shared>> -> memref<632x128xf32, #tpu.memory_space<vmem_shared>>
      tpu.wait_dma2 semaphore(%run_scoped3A : memref<!tpu.dma_semaphore, #tpu.memory_space<semaphore_mem>>) src(%arg5 : memref<632x128xf32, #tpu.memory_space<hbm>>) dst(%dma_wait3A_176 : memref<632x128xf32, #tpu.memory_space<vmem_shared>>)
      tpu.yield
    }) : () -> ()
    %barrier3A = arith.constant 0 : index
    tpu.barrier barrier_id(%barrier3A)
    %eq3A = arith.constant 0 : i32
    %eq3A_151 = arith.cmpi eq, %arg0, %eq3A : i32
    %select_n3A = arith.constant 16 : i32
    %select_n3A_152 = arith.constant 144 : i32
    %select_n3A_153 = arith.select %eq3A_151, %select_n3A_152, %select_n3A : i32
    %sub3A = arith.constant 1 : i32
    %sub3A_154 = arith.subi %select_n3A_153, %sub3A : i32
    %while3A = arith.constant 0 : i32
    %while3A_155 = arith.constant 0 : i32
    %while3A_156 = arith.subi %sub3A_154, %while3A_155 : i32
    %while3A_157 = arith.addi %while3A_155, %while3A_156 : i32
    %while3A_158 = arith.constant 1 : i32
    %while3A_159 = arith.divsi %while3A_156, %while3A_158 : i32
    %while3A_160 = arith.muli %while3A_159, %while3A_158 : i32
    %while3A_161 = arith.addi %while3A_155, %while3A_160 : i32
    %while3A_162 = arith.constant 1 : i32
    scf.for %while3A_173 = %while3A_155 to %while3A_161 step %while3A_162  : i32 {
      %add3A_174 = arith.constant 1 : i32
      %add3A_175 = arith.addi %while3A_173, %add3A_174 : i32
      %mul3A_176 = arith.constant 1 : i32
      %mul3A_177 = arith.muli %add3A_175, %mul3A_176 : i32
      %dma_start3A_178 = arith.constant 0 : i32
      %dma_start3A_179 = arith.constant 0 : i32
      %dma_start3A_180 = tpu.memref_slice %arg2[%dma_start3A_178, %dma_start3A_179] : memref<10000x128xf32, #tpu.memory_space<hbm>> -> memref<10000x128xf32, #tpu.memory_space<hbm>>
      tpu.enqueue_indirect_dma source(%dma_start3A_180 : memref<10000x128xf32, #tpu.memory_space<hbm>>) target(%arg11 : memref<128x128xf32, #tpu.memory_space<vmem>>) offsets(%arg9 : memref<128xi32, #tpu.memory_space<vmem>>) semaphore(%arg13 : memref<!tpu.dma_semaphore, #tpu.memory_space<semaphore_mem>>)
      %dma_wait3A_181 = arith.constant 0 : i32
      %dma_wait3A_182 = arith.constant 0 : i32
      %dma_wait3A_183 = tpu.memref_slice %arg2[%dma_wait3A_181, %dma_wait3A_182] : memref<10000x128xf32, #tpu.memory_space<hbm>> -> memref<10000x128xf32, #tpu.memory_space<hbm>>
      tpu.wait_indirect_dma semaphore(%arg13 : memref<!tpu.dma_semaphore, #tpu.memory_space<semaphore_mem>>) src(%dma_wait3A_183 : memref<10000x128xf32, #tpu.memory_space<hbm>>) dst(%arg11 : memref<128x128xf32, #tpu.memory_space<vmem>>)
      %add3A_184 = arith.constant 0 : i32
      %add3A_185 = arith.addi %mul3A_177, %add3A_184 : i32
      %jit3A = arith.constant 2 : i32
      %div3A = arith.divsi %add3A_185, %jit3A : i32
      %sign3A = arith.constant 0 : i32
      %sign3A_186 = arith.cmpi sgt, %add3A_185, %sign3A : i32
      %sign3A_187 = arith.extui %sign3A_186 : i1 to i32
      %sign3A_188 = arith.constant 0 : i32
      %sign3A_189 = arith.cmpi slt, %add3A_185, %sign3A_188 : i32
      %sign3A_190 = arith.extui %sign3A_189 : i1 to i32
      %sign3A_191 = arith.subi %sign3A_187, %sign3A_190 : i32
      %sign3A_192 = arith.constant 0 : i32
      %sign3A_193 = arith.cmpi sgt, %jit3A, %sign3A_192 : i32
      %sign3A_194 = arith.extui %sign3A_193 : i1 to i32
      %sign3A_195 = arith.constant 0 : i32
      %sign3A_196 = arith.cmpi slt, %jit3A, %sign3A_195 : i32
      %sign3A_197 = arith.extui %sign3A_196 : i1 to i32
      %sign3A_198 = arith.subi %sign3A_194, %sign3A_197 : i32
      %ne3A = arith.cmpi ne, %sign3A_191, %sign3A_198 : i32
      %rem3A = arith.remsi %add3A_185, %jit3A : i32
      %ne3A_199 = arith.constant 0 : i32
      %ne3A_200 = arith.cmpi ne, %rem3A, %ne3A_199 : i32
      %and3A_201 = arith.andi %ne3A, %ne3A_200 : i1
      %sub3A_202 = arith.constant 1 : i32
      %sub3A_203 = arith.subi %div3A, %sub3A_202 : i32
      %select_n3A_204 = arith.select %and3A_201, %sub3A_203, %div3A : i32
      %add3A_205 = arith.constant 0 : i32
      %add3A_206 = arith.addi %mul3A_177, %add3A_205 : i32
      %jit3A_207 = arith.constant 2 : i32
      %eq3A_208 = arith.constant 0 : i32
      %eq3A_209 = arith.cmpi eq, %jit3A_207, %eq3A_208 : i32
      %jit3A_210 = arith.constant 1 : i32
      %select_n3A_211 = arith.select %eq3A_209, %jit3A_210, %jit3A_207 : i32
      %rem3A_212 = arith.remsi %add3A_206, %select_n3A_211 : i32
      %ne3A_213 = arith.constant 0 : i32
      %ne3A_214 = arith.cmpi ne, %rem3A_212, %ne3A_213 : i32
      %lt3A = arith.constant 0 : i32
      %lt3A_215 = arith.cmpi slt, %rem3A_212, %lt3A : i32
      %lt3A_216 = arith.constant 0 : i32
      %lt3A_217 = arith.cmpi slt, %select_n3A_211, %lt3A_216 : i32
      %ne3A_218 = arith.xori %lt3A_215, %lt3A_217 : i1
      %and3A_219 = arith.andi %ne3A_218, %ne3A_214 : i1
      %add3A_220 = arith.addi %rem3A_212, %select_n3A_211 : i32
      %select_n3A_221 = arith.select %and3A_219, %add3A_220, %rem3A_212 : i32
      %mul3A_222 = arith.constant 64 : i32
      %mul3A_223 = arith.muli %select_n3A_221, %mul3A_222 : i32
      %add3A_224 = arith.constant 0 : i32
      %add3A_225 = arith.addi %mul3A_223, %add3A_224 : i32
      %get3A_226 = arith.index_cast %select_n3A_204 : i32 to index
      %get3A_227 = arith.index_cast %add3A_225 : i32 to index
      %get3A_228 = tpu.vector_load %arg7[%get3A_226, %get3A_227] {strides = array<i32>} : memref<72x128xi32, #tpu.memory_space<vmem>>, vector<1x16xi32>,
      %get3A_229 = vector.shape_cast %get3A_228 : vector<1x16xi32> to vector<16xi32>
      %and3A_230 = arith.constant 65535 : i32
      %and3A_231 = vector.broadcast %and3A_230 : i32 to vector<16xi32>
      %and3A_232 = arith.andi %get3A_229, %and3A_231 : vector<16xi32>
      %swap3A_233 = arith.constant 0 : index
      %swap3A_234 = tpu.vector_load %arg9[%swap3A_233] {strides = array<i32>} : memref<128xi32, #tpu.memory_space<vmem>>, vector<16xi32>,
      %swap3A_235 = vector.shape_cast %swap3A_234 : vector<16xi32> to vector<16xi32>
      %swap3A_236 = vector.shape_cast %and3A_232 : vector<16xi32> to vector<16xi32>
      tpu.vector_store %arg9[%swap3A_233], %swap3A_236 {strides = array<i32>} : memref<128xi32, #tpu.memory_space<vmem>>, vector<16xi32>,
      %shift_right_arithmetic3A_237 = arith.constant 16 : i32
      %shift_right_arithmetic3A_238 = vector.broadcast %shift_right_arithmetic3A_237 : i32 to vector<16xi32>
      %shift_right_arithmetic3A_239 = arith.shrsi %get3A_229, %shift_right_arithmetic3A_238 : vector<16xi32>
      %swap3A_240 = arith.constant 16 : index
      %swap3A_241 = tpu.vector_load %arg9[%swap3A_240] {strides = array<i32>} : memref<128xi32, #tpu.memory_space<vmem>>, vector<16xi32>,
      %swap3A_242 = vector.shape_cast %swap3A_241 : vector<16xi32> to vector<16xi32>
      %swap3A_243 = vector.shape_cast %shift_right_arithmetic3A_239 : vector<16xi32> to vector<16xi32>
      tpu.vector_store %arg9[%swap3A_240], %swap3A_243 {strides = array<i32>} : memref<128xi32, #tpu.memory_space<vmem>>, vector<16xi32>,
      %mul3A_244 = arith.constant 64 : i32
      %mul3A_245 = arith.muli %select_n3A_221, %mul3A_244 : i32
      %add3A_246 = arith.constant 16 : i32
      %add3A_247 = arith.addi %mul3A_245, %add3A_246 : i32
      %get3A_248 = arith.index_cast %select_n3A_204 : i32 to index
      %get3A_249 = arith.index_cast %add3A_247 : i32 to index
      %get3A_250 = tpu.vector_load %arg7[%get3A_248, %get3A_249] {strides = array<i32>} : memref<72x128xi32, #tpu.memory_space<vmem>>, vector<1x16xi32>,
      %get3A_251 = vector.shape_cast %get3A_250 : vector<1x16xi32> to vector<16xi32>
      %and3A_252 = arith.constant 65535 : i32
      %and3A_253 = vector.broadcast %and3A_252 : i32 to vector<16xi32>
      %and3A_254 = arith.andi %get3A_251, %and3A_253 : vector<16xi32>
      %swap3A_255 = arith.constant 32 : index
      %swap3A_256 = tpu.vector_load %arg9[%swap3A_255] {strides = array<i32>} : memref<128xi32, #tpu.memory_space<vmem>>, vector<16xi32>,
      %swap3A_257 = vector.shape_cast %swap3A_256 : vector<16xi32> to vector<16xi32>
      %swap3A_258 = vector.shape_cast %and3A_254 : vector<16xi32> to vector<16xi32>
      tpu.vector_store %arg9[%swap3A_255], %swap3A_258 {strides = array<i32>} : memref<128xi32, #tpu.memory_space<vmem>>, vector<16xi32>,
      %shift_right_arithmetic3A_259 = arith.constant 16 : i32
      %shift_right_arithmetic3A_260 = vector.broadcast %shift_right_arithmetic3A_259 : i32 to vector<16xi32>
      %shift_right_arithmetic3A_261 = arith.shrsi %get3A_251, %shift_right_arithmetic3A_260 : vector<16xi32>
      %swap3A_262 = arith.constant 48 : index
      %swap3A_263 = tpu.vector_load %arg9[%swap3A_262] {strides = array<i32>} : memref<128xi32, #tpu.memory_space<vmem>>, vector<16xi32>,
      %swap3A_264 = vector.shape_cast %swap3A_263 : vector<16xi32> to vector<16xi32>
      %swap3A_265 = vector.shape_cast %shift_right_arithmetic3A_261 : vector<16xi32> to vector<16xi32>
      tpu.vector_store %arg9[%swap3A_262], %swap3A_265 {strides = array<i32>} : memref<128xi32, #tpu.memory_space<vmem>>, vector<16xi32>,
      %mul3A_266 = arith.constant 64 : i32
      %mul3A_267 = arith.muli %select_n3A_221, %mul3A_266 : i32
      %add3A_268 = arith.constant 32 : i32
      %add3A_269 = arith.addi %mul3A_267, %add3A_268 : i32
      %get3A_270 = arith.index_cast %select_n3A_204 : i32 to index
      %get3A_271 = arith.index_cast %add3A_269 : i32 to index
      %get3A_272 = tpu.vector_load %arg7[%get3A_270, %get3A_271] {strides = array<i32>} : memref<72x128xi32, #tpu.memory_space<vmem>>, vector<1x16xi32>,
      %get3A_273 = vector.shape_cast %get3A_272 : vector<1x16xi32> to vector<16xi32>
      %and3A_274 = arith.constant 65535 : i32
      %and3A_275 = vector.broadcast %and3A_274 : i32 to vector<16xi32>
      %and3A_276 = arith.andi %get3A_273, %and3A_275 : vector<16xi32>
      %swap3A_277 = arith.constant 64 : index
      %swap3A_278 = tpu.vector_load %arg9[%swap3A_277] {strides = array<i32>} : memref<128xi32, #tpu.memory_space<vmem>>, vector<16xi32>,
      %swap3A_279 = vector.shape_cast %swap3A_278 : vector<16xi32> to vector<16xi32>
      %swap3A_280 = vector.shape_cast %and3A_276 : vector<16xi32> to vector<16xi32>
      tpu.vector_store %arg9[%swap3A_277], %swap3A_280 {strides = array<i32>} : memref<128xi32, #tpu.memory_space<vmem>>, vector<16xi32>,
      %shift_right_arithmetic3A_281 = arith.constant 16 : i32
      %shift_right_arithmetic3A_282 = vector.broadcast %shift_right_arithmetic3A_281 : i32 to vector<16xi32>
      %shift_right_arithmetic3A_283 = arith.shrsi %get3A_273, %shift_right_arithmetic3A_282 : vector<16xi32>
      %swap3A_284 = arith.constant 80 : index
      %swap3A_285 = tpu.vector_load %arg9[%swap3A_284] {strides = array<i32>} : memref<128xi32, #tpu.memory_space<vmem>>, vector<16xi32>,
      %swap3A_286 = vector.shape_cast %swap3A_285 : vector<16xi32> to vector<16xi32>
      %swap3A_287 = vector.shape_cast %shift_right_arithmetic3A_283 : vector<16xi32> to vector<16xi32>
      tpu.vector_store %arg9[%swap3A_284], %swap3A_287 {strides = array<i32>} : memref<128xi32, #tpu.memory_space<vmem>>, vector<16xi32>,
      %mul3A_288 = arith.constant 64 : i32
      %mul3A_289 = arith.muli %select_n3A_221, %mul3A_288 : i32
      %add3A_290 = arith.constant 48 : i32
      %add3A_291 = arith.addi %mul3A_289, %add3A_290 : i32
      %get3A_292 = arith.index_cast %select_n3A_204 : i32 to index
      %get3A_293 = arith.index_cast %add3A_291 : i32 to index
      %get3A_294 = tpu.vector_load %arg7[%get3A_292, %get3A_293] {strides = array<i32>} : memref<72x128xi32, #tpu.memory_space<vmem>>, vector<1x16xi32>,
      %get3A_295 = vector.shape_cast %get3A_294 : vector<1x16xi32> to vector<16xi32>
      %and3A_296 = arith.constant 65535 : i32
      %and3A_297 = vector.broadcast %and3A_296 : i32 to vector<16xi32>
      %and3A_298 = arith.andi %get3A_295, %and3A_297 : vector<16xi32>
      %swap3A_299 = arith.constant 96 : index
      %swap3A_300 = tpu.vector_load %arg9[%swap3A_299] {strides = array<i32>} : memref<128xi32, #tpu.memory_space<vmem>>, vector<16xi32>,
      %swap3A_301 = vector.shape_cast %swap3A_300 : vector<16xi32> to vector<16xi32>
      %swap3A_302 = vector.shape_cast %and3A_298 : vector<16xi32> to vector<16xi32>
      tpu.vector_store %arg9[%swap3A_299], %swap3A_302 {strides = array<i32>} : memref<128xi32, #tpu.memory_space<vmem>>, vector<16xi32>,
      %shift_right_arithmetic3A_303 = arith.constant 16 : i32
      %shift_right_arithmetic3A_304 = vector.broadcast %shift_right_arithmetic3A_303 : i32 to vector<16xi32>
      %shift_right_arithmetic3A_305 = arith.shrsi %get3A_295, %shift_right_arithmetic3A_304 : vector<16xi32>
      %swap3A_306 = arith.constant 112 : index
      %swap3A_307 = tpu.vector_load %arg9[%swap3A_306] {strides = array<i32>} : memref<128xi32, #tpu.memory_space<vmem>>, vector<16xi32>,
      %swap3A_308 = vector.shape_cast %swap3A_307 : vector<16xi32> to vector<16xi32>
      %swap3A_309 = vector.shape_cast %shift_right_arithmetic3A_305 : vector<16xi32> to vector<16xi32>
      tpu.vector_store %arg9[%swap3A_306], %swap3A_309 {strides = array<i32>} : memref<128xi32, #tpu.memory_space<vmem>>, vector<16xi32>,
      "tpu.region"() ({
        %run_scoped3A = tpu.sem_alloc : memref<!tpu.dma_semaphore, #tpu.memory_space<semaphore_mem>>
        %dma_start3A_442 = arith.constant 0 : i32
        %dma_start3A_443 = arith.constant 0 : i32
        %dma_start3A_444 = tpu.memref_slice %arg12[%dma_start3A_442, %dma_start3A_443] : memref<10112x128xf32, #tpu.memory_space<vmem_shared>> -> memref<10112x128xf32, #tpu.memory_space<vmem_shared>>
        tpu.enqueue_indirect_dma source(%arg11 : memref<128x128xf32, #tpu.memory_space<vmem>>) target(%dma_start3A_444 : memref<10112x128xf32, #tpu.memory_space<vmem_shared>>) offsets(%arg10 : memref<128xi32, #tpu.memory_space<vmem>>) semaphore(%run_scoped3A : memref<!tpu.dma_semaphore, #tpu.memory_space<semaphore_mem>>) {add = true}
        %dma_wait3A_445 = arith.constant 0 : i32
        %dma_wait3A_446 = arith.constant 0 : i32
        %dma_wait3A_447 = tpu.memref_slice %arg12[%dma_wait3A_445, %dma_wait3A_446] : memref<10112x128xf32, #tpu.memory_space<vmem_shared>> -> memref<10112x128xf32, #tpu.memory_space<vmem_shared>>
        tpu.wait_indirect_dma semaphore(%run_scoped3A : memref<!tpu.dma_semaphore, #tpu.memory_space<semaphore_mem>>) src(%arg11 : memref<128x128xf32, #tpu.memory_space<vmem>>) dst(%dma_wait3A_447 : memref<10112x128xf32, #tpu.memory_space<vmem_shared>>)
        tpu.yield
      }) : () -> ()
      %add3A_310 = arith.constant 0 : i32
      %add3A_311 = arith.addi %mul3A_177, %add3A_310 : i32
      %jit3A_312 = arith.constant 2 : i32
      %div3A_313 = arith.divsi %add3A_311, %jit3A_312 : i32
      %sign3A_314 = arith.constant 0 : i32
      %sign3A_315 = arith.cmpi sgt, %add3A_311, %sign3A_314 : i32
      %sign3A_316 = arith.extui %sign3A_315 : i1 to i32
      %sign3A_317 = arith.constant 0 : i32
      %sign3A_318 = arith.cmpi slt, %add3A_311, %sign3A_317 : i32
      %sign3A_319 = arith.extui %sign3A_318 : i1 to i32
      %sign3A_320 = arith.subi %sign3A_316, %sign3A_319 : i32
      %sign3A_321 = arith.constant 0 : i32
      %sign3A_322 = arith.cmpi sgt, %jit3A_312, %sign3A_321 : i32
      %sign3A_323 = arith.extui %sign3A_322 : i1 to i32
      %sign3A_324 = arith.constant 0 : i32
      %sign3A_325 = arith.cmpi slt, %jit3A_312, %sign3A_324 : i32
      %sign3A_326 = arith.extui %sign3A_325 : i1 to i32
      %sign3A_327 = arith.subi %sign3A_323, %sign3A_326 : i32
      %ne3A_328 = arith.cmpi ne, %sign3A_320, %sign3A_327 : i32
      %rem3A_329 = arith.remsi %add3A_311, %jit3A_312 : i32
      %ne3A_330 = arith.constant 0 : i32
      %ne3A_331 = arith.cmpi ne, %rem3A_329, %ne3A_330 : i32
      %and3A_332 = arith.andi %ne3A_328, %ne3A_331 : i1
      %sub3A_333 = arith.constant 1 : i32
      %sub3A_334 = arith.subi %div3A_313, %sub3A_333 : i32
      %select_n3A_335 = arith.select %and3A_332, %sub3A_334, %div3A_313 : i32
      %add3A_336 = arith.constant 0 : i32
      %add3A_337 = arith.addi %mul3A_177, %add3A_336 : i32
      %jit3A_338 = arith.constant 2 : i32
      %eq3A_339 = arith.constant 0 : i32
      %eq3A_340 = arith.cmpi eq, %jit3A_338, %eq3A_339 : i32
      %jit3A_341 = arith.constant 1 : i32
      %select_n3A_342 = arith.select %eq3A_340, %jit3A_341, %jit3A_338 : i32
      %rem3A_343 = arith.remsi %add3A_337, %select_n3A_342 : i32
      %ne3A_344 = arith.constant 0 : i32
      %ne3A_345 = arith.cmpi ne, %rem3A_343, %ne3A_344 : i32
      %lt3A_346 = arith.constant 0 : i32
      %lt3A_347 = arith.cmpi slt, %rem3A_343, %lt3A_346 : i32
      %lt3A_348 = arith.constant 0 : i32
      %lt3A_349 = arith.cmpi slt, %select_n3A_342, %lt3A_348 : i32
      %ne3A_350 = arith.xori %lt3A_347, %lt3A_349 : i1
      %and3A_351 = arith.andi %ne3A_350, %ne3A_345 : i1
      %add3A_352 = arith.addi %rem3A_343, %select_n3A_342 : i32
      %select_n3A_353 = arith.select %and3A_351, %add3A_352, %rem3A_343 : i32
      %mul3A_354 = arith.constant 64 : i32
      %mul3A_355 = arith.muli %select_n3A_353, %mul3A_354 : i32
      %add3A_356 = arith.constant 0 : i32
      %add3A_357 = arith.addi %mul3A_355, %add3A_356 : i32
      %get3A_358 = arith.index_cast %select_n3A_335 : i32 to index
      %get3A_359 = arith.index_cast %add3A_357 : i32 to index
      %get3A_360 = tpu.vector_load %arg8[%get3A_358, %get3A_359] {strides = array<i32>} : memref<72x128xi32, #tpu.memory_space<vmem>>, vector<1x16xi32>,
      %get3A_361 = vector.shape_cast %get3A_360 : vector<1x16xi32> to vector<16xi32>
      %and3A_362 = arith.constant 65535 : i32
      %and3A_363 = vector.broadcast %and3A_362 : i32 to vector<16xi32>
      %and3A_364 = arith.andi %get3A_361, %and3A_363 : vector<16xi32>
      %swap3A_365 = arith.constant 0 : index
      %swap3A_366 = tpu.vector_load %arg10[%swap3A_365] {strides = array<i32>} : memref<128xi32, #tpu.memory_space<vmem>>, vector<16xi32>,
      %swap3A_367 = vector.shape_cast %swap3A_366 : vector<16xi32> to vector<16xi32>
      %swap3A_368 = vector.shape_cast %and3A_364 : vector<16xi32> to vector<16xi32>
      tpu.vector_store %arg10[%swap3A_365], %swap3A_368 {strides = array<i32>} : memref<128xi32, #tpu.memory_space<vmem>>, vector<16xi32>,
      %shift_right_arithmetic3A_369 = arith.constant 16 : i32
      %shift_right_arithmetic3A_370 = vector.broadcast %shift_right_arithmetic3A_369 : i32 to vector<16xi32>
      %shift_right_arithmetic3A_371 = arith.shrsi %get3A_361, %shift_right_arithmetic3A_370 : vector<16xi32>
      %swap3A_372 = arith.constant 16 : index
      %swap3A_373 = tpu.vector_load %arg10[%swap3A_372] {strides = array<i32>} : memref<128xi32, #tpu.memory_space<vmem>>, vector<16xi32>,
      %swap3A_374 = vector.shape_cast %swap3A_373 : vector<16xi32> to vector<16xi32>
      %swap3A_375 = vector.shape_cast %shift_right_arithmetic3A_371 : vector<16xi32> to vector<16xi32>
      tpu.vector_store %arg10[%swap3A_372], %swap3A_375 {strides = array<i32>} : memref<128xi32, #tpu.memory_space<vmem>>, vector<16xi32>,
      %mul3A_376 = arith.constant 64 : i32
      %mul3A_377 = arith.muli %select_n3A_353, %mul3A_376 : i32
      %add3A_378 = arith.constant 16 : i32
      %add3A_379 = arith.addi %mul3A_377, %add3A_378 : i32
      %get3A_380 = arith.index_cast %select_n3A_335 : i32 to index
      %get3A_381 = arith.index_cast %add3A_379 : i32 to index
      %get3A_382 = tpu.vector_load %arg8[%get3A_380, %get3A_381] {strides = array<i32>} : memref<72x128xi32, #tpu.memory_space<vmem>>, vector<1x16xi32>,
      %get3A_383 = vector.shape_cast %get3A_382 : vector<1x16xi32> to vector<16xi32>
      %and3A_384 = arith.constant 65535 : i32
      %and3A_385 = vector.broadcast %and3A_384 : i32 to vector<16xi32>
      %and3A_386 = arith.andi %get3A_383, %and3A_385 : vector<16xi32>
      %swap3A_387 = arith.constant 32 : index
      %swap3A_388 = tpu.vector_load %arg10[%swap3A_387] {strides = array<i32>} : memref<128xi32, #tpu.memory_space<vmem>>, vector<16xi32>,
      %swap3A_389 = vector.shape_cast %swap3A_388 : vector<16xi32> to vector<16xi32>
      %swap3A_390 = vector.shape_cast %and3A_386 : vector<16xi32> to vector<16xi32>
      tpu.vector_store %arg10[%swap3A_387], %swap3A_390 {strides = array<i32>} : memref<128xi32, #tpu.memory_space<vmem>>, vector<16xi32>,
      %shift_right_arithmetic3A_391 = arith.constant 16 : i32
      %shift_right_arithmetic3A_392 = vector.broadcast %shift_right_arithmetic3A_391 : i32 to vector<16xi32>
      %shift_right_arithmetic3A_393 = arith.shrsi %get3A_383, %shift_right_arithmetic3A_392 : vector<16xi32>
      %swap3A_394 = arith.constant 48 : index
      %swap3A_395 = tpu.vector_load %arg10[%swap3A_394] {strides = array<i32>} : memref<128xi32, #tpu.memory_space<vmem>>, vector<16xi32>,
      %swap3A_396 = vector.shape_cast %swap3A_395 : vector<16xi32> to vector<16xi32>
      %swap3A_397 = vector.shape_cast %shift_right_arithmetic3A_393 : vector<16xi32> to vector<16xi32>
      tpu.vector_store %arg10[%swap3A_394], %swap3A_397 {strides = array<i32>} : memref<128xi32, #tpu.memory_space<vmem>>, vector<16xi32>,
      %mul3A_398 = arith.constant 64 : i32
      %mul3A_399 = arith.muli %select_n3A_353, %mul3A_398 : i32
      %add3A_400 = arith.constant 32 : i32
      %add3A_401 = arith.addi %mul3A_399, %add3A_400 : i32
      %get3A_402 = arith.index_cast %select_n3A_335 : i32 to index
      %get3A_403 = arith.index_cast %add3A_401 : i32 to index
      %get3A_404 = tpu.vector_load %arg8[%get3A_402, %get3A_403] {strides = array<i32>} : memref<72x128xi32, #tpu.memory_space<vmem>>, vector<1x16xi32>,
      %get3A_405 = vector.shape_cast %get3A_404 : vector<1x16xi32> to vector<16xi32>
      %and3A_406 = arith.constant 65535 : i32
      %and3A_407 = vector.broadcast %and3A_406 : i32 to vector<16xi32>
      %and3A_408 = arith.andi %get3A_405, %and3A_407 : vector<16xi32>
      %swap3A_409 = arith.constant 64 : index
      %swap3A_410 = tpu.vector_load %arg10[%swap3A_409] {strides = array<i32>} : memref<128xi32, #tpu.memory_space<vmem>>, vector<16xi32>,
      %swap3A_411 = vector.shape_cast %swap3A_410 : vector<16xi32> to vector<16xi32>
      %swap3A_412 = vector.shape_cast %and3A_408 : vector<16xi32> to vector<16xi32>
      tpu.vector_store %arg10[%swap3A_409], %swap3A_412 {strides = array<i32>} : memref<128xi32, #tpu.memory_space<vmem>>, vector<16xi32>,
      %shift_right_arithmetic3A_413 = arith.constant 16 : i32
      %shift_right_arithmetic3A_414 = vector.broadcast %shift_right_arithmetic3A_413 : i32 to vector<16xi32>
      %shift_right_arithmetic3A_415 = arith.shrsi %get3A_405, %shift_right_arithmetic3A_414 : vector<16xi32>
      %swap3A_416 = arith.constant 80 : index
      %swap3A_417 = tpu.vector_load %arg10[%swap3A_416] {strides = array<i32>} : memref<128xi32, #tpu.memory_space<vmem>>, vector<16xi32>,
      %swap3A_418 = vector.shape_cast %swap3A_417 : vector<16xi32> to vector<16xi32>
      %swap3A_419 = vector.shape_cast %shift_right_arithmetic3A_415 : vector<16xi32> to vector<16xi32>
      tpu.vector_store %arg10[%swap3A_416], %swap3A_419 {strides = array<i32>} : memref<128xi32, #tpu.memory_space<vmem>>, vector<16xi32>,
      %mul3A_420 = arith.constant 64 : i32
      %mul3A_421 = arith.muli %select_n3A_353, %mul3A_420 : i32
      %add3A_422 = arith.constant 48 : i32
      %add3A_423 = arith.addi %mul3A_421, %add3A_422 : i32
      %get3A_424 = arith.index_cast %select_n3A_335 : i32 to index
      %get3A_425 = arith.index_cast %add3A_423 : i32 to index
      %get3A_426 = tpu.vector_load %arg8[%get3A_424, %get3A_425] {strides = array<i32>} : memref<72x128xi32, #tpu.memory_space<vmem>>, vector<1x16xi32>,
      %get3A_427 = vector.shape_cast %get3A_426 : vector<1x16xi32> to vector<16xi32>
      %and3A_428 = arith.constant 65535 : i32
      %and3A_429 = vector.broadcast %and3A_428 : i32 to vector<16xi32>
      %and3A_430 = arith.andi %get3A_427, %and3A_429 : vector<16xi32>
      %swap3A_431 = arith.constant 96 : index
      %swap3A_432 = tpu.vector_load %arg10[%swap3A_431] {strides = array<i32>} : memref<128xi32, #tpu.memory_space<vmem>>, vector<16xi32>,
      %swap3A_433 = vector.shape_cast %swap3A_432 : vector<16xi32> to vector<16xi32>
      %swap3A_434 = vector.shape_cast %and3A_430 : vector<16xi32> to vector<16xi32>
      tpu.vector_store %arg10[%swap3A_431], %swap3A_434 {strides = array<i32>} : memref<128xi32, #tpu.memory_space<vmem>>, vector<16xi32>,
      %shift_right_arithmetic3A_435 = arith.constant 16 : i32
      %shift_right_arithmetic3A_436 = vector.broadcast %shift_right_arithmetic3A_435 : i32 to vector<16xi32>
      %shift_right_arithmetic3A_437 = arith.shrsi %get3A_427, %shift_right_arithmetic3A_436 : vector<16xi32>
      %swap3A_438 = arith.constant 112 : index
      %swap3A_439 = tpu.vector_load %arg10[%swap3A_438] {strides = array<i32>} : memref<128xi32, #tpu.memory_space<vmem>>, vector<16xi32>,
      %swap3A_440 = vector.shape_cast %swap3A_439 : vector<16xi32> to vector<16xi32>
      %swap3A_441 = vector.shape_cast %shift_right_arithmetic3A_437 : vector<16xi32> to vector<16xi32>
      tpu.vector_store %arg10[%swap3A_438], %swap3A_441 {strides = array<i32>} : memref<128xi32, #tpu.memory_space<vmem>>, vector<16xi32>,
    }
    %while3A_163 = arith.constant 1 : i32
    scf.for %while3A_173 = %while3A_161 to %while3A_157 step %while3A_163  : i32 {
      %add3A_174 = arith.constant 1 : i32
      %add3A_175 = arith.addi %while3A_173, %add3A_174 : i32
      %mul3A_176 = arith.constant 1 : i32
      %mul3A_177 = arith.muli %add3A_175, %mul3A_176 : i32
      %dma_start3A_178 = arith.constant 0 : i32
      %dma_start3A_179 = arith.constant 0 : i32
      %dma_start3A_180 = tpu.memref_slice %arg2[%dma_start3A_178, %dma_start3A_179] : memref<10000x128xf32, #tpu.memory_space<hbm>> -> memref<10000x128xf32, #tpu.memory_space<hbm>>
      tpu.enqueue_indirect_dma source(%dma_start3A_180 : memref<10000x128xf32, #tpu.memory_space<hbm>>) target(%arg11 : memref<128x128xf32, #tpu.memory_space<vmem>>) offsets(%arg9 : memref<128xi32, #tpu.memory_space<vmem>>) semaphore(%arg13 : memref<!tpu.dma_semaphore, #tpu.memory_space<semaphore_mem>>)
      %dma_wait3A_181 = arith.constant 0 : i32
      %dma_wait3A_182 = arith.constant 0 : i32
      %dma_wait3A_183 = tpu.memref_slice %arg2[%dma_wait3A_181, %dma_wait3A_182] : memref<10000x128xf32, #tpu.memory_space<hbm>> -> memref<10000x128xf32, #tpu.memory_space<hbm>>
      tpu.wait_indirect_dma semaphore(%arg13 : memref<!tpu.dma_semaphore, #tpu.memory_space<semaphore_mem>>) src(%dma_wait3A_183 : memref<10000x128xf32, #tpu.memory_space<hbm>>) dst(%arg11 : memref<128x128xf32, #tpu.memory_space<vmem>>)
      %add3A_184 = arith.constant 0 : i32
      %add3A_185 = arith.addi %mul3A_177, %add3A_184 : i32
      %jit3A = arith.constant 2 : i32
      %div3A = arith.divsi %add3A_185, %jit3A : i32
      %sign3A = arith.constant 0 : i32
      %sign3A_186 = arith.cmpi sgt, %add3A_185, %sign3A : i32
      %sign3A_187 = arith.extui %sign3A_186 : i1 to i32
      %sign3A_188 = arith.constant 0 : i32
      %sign3A_189 = arith.cmpi slt, %add3A_185, %sign3A_188 : i32
      %sign3A_190 = arith.extui %sign3A_189 : i1 to i32
      %sign3A_191 = arith.subi %sign3A_187, %sign3A_190 : i32
      %sign3A_192 = arith.constant 0 : i32
      %sign3A_193 = arith.cmpi sgt, %jit3A, %sign3A_192 : i32
      %sign3A_194 = arith.extui %sign3A_193 : i1 to i32
      %sign3A_195 = arith.constant 0 : i32
      %sign3A_196 = arith.cmpi slt, %jit3A, %sign3A_195 : i32
      %sign3A_197 = arith.extui %sign3A_196 : i1 to i32
      %sign3A_198 = arith.subi %sign3A_194, %sign3A_197 : i32
      %ne3A = arith.cmpi ne, %sign3A_191, %sign3A_198 : i32
      %rem3A = arith.remsi %add3A_185, %jit3A : i32
      %ne3A_199 = arith.constant 0 : i32
      %ne3A_200 = arith.cmpi ne, %rem3A, %ne3A_199 : i32
      %and3A_201 = arith.andi %ne3A, %ne3A_200 : i1
      %sub3A_202 = arith.constant 1 : i32
      %sub3A_203 = arith.subi %div3A, %sub3A_202 : i32
      %select_n3A_204 = arith.select %and3A_201, %sub3A_203, %div3A : i32
      %add3A_205 = arith.constant 0 : i32
      %add3A_206 = arith.addi %mul3A_177, %add3A_205 : i32
      %jit3A_207 = arith.constant 2 : i32
      %eq3A_208 = arith.constant 0 : i32
      %eq3A_209 = arith.cmpi eq, %jit3A_207, %eq3A_208 : i32
      %jit3A_210 = arith.constant 1 : i32
      %select_n3A_211 = arith.select %eq3A_209, %jit3A_210, %jit3A_207 : i32
      %rem3A_212 = arith.remsi %add3A_206, %select_n3A_211 : i32
      %ne3A_213 = arith.constant 0 : i32
      %ne3A_214 = arith.cmpi ne, %rem3A_212, %ne3A_213 : i32
      %lt3A = arith.constant 0 : i32
      %lt3A_215 = arith.cmpi slt, %rem3A_212, %lt3A : i32
      %lt3A_216 = arith.constant 0 : i32
      %lt3A_217 = arith.cmpi slt, %select_n3A_211, %lt3A_216 : i32
      %ne3A_218 = arith.xori %lt3A_215, %lt3A_217 : i1
      %and3A_219 = arith.andi %ne3A_218, %ne3A_214 : i1
      %add3A_220 = arith.addi %rem3A_212, %select_n3A_211 : i32
      %select_n3A_221 = arith.select %and3A_219, %add3A_220, %rem3A_212 : i32
      %mul3A_222 = arith.constant 64 : i32
      %mul3A_223 = arith.muli %select_n3A_221, %mul3A_222 : i32
      %add3A_224 = arith.constant 0 : i32
      %add3A_225 = arith.addi %mul3A_223, %add3A_224 : i32
      %get3A_226 = arith.index_cast %select_n3A_204 : i32 to index
      %get3A_227 = arith.index_cast %add3A_225 : i32 to index
      %get3A_228 = tpu.vector_load %arg7[%get3A_226, %get3A_227] {strides = array<i32>} : memref<72x128xi32, #tpu.memory_space<vmem>>, vector<1x16xi32>,
      %get3A_229 = vector.shape_cast %get3A_228 : vector<1x16xi32> to vector<16xi32>
      %and3A_230 = arith.constant 65535 : i32
      %and3A_231 = vector.broadcast %and3A_230 : i32 to vector<16xi32>
      %and3A_232 = arith.andi %get3A_229, %and3A_231 : vector<16xi32>
      %swap3A_233 = arith.constant 0 : index
      %swap3A_234 = tpu.vector_load %arg9[%swap3A_233] {strides = array<i32>} : memref<128xi32, #tpu.memory_space<vmem>>, vector<16xi32>,
      %swap3A_235 = vector.shape_cast %swap3A_234 : vector<16xi32> to vector<16xi32>
      %swap3A_236 = vector.shape_cast %and3A_232 : vector<16xi32> to vector<16xi32>
      tpu.vector_store %arg9[%swap3A_233], %swap3A_236 {strides = array<i32>} : memref<128xi32, #tpu.memory_space<vmem>>, vector<16xi32>,
      %shift_right_arithmetic3A_237 = arith.constant 16 : i32
      %shift_right_arithmetic3A_238 = vector.broadcast %shift_right_arithmetic3A_237 : i32 to vector<16xi32>
      %shift_right_arithmetic3A_239 = arith.shrsi %get3A_229, %shift_right_arithmetic3A_238 : vector<16xi32>
      %swap3A_240 = arith.constant 16 : index
      %swap3A_241 = tpu.vector_load %arg9[%swap3A_240] {strides = array<i32>} : memref<128xi32, #tpu.memory_space<vmem>>, vector<16xi32>,
      %swap3A_242 = vector.shape_cast %swap3A_241 : vector<16xi32> to vector<16xi32>
      %swap3A_243 = vector.shape_cast %shift_right_arithmetic3A_239 : vector<16xi32> to vector<16xi32>
      tpu.vector_store %arg9[%swap3A_240], %swap3A_243 {strides = array<i32>} : memref<128xi32, #tpu.memory_space<vmem>>, vector<16xi32>,
      %mul3A_244 = arith.constant 64 : i32
      %mul3A_245 = arith.muli %select_n3A_221, %mul3A_244 : i32
      %add3A_246 = arith.constant 16 : i32
      %add3A_247 = arith.addi %mul3A_245, %add3A_246 : i32
      %get3A_248 = arith.index_cast %select_n3A_204 : i32 to index
      %get3A_249 = arith.index_cast %add3A_247 : i32 to index
      %get3A_250 = tpu.vector_load %arg7[%get3A_248, %get3A_249] {strides = array<i32>} : memref<72x128xi32, #tpu.memory_space<vmem>>, vector<1x16xi32>,
      %get3A_251 = vector.shape_cast %get3A_250 : vector<1x16xi32> to vector<16xi32>
      %and3A_252 = arith.constant 65535 : i32
      %and3A_253 = vector.broadcast %and3A_252 : i32 to vector<16xi32>
      %and3A_254 = arith.andi %get3A_251, %and3A_253 : vector<16xi32>
      %swap3A_255 = arith.constant 32 : index
      %swap3A_256 = tpu.vector_load %arg9[%swap3A_255] {strides = array<i32>} : memref<128xi32, #tpu.memory_space<vmem>>, vector<16xi32>,
      %swap3A_257 = vector.shape_cast %swap3A_256 : vector<16xi32> to vector<16xi32>
      %swap3A_258 = vector.shape_cast %and3A_254 : vector<16xi32> to vector<16xi32>
      tpu.vector_store %arg9[%swap3A_255], %swap3A_258 {strides = array<i32>} : memref<128xi32, #tpu.memory_space<vmem>>, vector<16xi32>,
      %shift_right_arithmetic3A_259 = arith.constant 16 : i32
      %shift_right_arithmetic3A_260 = vector.broadcast %shift_right_arithmetic3A_259 : i32 to vector<16xi32>
      %shift_right_arithmetic3A_261 = arith.shrsi %get3A_251, %shift_right_arithmetic3A_260 : vector<16xi32>
      %swap3A_262 = arith.constant 48 : index
      %swap3A_263 = tpu.vector_load %arg9[%swap3A_262] {strides = array<i32>} : memref<128xi32, #tpu.memory_space<vmem>>, vector<16xi32>,
      %swap3A_264 = vector.shape_cast %swap3A_263 : vector<16xi32> to vector<16xi32>
      %swap3A_265 = vector.shape_cast %shift_right_arithmetic3A_261 : vector<16xi32> to vector<16xi32>
      tpu.vector_store %arg9[%swap3A_262], %swap3A_265 {strides = array<i32>} : memref<128xi32, #tpu.memory_space<vmem>>, vector<16xi32>,
      %mul3A_266 = arith.constant 64 : i32
      %mul3A_267 = arith.muli %select_n3A_221, %mul3A_266 : i32
      %add3A_268 = arith.constant 32 : i32
      %add3A_269 = arith.addi %mul3A_267, %add3A_268 : i32
      %get3A_270 = arith.index_cast %select_n3A_204 : i32 to index
      %get3A_271 = arith.index_cast %add3A_269 : i32 to index
      %get3A_272 = tpu.vector_load %arg7[%get3A_270, %get3A_271] {strides = array<i32>} : memref<72x128xi32, #tpu.memory_space<vmem>>, vector<1x16xi32>,
      %get3A_273 = vector.shape_cast %get3A_272 : vector<1x16xi32> to vector<16xi32>
      %and3A_274 = arith.constant 65535 : i32
      %and3A_275 = vector.broadcast %and3A_274 : i32 to vector<16xi32>
      %and3A_276 = arith.andi %get3A_273, %and3A_275 : vector<16xi32>
      %swap3A_277 = arith.constant 64 : index
      %swap3A_278 = tpu.vector_load %arg9[%swap3A_277] {strides = array<i32>} : memref<128xi32, #tpu.memory_space<vmem>>, vector<16xi32>,
      %swap3A_279 = vector.shape_cast %swap3A_278 : vector<16xi32> to vector<16xi32>
      %swap3A_280 = vector.shape_cast %and3A_276 : vector<16xi32> to vector<16xi32>
      tpu.vector_store %arg9[%swap3A_277], %swap3A_280 {strides = array<i32>} : memref<128xi32, #tpu.memory_space<vmem>>, vector<16xi32>,
      %shift_right_arithmetic3A_281 = arith.constant 16 : i32
      %shift_right_arithmetic3A_282 = vector.broadcast %shift_right_arithmetic3A_281 : i32 to vector<16xi32>
      %shift_right_arithmetic3A_283 = arith.shrsi %get3A_273, %shift_right_arithmetic3A_282 : vector<16xi32>
      %swap3A_284 = arith.constant 80 : index
      %swap3A_285 = tpu.vector_load %arg9[%swap3A_284] {strides = array<i32>} : memref<128xi32, #tpu.memory_space<vmem>>, vector<16xi32>,
      %swap3A_286 = vector.shape_cast %swap3A_285 : vector<16xi32> to vector<16xi32>
      %swap3A_287 = vector.shape_cast %shift_right_arithmetic3A_283 : vector<16xi32> to vector<16xi32>
      tpu.vector_store %arg9[%swap3A_284], %swap3A_287 {strides = array<i32>} : memref<128xi32, #tpu.memory_space<vmem>>, vector<16xi32>,
      %mul3A_288 = arith.constant 64 : i32
      %mul3A_289 = arith.muli %select_n3A_221, %mul3A_288 : i32
      %add3A_290 = arith.constant 48 : i32
      %add3A_291 = arith.addi %mul3A_289, %add3A_290 : i32
      %get3A_292 = arith.index_cast %select_n3A_204 : i32 to index
      %get3A_293 = arith.index_cast %add3A_291 : i32 to index
      %get3A_294 = tpu.vector_load %arg7[%get3A_292, %get3A_293] {strides = array<i32>} : memref<72x128xi32, #tpu.memory_space<vmem>>, vector<1x16xi32>,
      %get3A_295 = vector.shape_cast %get3A_294 : vector<1x16xi32> to vector<16xi32>
      %and3A_296 = arith.constant 65535 : i32
      %and3A_297 = vector.broadcast %and3A_296 : i32 to vector<16xi32>
      %and3A_298 = arith.andi %get3A_295, %and3A_297 : vector<16xi32>
      %swap3A_299 = arith.constant 96 : index
      %swap3A_300 = tpu.vector_load %arg9[%swap3A_299] {strides = array<i32>} : memref<128xi32, #tpu.memory_space<vmem>>, vector<16xi32>,
      %swap3A_301 = vector.shape_cast %swap3A_300 : vector<16xi32> to vector<16xi32>
      %swap3A_302 = vector.shape_cast %and3A_298 : vector<16xi32> to vector<16xi32>
      tpu.vector_store %arg9[%swap3A_299], %swap3A_302 {strides = array<i32>} : memref<128xi32, #tpu.memory_space<vmem>>, vector<16xi32>,
      %shift_right_arithmetic3A_303 = arith.constant 16 : i32
      %shift_right_arithmetic3A_304 = vector.broadcast %shift_right_arithmetic3A_303 : i32 to vector<16xi32>
      %shift_right_arithmetic3A_305 = arith.shrsi %get3A_295, %shift_right_arithmetic3A_304 : vector<16xi32>
      %swap3A_306 = arith.constant 112 : index
      %swap3A_307 = tpu.vector_load %arg9[%swap3A_306] {strides = array<i32>} : memref<128xi32, #tpu.memory_space<vmem>>, vector<16xi32>,
      %swap3A_308 = vector.shape_cast %swap3A_307 : vector<16xi32> to vector<16xi32>
      %swap3A_309 = vector.shape_cast %shift_right_arithmetic3A_305 : vector<16xi32> to vector<16xi32>
      tpu.vector_store %arg9[%swap3A_306], %swap3A_309 {strides = array<i32>} : memref<128xi32, #tpu.memory_space<vmem>>, vector<16xi32>,
      "tpu.region"() ({
        %run_scoped3A = tpu.sem_alloc : memref<!tpu.dma_semaphore, #tpu.memory_space<semaphore_mem>>
        %dma_start3A_442 = arith.constant 0 : i32
        %dma_start3A_443 = arith.constant 0 : i32
        %dma_start3A_444 = tpu.memref_slice %arg12[%dma_start3A_442, %dma_start3A_443] : memref<10112x128xf32, #tpu.memory_space<vmem_shared>> -> memref<10112x128xf32, #tpu.memory_space<vmem_shared>>
        tpu.enqueue_indirect_dma source(%arg11 : memref<128x128xf32, #tpu.memory_space<vmem>>) target(%dma_start3A_444 : memref<10112x128xf32, #tpu.memory_space<vmem_shared>>) offsets(%arg10 : memref<128xi32, #tpu.memory_space<vmem>>) semaphore(%run_scoped3A : memref<!tpu.dma_semaphore, #tpu.memory_space<semaphore_mem>>) {add = true}
        %dma_wait3A_445 = arith.constant 0 : i32
        %dma_wait3A_446 = arith.constant 0 : i32
        %dma_wait3A_447 = tpu.memref_slice %arg12[%dma_wait3A_445, %dma_wait3A_446] : memref<10112x128xf32, #tpu.memory_space<vmem_shared>> -> memref<10112x128xf32, #tpu.memory_space<vmem_shared>>
        tpu.wait_indirect_dma semaphore(%run_scoped3A : memref<!tpu.dma_semaphore, #tpu.memory_space<semaphore_mem>>) src(%arg11 : memref<128x128xf32, #tpu.memory_space<vmem>>) dst(%dma_wait3A_447 : memref<10112x128xf32, #tpu.memory_space<vmem_shared>>)
        tpu.yield
      }) : () -> ()
      %add3A_310 = arith.constant 0 : i32
      %add3A_311 = arith.addi %mul3A_177, %add3A_310 : i32
      %jit3A_312 = arith.constant 2 : i32
      %div3A_313 = arith.divsi %add3A_311, %jit3A_312 : i32
      %sign3A_314 = arith.constant 0 : i32
      %sign3A_315 = arith.cmpi sgt, %add3A_311, %sign3A_314 : i32
      %sign3A_316 = arith.extui %sign3A_315 : i1 to i32
      %sign3A_317 = arith.constant 0 : i32
      %sign3A_318 = arith.cmpi slt, %add3A_311, %sign3A_317 : i32
      %sign3A_319 = arith.extui %sign3A_318 : i1 to i32
      %sign3A_320 = arith.subi %sign3A_316, %sign3A_319 : i32
      %sign3A_321 = arith.constant 0 : i32
      %sign3A_322 = arith.cmpi sgt, %jit3A_312, %sign3A_321 : i32
      %sign3A_323 = arith.extui %sign3A_322 : i1 to i32
      %sign3A_324 = arith.constant 0 : i32
      %sign3A_325 = arith.cmpi slt, %jit3A_312, %sign3A_324 : i32
      %sign3A_326 = arith.extui %sign3A_325 : i1 to i32
      %sign3A_327 = arith.subi %sign3A_323, %sign3A_326 : i32
      %ne3A_328 = arith.cmpi ne, %sign3A_320, %sign3A_327 : i32
      %rem3A_329 = arith.remsi %add3A_311, %jit3A_312 : i32
      %ne3A_330 = arith.constant 0 : i32
      %ne3A_331 = arith.cmpi ne, %rem3A_329, %ne3A_330 : i32
      %and3A_332 = arith.andi %ne3A_328, %ne3A_331 : i1
      %sub3A_333 = arith.constant 1 : i32
      %sub3A_334 = arith.subi %div3A_313, %sub3A_333 : i32
      %select_n3A_335 = arith.select %and3A_332, %sub3A_334, %div3A_313 : i32
      %add3A_336 = arith.constant 0 : i32
      %add3A_337 = arith.addi %mul3A_177, %add3A_336 : i32
      %jit3A_338 = arith.constant 2 : i32
      %eq3A_339 = arith.constant 0 : i32
      %eq3A_340 = arith.cmpi eq, %jit3A_338, %eq3A_339 : i32
      %jit3A_341 = arith.constant 1 : i32
      %select_n3A_342 = arith.select %eq3A_340, %jit3A_341, %jit3A_338 : i32
      %rem3A_343 = arith.remsi %add3A_337, %select_n3A_342 : i32
      %ne3A_344 = arith.constant 0 : i32
      %ne3A_345 = arith.cmpi ne, %rem3A_343, %ne3A_344 : i32
      %lt3A_346 = arith.constant 0 : i32
      %lt3A_347 = arith.cmpi slt, %rem3A_343, %lt3A_346 : i32
      %lt3A_348 = arith.constant 0 : i32
      %lt3A_349 = arith.cmpi slt, %select_n3A_342, %lt3A_348 : i32
      %ne3A_350 = arith.xori %lt3A_347, %lt3A_349 : i1
      %and3A_351 = arith.andi %ne3A_350, %ne3A_345 : i1
      %add3A_352 = arith.addi %rem3A_343, %select_n3A_342 : i32
      %select_n3A_353 = arith.select %and3A_351, %add3A_352, %rem3A_343 : i32
      %mul3A_354 = arith.constant 64 : i32
      %mul3A_355 = arith.muli %select_n3A_353, %mul3A_354 : i32
      %add3A_356 = arith.constant 0 : i32
      %add3A_357 = arith.addi %mul3A_355, %add3A_356 : i32
      %get3A_358 = arith.index_cast %select_n3A_335 : i32 to index
      %get3A_359 = arith.index_cast %add3A_357 : i32 to index
      %get3A_360 = tpu.vector_load %arg8[%get3A_358, %get3A_359] {strides = array<i32>} : memref<72x128xi32, #tpu.memory_space<vmem>>, vector<1x16xi32>,
      %get3A_361 = vector.shape_cast %get3A_360 : vector<1x16xi32> to vector<16xi32>
      %and3A_362 = arith.constant 65535 : i32
      %and3A_363 = vector.broadcast %and3A_362 : i32 to vector<16xi32>
      %and3A_364 = arith.andi %get3A_361, %and3A_363 : vector<16xi32>
      %swap3A_365 = arith.constant 0 : index
      %swap3A_366 = tpu.vector_load %arg10[%swap3A_365] {strides = array<i32>} : memref<128xi32, #tpu.memory_space<vmem>>, vector<16xi32>,
      %swap3A_367 = vector.shape_cast %swap3A_366 : vector<16xi32> to vector<16xi32>
      %swap3A_368 = vector.shape_cast %and3A_364 : vector<16xi32> to vector<16xi32>
      tpu.vector_store %arg10[%swap3A_365], %swap3A_368 {strides = array<i32>} : memref<128xi32, #tpu.memory_space<vmem>>, vector<16xi32>,
      %shift_right_arithmetic3A_369 = arith.constant 16 : i32
      %shift_right_arithmetic3A_370 = vector.broadcast %shift_right_arithmetic3A_369 : i32 to vector<16xi32>
      %shift_right_arithmetic3A_371 = arith.shrsi %get3A_361, %shift_right_arithmetic3A_370 : vector<16xi32>
      %swap3A_372 = arith.constant 16 : index
      %swap3A_373 = tpu.vector_load %arg10[%swap3A_372] {strides = array<i32>} : memref<128xi32, #tpu.memory_space<vmem>>, vector<16xi32>,
      %swap3A_374 = vector.shape_cast %swap3A_373 : vector<16xi32> to vector<16xi32>
      %swap3A_375 = vector.shape_cast %shift_right_arithmetic3A_371 : vector<16xi32> to vector<16xi32>
      tpu.vector_store %arg10[%swap3A_372], %swap3A_375 {strides = array<i32>} : memref<128xi32, #tpu.memory_space<vmem>>, vector<16xi32>,
      %mul3A_376 = arith.constant 64 : i32
      %mul3A_377 = arith.muli %select_n3A_353, %mul3A_376 : i32
      %add3A_378 = arith.constant 16 : i32
      %add3A_379 = arith.addi %mul3A_377, %add3A_378 : i32
      %get3A_380 = arith.index_cast %select_n3A_335 : i32 to index
      %get3A_381 = arith.index_cast %add3A_379 : i32 to index
      %get3A_382 = tpu.vector_load %arg8[%get3A_380, %get3A_381] {strides = array<i32>} : memref<72x128xi32, #tpu.memory_space<vmem>>, vector<1x16xi32>,
      %get3A_383 = vector.shape_cast %get3A_382 : vector<1x16xi32> to vector<16xi32>
      %and3A_384 = arith.constant 65535 : i32
      %and3A_385 = vector.broadcast %and3A_384 : i32 to vector<16xi32>
      %and3A_386 = arith.andi %get3A_383, %and3A_385 : vector<16xi32>
      %swap3A_387 = arith.constant 32 : index
      %swap3A_388 = tpu.vector_load %arg10[%swap3A_387] {strides = array<i32>} : memref<128xi32, #tpu.memory_space<vmem>>, vector<16xi32>,
      %swap3A_389 = vector.shape_cast %swap3A_388 : vector<16xi32> to vector<16xi32>
      %swap3A_390 = vector.shape_cast %and3A_386 : vector<16xi32> to vector<16xi32>
      tpu.vector_store %arg10[%swap3A_387], %swap3A_390 {strides = array<i32>} : memref<128xi32, #tpu.memory_space<vmem>>, vector<16xi32>,
      %shift_right_arithmetic3A_391 = arith.constant 16 : i32
      %shift_right_arithmetic3A_392 = vector.broadcast %shift_right_arithmetic3A_391 : i32 to vector<16xi32>
      %shift_right_arithmetic3A_393 = arith.shrsi %get3A_383, %shift_right_arithmetic3A_392 : vector<16xi32>
      %swap3A_394 = arith.constant 48 : index
      %swap3A_395 = tpu.vector_load %arg10[%swap3A_394] {strides = array<i32>} : memref<128xi32, #tpu.memory_space<vmem>>, vector<16xi32>,
      %swap3A_396 = vector.shape_cast %swap3A_395 : vector<16xi32> to vector<16xi32>
      %swap3A_397 = vector.shape_cast %shift_right_arithmetic3A_393 : vector<16xi32> to vector<16xi32>
      tpu.vector_store %arg10[%swap3A_394], %swap3A_397 {strides = array<i32>} : memref<128xi32, #tpu.memory_space<vmem>>, vector<16xi32>,
      %mul3A_398 = arith.constant 64 : i32
      %mul3A_399 = arith.muli %select_n3A_353, %mul3A_398 : i32
      %add3A_400 = arith.constant 32 : i32
      %add3A_401 = arith.addi %mul3A_399, %add3A_400 : i32
      %get3A_402 = arith.index_cast %select_n3A_335 : i32 to index
      %get3A_403 = arith.index_cast %add3A_401 : i32 to index
      %get3A_404 = tpu.vector_load %arg8[%get3A_402, %get3A_403] {strides = array<i32>} : memref<72x128xi32, #tpu.memory_space<vmem>>, vector<1x16xi32>,
      %get3A_405 = vector.shape_cast %get3A_404 : vector<1x16xi32> to vector<16xi32>
      %and3A_406 = arith.constant 65535 : i32
      %and3A_407 = vector.broadcast %and3A_406 : i32 to vector<16xi32>
      %and3A_408 = arith.andi %get3A_405, %and3A_407 : vector<16xi32>
      %swap3A_409 = arith.constant 64 : index
      %swap3A_410 = tpu.vector_load %arg10[%swap3A_409] {strides = array<i32>} : memref<128xi32, #tpu.memory_space<vmem>>, vector<16xi32>,
      %swap3A_411 = vector.shape_cast %swap3A_410 : vector<16xi32> to vector<16xi32>
      %swap3A_412 = vector.shape_cast %and3A_408 : vector<16xi32> to vector<16xi32>
      tpu.vector_store %arg10[%swap3A_409], %swap3A_412 {strides = array<i32>} : memref<128xi32, #tpu.memory_space<vmem>>, vector<16xi32>,
      %shift_right_arithmetic3A_413 = arith.constant 16 : i32
      %shift_right_arithmetic3A_414 = vector.broadcast %shift_right_arithmetic3A_413 : i32 to vector<16xi32>
      %shift_right_arithmetic3A_415 = arith.shrsi %get3A_405, %shift_right_arithmetic3A_414 : vector<16xi32>
      %swap3A_416 = arith.constant 80 : index
      %swap3A_417 = tpu.vector_load %arg10[%swap3A_416] {strides = array<i32>} : memref<128xi32, #tpu.memory_space<vmem>>, vector<16xi32>,
      %swap3A_418 = vector.shape_cast %swap3A_417 : vector<16xi32> to vector<16xi32>
      %swap3A_419 = vector.shape_cast %shift_right_arithmetic3A_415 : vector<16xi32> to vector<16xi32>
      tpu.vector_store %arg10[%swap3A_416], %swap3A_419 {strides = array<i32>} : memref<128xi32, #tpu.memory_space<vmem>>, vector<16xi32>,
      %mul3A_420 = arith.constant 64 : i32
      %mul3A_421 = arith.muli %select_n3A_353, %mul3A_420 : i32
      %add3A_422 = arith.constant 48 : i32
      %add3A_423 = arith.addi %mul3A_421, %add3A_422 : i32
      %get3A_424 = arith.index_cast %select_n3A_335 : i32 to index
      %get3A_425 = arith.index_cast %add3A_423 : i32 to index
      %get3A_426 = tpu.vector_load %arg8[%get3A_424, %get3A_425] {strides = array<i32>} : memref<72x128xi32, #tpu.memory_space<vmem>>, vector<1x16xi32>,
      %get3A_427 = vector.shape_cast %get3A_426 : vector<1x16xi32> to vector<16xi32>
      %and3A_428 = arith.constant 65535 : i32
      %and3A_429 = vector.broadcast %and3A_428 : i32 to vector<16xi32>
      %and3A_430 = arith.andi %get3A_427, %and3A_429 : vector<16xi32>
      %swap3A_431 = arith.constant 96 : index
      %swap3A_432 = tpu.vector_load %arg10[%swap3A_431] {strides = array<i32>} : memref<128xi32, #tpu.memory_space<vmem>>, vector<16xi32>,
      %swap3A_433 = vector.shape_cast %swap3A_432 : vector<16xi32> to vector<16xi32>
      %swap3A_434 = vector.shape_cast %and3A_430 : vector<16xi32> to vector<16xi32>
      tpu.vector_store %arg10[%swap3A_431], %swap3A_434 {strides = array<i32>} : memref<128xi32, #tpu.memory_space<vmem>>, vector<16xi32>,
      %shift_right_arithmetic3A_435 = arith.constant 16 : i32
      %shift_right_arithmetic3A_436 = vector.broadcast %shift_right_arithmetic3A_435 : i32 to vector<16xi32>
      %shift_right_arithmetic3A_437 = arith.shrsi %get3A_427, %shift_right_arithmetic3A_436 : vector<16xi32>
      %swap3A_438 = arith.constant 112 : index
      %swap3A_439 = tpu.vector_load %arg10[%swap3A_438] {strides = array<i32>} : memref<128xi32, #tpu.memory_space<vmem>>, vector<16xi32>,
      %swap3A_440 = vector.shape_cast %swap3A_439 : vector<16xi32> to vector<16xi32>
      %swap3A_441 = vector.shape_cast %shift_right_arithmetic3A_437 : vector<16xi32> to vector<16xi32>
      tpu.vector_store %arg10[%swap3A_438], %swap3A_441 {strides = array<i32>} : memref<128xi32, #tpu.memory_space<vmem>>, vector<16xi32>,
    }
    %dma_start3A = arith.constant 0 : i32
    %dma_start3A_164 = arith.constant 0 : i32
    %dma_start3A_165 = tpu.memref_slice %arg2[%dma_start3A, %dma_start3A_164] : memref<10000x128xf32, #tpu.memory_space<hbm>> -> memref<10000x128xf32, #tpu.memory_space<hbm>>
    tpu.enqueue_indirect_dma source(%dma_start3A_165 : memref<10000x128xf32, #tpu.memory_space<hbm>>) target(%arg11 : memref<128x128xf32, #tpu.memory_space<vmem>>) offsets(%arg9 : memref<128xi32, #tpu.memory_space<vmem>>) semaphore(%arg13 : memref<!tpu.dma_semaphore, #tpu.memory_space<semaphore_mem>>)
    %dma_wait3A = arith.constant 0 : i32
    %dma_wait3A_166 = arith.constant 0 : i32
    %dma_wait3A_167 = tpu.memref_slice %arg2[%dma_wait3A, %dma_wait3A_166] : memref<10000x128xf32, #tpu.memory_space<hbm>> -> memref<10000x128xf32, #tpu.memory_space<hbm>>
    tpu.wait_indirect_dma semaphore(%arg13 : memref<!tpu.dma_semaphore, #tpu.memory_space<semaphore_mem>>) src(%dma_wait3A_167 : memref<10000x128xf32, #tpu.memory_space<hbm>>) dst(%arg11 : memref<128x128xf32, #tpu.memory_space<vmem>>)
    "tpu.region"() ({
      %run_scoped3A = tpu.sem_alloc : memref<!tpu.dma_semaphore, #tpu.memory_space<semaphore_mem>>
      %dma_start3A_173 = arith.constant 0 : i32
      %dma_start3A_174 = arith.constant 0 : i32
      %dma_start3A_175 = tpu.memref_slice %arg12[%dma_start3A_173, %dma_start3A_174] : memref<10112x128xf32, #tpu.memory_space<vmem_shared>> -> memref<10112x128xf32, #tpu.memory_space<vmem_shared>>
      tpu.enqueue_indirect_dma source(%arg11 : memref<128x128xf32, #tpu.memory_space<vmem>>) target(%dma_start3A_175 : memref<10112x128xf32, #tpu.memory_space<vmem_shared>>) offsets(%arg10 : memref<128xi32, #tpu.memory_space<vmem>>) semaphore(%run_scoped3A : memref<!tpu.dma_semaphore, #tpu.memory_space<semaphore_mem>>) {add = true}
      %dma_wait3A_176 = arith.constant 0 : i32
      %dma_wait3A_177 = arith.constant 0 : i32
      %dma_wait3A_178 = tpu.memref_slice %arg12[%dma_wait3A_176, %dma_wait3A_177] : memref<10112x128xf32, #tpu.memory_space<vmem_shared>> -> memref<10112x128xf32, #tpu.memory_space<vmem_shared>>
      tpu.wait_indirect_dma semaphore(%run_scoped3A : memref<!tpu.dma_semaphore, #tpu.memory_space<semaphore_mem>>) src(%arg11 : memref<128x128xf32, #tpu.memory_space<vmem>>) dst(%dma_wait3A_178 : memref<10112x128xf32, #tpu.memory_space<vmem_shared>>)
      tpu.yield
    }) : () -> ()
    %barrier3A_168 = arith.constant 0 : index
    tpu.barrier barrier_id(%barrier3A_168)
    %mul3A_169 = arith.constant 632 : i32
    %mul3A_170 = arith.muli %arg1, %mul3A_169 : i32
    %mul3A_171 = arith.constant 632 : i32
    %mul3A_172 = arith.muli %arg1, %mul3A_171 : i32
    "tpu.region"() ({
      %run_scoped3A = tpu.sem_alloc : memref<!tpu.dma_semaphore, #tpu.memory_space<semaphore_mem>>
      %dma_start3A_173 = arith.constant 0 : i32
      %dma_start3A_174 = tpu.memref_slice %arg6[%arg0, %mul3A_172, %dma_start3A_173] : memref<2x10112x128xf32, #tpu.memory_space<hbm>> -> memref<1x632x128xf32, #tpu.memory_space<hbm>>
      %dma_start3A_175 = tpu.memref_squeeze %dma_start3A_174 : memref<1x632x128xf32, #tpu.memory_space<hbm>> -> memref<632x128xf32, #tpu.memory_space<hbm>>
      %dma_start3A_176 = arith.constant 0 : i32
      %dma_start3A_177 = tpu.memref_slice %arg12[%mul3A_170, %dma_start3A_176] : memref<10112x128xf32, #tpu.memory_space<vmem_shared>> -> memref<632x128xf32, #tpu.memory_space<vmem_shared>>
      tpu.enqueue_dma source(%dma_start3A_177 : memref<632x128xf32, #tpu.memory_space<vmem_shared>>) target(%dma_start3A_175 : memref<632x128xf32, #tpu.memory_space<hbm>>) target_semaphore(%run_scoped3A : memref<!tpu.dma_semaphore, #tpu.memory_space<semaphore_mem>>)
      %dma_wait3A_178 = arith.constant 0 : i32
      %dma_wait3A_179 = tpu.memref_slice %arg6[%arg0, %mul3A_172, %dma_wait3A_178] : memref<2x10112x128xf32, #tpu.memory_space<hbm>> -> memref<1x632x128xf32, #tpu.memory_space<hbm>>
      %dma_wait3A_180 = tpu.memref_squeeze %dma_wait3A_179 : memref<1x632x128xf32, #tpu.memory_space<hbm>> -> memref<632x128xf32, #tpu.memory_space<hbm>>
      %dma_wait3A_181 = arith.constant 0 : i32
      %dma_wait3A_182 = tpu.memref_slice %arg12[%mul3A_170, %dma_wait3A_181] : memref<10112x128xf32, #tpu.memory_space<vmem_shared>> -> memref<632x128xf32, #tpu.memory_space<vmem_shared>>
      tpu.wait_dma2 semaphore(%run_scoped3A : memref<!tpu.dma_semaphore, #tpu.memory_space<semaphore_mem>>) src(%dma_wait3A_182 : memref<632x128xf32, #tpu.memory_space<vmem_shared>>) dst(%dma_wait3A_180 : memref<632x128xf32, #tpu.memory_space<hbm>>)
      tpu.yield
    }) : () -> ()
    return
  }
}

#map = affine_map<(d0, d1) -> (0, 0)>
#map1 = affine_map<(d0, d1) -> (0, 0, 0)>
module attributes {stable_mosaic.version = 14 : i64} {
  func.func @_seg_sum_sc(%arg0: i32, %arg1: i32, %arg2: memref<10000x128xf32, #tpu.memory_space<hbm>>, %arg3: memref<32x72x128xi32, #tpu.memory_space<hbm>>, %arg4: memref<32x72x128xi32, #tpu.memory_space<hbm>>, %arg5: memref<632x128xf32, #tpu.memory_space<hbm>>, %arg6: memref<2x10112x128xf32, #tpu.memory_space<hbm>>, %arg7: memref<72x128xi32, #tpu.memory_space<vmem>>, %arg8: memref<72x128xi32, #tpu.memory_space<vmem>>, %arg9: memref<128xi32, #tpu.memory_space<vmem>>, %arg10: memref<128xi32, #tpu.memory_space<vmem>>, %arg11: memref<128x128xf32, #tpu.memory_space<vmem>>, %arg12: memref<10112x128xf32, #tpu.memory_space<vmem_shared>>, %arg13: memref<!tpu.dma_semaphore, #tpu.memory_space<semaphore_mem>>) attributes {dimension_semantics = [#tpu.dimension_semantics<core_parallel>, #tpu.dimension_semantics<subcore_parallel>], iteration_bounds = array<i64: 2, 16>, scalar_prefetch = 0 : i64, scratch_operands = 7 : i64, tpu.core_type = #tpu.core_type<sc_vector_subcore>, window_params = [{transform_indices = #map}, {transform_indices = #map1}, {transform_indices = #map1}, {transform_indices = #map}, {transform_indices = #map1}]} {
    %mul3A = arith.constant 16 : i32
    %mul3A_0 = arith.muli %arg0, %mul3A : i32
    %add3A = arith.addi %mul3A_0, %arg1 : i32
    "tpu.region"() ({
      %run_scoped3A = tpu.sem_alloc : memref<!tpu.dma_semaphore, #tpu.memory_space<semaphore_mem>>
      %dma_start3A_173 = arith.constant 0 : i32
      %dma_start3A_174 = arith.constant 0 : i32
      %dma_start3A_175 = tpu.memref_slice %arg3[%add3A, %dma_start3A_173, %dma_start3A_174] : memref<32x72x128xi32, #tpu.memory_space<hbm>> -> memref<1x72x128xi32, #tpu.memory_space<hbm>>
      %dma_start3A_176 = tpu.memref_squeeze %dma_start3A_175 : memref<1x72x128xi32, #tpu.memory_space<hbm>> -> memref<72x128xi32, #tpu.memory_space<hbm>>
      %dma_start3A_177 = arith.constant 0 : i32
      %dma_start3A_178 = arith.constant 0 : i32
      %dma_start3A_179 = tpu.memref_slice %arg3[%add3A, %dma_start3A_177, %dma_start3A_178] : memref<32x72x128xi32, #tpu.memory_space<hbm>> -> memref<1x72x128xi32, #tpu.memory_space<hbm>>
      %dma_start3A_180 = tpu.memref_squeeze %dma_start3A_179 : memref<1x72x128xi32, #tpu.memory_space<hbm>> -> memref<72x128xi32, #tpu.memory_space<hbm>>
      tpu.enqueue_dma source(%dma_start3A_180 : memref<72x128xi32, #tpu.memory_space<hbm>>) target(%arg7 : memref<72x128xi32, #tpu.memory_space<vmem>>) target_semaphore(%run_scoped3A : memref<!tpu.dma_semaphore, #tpu.memory_space<semaphore_mem>>)
      %dma_wait3A_181 = arith.constant 0 : i32
      %dma_wait3A_182 = arith.constant 0 : i32
      %dma_wait3A_183 = tpu.memref_slice %arg3[%add3A, %dma_wait3A_181, %dma_wait3A_182] : memref<32x72x128xi32, #tpu.memory_space<hbm>> -> memref<1x72x128xi32, #tpu.memory_space<hbm>>
      %dma_wait3A_184 = tpu.memref_squeeze %dma_wait3A_183 : memref<1x72x128xi32, #tpu.memory_space<hbm>> -> memref<72x128xi32, #tpu.memory_space<hbm>>
      %dma_wait3A_185 = arith.constant 0 : i32
      %dma_wait3A_186 = arith.constant 0 : i32
      %dma_wait3A_187 = tpu.memref_slice %arg3[%add3A, %dma_wait3A_185, %dma_wait3A_186] : memref<32x72x128xi32, #tpu.memory_space<hbm>> -> memref<1x72x128xi32, #tpu.memory_space<hbm>>
      %dma_wait3A_188 = tpu.memref_squeeze %dma_wait3A_187 : memref<1x72x128xi32, #tpu.memory_space<hbm>> -> memref<72x128xi32, #tpu.memory_space<hbm>>
      tpu.wait_dma2 semaphore(%run_scoped3A : memref<!tpu.dma_semaphore, #tpu.memory_space<semaphore_mem>>) src(%dma_wait3A_188 : memref<72x128xi32, #tpu.memory_space<hbm>>) dst(%arg7 : memref<72x128xi32, #tpu.memory_space<vmem>>)
      tpu.yield
    }) : () -> ()
    "tpu.region"() ({
      %run_scoped3A = tpu.sem_alloc : memref<!tpu.dma_semaphore, #tpu.memory_space<semaphore_mem>>
      %dma_start3A_173 = arith.constant 0 : i32
      %dma_start3A_174 = arith.constant 0 : i32
      %dma_start3A_175 = tpu.memref_slice %arg4[%add3A, %dma_start3A_173, %dma_start3A_174] : memref<32x72x128xi32, #tpu.memory_space<hbm>> -> memref<1x72x128xi32, #tpu.memory_space<hbm>>
      %dma_start3A_176 = tpu.memref_squeeze %dma_start3A_175 : memref<1x72x128xi32, #tpu.memory_space<hbm>> -> memref<72x128xi32, #tpu.memory_space<hbm>>
      %dma_start3A_177 = arith.constant 0 : i32
      %dma_start3A_178 = arith.constant 0 : i32
      %dma_start3A_179 = tpu.memref_slice %arg4[%add3A, %dma_start3A_177, %dma_start3A_178] : memref<32x72x128xi32, #tpu.memory_space<hbm>> -> memref<1x72x128xi32, #tpu.memory_space<hbm>>
      %dma_start3A_180 = tpu.memref_squeeze %dma_start3A_179 : memref<1x72x128xi32, #tpu.memory_space<hbm>> -> memref<72x128xi32, #tpu.memory_space<hbm>>
      tpu.enqueue_dma source(%dma_start3A_180 : memref<72x128xi32, #tpu.memory_space<hbm>>) target(%arg8 : memref<72x128xi32, #tpu.memory_space<vmem>>) target_semaphore(%run_scoped3A : memref<!tpu.dma_semaphore, #tpu.memory_space<semaphore_mem>>)
      %dma_wait3A_181 = arith.constant 0 : i32
      %dma_wait3A_182 = arith.constant 0 : i32
      %dma_wait3A_183 = tpu.memref_slice %arg4[%add3A, %dma_wait3A_181, %dma_wait3A_182] : memref<32x72x128xi32, #tpu.memory_space<hbm>> -> memref<1x72x128xi32, #tpu.memory_space<hbm>>
      %dma_wait3A_184 = tpu.memref_squeeze %dma_wait3A_183 : memref<1x72x128xi32, #tpu.memory_space<hbm>> -> memref<72x128xi32, #tpu.memory_space<hbm>>
      %dma_wait3A_185 = arith.constant 0 : i32
      %dma_wait3A_186 = arith.constant 0 : i32
      %dma_wait3A_187 = tpu.memref_slice %arg4[%add3A, %dma_wait3A_185, %dma_wait3A_186] : memref<32x72x128xi32, #tpu.memory_space<hbm>> -> memref<1x72x128xi32, #tpu.memory_space<hbm>>
      %dma_wait3A_188 = tpu.memref_squeeze %dma_wait3A_187 : memref<1x72x128xi32, #tpu.memory_space<hbm>> -> memref<72x128xi32, #tpu.memory_space<hbm>>
      tpu.wait_dma2 semaphore(%run_scoped3A : memref<!tpu.dma_semaphore, #tpu.memory_space<semaphore_mem>>) src(%dma_wait3A_188 : memref<72x128xi32, #tpu.memory_space<hbm>>) dst(%arg8 : memref<72x128xi32, #tpu.memory_space<vmem>>)
      tpu.yield
    }) : () -> ()
    %get3A = arith.constant 0 : i32
    %get3A_1 = arith.index_cast %get3A : i32 to index
    %get3A_2 = arith.constant 0 : index
    %get3A_3 = tpu.vector_load %arg7[%get3A_1, %get3A_2] {strides = array<i32>} : memref<72x128xi32, #tpu.memory_space<vmem>>, vector<1x16xi32>,
    %get3A_4 = vector.shape_cast %get3A_3 : vector<1x16xi32> to vector<16xi32>
    %and3A = arith.constant 65535 : i32
    %and3A_5 = vector.broadcast %and3A : i32 to vector<16xi32>
    %and3A_6 = arith.andi %get3A_4, %and3A_5 : vector<16xi32>
    %swap3A = arith.constant 0 : index
    %swap3A_7 = tpu.vector_load %arg9[%swap3A] {strides = array<i32>} : memref<128xi32, #tpu.memory_space<vmem>>, vector<16xi32>,
    %swap3A_8 = vector.shape_cast %swap3A_7 : vector<16xi32> to vector<16xi32>
    %swap3A_9 = vector.shape_cast %and3A_6 : vector<16xi32> to vector<16xi32>
    tpu.vector_store %arg9[%swap3A], %swap3A_9 {strides = array<i32>} : memref<128xi32, #tpu.memory_space<vmem>>, vector<16xi32>,
    %shift_right_arithmetic3A = arith.constant 16 : i32
    %shift_right_arithmetic3A_10 = vector.broadcast %shift_right_arithmetic3A : i32 to vector<16xi32>
    %shift_right_arithmetic3A_11 = arith.shrsi %get3A_4, %shift_right_arithmetic3A_10 : vector<16xi32>
    %swap3A_12 = arith.constant 16 : index
    %swap3A_13 = tpu.vector_load %arg9[%swap3A_12] {strides = array<i32>} : memref<128xi32, #tpu.memory_space<vmem>>, vector<16xi32>,
    %swap3A_14 = vector.shape_cast %swap3A_13 : vector<16xi32> to vector<16xi32>
    %swap3A_15 = vector.shape_cast %shift_right_arithmetic3A_11 : vector<16xi32> to vector<16xi32>
    tpu.vector_store %arg9[%swap3A_12], %swap3A_15 {strides = array<i32>} : memref<128xi32, #tpu.memory_space<vmem>>, vector<16xi32>,
    %get3A_16 = arith.constant 0 : i32
    %get3A_17 = arith.index_cast %get3A_16 : i32 to index
    %get3A_18 = arith.constant 16 : index
    %get3A_19 = tpu.vector_load %arg7[%get3A_17, %get3A_18] {strides = array<i32>} : memref<72x128xi32, #tpu.memory_space<vmem>>, vector<1x16xi32>,
    %get3A_20 = vector.shape_cast %get3A_19 : vector<1x16xi32> to vector<16xi32>
    %and3A_21 = arith.constant 65535 : i32
    %and3A_22 = vector.broadcast %and3A_21 : i32 to vector<16xi32>
    %and3A_23 = arith.andi %get3A_20, %and3A_22 : vector<16xi32>
    %swap3A_24 = arith.constant 32 : index
    %swap3A_25 = tpu.vector_load %arg9[%swap3A_24] {strides = array<i32>} : memref<128xi32, #tpu.memory_space<vmem>>, vector<16xi32>,
    %swap3A_26 = vector.shape_cast %swap3A_25 : vector<16xi32> to vector<16xi32>
    %swap3A_27 = vector.shape_cast %and3A_23 : vector<16xi32> to vector<16xi32>
    tpu.vector_store %arg9[%swap3A_24], %swap3A_27 {strides = array<i32>} : memref<128xi32, #tpu.memory_space<vmem>>, vector<16xi32>,
    %shift_right_arithmetic3A_28 = arith.constant 16 : i32
    %shift_right_arithmetic3A_29 = vector.broadcast %shift_right_arithmetic3A_28 : i32 to vector<16xi32>
    %shift_right_arithmetic3A_30 = arith.shrsi %get3A_20, %shift_right_arithmetic3A_29 : vector<16xi32>
    %swap3A_31 = arith.constant 48 : index
    %swap3A_32 = tpu.vector_load %arg9[%swap3A_31] {strides = array<i32>} : memref<128xi32, #tpu.memory_space<vmem>>, vector<16xi32>,
    %swap3A_33 = vector.shape_cast %swap3A_32 : vector<16xi32> to vector<16xi32>
    %swap3A_34 = vector.shape_cast %shift_right_arithmetic3A_30 : vector<16xi32> to vector<16xi32>
    tpu.vector_store %arg9[%swap3A_31], %swap3A_34 {strides = array<i32>} : memref<128xi32, #tpu.memory_space<vmem>>, vector<16xi32>,
    %get3A_35 = arith.constant 0 : i32
    %get3A_36 = arith.index_cast %get3A_35 : i32 to index
    %get3A_37 = arith.constant 32 : index
    %get3A_38 = tpu.vector_load %arg7[%get3A_36, %get3A_37] {strides = array<i32>} : memref<72x128xi32, #tpu.memory_space<vmem>>, vector<1x16xi32>,
    %get3A_39 = vector.shape_cast %get3A_38 : vector<1x16xi32> to vector<16xi32>
    %and3A_40 = arith.constant 65535 : i32
    %and3A_41 = vector.broadcast %and3A_40 : i32 to vector<16xi32>
    %and3A_42 = arith.andi %get3A_39, %and3A_41 : vector<16xi32>
    %swap3A_43 = arith.constant 64 : index
    %swap3A_44 = tpu.vector_load %arg9[%swap3A_43] {strides = array<i32>} : memref<128xi32, #tpu.memory_space<vmem>>, vector<16xi32>,
    %swap3A_45 = vector.shape_cast %swap3A_44 : vector<16xi32> to vector<16xi32>
    %swap3A_46 = vector.shape_cast %and3A_42 : vector<16xi32> to vector<16xi32>
    tpu.vector_store %arg9[%swap3A_43], %swap3A_46 {strides = array<i32>} : memref<128xi32, #tpu.memory_space<vmem>>, vector<16xi32>,
    %shift_right_arithmetic3A_47 = arith.constant 16 : i32
    %shift_right_arithmetic3A_48 = vector.broadcast %shift_right_arithmetic3A_47 : i32 to vector<16xi32>
    %shift_right_arithmetic3A_49 = arith.shrsi %get3A_39, %shift_right_arithmetic3A_48 : vector<16xi32>
    %swap3A_50 = arith.constant 80 : index
    %swap3A_51 = tpu.vector_load %arg9[%swap3A_50] {strides = array<i32>} : memref<128xi32, #tpu.memory_space<vmem>>, vector<16xi32>,
    %swap3A_52 = vector.shape_cast %swap3A_51 : vector<16xi32> to vector<16xi32>
    %swap3A_53 = vector.shape_cast %shift_right_arithmetic3A_49 : vector<16xi32> to vector<16xi32>
    tpu.vector_store %arg9[%swap3A_50], %swap3A_53 {strides = array<i32>} : memref<128xi32, #tpu.memory_space<vmem>>, vector<16xi32>,
    %get3A_54 = arith.constant 0 : i32
    %get3A_55 = arith.index_cast %get3A_54 : i32 to index
    %get3A_56 = arith.constant 48 : index
    %get3A_57 = tpu.vector_load %arg7[%get3A_55, %get3A_56] {strides = array<i32>} : memref<72x128xi32, #tpu.memory_space<vmem>>, vector<1x16xi32>,
    %get3A_58 = vector.shape_cast %get3A_57 : vector<1x16xi32> to vector<16xi32>
    %and3A_59 = arith.constant 65535 : i32
    %and3A_60 = vector.broadcast %and3A_59 : i32 to vector<16xi32>
    %and3A_61 = arith.andi %get3A_58, %and3A_60 : vector<16xi32>
    %swap3A_62 = arith.constant 96 : index
    %swap3A_63 = tpu.vector_load %arg9[%swap3A_62] {strides = array<i32>} : memref<128xi32, #tpu.memory_space<vmem>>, vector<16xi32>,
    %swap3A_64 = vector.shape_cast %swap3A_63 : vector<16xi32> to vector<16xi32>
    %swap3A_65 = vector.shape_cast %and3A_61 : vector<16xi32> to vector<16xi32>
    tpu.vector_store %arg9[%swap3A_62], %swap3A_65 {strides = array<i32>} : memref<128xi32, #tpu.memory_space<vmem>>, vector<16xi32>,
    %shift_right_arithmetic3A_66 = arith.constant 16 : i32
    %shift_right_arithmetic3A_67 = vector.broadcast %shift_right_arithmetic3A_66 : i32 to vector<16xi32>
    %shift_right_arithmetic3A_68 = arith.shrsi %get3A_58, %shift_right_arithmetic3A_67 : vector<16xi32>
    %swap3A_69 = arith.constant 112 : index
    %swap3A_70 = tpu.vector_load %arg9[%swap3A_69] {strides = array<i32>} : memref<128xi32, #tpu.memory_space<vmem>>, vector<16xi32>,
    %swap3A_71 = vector.shape_cast %swap3A_70 : vector<16xi32> to vector<16xi32>
    %swap3A_72 = vector.shape_cast %shift_right_arithmetic3A_68 : vector<16xi32> to vector<16xi32>
    tpu.vector_store %arg9[%swap3A_69], %swap3A_72 {strides = array<i32>} : memref<128xi32, #tpu.memory_space<vmem>>, vector<16xi32>,
    %get3A_73 = arith.constant 0 : i32
    %get3A_74 = arith.index_cast %get3A_73 : i32 to index
    %get3A_75 = arith.constant 0 : index
    %get3A_76 = tpu.vector_load %arg8[%get3A_74, %get3A_75] {strides = array<i32>} : memref<72x128xi32, #tpu.memory_space<vmem>>, vector<1x16xi32>,
    %get3A_77 = vector.shape_cast %get3A_76 : vector<1x16xi32> to vector<16xi32>
    %and3A_78 = arith.constant 65535 : i32
    %and3A_79 = vector.broadcast %and3A_78 : i32 to vector<16xi32>
    %and3A_80 = arith.andi %get3A_77, %and3A_79 : vector<16xi32>
    %swap3A_81 = arith.constant 0 : index
    %swap3A_82 = tpu.vector_load %arg10[%swap3A_81] {strides = array<i32>} : memref<128xi32, #tpu.memory_space<vmem>>, vector<16xi32>,
    %swap3A_83 = vector.shape_cast %swap3A_82 : vector<16xi32> to vector<16xi32>
    %swap3A_84 = vector.shape_cast %and3A_80 : vector<16xi32> to vector<16xi32>
    tpu.vector_store %arg10[%swap3A_81], %swap3A_84 {strides = array<i32>} : memref<128xi32, #tpu.memory_space<vmem>>, vector<16xi32>,
    %shift_right_arithmetic3A_85 = arith.constant 16 : i32
    %shift_right_arithmetic3A_86 = vector.broadcast %shift_right_arithmetic3A_85 : i32 to vector<16xi32>
    %shift_right_arithmetic3A_87 = arith.shrsi %get3A_77, %shift_right_arithmetic3A_86 : vector<16xi32>
    %swap3A_88 = arith.constant 16 : index
    %swap3A_89 = tpu.vector_load %arg10[%swap3A_88] {strides = array<i32>} : memref<128xi32, #tpu.memory_space<vmem>>, vector<16xi32>,
    %swap3A_90 = vector.shape_cast %swap3A_89 : vector<16xi32> to vector<16xi32>
    %swap3A_91 = vector.shape_cast %shift_right_arithmetic3A_87 : vector<16xi32> to vector<16xi32>
    tpu.vector_store %arg10[%swap3A_88], %swap3A_91 {strides = array<i32>} : memref<128xi32, #tpu.memory_space<vmem>>, vector<16xi32>,
    %get3A_92 = arith.constant 0 : i32
    %get3A_93 = arith.index_cast %get3A_92 : i32 to index
    %get3A_94 = arith.constant 16 : index
    %get3A_95 = tpu.vector_load %arg8[%get3A_93, %get3A_94] {strides = array<i32>} : memref<72x128xi32, #tpu.memory_space<vmem>>, vector<1x16xi32>,
    %get3A_96 = vector.shape_cast %get3A_95 : vector<1x16xi32> to vector<16xi32>
    %and3A_97 = arith.constant 65535 : i32
    %and3A_98 = vector.broadcast %and3A_97 : i32 to vector<16xi32>
    %and3A_99 = arith.andi %get3A_96, %and3A_98 : vector<16xi32>
    %swap3A_100 = arith.constant 32 : index
    %swap3A_101 = tpu.vector_load %arg10[%swap3A_100] {strides = array<i32>} : memref<128xi32, #tpu.memory_space<vmem>>, vector<16xi32>,
    %swap3A_102 = vector.shape_cast %swap3A_101 : vector<16xi32> to vector<16xi32>
    %swap3A_103 = vector.shape_cast %and3A_99 : vector<16xi32> to vector<16xi32>
    tpu.vector_store %arg10[%swap3A_100], %swap3A_103 {strides = array<i32>} : memref<128xi32, #tpu.memory_space<vmem>>, vector<16xi32>,
    %shift_right_arithmetic3A_104 = arith.constant 16 : i32
    %shift_right_arithmetic3A_105 = vector.broadcast %shift_right_arithmetic3A_104 : i32 to vector<16xi32>
    %shift_right_arithmetic3A_106 = arith.shrsi %get3A_96, %shift_right_arithmetic3A_105 : vector<16xi32>
    %swap3A_107 = arith.constant 48 : index
    %swap3A_108 = tpu.vector_load %arg10[%swap3A_107] {strides = array<i32>} : memref<128xi32, #tpu.memory_space<vmem>>, vector<16xi32>,
    %swap3A_109 = vector.shape_cast %swap3A_108 : vector<16xi32> to vector<16xi32>
    %swap3A_110 = vector.shape_cast %shift_right_arithmetic3A_106 : vector<16xi32> to vector<16xi32>
    tpu.vector_store %arg10[%swap3A_107], %swap3A_110 {strides = array<i32>} : memref<128xi32, #tpu.memory_space<vmem>>, vector<16xi32>,
    %get3A_111 = arith.constant 0 : i32
    %get3A_112 = arith.index_cast %get3A_111 : i32 to index
    %get3A_113 = arith.constant 32 : index
    %get3A_114 = tpu.vector_load %arg8[%get3A_112, %get3A_113] {strides = array<i32>} : memref<72x128xi32, #tpu.memory_space<vmem>>, vector<1x16xi32>,
    %get3A_115 = vector.shape_cast %get3A_114 : vector<1x16xi32> to vector<16xi32>
    %and3A_116 = arith.constant 65535 : i32
    %and3A_117 = vector.broadcast %and3A_116 : i32 to vector<16xi32>
    %and3A_118 = arith.andi %get3A_115, %and3A_117 : vector<16xi32>
    %swap3A_119 = arith.constant 64 : index
    %swap3A_120 = tpu.vector_load %arg10[%swap3A_119] {strides = array<i32>} : memref<128xi32, #tpu.memory_space<vmem>>, vector<16xi32>,
    %swap3A_121 = vector.shape_cast %swap3A_120 : vector<16xi32> to vector<16xi32>
    %swap3A_122 = vector.shape_cast %and3A_118 : vector<16xi32> to vector<16xi32>
    tpu.vector_store %arg10[%swap3A_119], %swap3A_122 {strides = array<i32>} : memref<128xi32, #tpu.memory_space<vmem>>, vector<16xi32>,
    %shift_right_arithmetic3A_123 = arith.constant 16 : i32
    %shift_right_arithmetic3A_124 = vector.broadcast %shift_right_arithmetic3A_123 : i32 to vector<16xi32>
    %shift_right_arithmetic3A_125 = arith.shrsi %get3A_115, %shift_right_arithmetic3A_124 : vector<16xi32>
    %swap3A_126 = arith.constant 80 : index
    %swap3A_127 = tpu.vector_load %arg10[%swap3A_126] {strides = array<i32>} : memref<128xi32, #tpu.memory_space<vmem>>, vector<16xi32>,
    %swap3A_128 = vector.shape_cast %swap3A_127 : vector<16xi32> to vector<16xi32>
    %swap3A_129 = vector.shape_cast %shift_right_arithmetic3A_125 : vector<16xi32> to vector<16xi32>
    tpu.vector_store %arg10[%swap3A_126], %swap3A_129 {strides = array<i32>} : memref<128xi32, #tpu.memory_space<vmem>>, vector<16xi32>,
    %get3A_130 = arith.constant 0 : i32
    %get3A_131 = arith.index_cast %get3A_130 : i32 to index
    %get3A_132 = arith.constant 48 : index
    %get3A_133 = tpu.vector_load %arg8[%get3A_131, %get3A_132] {strides = array<i32>} : memref<72x128xi32, #tpu.memory_space<vmem>>, vector<1x16xi32>,
    %get3A_134 = vector.shape_cast %get3A_133 : vector<1x16xi32> to vector<16xi32>
    %and3A_135 = arith.constant 65535 : i32
    %and3A_136 = vector.broadcast %and3A_135 : i32 to vector<16xi32>
    %and3A_137 = arith.andi %get3A_134, %and3A_136 : vector<16xi32>
    %swap3A_138 = arith.constant 96 : index
    %swap3A_139 = tpu.vector_load %arg10[%swap3A_138] {strides = array<i32>} : memref<128xi32, #tpu.memory_space<vmem>>, vector<16xi32>,
    %swap3A_140 = vector.shape_cast %swap3A_139 : vector<16xi32> to vector<16xi32>
    %swap3A_141 = vector.shape_cast %and3A_137 : vector<16xi32> to vector<16xi32>
    tpu.vector_store %arg10[%swap3A_138], %swap3A_141 {strides = array<i32>} : memref<128xi32, #tpu.memory_space<vmem>>, vector<16xi32>,
    %shift_right_arithmetic3A_142 = arith.constant 16 : i32
    %shift_right_arithmetic3A_143 = vector.broadcast %shift_right_arithmetic3A_142 : i32 to vector<16xi32>
    %shift_right_arithmetic3A_144 = arith.shrsi %get3A_134, %shift_right_arithmetic3A_143 : vector<16xi32>
    %swap3A_145 = arith.constant 112 : index
    %swap3A_146 = tpu.vector_load %arg10[%swap3A_145] {strides = array<i32>} : memref<128xi32, #tpu.memory_space<vmem>>, vector<16xi32>,
    %swap3A_147 = vector.shape_cast %swap3A_146 : vector<16xi32> to vector<16xi32>
    %swap3A_148 = vector.shape_cast %shift_right_arithmetic3A_144 : vector<16xi32> to vector<16xi32>
    tpu.vector_store %arg10[%swap3A_145], %swap3A_148 {strides = array<i32>} : memref<128xi32, #tpu.memory_space<vmem>>, vector<16xi32>,
    %mul3A_149 = arith.constant 632 : i32
    %mul3A_150 = arith.muli %arg1, %mul3A_149 : i32
    "tpu.region"() ({
      %run_scoped3A = tpu.sem_alloc : memref<!tpu.dma_semaphore, #tpu.memory_space<semaphore_mem>>
      %dma_start3A_173 = arith.constant 0 : i32
      %dma_start3A_174 = tpu.memref_slice %arg12[%mul3A_150, %dma_start3A_173] : memref<10112x128xf32, #tpu.memory_space<vmem_shared>> -> memref<632x128xf32, #tpu.memory_space<vmem_shared>>
      tpu.enqueue_dma source(%arg5 : memref<632x128xf32, #tpu.memory_space<hbm>>) target(%dma_start3A_174 : memref<632x128xf32, #tpu.memory_space<vmem_shared>>) target_semaphore(%run_scoped3A : memref<!tpu.dma_semaphore, #tpu.memory_space<semaphore_mem>>)
      %dma_wait3A_175 = arith.constant 0 : i32
      %dma_wait3A_176 = tpu.memref_slice %arg12[%mul3A_150, %dma_wait3A_175] : memref<10112x128xf32, #tpu.memory_space<vmem_shared>> -> memref<632x128xf32, #tpu.memory_space<vmem_shared>>
      tpu.wait_dma2 semaphore(%run_scoped3A : memref<!tpu.dma_semaphore, #tpu.memory_space<semaphore_mem>>) src(%arg5 : memref<632x128xf32, #tpu.memory_space<hbm>>) dst(%dma_wait3A_176 : memref<632x128xf32, #tpu.memory_space<vmem_shared>>)
      tpu.yield
    }) : () -> ()
    %barrier3A = arith.constant 0 : index
    tpu.barrier barrier_id(%barrier3A)
    %eq3A = arith.constant 0 : i32
    %eq3A_151 = arith.cmpi eq, %arg0, %eq3A : i32
    %select_n3A = arith.constant 16 : i32
    %select_n3A_152 = arith.constant 144 : i32
    %select_n3A_153 = arith.select %eq3A_151, %select_n3A_152, %select_n3A : i32
    %sub3A = arith.constant 1 : i32
    %sub3A_154 = arith.subi %select_n3A_153, %sub3A : i32
    %while3A = arith.constant 0 : i32
    %while3A_155 = arith.constant 0 : i32
    %while3A_156 = arith.subi %sub3A_154, %while3A_155 : i32
    %while3A_157 = arith.addi %while3A_155, %while3A_156 : i32
    %while3A_158 = arith.constant 1 : i32
    %while3A_159 = arith.divsi %while3A_156, %while3A_158 : i32
    %while3A_160 = arith.muli %while3A_159, %while3A_158 : i32
    %while3A_161 = arith.addi %while3A_155, %while3A_160 : i32
    %while3A_162 = arith.constant 1 : i32
    scf.for %while3A_173 = %while3A_155 to %while3A_161 step %while3A_162  : i32 {
      %add3A_174 = arith.constant 1 : i32
      %add3A_175 = arith.addi %while3A_173, %add3A_174 : i32
      %mul3A_176 = arith.constant 1 : i32
      %mul3A_177 = arith.muli %add3A_175, %mul3A_176 : i32
      %dma_start3A_178 = arith.constant 0 : i32
      %dma_start3A_179 = arith.constant 0 : i32
      %dma_start3A_180 = tpu.memref_slice %arg2[%dma_start3A_178, %dma_start3A_179] : memref<10000x128xf32, #tpu.memory_space<hbm>> -> memref<10000x128xf32, #tpu.memory_space<hbm>>
      tpu.enqueue_indirect_dma source(%dma_start3A_180 : memref<10000x128xf32, #tpu.memory_space<hbm>>) target(%arg11 : memref<128x128xf32, #tpu.memory_space<vmem>>) offsets(%arg9 : memref<128xi32, #tpu.memory_space<vmem>>) semaphore(%arg13 : memref<!tpu.dma_semaphore, #tpu.memory_space<semaphore_mem>>)
      %dma_wait3A_181 = arith.constant 0 : i32
      %dma_wait3A_182 = arith.constant 0 : i32
      %dma_wait3A_183 = tpu.memref_slice %arg2[%dma_wait3A_181, %dma_wait3A_182] : memref<10000x128xf32, #tpu.memory_space<hbm>> -> memref<10000x128xf32, #tpu.memory_space<hbm>>
      tpu.wait_indirect_dma semaphore(%arg13 : memref<!tpu.dma_semaphore, #tpu.memory_space<semaphore_mem>>) src(%dma_wait3A_183 : memref<10000x128xf32, #tpu.memory_space<hbm>>) dst(%arg11 : memref<128x128xf32, #tpu.memory_space<vmem>>)
      %add3A_184 = arith.constant 0 : i32
      %add3A_185 = arith.addi %mul3A_177, %add3A_184 : i32
      %jit3A = arith.constant 2 : i32
      %div3A = arith.divsi %add3A_185, %jit3A : i32
      %sign3A = arith.constant 0 : i32
      %sign3A_186 = arith.cmpi sgt, %add3A_185, %sign3A : i32
      %sign3A_187 = arith.extui %sign3A_186 : i1 to i32
      %sign3A_188 = arith.constant 0 : i32
      %sign3A_189 = arith.cmpi slt, %add3A_185, %sign3A_188 : i32
      %sign3A_190 = arith.extui %sign3A_189 : i1 to i32
      %sign3A_191 = arith.subi %sign3A_187, %sign3A_190 : i32
      %sign3A_192 = arith.constant 0 : i32
      %sign3A_193 = arith.cmpi sgt, %jit3A, %sign3A_192 : i32
      %sign3A_194 = arith.extui %sign3A_193 : i1 to i32
      %sign3A_195 = arith.constant 0 : i32
      %sign3A_196 = arith.cmpi slt, %jit3A, %sign3A_195 : i32
      %sign3A_197 = arith.extui %sign3A_196 : i1 to i32
      %sign3A_198 = arith.subi %sign3A_194, %sign3A_197 : i32
      %ne3A = arith.cmpi ne, %sign3A_191, %sign3A_198 : i32
      %rem3A = arith.remsi %add3A_185, %jit3A : i32
      %ne3A_199 = arith.constant 0 : i32
      %ne3A_200 = arith.cmpi ne, %rem3A, %ne3A_199 : i32
      %and3A_201 = arith.andi %ne3A, %ne3A_200 : i1
      %sub3A_202 = arith.constant 1 : i32
      %sub3A_203 = arith.subi %div3A, %sub3A_202 : i32
      %select_n3A_204 = arith.select %and3A_201, %sub3A_203, %div3A : i32
      %add3A_205 = arith.constant 0 : i32
      %add3A_206 = arith.addi %mul3A_177, %add3A_205 : i32
      %jit3A_207 = arith.constant 2 : i32
      %eq3A_208 = arith.constant 0 : i32
      %eq3A_209 = arith.cmpi eq, %jit3A_207, %eq3A_208 : i32
      %jit3A_210 = arith.constant 1 : i32
      %select_n3A_211 = arith.select %eq3A_209, %jit3A_210, %jit3A_207 : i32
      %rem3A_212 = arith.remsi %add3A_206, %select_n3A_211 : i32
      %ne3A_213 = arith.constant 0 : i32
      %ne3A_214 = arith.cmpi ne, %rem3A_212, %ne3A_213 : i32
      %lt3A = arith.constant 0 : i32
      %lt3A_215 = arith.cmpi slt, %rem3A_212, %lt3A : i32
      %lt3A_216 = arith.constant 0 : i32
      %lt3A_217 = arith.cmpi slt, %select_n3A_211, %lt3A_216 : i32
      %ne3A_218 = arith.xori %lt3A_215, %lt3A_217 : i1
      %and3A_219 = arith.andi %ne3A_218, %ne3A_214 : i1
      %add3A_220 = arith.addi %rem3A_212, %select_n3A_211 : i32
      %select_n3A_221 = arith.select %and3A_219, %add3A_220, %rem3A_212 : i32
      %mul3A_222 = arith.constant 64 : i32
      %mul3A_223 = arith.muli %select_n3A_221, %mul3A_222 : i32
      %add3A_224 = arith.constant 0 : i32
      %add3A_225 = arith.addi %mul3A_223, %add3A_224 : i32
      %get3A_226 = arith.index_cast %select_n3A_204 : i32 to index
      %get3A_227 = arith.index_cast %add3A_225 : i32 to index
      %get3A_228 = tpu.vector_load %arg7[%get3A_226, %get3A_227] {strides = array<i32>} : memref<72x128xi32, #tpu.memory_space<vmem>>, vector<1x16xi32>,
      %get3A_229 = vector.shape_cast %get3A_228 : vector<1x16xi32> to vector<16xi32>
      %and3A_230 = arith.constant 65535 : i32
      %and3A_231 = vector.broadcast %and3A_230 : i32 to vector<16xi32>
      %and3A_232 = arith.andi %get3A_229, %and3A_231 : vector<16xi32>
      %swap3A_233 = arith.constant 0 : index
      %swap3A_234 = tpu.vector_load %arg9[%swap3A_233] {strides = array<i32>} : memref<128xi32, #tpu.memory_space<vmem>>, vector<16xi32>,
      %swap3A_235 = vector.shape_cast %swap3A_234 : vector<16xi32> to vector<16xi32>
      %swap3A_236 = vector.shape_cast %and3A_232 : vector<16xi32> to vector<16xi32>
      tpu.vector_store %arg9[%swap3A_233], %swap3A_236 {strides = array<i32>} : memref<128xi32, #tpu.memory_space<vmem>>, vector<16xi32>,
      %shift_right_arithmetic3A_237 = arith.constant 16 : i32
      %shift_right_arithmetic3A_238 = vector.broadcast %shift_right_arithmetic3A_237 : i32 to vector<16xi32>
      %shift_right_arithmetic3A_239 = arith.shrsi %get3A_229, %shift_right_arithmetic3A_238 : vector<16xi32>
      %swap3A_240 = arith.constant 16 : index
      %swap3A_241 = tpu.vector_load %arg9[%swap3A_240] {strides = array<i32>} : memref<128xi32, #tpu.memory_space<vmem>>, vector<16xi32>,
      %swap3A_242 = vector.shape_cast %swap3A_241 : vector<16xi32> to vector<16xi32>
      %swap3A_243 = vector.shape_cast %shift_right_arithmetic3A_239 : vector<16xi32> to vector<16xi32>
      tpu.vector_store %arg9[%swap3A_240], %swap3A_243 {strides = array<i32>} : memref<128xi32, #tpu.memory_space<vmem>>, vector<16xi32>,
      %mul3A_244 = arith.constant 64 : i32
      %mul3A_245 = arith.muli %select_n3A_221, %mul3A_244 : i32
      %add3A_246 = arith.constant 16 : i32
      %add3A_247 = arith.addi %mul3A_245, %add3A_246 : i32
      %get3A_248 = arith.index_cast %select_n3A_204 : i32 to index
      %get3A_249 = arith.index_cast %add3A_247 : i32 to index
      %get3A_250 = tpu.vector_load %arg7[%get3A_248, %get3A_249] {strides = array<i32>} : memref<72x128xi32, #tpu.memory_space<vmem>>, vector<1x16xi32>,
      %get3A_251 = vector.shape_cast %get3A_250 : vector<1x16xi32> to vector<16xi32>
      %and3A_252 = arith.constant 65535 : i32
      %and3A_253 = vector.broadcast %and3A_252 : i32 to vector<16xi32>
      %and3A_254 = arith.andi %get3A_251, %and3A_253 : vector<16xi32>
      %swap3A_255 = arith.constant 32 : index
      %swap3A_256 = tpu.vector_load %arg9[%swap3A_255] {strides = array<i32>} : memref<128xi32, #tpu.memory_space<vmem>>, vector<16xi32>,
      %swap3A_257 = vector.shape_cast %swap3A_256 : vector<16xi32> to vector<16xi32>
      %swap3A_258 = vector.shape_cast %and3A_254 : vector<16xi32> to vector<16xi32>
      tpu.vector_store %arg9[%swap3A_255], %swap3A_258 {strides = array<i32>} : memref<128xi32, #tpu.memory_space<vmem>>, vector<16xi32>,
      %shift_right_arithmetic3A_259 = arith.constant 16 : i32
      %shift_right_arithmetic3A_260 = vector.broadcast %shift_right_arithmetic3A_259 : i32 to vector<16xi32>
      %shift_right_arithmetic3A_261 = arith.shrsi %get3A_251, %shift_right_arithmetic3A_260 : vector<16xi32>
      %swap3A_262 = arith.constant 48 : index
      %swap3A_263 = tpu.vector_load %arg9[%swap3A_262] {strides = array<i32>} : memref<128xi32, #tpu.memory_space<vmem>>, vector<16xi32>,
      %swap3A_264 = vector.shape_cast %swap3A_263 : vector<16xi32> to vector<16xi32>
      %swap3A_265 = vector.shape_cast %shift_right_arithmetic3A_261 : vector<16xi32> to vector<16xi32>
      tpu.vector_store %arg9[%swap3A_262], %swap3A_265 {strides = array<i32>} : memref<128xi32, #tpu.memory_space<vmem>>, vector<16xi32>,
      %mul3A_266 = arith.constant 64 : i32
      %mul3A_267 = arith.muli %select_n3A_221, %mul3A_266 : i32
      %add3A_268 = arith.constant 32 : i32
      %add3A_269 = arith.addi %mul3A_267, %add3A_268 : i32
      %get3A_270 = arith.index_cast %select_n3A_204 : i32 to index
      %get3A_271 = arith.index_cast %add3A_269 : i32 to index
      %get3A_272 = tpu.vector_load %arg7[%get3A_270, %get3A_271] {strides = array<i32>} : memref<72x128xi32, #tpu.memory_space<vmem>>, vector<1x16xi32>,
      %get3A_273 = vector.shape_cast %get3A_272 : vector<1x16xi32> to vector<16xi32>
      %and3A_274 = arith.constant 65535 : i32
      %and3A_275 = vector.broadcast %and3A_274 : i32 to vector<16xi32>
      %and3A_276 = arith.andi %get3A_273, %and3A_275 : vector<16xi32>
      %swap3A_277 = arith.constant 64 : index
      %swap3A_278 = tpu.vector_load %arg9[%swap3A_277] {strides = array<i32>} : memref<128xi32, #tpu.memory_space<vmem>>, vector<16xi32>,
      %swap3A_279 = vector.shape_cast %swap3A_278 : vector<16xi32> to vector<16xi32>
      %swap3A_280 = vector.shape_cast %and3A_276 : vector<16xi32> to vector<16xi32>
      tpu.vector_store %arg9[%swap3A_277], %swap3A_280 {strides = array<i32>} : memref<128xi32, #tpu.memory_space<vmem>>, vector<16xi32>,
      %shift_right_arithmetic3A_281 = arith.constant 16 : i32
      %shift_right_arithmetic3A_282 = vector.broadcast %shift_right_arithmetic3A_281 : i32 to vector<16xi32>
      %shift_right_arithmetic3A_283 = arith.shrsi %get3A_273, %shift_right_arithmetic3A_282 : vector<16xi32>
      %swap3A_284 = arith.constant 80 : index
      %swap3A_285 = tpu.vector_load %arg9[%swap3A_284] {strides = array<i32>} : memref<128xi32, #tpu.memory_space<vmem>>, vector<16xi32>,
      %swap3A_286 = vector.shape_cast %swap3A_285 : vector<16xi32> to vector<16xi32>
      %swap3A_287 = vector.shape_cast %shift_right_arithmetic3A_283 : vector<16xi32> to vector<16xi32>
      tpu.vector_store %arg9[%swap3A_284], %swap3A_287 {strides = array<i32>} : memref<128xi32, #tpu.memory_space<vmem>>, vector<16xi32>,
      %mul3A_288 = arith.constant 64 : i32
      %mul3A_289 = arith.muli %select_n3A_221, %mul3A_288 : i32
      %add3A_290 = arith.constant 48 : i32
      %add3A_291 = arith.addi %mul3A_289, %add3A_290 : i32
      %get3A_292 = arith.index_cast %select_n3A_204 : i32 to index
      %get3A_293 = arith.index_cast %add3A_291 : i32 to index
      %get3A_294 = tpu.vector_load %arg7[%get3A_292, %get3A_293] {strides = array<i32>} : memref<72x128xi32, #tpu.memory_space<vmem>>, vector<1x16xi32>,
      %get3A_295 = vector.shape_cast %get3A_294 : vector<1x16xi32> to vector<16xi32>
      %and3A_296 = arith.constant 65535 : i32
      %and3A_297 = vector.broadcast %and3A_296 : i32 to vector<16xi32>
      %and3A_298 = arith.andi %get3A_295, %and3A_297 : vector<16xi32>
      %swap3A_299 = arith.constant 96 : index
      %swap3A_300 = tpu.vector_load %arg9[%swap3A_299] {strides = array<i32>} : memref<128xi32, #tpu.memory_space<vmem>>, vector<16xi32>,
      %swap3A_301 = vector.shape_cast %swap3A_300 : vector<16xi32> to vector<16xi32>
      %swap3A_302 = vector.shape_cast %and3A_298 : vector<16xi32> to vector<16xi32>
      tpu.vector_store %arg9[%swap3A_299], %swap3A_302 {strides = array<i32>} : memref<128xi32, #tpu.memory_space<vmem>>, vector<16xi32>,
      %shift_right_arithmetic3A_303 = arith.constant 16 : i32
      %shift_right_arithmetic3A_304 = vector.broadcast %shift_right_arithmetic3A_303 : i32 to vector<16xi32>
      %shift_right_arithmetic3A_305 = arith.shrsi %get3A_295, %shift_right_arithmetic3A_304 : vector<16xi32>
      %swap3A_306 = arith.constant 112 : index
      %swap3A_307 = tpu.vector_load %arg9[%swap3A_306] {strides = array<i32>} : memref<128xi32, #tpu.memory_space<vmem>>, vector<16xi32>,
      %swap3A_308 = vector.shape_cast %swap3A_307 : vector<16xi32> to vector<16xi32>
      %swap3A_309 = vector.shape_cast %shift_right_arithmetic3A_305 : vector<16xi32> to vector<16xi32>
      tpu.vector_store %arg9[%swap3A_306], %swap3A_309 {strides = array<i32>} : memref<128xi32, #tpu.memory_space<vmem>>, vector<16xi32>,
      "tpu.region"() ({
        %run_scoped3A = tpu.sem_alloc : memref<!tpu.dma_semaphore, #tpu.memory_space<semaphore_mem>>
        %dma_start3A_442 = arith.constant 0 : i32
        %dma_start3A_443 = arith.constant 0 : i32
        %dma_start3A_444 = tpu.memref_slice %arg12[%dma_start3A_442, %dma_start3A_443] : memref<10112x128xf32, #tpu.memory_space<vmem_shared>> -> memref<10112x128xf32, #tpu.memory_space<vmem_shared>>
        tpu.enqueue_indirect_dma source(%arg11 : memref<128x128xf32, #tpu.memory_space<vmem>>) target(%dma_start3A_444 : memref<10112x128xf32, #tpu.memory_space<vmem_shared>>) offsets(%arg10 : memref<128xi32, #tpu.memory_space<vmem>>) semaphore(%run_scoped3A : memref<!tpu.dma_semaphore, #tpu.memory_space<semaphore_mem>>) {add = true}
        %dma_wait3A_445 = arith.constant 0 : i32
        %dma_wait3A_446 = arith.constant 0 : i32
        %dma_wait3A_447 = tpu.memref_slice %arg12[%dma_wait3A_445, %dma_wait3A_446] : memref<10112x128xf32, #tpu.memory_space<vmem_shared>> -> memref<10112x128xf32, #tpu.memory_space<vmem_shared>>
        tpu.wait_indirect_dma semaphore(%run_scoped3A : memref<!tpu.dma_semaphore, #tpu.memory_space<semaphore_mem>>) src(%arg11 : memref<128x128xf32, #tpu.memory_space<vmem>>) dst(%dma_wait3A_447 : memref<10112x128xf32, #tpu.memory_space<vmem_shared>>)
        tpu.yield
      }) : () -> ()
      %add3A_310 = arith.constant 0 : i32
      %add3A_311 = arith.addi %mul3A_177, %add3A_310 : i32
      %jit3A_312 = arith.constant 2 : i32
      %div3A_313 = arith.divsi %add3A_311, %jit3A_312 : i32
      %sign3A_314 = arith.constant 0 : i32
      %sign3A_315 = arith.cmpi sgt, %add3A_311, %sign3A_314 : i32
      %sign3A_316 = arith.extui %sign3A_315 : i1 to i32
      %sign3A_317 = arith.constant 0 : i32
      %sign3A_318 = arith.cmpi slt, %add3A_311, %sign3A_317 : i32
      %sign3A_319 = arith.extui %sign3A_318 : i1 to i32
      %sign3A_320 = arith.subi %sign3A_316, %sign3A_319 : i32
      %sign3A_321 = arith.constant 0 : i32
      %sign3A_322 = arith.cmpi sgt, %jit3A_312, %sign3A_321 : i32
      %sign3A_323 = arith.extui %sign3A_322 : i1 to i32
      %sign3A_324 = arith.constant 0 : i32
      %sign3A_325 = arith.cmpi slt, %jit3A_312, %sign3A_324 : i32
      %sign3A_326 = arith.extui %sign3A_325 : i1 to i32
      %sign3A_327 = arith.subi %sign3A_323, %sign3A_326 : i32
      %ne3A_328 = arith.cmpi ne, %sign3A_320, %sign3A_327 : i32
      %rem3A_329 = arith.remsi %add3A_311, %jit3A_312 : i32
      %ne3A_330 = arith.constant 0 : i32
      %ne3A_331 = arith.cmpi ne, %rem3A_329, %ne3A_330 : i32
      %and3A_332 = arith.andi %ne3A_328, %ne3A_331 : i1
      %sub3A_333 = arith.constant 1 : i32
      %sub3A_334 = arith.subi %div3A_313, %sub3A_333 : i32
      %select_n3A_335 = arith.select %and3A_332, %sub3A_334, %div3A_313 : i32
      %add3A_336 = arith.constant 0 : i32
      %add3A_337 = arith.addi %mul3A_177, %add3A_336 : i32
      %jit3A_338 = arith.constant 2 : i32
      %eq3A_339 = arith.constant 0 : i32
      %eq3A_340 = arith.cmpi eq, %jit3A_338, %eq3A_339 : i32
      %jit3A_341 = arith.constant 1 : i32
      %select_n3A_342 = arith.select %eq3A_340, %jit3A_341, %jit3A_338 : i32
      %rem3A_343 = arith.remsi %add3A_337, %select_n3A_342 : i32
      %ne3A_344 = arith.constant 0 : i32
      %ne3A_345 = arith.cmpi ne, %rem3A_343, %ne3A_344 : i32
      %lt3A_346 = arith.constant 0 : i32
      %lt3A_347 = arith.cmpi slt, %rem3A_343, %lt3A_346 : i32
      %lt3A_348 = arith.constant 0 : i32
      %lt3A_349 = arith.cmpi slt, %select_n3A_342, %lt3A_348 : i32
      %ne3A_350 = arith.xori %lt3A_347, %lt3A_349 : i1
      %and3A_351 = arith.andi %ne3A_350, %ne3A_345 : i1
      %add3A_352 = arith.addi %rem3A_343, %select_n3A_342 : i32
      %select_n3A_353 = arith.select %and3A_351, %add3A_352, %rem3A_343 : i32
      %mul3A_354 = arith.constant 64 : i32
      %mul3A_355 = arith.muli %select_n3A_353, %mul3A_354 : i32
      %add3A_356 = arith.constant 0 : i32
      %add3A_357 = arith.addi %mul3A_355, %add3A_356 : i32
      %get3A_358 = arith.index_cast %select_n3A_335 : i32 to index
      %get3A_359 = arith.index_cast %add3A_357 : i32 to index
      %get3A_360 = tpu.vector_load %arg8[%get3A_358, %get3A_359] {strides = array<i32>} : memref<72x128xi32, #tpu.memory_space<vmem>>, vector<1x16xi32>,
      %get3A_361 = vector.shape_cast %get3A_360 : vector<1x16xi32> to vector<16xi32>
      %and3A_362 = arith.constant 65535 : i32
      %and3A_363 = vector.broadcast %and3A_362 : i32 to vector<16xi32>
      %and3A_364 = arith.andi %get3A_361, %and3A_363 : vector<16xi32>
      %swap3A_365 = arith.constant 0 : index
      %swap3A_366 = tpu.vector_load %arg10[%swap3A_365] {strides = array<i32>} : memref<128xi32, #tpu.memory_space<vmem>>, vector<16xi32>,
      %swap3A_367 = vector.shape_cast %swap3A_366 : vector<16xi32> to vector<16xi32>
      %swap3A_368 = vector.shape_cast %and3A_364 : vector<16xi32> to vector<16xi32>
      tpu.vector_store %arg10[%swap3A_365], %swap3A_368 {strides = array<i32>} : memref<128xi32, #tpu.memory_space<vmem>>, vector<16xi32>,
      %shift_right_arithmetic3A_369 = arith.constant 16 : i32
      %shift_right_arithmetic3A_370 = vector.broadcast %shift_right_arithmetic3A_369 : i32 to vector<16xi32>
      %shift_right_arithmetic3A_371 = arith.shrsi %get3A_361, %shift_right_arithmetic3A_370 : vector<16xi32>
      %swap3A_372 = arith.constant 16 : index
      %swap3A_373 = tpu.vector_load %arg10[%swap3A_372] {strides = array<i32>} : memref<128xi32, #tpu.memory_space<vmem>>, vector<16xi32>,
      %swap3A_374 = vector.shape_cast %swap3A_373 : vector<16xi32> to vector<16xi32>
      %swap3A_375 = vector.shape_cast %shift_right_arithmetic3A_371 : vector<16xi32> to vector<16xi32>
      tpu.vector_store %arg10[%swap3A_372], %swap3A_375 {strides = array<i32>} : memref<128xi32, #tpu.memory_space<vmem>>, vector<16xi32>,
      %mul3A_376 = arith.constant 64 : i32
      %mul3A_377 = arith.muli %select_n3A_353, %mul3A_376 : i32
      %add3A_378 = arith.constant 16 : i32
      %add3A_379 = arith.addi %mul3A_377, %add3A_378 : i32
      %get3A_380 = arith.index_cast %select_n3A_335 : i32 to index
      %get3A_381 = arith.index_cast %add3A_379 : i32 to index
      %get3A_382 = tpu.vector_load %arg8[%get3A_380, %get3A_381] {strides = array<i32>} : memref<72x128xi32, #tpu.memory_space<vmem>>, vector<1x16xi32>,
      %get3A_383 = vector.shape_cast %get3A_382 : vector<1x16xi32> to vector<16xi32>
      %and3A_384 = arith.constant 65535 : i32
      %and3A_385 = vector.broadcast %and3A_384 : i32 to vector<16xi32>
      %and3A_386 = arith.andi %get3A_383, %and3A_385 : vector<16xi32>
      %swap3A_387 = arith.constant 32 : index
      %swap3A_388 = tpu.vector_load %arg10[%swap3A_387] {strides = array<i32>} : memref<128xi32, #tpu.memory_space<vmem>>, vector<16xi32>,
      %swap3A_389 = vector.shape_cast %swap3A_388 : vector<16xi32> to vector<16xi32>
      %swap3A_390 = vector.shape_cast %and3A_386 : vector<16xi32> to vector<16xi32>
      tpu.vector_store %arg10[%swap3A_387], %swap3A_390 {strides = array<i32>} : memref<128xi32, #tpu.memory_space<vmem>>, vector<16xi32>,
      %shift_right_arithmetic3A_391 = arith.constant 16 : i32
      %shift_right_arithmetic3A_392 = vector.broadcast %shift_right_arithmetic3A_391 : i32 to vector<16xi32>
      %shift_right_arithmetic3A_393 = arith.shrsi %get3A_383, %shift_right_arithmetic3A_392 : vector<16xi32>
      %swap3A_394 = arith.constant 48 : index
      %swap3A_395 = tpu.vector_load %arg10[%swap3A_394] {strides = array<i32>} : memref<128xi32, #tpu.memory_space<vmem>>, vector<16xi32>,
      %swap3A_396 = vector.shape_cast %swap3A_395 : vector<16xi32> to vector<16xi32>
      %swap3A_397 = vector.shape_cast %shift_right_arithmetic3A_393 : vector<16xi32> to vector<16xi32>
      tpu.vector_store %arg10[%swap3A_394], %swap3A_397 {strides = array<i32>} : memref<128xi32, #tpu.memory_space<vmem>>, vector<16xi32>,
      %mul3A_398 = arith.constant 64 : i32
      %mul3A_399 = arith.muli %select_n3A_353, %mul3A_398 : i32
      %add3A_400 = arith.constant 32 : i32
      %add3A_401 = arith.addi %mul3A_399, %add3A_400 : i32
      %get3A_402 = arith.index_cast %select_n3A_335 : i32 to index
      %get3A_403 = arith.index_cast %add3A_401 : i32 to index
      %get3A_404 = tpu.vector_load %arg8[%get3A_402, %get3A_403] {strides = array<i32>} : memref<72x128xi32, #tpu.memory_space<vmem>>, vector<1x16xi32>,
      %get3A_405 = vector.shape_cast %get3A_404 : vector<1x16xi32> to vector<16xi32>
      %and3A_406 = arith.constant 65535 : i32
      %and3A_407 = vector.broadcast %and3A_406 : i32 to vector<16xi32>
      %and3A_408 = arith.andi %get3A_405, %and3A_407 : vector<16xi32>
      %swap3A_409 = arith.constant 64 : index
      %swap3A_410 = tpu.vector_load %arg10[%swap3A_409] {strides = array<i32>} : memref<128xi32, #tpu.memory_space<vmem>>, vector<16xi32>,
      %swap3A_411 = vector.shape_cast %swap3A_410 : vector<16xi32> to vector<16xi32>
      %swap3A_412 = vector.shape_cast %and3A_408 : vector<16xi32> to vector<16xi32>
      tpu.vector_store %arg10[%swap3A_409], %swap3A_412 {strides = array<i32>} : memref<128xi32, #tpu.memory_space<vmem>>, vector<16xi32>,
      %shift_right_arithmetic3A_413 = arith.constant 16 : i32
      %shift_right_arithmetic3A_414 = vector.broadcast %shift_right_arithmetic3A_413 : i32 to vector<16xi32>
      %shift_right_arithmetic3A_415 = arith.shrsi %get3A_405, %shift_right_arithmetic3A_414 : vector<16xi32>
      %swap3A_416 = arith.constant 80 : index
      %swap3A_417 = tpu.vector_load %arg10[%swap3A_416] {strides = array<i32>} : memref<128xi32, #tpu.memory_space<vmem>>, vector<16xi32>,
      %swap3A_418 = vector.shape_cast %swap3A_417 : vector<16xi32> to vector<16xi32>
      %swap3A_419 = vector.shape_cast %shift_right_arithmetic3A_415 : vector<16xi32> to vector<16xi32>
      tpu.vector_store %arg10[%swap3A_416], %swap3A_419 {strides = array<i32>} : memref<128xi32, #tpu.memory_space<vmem>>, vector<16xi32>,
      %mul3A_420 = arith.constant 64 : i32
      %mul3A_421 = arith.muli %select_n3A_353, %mul3A_420 : i32
      %add3A_422 = arith.constant 48 : i32
      %add3A_423 = arith.addi %mul3A_421, %add3A_422 : i32
      %get3A_424 = arith.index_cast %select_n3A_335 : i32 to index
      %get3A_425 = arith.index_cast %add3A_423 : i32 to index
      %get3A_426 = tpu.vector_load %arg8[%get3A_424, %get3A_425] {strides = array<i32>} : memref<72x128xi32, #tpu.memory_space<vmem>>, vector<1x16xi32>,
      %get3A_427 = vector.shape_cast %get3A_426 : vector<1x16xi32> to vector<16xi32>
      %and3A_428 = arith.constant 65535 : i32
      %and3A_429 = vector.broadcast %and3A_428 : i32 to vector<16xi32>
      %and3A_430 = arith.andi %get3A_427, %and3A_429 : vector<16xi32>
      %swap3A_431 = arith.constant 96 : index
      %swap3A_432 = tpu.vector_load %arg10[%swap3A_431] {strides = array<i32>} : memref<128xi32, #tpu.memory_space<vmem>>, vector<16xi32>,
      %swap3A_433 = vector.shape_cast %swap3A_432 : vector<16xi32> to vector<16xi32>
      %swap3A_434 = vector.shape_cast %and3A_430 : vector<16xi32> to vector<16xi32>
      tpu.vector_store %arg10[%swap3A_431], %swap3A_434 {strides = array<i32>} : memref<128xi32, #tpu.memory_space<vmem>>, vector<16xi32>,
      %shift_right_arithmetic3A_435 = arith.constant 16 : i32
      %shift_right_arithmetic3A_436 = vector.broadcast %shift_right_arithmetic3A_435 : i32 to vector<16xi32>
      %shift_right_arithmetic3A_437 = arith.shrsi %get3A_427, %shift_right_arithmetic3A_436 : vector<16xi32>
      %swap3A_438 = arith.constant 112 : index
      %swap3A_439 = tpu.vector_load %arg10[%swap3A_438] {strides = array<i32>} : memref<128xi32, #tpu.memory_space<vmem>>, vector<16xi32>,
      %swap3A_440 = vector.shape_cast %swap3A_439 : vector<16xi32> to vector<16xi32>
      %swap3A_441 = vector.shape_cast %shift_right_arithmetic3A_437 : vector<16xi32> to vector<16xi32>
      tpu.vector_store %arg10[%swap3A_438], %swap3A_441 {strides = array<i32>} : memref<128xi32, #tpu.memory_space<vmem>>, vector<16xi32>,
    }
    %while3A_163 = arith.constant 1 : i32
    scf.for %while3A_173 = %while3A_161 to %while3A_157 step %while3A_163  : i32 {
      %add3A_174 = arith.constant 1 : i32
      %add3A_175 = arith.addi %while3A_173, %add3A_174 : i32
      %mul3A_176 = arith.constant 1 : i32
      %mul3A_177 = arith.muli %add3A_175, %mul3A_176 : i32
      %dma_start3A_178 = arith.constant 0 : i32
      %dma_start3A_179 = arith.constant 0 : i32
      %dma_start3A_180 = tpu.memref_slice %arg2[%dma_start3A_178, %dma_start3A_179] : memref<10000x128xf32, #tpu.memory_space<hbm>> -> memref<10000x128xf32, #tpu.memory_space<hbm>>
      tpu.enqueue_indirect_dma source(%dma_start3A_180 : memref<10000x128xf32, #tpu.memory_space<hbm>>) target(%arg11 : memref<128x128xf32, #tpu.memory_space<vmem>>) offsets(%arg9 : memref<128xi32, #tpu.memory_space<vmem>>) semaphore(%arg13 : memref<!tpu.dma_semaphore, #tpu.memory_space<semaphore_mem>>)
      %dma_wait3A_181 = arith.constant 0 : i32
      %dma_wait3A_182 = arith.constant 0 : i32
      %dma_wait3A_183 = tpu.memref_slice %arg2[%dma_wait3A_181, %dma_wait3A_182] : memref<10000x128xf32, #tpu.memory_space<hbm>> -> memref<10000x128xf32, #tpu.memory_space<hbm>>
      tpu.wait_indirect_dma semaphore(%arg13 : memref<!tpu.dma_semaphore, #tpu.memory_space<semaphore_mem>>) src(%dma_wait3A_183 : memref<10000x128xf32, #tpu.memory_space<hbm>>) dst(%arg11 : memref<128x128xf32, #tpu.memory_space<vmem>>)
      %add3A_184 = arith.constant 0 : i32
      %add3A_185 = arith.addi %mul3A_177, %add3A_184 : i32
      %jit3A = arith.constant 2 : i32
      %div3A = arith.divsi %add3A_185, %jit3A : i32
      %sign3A = arith.constant 0 : i32
      %sign3A_186 = arith.cmpi sgt, %add3A_185, %sign3A : i32
      %sign3A_187 = arith.extui %sign3A_186 : i1 to i32
      %sign3A_188 = arith.constant 0 : i32
      %sign3A_189 = arith.cmpi slt, %add3A_185, %sign3A_188 : i32
      %sign3A_190 = arith.extui %sign3A_189 : i1 to i32
      %sign3A_191 = arith.subi %sign3A_187, %sign3A_190 : i32
      %sign3A_192 = arith.constant 0 : i32
      %sign3A_193 = arith.cmpi sgt, %jit3A, %sign3A_192 : i32
      %sign3A_194 = arith.extui %sign3A_193 : i1 to i32
      %sign3A_195 = arith.constant 0 : i32
      %sign3A_196 = arith.cmpi slt, %jit3A, %sign3A_195 : i32
      %sign3A_197 = arith.extui %sign3A_196 : i1 to i32
      %sign3A_198 = arith.subi %sign3A_194, %sign3A_197 : i32
      %ne3A = arith.cmpi ne, %sign3A_191, %sign3A_198 : i32
      %rem3A = arith.remsi %add3A_185, %jit3A : i32
      %ne3A_199 = arith.constant 0 : i32
      %ne3A_200 = arith.cmpi ne, %rem3A, %ne3A_199 : i32
      %and3A_201 = arith.andi %ne3A, %ne3A_200 : i1
      %sub3A_202 = arith.constant 1 : i32
      %sub3A_203 = arith.subi %div3A, %sub3A_202 : i32
      %select_n3A_204 = arith.select %and3A_201, %sub3A_203, %div3A : i32
      %add3A_205 = arith.constant 0 : i32
      %add3A_206 = arith.addi %mul3A_177, %add3A_205 : i32
      %jit3A_207 = arith.constant 2 : i32
      %eq3A_208 = arith.constant 0 : i32
      %eq3A_209 = arith.cmpi eq, %jit3A_207, %eq3A_208 : i32
      %jit3A_210 = arith.constant 1 : i32
      %select_n3A_211 = arith.select %eq3A_209, %jit3A_210, %jit3A_207 : i32
      %rem3A_212 = arith.remsi %add3A_206, %select_n3A_211 : i32
      %ne3A_213 = arith.constant 0 : i32
      %ne3A_214 = arith.cmpi ne, %rem3A_212, %ne3A_213 : i32
      %lt3A = arith.constant 0 : i32
      %lt3A_215 = arith.cmpi slt, %rem3A_212, %lt3A : i32
      %lt3A_216 = arith.constant 0 : i32
      %lt3A_217 = arith.cmpi slt, %select_n3A_211, %lt3A_216 : i32
      %ne3A_218 = arith.xori %lt3A_215, %lt3A_217 : i1
      %and3A_219 = arith.andi %ne3A_218, %ne3A_214 : i1
      %add3A_220 = arith.addi %rem3A_212, %select_n3A_211 : i32
      %select_n3A_221 = arith.select %and3A_219, %add3A_220, %rem3A_212 : i32
      %mul3A_222 = arith.constant 64 : i32
      %mul3A_223 = arith.muli %select_n3A_221, %mul3A_222 : i32
      %add3A_224 = arith.constant 0 : i32
      %add3A_225 = arith.addi %mul3A_223, %add3A_224 : i32
      %get3A_226 = arith.index_cast %select_n3A_204 : i32 to index
      %get3A_227 = arith.index_cast %add3A_225 : i32 to index
      %get3A_228 = tpu.vector_load %arg7[%get3A_226, %get3A_227] {strides = array<i32>} : memref<72x128xi32, #tpu.memory_space<vmem>>, vector<1x16xi32>,
      %get3A_229 = vector.shape_cast %get3A_228 : vector<1x16xi32> to vector<16xi32>
      %and3A_230 = arith.constant 65535 : i32
      %and3A_231 = vector.broadcast %and3A_230 : i32 to vector<16xi32>
      %and3A_232 = arith.andi %get3A_229, %and3A_231 : vector<16xi32>
      %swap3A_233 = arith.constant 0 : index
      %swap3A_234 = tpu.vector_load %arg9[%swap3A_233] {strides = array<i32>} : memref<128xi32, #tpu.memory_space<vmem>>, vector<16xi32>,
      %swap3A_235 = vector.shape_cast %swap3A_234 : vector<16xi32> to vector<16xi32>
      %swap3A_236 = vector.shape_cast %and3A_232 : vector<16xi32> to vector<16xi32>
      tpu.vector_store %arg9[%swap3A_233], %swap3A_236 {strides = array<i32>} : memref<128xi32, #tpu.memory_space<vmem>>, vector<16xi32>,
      %shift_right_arithmetic3A_237 = arith.constant 16 : i32
      %shift_right_arithmetic3A_238 = vector.broadcast %shift_right_arithmetic3A_237 : i32 to vector<16xi32>
      %shift_right_arithmetic3A_239 = arith.shrsi %get3A_229, %shift_right_arithmetic3A_238 : vector<16xi32>
      %swap3A_240 = arith.constant 16 : index
      %swap3A_241 = tpu.vector_load %arg9[%swap3A_240] {strides = array<i32>} : memref<128xi32, #tpu.memory_space<vmem>>, vector<16xi32>,
      %swap3A_242 = vector.shape_cast %swap3A_241 : vector<16xi32> to vector<16xi32>
      %swap3A_243 = vector.shape_cast %shift_right_arithmetic3A_239 : vector<16xi32> to vector<16xi32>
      tpu.vector_store %arg9[%swap3A_240], %swap3A_243 {strides = array<i32>} : memref<128xi32, #tpu.memory_space<vmem>>, vector<16xi32>,
      %mul3A_244 = arith.constant 64 : i32
      %mul3A_245 = arith.muli %select_n3A_221, %mul3A_244 : i32
      %add3A_246 = arith.constant 16 : i32
      %add3A_247 = arith.addi %mul3A_245, %add3A_246 : i32
      %get3A_248 = arith.index_cast %select_n3A_204 : i32 to index
      %get3A_249 = arith.index_cast %add3A_247 : i32 to index
      %get3A_250 = tpu.vector_load %arg7[%get3A_248, %get3A_249] {strides = array<i32>} : memref<72x128xi32, #tpu.memory_space<vmem>>, vector<1x16xi32>,
      %get3A_251 = vector.shape_cast %get3A_250 : vector<1x16xi32> to vector<16xi32>
      %and3A_252 = arith.constant 65535 : i32
      %and3A_253 = vector.broadcast %and3A_252 : i32 to vector<16xi32>
      %and3A_254 = arith.andi %get3A_251, %and3A_253 : vector<16xi32>
      %swap3A_255 = arith.constant 32 : index
      %swap3A_256 = tpu.vector_load %arg9[%swap3A_255] {strides = array<i32>} : memref<128xi32, #tpu.memory_space<vmem>>, vector<16xi32>,
      %swap3A_257 = vector.shape_cast %swap3A_256 : vector<16xi32> to vector<16xi32>
      %swap3A_258 = vector.shape_cast %and3A_254 : vector<16xi32> to vector<16xi32>
      tpu.vector_store %arg9[%swap3A_255], %swap3A_258 {strides = array<i32>} : memref<128xi32, #tpu.memory_space<vmem>>, vector<16xi32>,
      %shift_right_arithmetic3A_259 = arith.constant 16 : i32
      %shift_right_arithmetic3A_260 = vector.broadcast %shift_right_arithmetic3A_259 : i32 to vector<16xi32>
      %shift_right_arithmetic3A_261 = arith.shrsi %get3A_251, %shift_right_arithmetic3A_260 : vector<16xi32>
      %swap3A_262 = arith.constant 48 : index
      %swap3A_263 = tpu.vector_load %arg9[%swap3A_262] {strides = array<i32>} : memref<128xi32, #tpu.memory_space<vmem>>, vector<16xi32>,
      %swap3A_264 = vector.shape_cast %swap3A_263 : vector<16xi32> to vector<16xi32>
      %swap3A_265 = vector.shape_cast %shift_right_arithmetic3A_261 : vector<16xi32> to vector<16xi32>
      tpu.vector_store %arg9[%swap3A_262], %swap3A_265 {strides = array<i32>} : memref<128xi32, #tpu.memory_space<vmem>>, vector<16xi32>,
      %mul3A_266 = arith.constant 64 : i32
      %mul3A_267 = arith.muli %select_n3A_221, %mul3A_266 : i32
      %add3A_268 = arith.constant 32 : i32
      %add3A_269 = arith.addi %mul3A_267, %add3A_268 : i32
      %get3A_270 = arith.index_cast %select_n3A_204 : i32 to index
      %get3A_271 = arith.index_cast %add3A_269 : i32 to index
      %get3A_272 = tpu.vector_load %arg7[%get3A_270, %get3A_271] {strides = array<i32>} : memref<72x128xi32, #tpu.memory_space<vmem>>, vector<1x16xi32>,
      %get3A_273 = vector.shape_cast %get3A_272 : vector<1x16xi32> to vector<16xi32>
      %and3A_274 = arith.constant 65535 : i32
      %and3A_275 = vector.broadcast %and3A_274 : i32 to vector<16xi32>
      %and3A_276 = arith.andi %get3A_273, %and3A_275 : vector<16xi32>
      %swap3A_277 = arith.constant 64 : index
      %swap3A_278 = tpu.vector_load %arg9[%swap3A_277] {strides = array<i32>} : memref<128xi32, #tpu.memory_space<vmem>>, vector<16xi32>,
      %swap3A_279 = vector.shape_cast %swap3A_278 : vector<16xi32> to vector<16xi32>
      %swap3A_280 = vector.shape_cast %and3A_276 : vector<16xi32> to vector<16xi32>
      tpu.vector_store %arg9[%swap3A_277], %swap3A_280 {strides = array<i32>} : memref<128xi32, #tpu.memory_space<vmem>>, vector<16xi32>,
      %shift_right_arithmetic3A_281 = arith.constant 16 : i32
      %shift_right_arithmetic3A_282 = vector.broadcast %shift_right_arithmetic3A_281 : i32 to vector<16xi32>
      %shift_right_arithmetic3A_283 = arith.shrsi %get3A_273, %shift_right_arithmetic3A_282 : vector<16xi32>
      %swap3A_284 = arith.constant 80 : index
      %swap3A_285 = tpu.vector_load %arg9[%swap3A_284] {strides = array<i32>} : memref<128xi32, #tpu.memory_space<vmem>>, vector<16xi32>,
      %swap3A_286 = vector.shape_cast %swap3A_285 : vector<16xi32> to vector<16xi32>
      %swap3A_287 = vector.shape_cast %shift_right_arithmetic3A_283 : vector<16xi32> to vector<16xi32>
      tpu.vector_store %arg9[%swap3A_284], %swap3A_287 {strides = array<i32>} : memref<128xi32, #tpu.memory_space<vmem>>, vector<16xi32>,
      %mul3A_288 = arith.constant 64 : i32
      %mul3A_289 = arith.muli %select_n3A_221, %mul3A_288 : i32
      %add3A_290 = arith.constant 48 : i32
      %add3A_291 = arith.addi %mul3A_289, %add3A_290 : i32
      %get3A_292 = arith.index_cast %select_n3A_204 : i32 to index
      %get3A_293 = arith.index_cast %add3A_291 : i32 to index
      %get3A_294 = tpu.vector_load %arg7[%get3A_292, %get3A_293] {strides = array<i32>} : memref<72x128xi32, #tpu.memory_space<vmem>>, vector<1x16xi32>,
      %get3A_295 = vector.shape_cast %get3A_294 : vector<1x16xi32> to vector<16xi32>
      %and3A_296 = arith.constant 65535 : i32
      %and3A_297 = vector.broadcast %and3A_296 : i32 to vector<16xi32>
      %and3A_298 = arith.andi %get3A_295, %and3A_297 : vector<16xi32>
      %swap3A_299 = arith.constant 96 : index
      %swap3A_300 = tpu.vector_load %arg9[%swap3A_299] {strides = array<i32>} : memref<128xi32, #tpu.memory_space<vmem>>, vector<16xi32>,
      %swap3A_301 = vector.shape_cast %swap3A_300 : vector<16xi32> to vector<16xi32>
      %swap3A_302 = vector.shape_cast %and3A_298 : vector<16xi32> to vector<16xi32>
      tpu.vector_store %arg9[%swap3A_299], %swap3A_302 {strides = array<i32>} : memref<128xi32, #tpu.memory_space<vmem>>, vector<16xi32>,
      %shift_right_arithmetic3A_303 = arith.constant 16 : i32
      %shift_right_arithmetic3A_304 = vector.broadcast %shift_right_arithmetic3A_303 : i32 to vector<16xi32>
      %shift_right_arithmetic3A_305 = arith.shrsi %get3A_295, %shift_right_arithmetic3A_304 : vector<16xi32>
      %swap3A_306 = arith.constant 112 : index
      %swap3A_307 = tpu.vector_load %arg9[%swap3A_306] {strides = array<i32>} : memref<128xi32, #tpu.memory_space<vmem>>, vector<16xi32>,
      %swap3A_308 = vector.shape_cast %swap3A_307 : vector<16xi32> to vector<16xi32>
      %swap3A_309 = vector.shape_cast %shift_right_arithmetic3A_305 : vector<16xi32> to vector<16xi32>
      tpu.vector_store %arg9[%swap3A_306], %swap3A_309 {strides = array<i32>} : memref<128xi32, #tpu.memory_space<vmem>>, vector<16xi32>,
      "tpu.region"() ({
        %run_scoped3A = tpu.sem_alloc : memref<!tpu.dma_semaphore, #tpu.memory_space<semaphore_mem>>
        %dma_start3A_442 = arith.constant 0 : i32
        %dma_start3A_443 = arith.constant 0 : i32
        %dma_start3A_444 = tpu.memref_slice %arg12[%dma_start3A_442, %dma_start3A_443] : memref<10112x128xf32, #tpu.memory_space<vmem_shared>> -> memref<10112x128xf32, #tpu.memory_space<vmem_shared>>
        tpu.enqueue_indirect_dma source(%arg11 : memref<128x128xf32, #tpu.memory_space<vmem>>) target(%dma_start3A_444 : memref<10112x128xf32, #tpu.memory_space<vmem_shared>>) offsets(%arg10 : memref<128xi32, #tpu.memory_space<vmem>>) semaphore(%run_scoped3A : memref<!tpu.dma_semaphore, #tpu.memory_space<semaphore_mem>>) {add = true}
        %dma_wait3A_445 = arith.constant 0 : i32
        %dma_wait3A_446 = arith.constant 0 : i32
        %dma_wait3A_447 = tpu.memref_slice %arg12[%dma_wait3A_445, %dma_wait3A_446] : memref<10112x128xf32, #tpu.memory_space<vmem_shared>> -> memref<10112x128xf32, #tpu.memory_space<vmem_shared>>
        tpu.wait_indirect_dma semaphore(%run_scoped3A : memref<!tpu.dma_semaphore, #tpu.memory_space<semaphore_mem>>) src(%arg11 : memref<128x128xf32, #tpu.memory_space<vmem>>) dst(%dma_wait3A_447 : memref<10112x128xf32, #tpu.memory_space<vmem_shared>>)
        tpu.yield
      }) : () -> ()
      %add3A_310 = arith.constant 0 : i32
      %add3A_311 = arith.addi %mul3A_177, %add3A_310 : i32
      %jit3A_312 = arith.constant 2 : i32
      %div3A_313 = arith.divsi %add3A_311, %jit3A_312 : i32
      %sign3A_314 = arith.constant 0 : i32
      %sign3A_315 = arith.cmpi sgt, %add3A_311, %sign3A_314 : i32
      %sign3A_316 = arith.extui %sign3A_315 : i1 to i32
      %sign3A_317 = arith.constant 0 : i32
      %sign3A_318 = arith.cmpi slt, %add3A_311, %sign3A_317 : i32
      %sign3A_319 = arith.extui %sign3A_318 : i1 to i32
      %sign3A_320 = arith.subi %sign3A_316, %sign3A_319 : i32
      %sign3A_321 = arith.constant 0 : i32
      %sign3A_322 = arith.cmpi sgt, %jit3A_312, %sign3A_321 : i32
      %sign3A_323 = arith.extui %sign3A_322 : i1 to i32
      %sign3A_324 = arith.constant 0 : i32
      %sign3A_325 = arith.cmpi slt, %jit3A_312, %sign3A_324 : i32
      %sign3A_326 = arith.extui %sign3A_325 : i1 to i32
      %sign3A_327 = arith.subi %sign3A_323, %sign3A_326 : i32
      %ne3A_328 = arith.cmpi ne, %sign3A_320, %sign3A_327 : i32
      %rem3A_329 = arith.remsi %add3A_311, %jit3A_312 : i32
      %ne3A_330 = arith.constant 0 : i32
      %ne3A_331 = arith.cmpi ne, %rem3A_329, %ne3A_330 : i32
      %and3A_332 = arith.andi %ne3A_328, %ne3A_331 : i1
      %sub3A_333 = arith.constant 1 : i32
      %sub3A_334 = arith.subi %div3A_313, %sub3A_333 : i32
      %select_n3A_335 = arith.select %and3A_332, %sub3A_334, %div3A_313 : i32
      %add3A_336 = arith.constant 0 : i32
      %add3A_337 = arith.addi %mul3A_177, %add3A_336 : i32
      %jit3A_338 = arith.constant 2 : i32
      %eq3A_339 = arith.constant 0 : i32
      %eq3A_340 = arith.cmpi eq, %jit3A_338, %eq3A_339 : i32
      %jit3A_341 = arith.constant 1 : i32
      %select_n3A_342 = arith.select %eq3A_340, %jit3A_341, %jit3A_338 : i32
      %rem3A_343 = arith.remsi %add3A_337, %select_n3A_342 : i32
      %ne3A_344 = arith.constant 0 : i32
      %ne3A_345 = arith.cmpi ne, %rem3A_343, %ne3A_344 : i32
      %lt3A_346 = arith.constant 0 : i32
      %lt3A_347 = arith.cmpi slt, %rem3A_343, %lt3A_346 : i32
      %lt3A_348 = arith.constant 0 : i32
      %lt3A_349 = arith.cmpi slt, %select_n3A_342, %lt3A_348 : i32
      %ne3A_350 = arith.xori %lt3A_347, %lt3A_349 : i1
      %and3A_351 = arith.andi %ne3A_350, %ne3A_345 : i1
      %add3A_352 = arith.addi %rem3A_343, %select_n3A_342 : i32
      %select_n3A_353 = arith.select %and3A_351, %add3A_352, %rem3A_343 : i32
      %mul3A_354 = arith.constant 64 : i32
      %mul3A_355 = arith.muli %select_n3A_353, %mul3A_354 : i32
      %add3A_356 = arith.constant 0 : i32
      %add3A_357 = arith.addi %mul3A_355, %add3A_356 : i32
      %get3A_358 = arith.index_cast %select_n3A_335 : i32 to index
      %get3A_359 = arith.index_cast %add3A_357 : i32 to index
      %get3A_360 = tpu.vector_load %arg8[%get3A_358, %get3A_359] {strides = array<i32>} : memref<72x128xi32, #tpu.memory_space<vmem>>, vector<1x16xi32>,
      %get3A_361 = vector.shape_cast %get3A_360 : vector<1x16xi32> to vector<16xi32>
      %and3A_362 = arith.constant 65535 : i32
      %and3A_363 = vector.broadcast %and3A_362 : i32 to vector<16xi32>
      %and3A_364 = arith.andi %get3A_361, %and3A_363 : vector<16xi32>
      %swap3A_365 = arith.constant 0 : index
      %swap3A_366 = tpu.vector_load %arg10[%swap3A_365] {strides = array<i32>} : memref<128xi32, #tpu.memory_space<vmem>>, vector<16xi32>,
      %swap3A_367 = vector.shape_cast %swap3A_366 : vector<16xi32> to vector<16xi32>
      %swap3A_368 = vector.shape_cast %and3A_364 : vector<16xi32> to vector<16xi32>
      tpu.vector_store %arg10[%swap3A_365], %swap3A_368 {strides = array<i32>} : memref<128xi32, #tpu.memory_space<vmem>>, vector<16xi32>,
      %shift_right_arithmetic3A_369 = arith.constant 16 : i32
      %shift_right_arithmetic3A_370 = vector.broadcast %shift_right_arithmetic3A_369 : i32 to vector<16xi32>
      %shift_right_arithmetic3A_371 = arith.shrsi %get3A_361, %shift_right_arithmetic3A_370 : vector<16xi32>
      %swap3A_372 = arith.constant 16 : index
      %swap3A_373 = tpu.vector_load %arg10[%swap3A_372] {strides = array<i32>} : memref<128xi32, #tpu.memory_space<vmem>>, vector<16xi32>,
      %swap3A_374 = vector.shape_cast %swap3A_373 : vector<16xi32> to vector<16xi32>
      %swap3A_375 = vector.shape_cast %shift_right_arithmetic3A_371 : vector<16xi32> to vector<16xi32>
      tpu.vector_store %arg10[%swap3A_372], %swap3A_375 {strides = array<i32>} : memref<128xi32, #tpu.memory_space<vmem>>, vector<16xi32>,
      %mul3A_376 = arith.constant 64 : i32
      %mul3A_377 = arith.muli %select_n3A_353, %mul3A_376 : i32
      %add3A_378 = arith.constant 16 : i32
      %add3A_379 = arith.addi %mul3A_377, %add3A_378 : i32
      %get3A_380 = arith.index_cast %select_n3A_335 : i32 to index
      %get3A_381 = arith.index_cast %add3A_379 : i32 to index
      %get3A_382 = tpu.vector_load %arg8[%get3A_380, %get3A_381] {strides = array<i32>} : memref<72x128xi32, #tpu.memory_space<vmem>>, vector<1x16xi32>,
      %get3A_383 = vector.shape_cast %get3A_382 : vector<1x16xi32> to vector<16xi32>
      %and3A_384 = arith.constant 65535 : i32
      %and3A_385 = vector.broadcast %and3A_384 : i32 to vector<16xi32>
      %and3A_386 = arith.andi %get3A_383, %and3A_385 : vector<16xi32>
      %swap3A_387 = arith.constant 32 : index
      %swap3A_388 = tpu.vector_load %arg10[%swap3A_387] {strides = array<i32>} : memref<128xi32, #tpu.memory_space<vmem>>, vector<16xi32>,
      %swap3A_389 = vector.shape_cast %swap3A_388 : vector<16xi32> to vector<16xi32>
      %swap3A_390 = vector.shape_cast %and3A_386 : vector<16xi32> to vector<16xi32>
      tpu.vector_store %arg10[%swap3A_387], %swap3A_390 {strides = array<i32>} : memref<128xi32, #tpu.memory_space<vmem>>, vector<16xi32>,
      %shift_right_arithmetic3A_391 = arith.constant 16 : i32
      %shift_right_arithmetic3A_392 = vector.broadcast %shift_right_arithmetic3A_391 : i32 to vector<16xi32>
      %shift_right_arithmetic3A_393 = arith.shrsi %get3A_383, %shift_right_arithmetic3A_392 : vector<16xi32>
      %swap3A_394 = arith.constant 48 : index
      %swap3A_395 = tpu.vector_load %arg10[%swap3A_394] {strides = array<i32>} : memref<128xi32, #tpu.memory_space<vmem>>, vector<16xi32>,
      %swap3A_396 = vector.shape_cast %swap3A_395 : vector<16xi32> to vector<16xi32>
      %swap3A_397 = vector.shape_cast %shift_right_arithmetic3A_393 : vector<16xi32> to vector<16xi32>
      tpu.vector_store %arg10[%swap3A_394], %swap3A_397 {strides = array<i32>} : memref<128xi32, #tpu.memory_space<vmem>>, vector<16xi32>,
      %mul3A_398 = arith.constant 64 : i32
      %mul3A_399 = arith.muli %select_n3A_353, %mul3A_398 : i32
      %add3A_400 = arith.constant 32 : i32
      %add3A_401 = arith.addi %mul3A_399, %add3A_400 : i32
      %get3A_402 = arith.index_cast %select_n3A_335 : i32 to index
      %get3A_403 = arith.index_cast %add3A_401 : i32 to index
      %get3A_404 = tpu.vector_load %arg8[%get3A_402, %get3A_403] {strides = array<i32>} : memref<72x128xi32, #tpu.memory_space<vmem>>, vector<1x16xi32>,
      %get3A_405 = vector.shape_cast %get3A_404 : vector<1x16xi32> to vector<16xi32>
      %and3A_406 = arith.constant 65535 : i32
      %and3A_407 = vector.broadcast %and3A_406 : i32 to vector<16xi32>
      %and3A_408 = arith.andi %get3A_405, %and3A_407 : vector<16xi32>
      %swap3A_409 = arith.constant 64 : index
      %swap3A_410 = tpu.vector_load %arg10[%swap3A_409] {strides = array<i32>} : memref<128xi32, #tpu.memory_space<vmem>>, vector<16xi32>,
      %swap3A_411 = vector.shape_cast %swap3A_410 : vector<16xi32> to vector<16xi32>
      %swap3A_412 = vector.shape_cast %and3A_408 : vector<16xi32> to vector<16xi32>
      tpu.vector_store %arg10[%swap3A_409], %swap3A_412 {strides = array<i32>} : memref<128xi32, #tpu.memory_space<vmem>>, vector<16xi32>,
      %shift_right_arithmetic3A_413 = arith.constant 16 : i32
      %shift_right_arithmetic3A_414 = vector.broadcast %shift_right_arithmetic3A_413 : i32 to vector<16xi32>
      %shift_right_arithmetic3A_415 = arith.shrsi %get3A_405, %shift_right_arithmetic3A_414 : vector<16xi32>
      %swap3A_416 = arith.constant 80 : index
      %swap3A_417 = tpu.vector_load %arg10[%swap3A_416] {strides = array<i32>} : memref<128xi32, #tpu.memory_space<vmem>>, vector<16xi32>,
      %swap3A_418 = vector.shape_cast %swap3A_417 : vector<16xi32> to vector<16xi32>
      %swap3A_419 = vector.shape_cast %shift_right_arithmetic3A_415 : vector<16xi32> to vector<16xi32>
      tpu.vector_store %arg10[%swap3A_416], %swap3A_419 {strides = array<i32>} : memref<128xi32, #tpu.memory_space<vmem>>, vector<16xi32>,
      %mul3A_420 = arith.constant 64 : i32
      %mul3A_421 = arith.muli %select_n3A_353, %mul3A_420 : i32
      %add3A_422 = arith.constant 48 : i32
      %add3A_423 = arith.addi %mul3A_421, %add3A_422 : i32
      %get3A_424 = arith.index_cast %select_n3A_335 : i32 to index
      %get3A_425 = arith.index_cast %add3A_423 : i32 to index
      %get3A_426 = tpu.vector_load %arg8[%get3A_424, %get3A_425] {strides = array<i32>} : memref<72x128xi32, #tpu.memory_space<vmem>>, vector<1x16xi32>,
      %get3A_427 = vector.shape_cast %get3A_426 : vector<1x16xi32> to vector<16xi32>
      %and3A_428 = arith.constant 65535 : i32
      %and3A_429 = vector.broadcast %and3A_428 : i32 to vector<16xi32>
      %and3A_430 = arith.andi %get3A_427, %and3A_429 : vector<16xi32>
      %swap3A_431 = arith.constant 96 : index
      %swap3A_432 = tpu.vector_load %arg10[%swap3A_431] {strides = array<i32>} : memref<128xi32, #tpu.memory_space<vmem>>, vector<16xi32>,
      %swap3A_433 = vector.shape_cast %swap3A_432 : vector<16xi32> to vector<16xi32>
      %swap3A_434 = vector.shape_cast %and3A_430 : vector<16xi32> to vector<16xi32>
      tpu.vector_store %arg10[%swap3A_431], %swap3A_434 {strides = array<i32>} : memref<128xi32, #tpu.memory_space<vmem>>, vector<16xi32>,
      %shift_right_arithmetic3A_435 = arith.constant 16 : i32
      %shift_right_arithmetic3A_436 = vector.broadcast %shift_right_arithmetic3A_435 : i32 to vector<16xi32>
      %shift_right_arithmetic3A_437 = arith.shrsi %get3A_427, %shift_right_arithmetic3A_436 : vector<16xi32>
      %swap3A_438 = arith.constant 112 : index
      %swap3A_439 = tpu.vector_load %arg10[%swap3A_438] {strides = array<i32>} : memref<128xi32, #tpu.memory_space<vmem>>, vector<16xi32>,
      %swap3A_440 = vector.shape_cast %swap3A_439 : vector<16xi32> to vector<16xi32>
      %swap3A_441 = vector.shape_cast %shift_right_arithmetic3A_437 : vector<16xi32> to vector<16xi32>
      tpu.vector_store %arg10[%swap3A_438], %swap3A_441 {strides = array<i32>} : memref<128xi32, #tpu.memory_space<vmem>>, vector<16xi32>,
    }
    %dma_start3A = arith.constant 0 : i32
    %dma_start3A_164 = arith.constant 0 : i32
    %dma_start3A_165 = tpu.memref_slice %arg2[%dma_start3A, %dma_start3A_164] : memref<10000x128xf32, #tpu.memory_space<hbm>> -> memref<10000x128xf32, #tpu.memory_space<hbm>>
    tpu.enqueue_indirect_dma source(%dma_start3A_165 : memref<10000x128xf32, #tpu.memory_space<hbm>>) target(%arg11 : memref<128x128xf32, #tpu.memory_space<vmem>>) offsets(%arg9 : memref<128xi32, #tpu.memory_space<vmem>>) semaphore(%arg13 : memref<!tpu.dma_semaphore, #tpu.memory_space<semaphore_mem>>)
    %dma_wait3A = arith.constant 0 : i32
    %dma_wait3A_166 = arith.constant 0 : i32
    %dma_wait3A_167 = tpu.memref_slice %arg2[%dma_wait3A, %dma_wait3A_166] : memref<10000x128xf32, #tpu.memory_space<hbm>> -> memref<10000x128xf32, #tpu.memory_space<hbm>>
    tpu.wait_indirect_dma semaphore(%arg13 : memref<!tpu.dma_semaphore, #tpu.memory_space<semaphore_mem>>) src(%dma_wait3A_167 : memref<10000x128xf32, #tpu.memory_space<hbm>>) dst(%arg11 : memref<128x128xf32, #tpu.memory_space<vmem>>)
    "tpu.region"() ({
      %run_scoped3A = tpu.sem_alloc : memref<!tpu.dma_semaphore, #tpu.memory_space<semaphore_mem>>
      %dma_start3A_173 = arith.constant 0 : i32
      %dma_start3A_174 = arith.constant 0 : i32
      %dma_start3A_175 = tpu.memref_slice %arg12[%dma_start3A_173, %dma_start3A_174] : memref<10112x128xf32, #tpu.memory_space<vmem_shared>> -> memref<10112x128xf32, #tpu.memory_space<vmem_shared>>
      tpu.enqueue_indirect_dma source(%arg11 : memref<128x128xf32, #tpu.memory_space<vmem>>) target(%dma_start3A_175 : memref<10112x128xf32, #tpu.memory_space<vmem_shared>>) offsets(%arg10 : memref<128xi32, #tpu.memory_space<vmem>>) semaphore(%run_scoped3A : memref<!tpu.dma_semaphore, #tpu.memory_space<semaphore_mem>>) {add = true}
      %dma_wait3A_176 = arith.constant 0 : i32
      %dma_wait3A_177 = arith.constant 0 : i32
      %dma_wait3A_178 = tpu.memref_slice %arg12[%dma_wait3A_176, %dma_wait3A_177] : memref<10112x128xf32, #tpu.memory_space<vmem_shared>> -> memref<10112x128xf32, #tpu.memory_space<vmem_shared>>
      tpu.wait_indirect_dma semaphore(%run_scoped3A : memref<!tpu.dma_semaphore, #tpu.memory_space<semaphore_mem>>) src(%arg11 : memref<128x128xf32, #tpu.memory_space<vmem>>) dst(%dma_wait3A_178 : memref<10112x128xf32, #tpu.memory_space<vmem_shared>>)
      tpu.yield
    }) : () -> ()
    %barrier3A_168 = arith.constant 0 : index
    tpu.barrier barrier_id(%barrier3A_168)
    %mul3A_169 = arith.constant 632 : i32
    %mul3A_170 = arith.muli %arg1, %mul3A_169 : i32
    %mul3A_171 = arith.constant 632 : i32
    %mul3A_172 = arith.muli %arg1, %mul3A_171 : i32
    "tpu.region"() ({
      %run_scoped3A = tpu.sem_alloc : memref<!tpu.dma_semaphore, #tpu.memory_space<semaphore_mem>>
      %dma_start3A_173 = arith.constant 0 : i32
      %dma_start3A_174 = tpu.memref_slice %arg6[%arg0, %mul3A_172, %dma_start3A_173] : memref<2x10112x128xf32, #tpu.memory_space<hbm>> -> memref<1x632x128xf32, #tpu.memory_space<hbm>>
      %dma_start3A_175 = tpu.memref_squeeze %dma_start3A_174 : memref<1x632x128xf32, #tpu.memory_space<hbm>> -> memref<632x128xf32, #tpu.memory_space<hbm>>
      %dma_start3A_176 = arith.constant 0 : i32
      %dma_start3A_177 = tpu.memref_slice %arg12[%mul3A_170, %dma_start3A_176] : memref<10112x128xf32, #tpu.memory_space<vmem_shared>> -> memref<632x128xf32, #tpu.memory_space<vmem_shared>>
      tpu.enqueue_dma source(%dma_start3A_177 : memref<632x128xf32, #tpu.memory_space<vmem_shared>>) target(%dma_start3A_175 : memref<632x128xf32, #tpu.memory_space<hbm>>) target_semaphore(%run_scoped3A : memref<!tpu.dma_semaphore, #tpu.memory_space<semaphore_mem>>)
      %dma_wait3A_178 = arith.constant 0 : i32
      %dma_wait3A_179 = tpu.memref_slice %arg6[%arg0, %mul3A_172, %dma_wait3A_178] : memref<2x10112x128xf32, #tpu.memory_space<hbm>> -> memref<1x632x128xf32, #tpu.memory_space<hbm>>
      %dma_wait3A_180 = tpu.memref_squeeze %dma_wait3A_179 : memref<1x632x128xf32, #tpu.memory_space<hbm>> -> memref<632x128xf32, #tpu.memory_space<hbm>>
      %dma_wait3A_181 = arith.constant 0 : i32
      %dma_wait3A_182 = tpu.memref_slice %arg12[%mul3A_170, %dma_wait3A_181] : memref<10112x128xf32, #tpu.memory_space<vmem_shared>> -> memref<632x128xf32, #tpu.memory_space<vmem_shared>>
      tpu.wait_dma2 semaphore(%run_scoped3A : memref<!tpu.dma_semaphore, #tpu.memory_space<semaphore_mem>>) src(%dma_wait3A_182 : memref<632x128xf32, #tpu.memory_space<vmem_shared>>) dst(%dma_wait3A_180 : memref<632x128xf32, #tpu.memory_space<hbm>>)
      tpu.yield
    }) : () -> ()
    return
  }
}

#map = affine_map<(d0, d1) -> (0, 0)>
#map1 = affine_map<(d0, d1) -> (0, 0, 0)>
module attributes {stable_mosaic.version = 14 : i64} {
  func.func @_seg_sum_sc(%arg0: i32, %arg1: i32, %arg2: memref<10000x128xf32, #tpu.memory_space<hbm>>, %arg3: memref<32x72x128xi32, #tpu.memory_space<hbm>>, %arg4: memref<32x72x128xi32, #tpu.memory_space<hbm>>, %arg5: memref<632x128xf32, #tpu.memory_space<hbm>>, %arg6: memref<2x10112x128xf32, #tpu.memory_space<hbm>>, %arg7: memref<72x128xi32, #tpu.memory_space<vmem>>, %arg8: memref<72x128xi32, #tpu.memory_space<vmem>>, %arg9: memref<128xi32, #tpu.memory_space<vmem>>, %arg10: memref<128xi32, #tpu.memory_space<vmem>>, %arg11: memref<128x128xf32, #tpu.memory_space<vmem>>, %arg12: memref<10112x128xf32, #tpu.memory_space<vmem_shared>>, %arg13: memref<!tpu.dma_semaphore, #tpu.memory_space<semaphore_mem>>) attributes {dimension_semantics = [#tpu.dimension_semantics<core_parallel>, #tpu.dimension_semantics<subcore_parallel>], iteration_bounds = array<i64: 2, 16>, scalar_prefetch = 0 : i64, scratch_operands = 7 : i64, tpu.core_type = #tpu.core_type<sc_vector_subcore>, window_params = [{transform_indices = #map}, {transform_indices = #map1}, {transform_indices = #map1}, {transform_indices = #map}, {transform_indices = #map1}]} {
    %mul3A = arith.constant 16 : i32
    %mul3A_0 = arith.muli %arg0, %mul3A : i32
    %add3A = arith.addi %mul3A_0, %arg1 : i32
    "tpu.region"() ({
      %run_scoped3A = tpu.sem_alloc : memref<!tpu.dma_semaphore, #tpu.memory_space<semaphore_mem>>
      %dma_start3A_173 = arith.constant 0 : i32
      %dma_start3A_174 = arith.constant 0 : i32
      %dma_start3A_175 = tpu.memref_slice %arg3[%add3A, %dma_start3A_173, %dma_start3A_174] : memref<32x72x128xi32, #tpu.memory_space<hbm>> -> memref<1x72x128xi32, #tpu.memory_space<hbm>>
      %dma_start3A_176 = tpu.memref_squeeze %dma_start3A_175 : memref<1x72x128xi32, #tpu.memory_space<hbm>> -> memref<72x128xi32, #tpu.memory_space<hbm>>
      %dma_start3A_177 = arith.constant 0 : i32
      %dma_start3A_178 = arith.constant 0 : i32
      %dma_start3A_179 = tpu.memref_slice %arg3[%add3A, %dma_start3A_177, %dma_start3A_178] : memref<32x72x128xi32, #tpu.memory_space<hbm>> -> memref<1x72x128xi32, #tpu.memory_space<hbm>>
      %dma_start3A_180 = tpu.memref_squeeze %dma_start3A_179 : memref<1x72x128xi32, #tpu.memory_space<hbm>> -> memref<72x128xi32, #tpu.memory_space<hbm>>
      tpu.enqueue_dma source(%dma_start3A_180 : memref<72x128xi32, #tpu.memory_space<hbm>>) target(%arg7 : memref<72x128xi32, #tpu.memory_space<vmem>>) target_semaphore(%run_scoped3A : memref<!tpu.dma_semaphore, #tpu.memory_space<semaphore_mem>>)
      %dma_wait3A_181 = arith.constant 0 : i32
      %dma_wait3A_182 = arith.constant 0 : i32
      %dma_wait3A_183 = tpu.memref_slice %arg3[%add3A, %dma_wait3A_181, %dma_wait3A_182] : memref<32x72x128xi32, #tpu.memory_space<hbm>> -> memref<1x72x128xi32, #tpu.memory_space<hbm>>
      %dma_wait3A_184 = tpu.memref_squeeze %dma_wait3A_183 : memref<1x72x128xi32, #tpu.memory_space<hbm>> -> memref<72x128xi32, #tpu.memory_space<hbm>>
      %dma_wait3A_185 = arith.constant 0 : i32
      %dma_wait3A_186 = arith.constant 0 : i32
      %dma_wait3A_187 = tpu.memref_slice %arg3[%add3A, %dma_wait3A_185, %dma_wait3A_186] : memref<32x72x128xi32, #tpu.memory_space<hbm>> -> memref<1x72x128xi32, #tpu.memory_space<hbm>>
      %dma_wait3A_188 = tpu.memref_squeeze %dma_wait3A_187 : memref<1x72x128xi32, #tpu.memory_space<hbm>> -> memref<72x128xi32, #tpu.memory_space<hbm>>
      tpu.wait_dma2 semaphore(%run_scoped3A : memref<!tpu.dma_semaphore, #tpu.memory_space<semaphore_mem>>) src(%dma_wait3A_188 : memref<72x128xi32, #tpu.memory_space<hbm>>) dst(%arg7 : memref<72x128xi32, #tpu.memory_space<vmem>>)
      tpu.yield
    }) : () -> ()
    "tpu.region"() ({
      %run_scoped3A = tpu.sem_alloc : memref<!tpu.dma_semaphore, #tpu.memory_space<semaphore_mem>>
      %dma_start3A_173 = arith.constant 0 : i32
      %dma_start3A_174 = arith.constant 0 : i32
      %dma_start3A_175 = tpu.memref_slice %arg4[%add3A, %dma_start3A_173, %dma_start3A_174] : memref<32x72x128xi32, #tpu.memory_space<hbm>> -> memref<1x72x128xi32, #tpu.memory_space<hbm>>
      %dma_start3A_176 = tpu.memref_squeeze %dma_start3A_175 : memref<1x72x128xi32, #tpu.memory_space<hbm>> -> memref<72x128xi32, #tpu.memory_space<hbm>>
      %dma_start3A_177 = arith.constant 0 : i32
      %dma_start3A_178 = arith.constant 0 : i32
      %dma_start3A_179 = tpu.memref_slice %arg4[%add3A, %dma_start3A_177, %dma_start3A_178] : memref<32x72x128xi32, #tpu.memory_space<hbm>> -> memref<1x72x128xi32, #tpu.memory_space<hbm>>
      %dma_start3A_180 = tpu.memref_squeeze %dma_start3A_179 : memref<1x72x128xi32, #tpu.memory_space<hbm>> -> memref<72x128xi32, #tpu.memory_space<hbm>>
      tpu.enqueue_dma source(%dma_start3A_180 : memref<72x128xi32, #tpu.memory_space<hbm>>) target(%arg8 : memref<72x128xi32, #tpu.memory_space<vmem>>) target_semaphore(%run_scoped3A : memref<!tpu.dma_semaphore, #tpu.memory_space<semaphore_mem>>)
      %dma_wait3A_181 = arith.constant 0 : i32
      %dma_wait3A_182 = arith.constant 0 : i32
      %dma_wait3A_183 = tpu.memref_slice %arg4[%add3A, %dma_wait3A_181, %dma_wait3A_182] : memref<32x72x128xi32, #tpu.memory_space<hbm>> -> memref<1x72x128xi32, #tpu.memory_space<hbm>>
      %dma_wait3A_184 = tpu.memref_squeeze %dma_wait3A_183 : memref<1x72x128xi32, #tpu.memory_space<hbm>> -> memref<72x128xi32, #tpu.memory_space<hbm>>
      %dma_wait3A_185 = arith.constant 0 : i32
      %dma_wait3A_186 = arith.constant 0 : i32
      %dma_wait3A_187 = tpu.memref_slice %arg4[%add3A, %dma_wait3A_185, %dma_wait3A_186] : memref<32x72x128xi32, #tpu.memory_space<hbm>> -> memref<1x72x128xi32, #tpu.memory_space<hbm>>
      %dma_wait3A_188 = tpu.memref_squeeze %dma_wait3A_187 : memref<1x72x128xi32, #tpu.memory_space<hbm>> -> memref<72x128xi32, #tpu.memory_space<hbm>>
      tpu.wait_dma2 semaphore(%run_scoped3A : memref<!tpu.dma_semaphore, #tpu.memory_space<semaphore_mem>>) src(%dma_wait3A_188 : memref<72x128xi32, #tpu.memory_space<hbm>>) dst(%arg8 : memref<72x128xi32, #tpu.memory_space<vmem>>)
      tpu.yield
    }) : () -> ()
    %get3A = arith.constant 0 : i32
    %get3A_1 = arith.index_cast %get3A : i32 to index
    %get3A_2 = arith.constant 0 : index
    %get3A_3 = tpu.vector_load %arg7[%get3A_1, %get3A_2] {strides = array<i32>} : memref<72x128xi32, #tpu.memory_space<vmem>>, vector<1x16xi32>,
    %get3A_4 = vector.shape_cast %get3A_3 : vector<1x16xi32> to vector<16xi32>
    %and3A = arith.constant 65535 : i32
    %and3A_5 = vector.broadcast %and3A : i32 to vector<16xi32>
    %and3A_6 = arith.andi %get3A_4, %and3A_5 : vector<16xi32>
    %swap3A = arith.constant 0 : index
    %swap3A_7 = tpu.vector_load %arg9[%swap3A] {strides = array<i32>} : memref<128xi32, #tpu.memory_space<vmem>>, vector<16xi32>,
    %swap3A_8 = vector.shape_cast %swap3A_7 : vector<16xi32> to vector<16xi32>
    %swap3A_9 = vector.shape_cast %and3A_6 : vector<16xi32> to vector<16xi32>
    tpu.vector_store %arg9[%swap3A], %swap3A_9 {strides = array<i32>} : memref<128xi32, #tpu.memory_space<vmem>>, vector<16xi32>,
    %shift_right_arithmetic3A = arith.constant 16 : i32
    %shift_right_arithmetic3A_10 = vector.broadcast %shift_right_arithmetic3A : i32 to vector<16xi32>
    %shift_right_arithmetic3A_11 = arith.shrsi %get3A_4, %shift_right_arithmetic3A_10 : vector<16xi32>
    %swap3A_12 = arith.constant 16 : index
    %swap3A_13 = tpu.vector_load %arg9[%swap3A_12] {strides = array<i32>} : memref<128xi32, #tpu.memory_space<vmem>>, vector<16xi32>,
    %swap3A_14 = vector.shape_cast %swap3A_13 : vector<16xi32> to vector<16xi32>
    %swap3A_15 = vector.shape_cast %shift_right_arithmetic3A_11 : vector<16xi32> to vector<16xi32>
    tpu.vector_store %arg9[%swap3A_12], %swap3A_15 {strides = array<i32>} : memref<128xi32, #tpu.memory_space<vmem>>, vector<16xi32>,
    %get3A_16 = arith.constant 0 : i32
    %get3A_17 = arith.index_cast %get3A_16 : i32 to index
    %get3A_18 = arith.constant 16 : index
    %get3A_19 = tpu.vector_load %arg7[%get3A_17, %get3A_18] {strides = array<i32>} : memref<72x128xi32, #tpu.memory_space<vmem>>, vector<1x16xi32>,
    %get3A_20 = vector.shape_cast %get3A_19 : vector<1x16xi32> to vector<16xi32>
    %and3A_21 = arith.constant 65535 : i32
    %and3A_22 = vector.broadcast %and3A_21 : i32 to vector<16xi32>
    %and3A_23 = arith.andi %get3A_20, %and3A_22 : vector<16xi32>
    %swap3A_24 = arith.constant 32 : index
    %swap3A_25 = tpu.vector_load %arg9[%swap3A_24] {strides = array<i32>} : memref<128xi32, #tpu.memory_space<vmem>>, vector<16xi32>,
    %swap3A_26 = vector.shape_cast %swap3A_25 : vector<16xi32> to vector<16xi32>
    %swap3A_27 = vector.shape_cast %and3A_23 : vector<16xi32> to vector<16xi32>
    tpu.vector_store %arg9[%swap3A_24], %swap3A_27 {strides = array<i32>} : memref<128xi32, #tpu.memory_space<vmem>>, vector<16xi32>,
    %shift_right_arithmetic3A_28 = arith.constant 16 : i32
    %shift_right_arithmetic3A_29 = vector.broadcast %shift_right_arithmetic3A_28 : i32 to vector<16xi32>
    %shift_right_arithmetic3A_30 = arith.shrsi %get3A_20, %shift_right_arithmetic3A_29 : vector<16xi32>
    %swap3A_31 = arith.constant 48 : index
    %swap3A_32 = tpu.vector_load %arg9[%swap3A_31] {strides = array<i32>} : memref<128xi32, #tpu.memory_space<vmem>>, vector<16xi32>,
    %swap3A_33 = vector.shape_cast %swap3A_32 : vector<16xi32> to vector<16xi32>
    %swap3A_34 = vector.shape_cast %shift_right_arithmetic3A_30 : vector<16xi32> to vector<16xi32>
    tpu.vector_store %arg9[%swap3A_31], %swap3A_34 {strides = array<i32>} : memref<128xi32, #tpu.memory_space<vmem>>, vector<16xi32>,
    %get3A_35 = arith.constant 0 : i32
    %get3A_36 = arith.index_cast %get3A_35 : i32 to index
    %get3A_37 = arith.constant 32 : index
    %get3A_38 = tpu.vector_load %arg7[%get3A_36, %get3A_37] {strides = array<i32>} : memref<72x128xi32, #tpu.memory_space<vmem>>, vector<1x16xi32>,
    %get3A_39 = vector.shape_cast %get3A_38 : vector<1x16xi32> to vector<16xi32>
    %and3A_40 = arith.constant 65535 : i32
    %and3A_41 = vector.broadcast %and3A_40 : i32 to vector<16xi32>
    %and3A_42 = arith.andi %get3A_39, %and3A_41 : vector<16xi32>
    %swap3A_43 = arith.constant 64 : index
    %swap3A_44 = tpu.vector_load %arg9[%swap3A_43] {strides = array<i32>} : memref<128xi32, #tpu.memory_space<vmem>>, vector<16xi32>,
    %swap3A_45 = vector.shape_cast %swap3A_44 : vector<16xi32> to vector<16xi32>
    %swap3A_46 = vector.shape_cast %and3A_42 : vector<16xi32> to vector<16xi32>
    tpu.vector_store %arg9[%swap3A_43], %swap3A_46 {strides = array<i32>} : memref<128xi32, #tpu.memory_space<vmem>>, vector<16xi32>,
    %shift_right_arithmetic3A_47 = arith.constant 16 : i32
    %shift_right_arithmetic3A_48 = vector.broadcast %shift_right_arithmetic3A_47 : i32 to vector<16xi32>
    %shift_right_arithmetic3A_49 = arith.shrsi %get3A_39, %shift_right_arithmetic3A_48 : vector<16xi32>
    %swap3A_50 = arith.constant 80 : index
    %swap3A_51 = tpu.vector_load %arg9[%swap3A_50] {strides = array<i32>} : memref<128xi32, #tpu.memory_space<vmem>>, vector<16xi32>,
    %swap3A_52 = vector.shape_cast %swap3A_51 : vector<16xi32> to vector<16xi32>
    %swap3A_53 = vector.shape_cast %shift_right_arithmetic3A_49 : vector<16xi32> to vector<16xi32>
    tpu.vector_store %arg9[%swap3A_50], %swap3A_53 {strides = array<i32>} : memref<128xi32, #tpu.memory_space<vmem>>, vector<16xi32>,
    %get3A_54 = arith.constant 0 : i32
    %get3A_55 = arith.index_cast %get3A_54 : i32 to index
    %get3A_56 = arith.constant 48 : index
    %get3A_57 = tpu.vector_load %arg7[%get3A_55, %get3A_56] {strides = array<i32>} : memref<72x128xi32, #tpu.memory_space<vmem>>, vector<1x16xi32>,
    %get3A_58 = vector.shape_cast %get3A_57 : vector<1x16xi32> to vector<16xi32>
    %and3A_59 = arith.constant 65535 : i32
    %and3A_60 = vector.broadcast %and3A_59 : i32 to vector<16xi32>
    %and3A_61 = arith.andi %get3A_58, %and3A_60 : vector<16xi32>
    %swap3A_62 = arith.constant 96 : index
    %swap3A_63 = tpu.vector_load %arg9[%swap3A_62] {strides = array<i32>} : memref<128xi32, #tpu.memory_space<vmem>>, vector<16xi32>,
    %swap3A_64 = vector.shape_cast %swap3A_63 : vector<16xi32> to vector<16xi32>
    %swap3A_65 = vector.shape_cast %and3A_61 : vector<16xi32> to vector<16xi32>
    tpu.vector_store %arg9[%swap3A_62], %swap3A_65 {strides = array<i32>} : memref<128xi32, #tpu.memory_space<vmem>>, vector<16xi32>,
    %shift_right_arithmetic3A_66 = arith.constant 16 : i32
    %shift_right_arithmetic3A_67 = vector.broadcast %shift_right_arithmetic3A_66 : i32 to vector<16xi32>
    %shift_right_arithmetic3A_68 = arith.shrsi %get3A_58, %shift_right_arithmetic3A_67 : vector<16xi32>
    %swap3A_69 = arith.constant 112 : index
    %swap3A_70 = tpu.vector_load %arg9[%swap3A_69] {strides = array<i32>} : memref<128xi32, #tpu.memory_space<vmem>>, vector<16xi32>,
    %swap3A_71 = vector.shape_cast %swap3A_70 : vector<16xi32> to vector<16xi32>
    %swap3A_72 = vector.shape_cast %shift_right_arithmetic3A_68 : vector<16xi32> to vector<16xi32>
    tpu.vector_store %arg9[%swap3A_69], %swap3A_72 {strides = array<i32>} : memref<128xi32, #tpu.memory_space<vmem>>, vector<16xi32>,
    %get3A_73 = arith.constant 0 : i32
    %get3A_74 = arith.index_cast %get3A_73 : i32 to index
    %get3A_75 = arith.constant 0 : index
    %get3A_76 = tpu.vector_load %arg8[%get3A_74, %get3A_75] {strides = array<i32>} : memref<72x128xi32, #tpu.memory_space<vmem>>, vector<1x16xi32>,
    %get3A_77 = vector.shape_cast %get3A_76 : vector<1x16xi32> to vector<16xi32>
    %and3A_78 = arith.constant 65535 : i32
    %and3A_79 = vector.broadcast %and3A_78 : i32 to vector<16xi32>
    %and3A_80 = arith.andi %get3A_77, %and3A_79 : vector<16xi32>
    %swap3A_81 = arith.constant 0 : index
    %swap3A_82 = tpu.vector_load %arg10[%swap3A_81] {strides = array<i32>} : memref<128xi32, #tpu.memory_space<vmem>>, vector<16xi32>,
    %swap3A_83 = vector.shape_cast %swap3A_82 : vector<16xi32> to vector<16xi32>
    %swap3A_84 = vector.shape_cast %and3A_80 : vector<16xi32> to vector<16xi32>
    tpu.vector_store %arg10[%swap3A_81], %swap3A_84 {strides = array<i32>} : memref<128xi32, #tpu.memory_space<vmem>>, vector<16xi32>,
    %shift_right_arithmetic3A_85 = arith.constant 16 : i32
    %shift_right_arithmetic3A_86 = vector.broadcast %shift_right_arithmetic3A_85 : i32 to vector<16xi32>
    %shift_right_arithmetic3A_87 = arith.shrsi %get3A_77, %shift_right_arithmetic3A_86 : vector<16xi32>
    %swap3A_88 = arith.constant 16 : index
    %swap3A_89 = tpu.vector_load %arg10[%swap3A_88] {strides = array<i32>} : memref<128xi32, #tpu.memory_space<vmem>>, vector<16xi32>,
    %swap3A_90 = vector.shape_cast %swap3A_89 : vector<16xi32> to vector<16xi32>
    %swap3A_91 = vector.shape_cast %shift_right_arithmetic3A_87 : vector<16xi32> to vector<16xi32>
    tpu.vector_store %arg10[%swap3A_88], %swap3A_91 {strides = array<i32>} : memref<128xi32, #tpu.memory_space<vmem>>, vector<16xi32>,
    %get3A_92 = arith.constant 0 : i32
    %get3A_93 = arith.index_cast %get3A_92 : i32 to index
    %get3A_94 = arith.constant 16 : index
    %get3A_95 = tpu.vector_load %arg8[%get3A_93, %get3A_94] {strides = array<i32>} : memref<72x128xi32, #tpu.memory_space<vmem>>, vector<1x16xi32>,
    %get3A_96 = vector.shape_cast %get3A_95 : vector<1x16xi32> to vector<16xi32>
    %and3A_97 = arith.constant 65535 : i32
    %and3A_98 = vector.broadcast %and3A_97 : i32 to vector<16xi32>
    %and3A_99 = arith.andi %get3A_96, %and3A_98 : vector<16xi32>
    %swap3A_100 = arith.constant 32 : index
    %swap3A_101 = tpu.vector_load %arg10[%swap3A_100] {strides = array<i32>} : memref<128xi32, #tpu.memory_space<vmem>>, vector<16xi32>,
    %swap3A_102 = vector.shape_cast %swap3A_101 : vector<16xi32> to vector<16xi32>
    %swap3A_103 = vector.shape_cast %and3A_99 : vector<16xi32> to vector<16xi32>
    tpu.vector_store %arg10[%swap3A_100], %swap3A_103 {strides = array<i32>} : memref<128xi32, #tpu.memory_space<vmem>>, vector<16xi32>,
    %shift_right_arithmetic3A_104 = arith.constant 16 : i32
    %shift_right_arithmetic3A_105 = vector.broadcast %shift_right_arithmetic3A_104 : i32 to vector<16xi32>
    %shift_right_arithmetic3A_106 = arith.shrsi %get3A_96, %shift_right_arithmetic3A_105 : vector<16xi32>
    %swap3A_107 = arith.constant 48 : index
    %swap3A_108 = tpu.vector_load %arg10[%swap3A_107] {strides = array<i32>} : memref<128xi32, #tpu.memory_space<vmem>>, vector<16xi32>,
    %swap3A_109 = vector.shape_cast %swap3A_108 : vector<16xi32> to vector<16xi32>
    %swap3A_110 = vector.shape_cast %shift_right_arithmetic3A_106 : vector<16xi32> to vector<16xi32>
    tpu.vector_store %arg10[%swap3A_107], %swap3A_110 {strides = array<i32>} : memref<128xi32, #tpu.memory_space<vmem>>, vector<16xi32>,
    %get3A_111 = arith.constant 0 : i32
    %get3A_112 = arith.index_cast %get3A_111 : i32 to index
    %get3A_113 = arith.constant 32 : index
    %get3A_114 = tpu.vector_load %arg8[%get3A_112, %get3A_113] {strides = array<i32>} : memref<72x128xi32, #tpu.memory_space<vmem>>, vector<1x16xi32>,
    %get3A_115 = vector.shape_cast %get3A_114 : vector<1x16xi32> to vector<16xi32>
    %and3A_116 = arith.constant 65535 : i32
    %and3A_117 = vector.broadcast %and3A_116 : i32 to vector<16xi32>
    %and3A_118 = arith.andi %get3A_115, %and3A_117 : vector<16xi32>
    %swap3A_119 = arith.constant 64 : index
    %swap3A_120 = tpu.vector_load %arg10[%swap3A_119] {strides = array<i32>} : memref<128xi32, #tpu.memory_space<vmem>>, vector<16xi32>,
    %swap3A_121 = vector.shape_cast %swap3A_120 : vector<16xi32> to vector<16xi32>
    %swap3A_122 = vector.shape_cast %and3A_118 : vector<16xi32> to vector<16xi32>
    tpu.vector_store %arg10[%swap3A_119], %swap3A_122 {strides = array<i32>} : memref<128xi32, #tpu.memory_space<vmem>>, vector<16xi32>,
    %shift_right_arithmetic3A_123 = arith.constant 16 : i32
    %shift_right_arithmetic3A_124 = vector.broadcast %shift_right_arithmetic3A_123 : i32 to vector<16xi32>
    %shift_right_arithmetic3A_125 = arith.shrsi %get3A_115, %shift_right_arithmetic3A_124 : vector<16xi32>
    %swap3A_126 = arith.constant 80 : index
    %swap3A_127 = tpu.vector_load %arg10[%swap3A_126] {strides = array<i32>} : memref<128xi32, #tpu.memory_space<vmem>>, vector<16xi32>,
    %swap3A_128 = vector.shape_cast %swap3A_127 : vector<16xi32> to vector<16xi32>
    %swap3A_129 = vector.shape_cast %shift_right_arithmetic3A_125 : vector<16xi32> to vector<16xi32>
    tpu.vector_store %arg10[%swap3A_126], %swap3A_129 {strides = array<i32>} : memref<128xi32, #tpu.memory_space<vmem>>, vector<16xi32>,
    %get3A_130 = arith.constant 0 : i32
    %get3A_131 = arith.index_cast %get3A_130 : i32 to index
    %get3A_132 = arith.constant 48 : index
    %get3A_133 = tpu.vector_load %arg8[%get3A_131, %get3A_132] {strides = array<i32>} : memref<72x128xi32, #tpu.memory_space<vmem>>, vector<1x16xi32>,
    %get3A_134 = vector.shape_cast %get3A_133 : vector<1x16xi32> to vector<16xi32>
    %and3A_135 = arith.constant 65535 : i32
    %and3A_136 = vector.broadcast %and3A_135 : i32 to vector<16xi32>
    %and3A_137 = arith.andi %get3A_134, %and3A_136 : vector<16xi32>
    %swap3A_138 = arith.constant 96 : index
    %swap3A_139 = tpu.vector_load %arg10[%swap3A_138] {strides = array<i32>} : memref<128xi32, #tpu.memory_space<vmem>>, vector<16xi32>,
    %swap3A_140 = vector.shape_cast %swap3A_139 : vector<16xi32> to vector<16xi32>
    %swap3A_141 = vector.shape_cast %and3A_137 : vector<16xi32> to vector<16xi32>
    tpu.vector_store %arg10[%swap3A_138], %swap3A_141 {strides = array<i32>} : memref<128xi32, #tpu.memory_space<vmem>>, vector<16xi32>,
    %shift_right_arithmetic3A_142 = arith.constant 16 : i32
    %shift_right_arithmetic3A_143 = vector.broadcast %shift_right_arithmetic3A_142 : i32 to vector<16xi32>
    %shift_right_arithmetic3A_144 = arith.shrsi %get3A_134, %shift_right_arithmetic3A_143 : vector<16xi32>
    %swap3A_145 = arith.constant 112 : index
    %swap3A_146 = tpu.vector_load %arg10[%swap3A_145] {strides = array<i32>} : memref<128xi32, #tpu.memory_space<vmem>>, vector<16xi32>,
    %swap3A_147 = vector.shape_cast %swap3A_146 : vector<16xi32> to vector<16xi32>
    %swap3A_148 = vector.shape_cast %shift_right_arithmetic3A_144 : vector<16xi32> to vector<16xi32>
    tpu.vector_store %arg10[%swap3A_145], %swap3A_148 {strides = array<i32>} : memref<128xi32, #tpu.memory_space<vmem>>, vector<16xi32>,
    %mul3A_149 = arith.constant 632 : i32
    %mul3A_150 = arith.muli %arg1, %mul3A_149 : i32
    "tpu.region"() ({
      %run_scoped3A = tpu.sem_alloc : memref<!tpu.dma_semaphore, #tpu.memory_space<semaphore_mem>>
      %dma_start3A_173 = arith.constant 0 : i32
      %dma_start3A_174 = tpu.memref_slice %arg12[%mul3A_150, %dma_start3A_173] : memref<10112x128xf32, #tpu.memory_space<vmem_shared>> -> memref<632x128xf32, #tpu.memory_space<vmem_shared>>
      tpu.enqueue_dma source(%arg5 : memref<632x128xf32, #tpu.memory_space<hbm>>) target(%dma_start3A_174 : memref<632x128xf32, #tpu.memory_space<vmem_shared>>) target_semaphore(%run_scoped3A : memref<!tpu.dma_semaphore, #tpu.memory_space<semaphore_mem>>)
      %dma_wait3A_175 = arith.constant 0 : i32
      %dma_wait3A_176 = tpu.memref_slice %arg12[%mul3A_150, %dma_wait3A_175] : memref<10112x128xf32, #tpu.memory_space<vmem_shared>> -> memref<632x128xf32, #tpu.memory_space<vmem_shared>>
      tpu.wait_dma2 semaphore(%run_scoped3A : memref<!tpu.dma_semaphore, #tpu.memory_space<semaphore_mem>>) src(%arg5 : memref<632x128xf32, #tpu.memory_space<hbm>>) dst(%dma_wait3A_176 : memref<632x128xf32, #tpu.memory_space<vmem_shared>>)
      tpu.yield
    }) : () -> ()
    %barrier3A = arith.constant 0 : index
    tpu.barrier barrier_id(%barrier3A)
    %eq3A = arith.constant 0 : i32
    %eq3A_151 = arith.cmpi eq, %arg0, %eq3A : i32
    %select_n3A = arith.constant 16 : i32
    %select_n3A_152 = arith.constant 144 : i32
    %select_n3A_153 = arith.select %eq3A_151, %select_n3A_152, %select_n3A : i32
    %sub3A = arith.constant 1 : i32
    %sub3A_154 = arith.subi %select_n3A_153, %sub3A : i32
    %while3A = arith.constant 0 : i32
    %while3A_155 = arith.constant 0 : i32
    %while3A_156 = arith.subi %sub3A_154, %while3A_155 : i32
    %while3A_157 = arith.addi %while3A_155, %while3A_156 : i32
    %while3A_158 = arith.constant 1 : i32
    %while3A_159 = arith.divsi %while3A_156, %while3A_158 : i32
    %while3A_160 = arith.muli %while3A_159, %while3A_158 : i32
    %while3A_161 = arith.addi %while3A_155, %while3A_160 : i32
    %while3A_162 = arith.constant 1 : i32
    scf.for %while3A_173 = %while3A_155 to %while3A_161 step %while3A_162  : i32 {
      %add3A_174 = arith.constant 1 : i32
      %add3A_175 = arith.addi %while3A_173, %add3A_174 : i32
      %mul3A_176 = arith.constant 1 : i32
      %mul3A_177 = arith.muli %add3A_175, %mul3A_176 : i32
      %dma_start3A_178 = arith.constant 0 : i32
      %dma_start3A_179 = arith.constant 0 : i32
      %dma_start3A_180 = tpu.memref_slice %arg2[%dma_start3A_178, %dma_start3A_179] : memref<10000x128xf32, #tpu.memory_space<hbm>> -> memref<10000x128xf32, #tpu.memory_space<hbm>>
      tpu.enqueue_indirect_dma source(%dma_start3A_180 : memref<10000x128xf32, #tpu.memory_space<hbm>>) target(%arg11 : memref<128x128xf32, #tpu.memory_space<vmem>>) offsets(%arg9 : memref<128xi32, #tpu.memory_space<vmem>>) semaphore(%arg13 : memref<!tpu.dma_semaphore, #tpu.memory_space<semaphore_mem>>)
      %dma_wait3A_181 = arith.constant 0 : i32
      %dma_wait3A_182 = arith.constant 0 : i32
      %dma_wait3A_183 = tpu.memref_slice %arg2[%dma_wait3A_181, %dma_wait3A_182] : memref<10000x128xf32, #tpu.memory_space<hbm>> -> memref<10000x128xf32, #tpu.memory_space<hbm>>
      tpu.wait_indirect_dma semaphore(%arg13 : memref<!tpu.dma_semaphore, #tpu.memory_space<semaphore_mem>>) src(%dma_wait3A_183 : memref<10000x128xf32, #tpu.memory_space<hbm>>) dst(%arg11 : memref<128x128xf32, #tpu.memory_space<vmem>>)
      %add3A_184 = arith.constant 0 : i32
      %add3A_185 = arith.addi %mul3A_177, %add3A_184 : i32
      %jit3A = arith.constant 2 : i32
      %div3A = arith.divsi %add3A_185, %jit3A : i32
      %sign3A = arith.constant 0 : i32
      %sign3A_186 = arith.cmpi sgt, %add3A_185, %sign3A : i32
      %sign3A_187 = arith.extui %sign3A_186 : i1 to i32
      %sign3A_188 = arith.constant 0 : i32
      %sign3A_189 = arith.cmpi slt, %add3A_185, %sign3A_188 : i32
      %sign3A_190 = arith.extui %sign3A_189 : i1 to i32
      %sign3A_191 = arith.subi %sign3A_187, %sign3A_190 : i32
      %sign3A_192 = arith.constant 0 : i32
      %sign3A_193 = arith.cmpi sgt, %jit3A, %sign3A_192 : i32
      %sign3A_194 = arith.extui %sign3A_193 : i1 to i32
      %sign3A_195 = arith.constant 0 : i32
      %sign3A_196 = arith.cmpi slt, %jit3A, %sign3A_195 : i32
      %sign3A_197 = arith.extui %sign3A_196 : i1 to i32
      %sign3A_198 = arith.subi %sign3A_194, %sign3A_197 : i32
      %ne3A = arith.cmpi ne, %sign3A_191, %sign3A_198 : i32
      %rem3A = arith.remsi %add3A_185, %jit3A : i32
      %ne3A_199 = arith.constant 0 : i32
      %ne3A_200 = arith.cmpi ne, %rem3A, %ne3A_199 : i32
      %and3A_201 = arith.andi %ne3A, %ne3A_200 : i1
      %sub3A_202 = arith.constant 1 : i32
      %sub3A_203 = arith.subi %div3A, %sub3A_202 : i32
      %select_n3A_204 = arith.select %and3A_201, %sub3A_203, %div3A : i32
      %add3A_205 = arith.constant 0 : i32
      %add3A_206 = arith.addi %mul3A_177, %add3A_205 : i32
      %jit3A_207 = arith.constant 2 : i32
      %eq3A_208 = arith.constant 0 : i32
      %eq3A_209 = arith.cmpi eq, %jit3A_207, %eq3A_208 : i32
      %jit3A_210 = arith.constant 1 : i32
      %select_n3A_211 = arith.select %eq3A_209, %jit3A_210, %jit3A_207 : i32
      %rem3A_212 = arith.remsi %add3A_206, %select_n3A_211 : i32
      %ne3A_213 = arith.constant 0 : i32
      %ne3A_214 = arith.cmpi ne, %rem3A_212, %ne3A_213 : i32
      %lt3A = arith.constant 0 : i32
      %lt3A_215 = arith.cmpi slt, %rem3A_212, %lt3A : i32
      %lt3A_216 = arith.constant 0 : i32
      %lt3A_217 = arith.cmpi slt, %select_n3A_211, %lt3A_216 : i32
      %ne3A_218 = arith.xori %lt3A_215, %lt3A_217 : i1
      %and3A_219 = arith.andi %ne3A_218, %ne3A_214 : i1
      %add3A_220 = arith.addi %rem3A_212, %select_n3A_211 : i32
      %select_n3A_221 = arith.select %and3A_219, %add3A_220, %rem3A_212 : i32
      %mul3A_222 = arith.constant 64 : i32
      %mul3A_223 = arith.muli %select_n3A_221, %mul3A_222 : i32
      %add3A_224 = arith.constant 0 : i32
      %add3A_225 = arith.addi %mul3A_223, %add3A_224 : i32
      %get3A_226 = arith.index_cast %select_n3A_204 : i32 to index
      %get3A_227 = arith.index_cast %add3A_225 : i32 to index
      %get3A_228 = tpu.vector_load %arg7[%get3A_226, %get3A_227] {strides = array<i32>} : memref<72x128xi32, #tpu.memory_space<vmem>>, vector<1x16xi32>,
      %get3A_229 = vector.shape_cast %get3A_228 : vector<1x16xi32> to vector<16xi32>
      %and3A_230 = arith.constant 65535 : i32
      %and3A_231 = vector.broadcast %and3A_230 : i32 to vector<16xi32>
      %and3A_232 = arith.andi %get3A_229, %and3A_231 : vector<16xi32>
      %swap3A_233 = arith.constant 0 : index
      %swap3A_234 = tpu.vector_load %arg9[%swap3A_233] {strides = array<i32>} : memref<128xi32, #tpu.memory_space<vmem>>, vector<16xi32>,
      %swap3A_235 = vector.shape_cast %swap3A_234 : vector<16xi32> to vector<16xi32>
      %swap3A_236 = vector.shape_cast %and3A_232 : vector<16xi32> to vector<16xi32>
      tpu.vector_store %arg9[%swap3A_233], %swap3A_236 {strides = array<i32>} : memref<128xi32, #tpu.memory_space<vmem>>, vector<16xi32>,
      %shift_right_arithmetic3A_237 = arith.constant 16 : i32
      %shift_right_arithmetic3A_238 = vector.broadcast %shift_right_arithmetic3A_237 : i32 to vector<16xi32>
      %shift_right_arithmetic3A_239 = arith.shrsi %get3A_229, %shift_right_arithmetic3A_238 : vector<16xi32>
      %swap3A_240 = arith.constant 16 : index
      %swap3A_241 = tpu.vector_load %arg9[%swap3A_240] {strides = array<i32>} : memref<128xi32, #tpu.memory_space<vmem>>, vector<16xi32>,
      %swap3A_242 = vector.shape_cast %swap3A_241 : vector<16xi32> to vector<16xi32>
      %swap3A_243 = vector.shape_cast %shift_right_arithmetic3A_239 : vector<16xi32> to vector<16xi32>
      tpu.vector_store %arg9[%swap3A_240], %swap3A_243 {strides = array<i32>} : memref<128xi32, #tpu.memory_space<vmem>>, vector<16xi32>,
      %mul3A_244 = arith.constant 64 : i32
      %mul3A_245 = arith.muli %select_n3A_221, %mul3A_244 : i32
      %add3A_246 = arith.constant 16 : i32
      %add3A_247 = arith.addi %mul3A_245, %add3A_246 : i32
      %get3A_248 = arith.index_cast %select_n3A_204 : i32 to index
      %get3A_249 = arith.index_cast %add3A_247 : i32 to index
      %get3A_250 = tpu.vector_load %arg7[%get3A_248, %get3A_249] {strides = array<i32>} : memref<72x128xi32, #tpu.memory_space<vmem>>, vector<1x16xi32>,
      %get3A_251 = vector.shape_cast %get3A_250 : vector<1x16xi32> to vector<16xi32>
      %and3A_252 = arith.constant 65535 : i32
      %and3A_253 = vector.broadcast %and3A_252 : i32 to vector<16xi32>
      %and3A_254 = arith.andi %get3A_251, %and3A_253 : vector<16xi32>
      %swap3A_255 = arith.constant 32 : index
      %swap3A_256 = tpu.vector_load %arg9[%swap3A_255] {strides = array<i32>} : memref<128xi32, #tpu.memory_space<vmem>>, vector<16xi32>,
      %swap3A_257 = vector.shape_cast %swap3A_256 : vector<16xi32> to vector<16xi32>
      %swap3A_258 = vector.shape_cast %and3A_254 : vector<16xi32> to vector<16xi32>
      tpu.vector_store %arg9[%swap3A_255], %swap3A_258 {strides = array<i32>} : memref<128xi32, #tpu.memory_space<vmem>>, vector<16xi32>,
      %shift_right_arithmetic3A_259 = arith.constant 16 : i32
      %shift_right_arithmetic3A_260 = vector.broadcast %shift_right_arithmetic3A_259 : i32 to vector<16xi32>
      %shift_right_arithmetic3A_261 = arith.shrsi %get3A_251, %shift_right_arithmetic3A_260 : vector<16xi32>
      %swap3A_262 = arith.constant 48 : index
      %swap3A_263 = tpu.vector_load %arg9[%swap3A_262] {strides = array<i32>} : memref<128xi32, #tpu.memory_space<vmem>>, vector<16xi32>,
      %swap3A_264 = vector.shape_cast %swap3A_263 : vector<16xi32> to vector<16xi32>
      %swap3A_265 = vector.shape_cast %shift_right_arithmetic3A_261 : vector<16xi32> to vector<16xi32>
      tpu.vector_store %arg9[%swap3A_262], %swap3A_265 {strides = array<i32>} : memref<128xi32, #tpu.memory_space<vmem>>, vector<16xi32>,
      %mul3A_266 = arith.constant 64 : i32
      %mul3A_267 = arith.muli %select_n3A_221, %mul3A_266 : i32
      %add3A_268 = arith.constant 32 : i32
      %add3A_269 = arith.addi %mul3A_267, %add3A_268 : i32
      %get3A_270 = arith.index_cast %select_n3A_204 : i32 to index
      %get3A_271 = arith.index_cast %add3A_269 : i32 to index
      %get3A_272 = tpu.vector_load %arg7[%get3A_270, %get3A_271] {strides = array<i32>} : memref<72x128xi32, #tpu.memory_space<vmem>>, vector<1x16xi32>,
      %get3A_273 = vector.shape_cast %get3A_272 : vector<1x16xi32> to vector<16xi32>
      %and3A_274 = arith.constant 65535 : i32
      %and3A_275 = vector.broadcast %and3A_274 : i32 to vector<16xi32>
      %and3A_276 = arith.andi %get3A_273, %and3A_275 : vector<16xi32>
      %swap3A_277 = arith.constant 64 : index
      %swap3A_278 = tpu.vector_load %arg9[%swap3A_277] {strides = array<i32>} : memref<128xi32, #tpu.memory_space<vmem>>, vector<16xi32>,
      %swap3A_279 = vector.shape_cast %swap3A_278 : vector<16xi32> to vector<16xi32>
      %swap3A_280 = vector.shape_cast %and3A_276 : vector<16xi32> to vector<16xi32>
      tpu.vector_store %arg9[%swap3A_277], %swap3A_280 {strides = array<i32>} : memref<128xi32, #tpu.memory_space<vmem>>, vector<16xi32>,
      %shift_right_arithmetic3A_281 = arith.constant 16 : i32
      %shift_right_arithmetic3A_282 = vector.broadcast %shift_right_arithmetic3A_281 : i32 to vector<16xi32>
      %shift_right_arithmetic3A_283 = arith.shrsi %get3A_273, %shift_right_arithmetic3A_282 : vector<16xi32>
      %swap3A_284 = arith.constant 80 : index
      %swap3A_285 = tpu.vector_load %arg9[%swap3A_284] {strides = array<i32>} : memref<128xi32, #tpu.memory_space<vmem>>, vector<16xi32>,
      %swap3A_286 = vector.shape_cast %swap3A_285 : vector<16xi32> to vector<16xi32>
      %swap3A_287 = vector.shape_cast %shift_right_arithmetic3A_283 : vector<16xi32> to vector<16xi32>
      tpu.vector_store %arg9[%swap3A_284], %swap3A_287 {strides = array<i32>} : memref<128xi32, #tpu.memory_space<vmem>>, vector<16xi32>,
      %mul3A_288 = arith.constant 64 : i32
      %mul3A_289 = arith.muli %select_n3A_221, %mul3A_288 : i32
      %add3A_290 = arith.constant 48 : i32
      %add3A_291 = arith.addi %mul3A_289, %add3A_290 : i32
      %get3A_292 = arith.index_cast %select_n3A_204 : i32 to index
      %get3A_293 = arith.index_cast %add3A_291 : i32 to index
      %get3A_294 = tpu.vector_load %arg7[%get3A_292, %get3A_293] {strides = array<i32>} : memref<72x128xi32, #tpu.memory_space<vmem>>, vector<1x16xi32>,
      %get3A_295 = vector.shape_cast %get3A_294 : vector<1x16xi32> to vector<16xi32>
      %and3A_296 = arith.constant 65535 : i32
      %and3A_297 = vector.broadcast %and3A_296 : i32 to vector<16xi32>
      %and3A_298 = arith.andi %get3A_295, %and3A_297 : vector<16xi32>
      %swap3A_299 = arith.constant 96 : index
      %swap3A_300 = tpu.vector_load %arg9[%swap3A_299] {strides = array<i32>} : memref<128xi32, #tpu.memory_space<vmem>>, vector<16xi32>,
      %swap3A_301 = vector.shape_cast %swap3A_300 : vector<16xi32> to vector<16xi32>
      %swap3A_302 = vector.shape_cast %and3A_298 : vector<16xi32> to vector<16xi32>
      tpu.vector_store %arg9[%swap3A_299], %swap3A_302 {strides = array<i32>} : memref<128xi32, #tpu.memory_space<vmem>>, vector<16xi32>,
      %shift_right_arithmetic3A_303 = arith.constant 16 : i32
      %shift_right_arithmetic3A_304 = vector.broadcast %shift_right_arithmetic3A_303 : i32 to vector<16xi32>
      %shift_right_arithmetic3A_305 = arith.shrsi %get3A_295, %shift_right_arithmetic3A_304 : vector<16xi32>
      %swap3A_306 = arith.constant 112 : index
      %swap3A_307 = tpu.vector_load %arg9[%swap3A_306] {strides = array<i32>} : memref<128xi32, #tpu.memory_space<vmem>>, vector<16xi32>,
      %swap3A_308 = vector.shape_cast %swap3A_307 : vector<16xi32> to vector<16xi32>
      %swap3A_309 = vector.shape_cast %shift_right_arithmetic3A_305 : vector<16xi32> to vector<16xi32>
      tpu.vector_store %arg9[%swap3A_306], %swap3A_309 {strides = array<i32>} : memref<128xi32, #tpu.memory_space<vmem>>, vector<16xi32>,
      "tpu.region"() ({
        %run_scoped3A = tpu.sem_alloc : memref<!tpu.dma_semaphore, #tpu.memory_space<semaphore_mem>>
        %dma_start3A_442 = arith.constant 0 : i32
        %dma_start3A_443 = arith.constant 0 : i32
        %dma_start3A_444 = tpu.memref_slice %arg12[%dma_start3A_442, %dma_start3A_443] : memref<10112x128xf32, #tpu.memory_space<vmem_shared>> -> memref<10112x128xf32, #tpu.memory_space<vmem_shared>>
        tpu.enqueue_indirect_dma source(%arg11 : memref<128x128xf32, #tpu.memory_space<vmem>>) target(%dma_start3A_444 : memref<10112x128xf32, #tpu.memory_space<vmem_shared>>) offsets(%arg10 : memref<128xi32, #tpu.memory_space<vmem>>) semaphore(%run_scoped3A : memref<!tpu.dma_semaphore, #tpu.memory_space<semaphore_mem>>) {add = true}
        %dma_wait3A_445 = arith.constant 0 : i32
        %dma_wait3A_446 = arith.constant 0 : i32
        %dma_wait3A_447 = tpu.memref_slice %arg12[%dma_wait3A_445, %dma_wait3A_446] : memref<10112x128xf32, #tpu.memory_space<vmem_shared>> -> memref<10112x128xf32, #tpu.memory_space<vmem_shared>>
        tpu.wait_indirect_dma semaphore(%run_scoped3A : memref<!tpu.dma_semaphore, #tpu.memory_space<semaphore_mem>>) src(%arg11 : memref<128x128xf32, #tpu.memory_space<vmem>>) dst(%dma_wait3A_447 : memref<10112x128xf32, #tpu.memory_space<vmem_shared>>)
        tpu.yield
      }) : () -> ()
      %add3A_310 = arith.constant 0 : i32
      %add3A_311 = arith.addi %mul3A_177, %add3A_310 : i32
      %jit3A_312 = arith.constant 2 : i32
      %div3A_313 = arith.divsi %add3A_311, %jit3A_312 : i32
      %sign3A_314 = arith.constant 0 : i32
      %sign3A_315 = arith.cmpi sgt, %add3A_311, %sign3A_314 : i32
      %sign3A_316 = arith.extui %sign3A_315 : i1 to i32
      %sign3A_317 = arith.constant 0 : i32
      %sign3A_318 = arith.cmpi slt, %add3A_311, %sign3A_317 : i32
      %sign3A_319 = arith.extui %sign3A_318 : i1 to i32
      %sign3A_320 = arith.subi %sign3A_316, %sign3A_319 : i32
      %sign3A_321 = arith.constant 0 : i32
      %sign3A_322 = arith.cmpi sgt, %jit3A_312, %sign3A_321 : i32
      %sign3A_323 = arith.extui %sign3A_322 : i1 to i32
      %sign3A_324 = arith.constant 0 : i32
      %sign3A_325 = arith.cmpi slt, %jit3A_312, %sign3A_324 : i32
      %sign3A_326 = arith.extui %sign3A_325 : i1 to i32
      %sign3A_327 = arith.subi %sign3A_323, %sign3A_326 : i32
      %ne3A_328 = arith.cmpi ne, %sign3A_320, %sign3A_327 : i32
      %rem3A_329 = arith.remsi %add3A_311, %jit3A_312 : i32
      %ne3A_330 = arith.constant 0 : i32
      %ne3A_331 = arith.cmpi ne, %rem3A_329, %ne3A_330 : i32
      %and3A_332 = arith.andi %ne3A_328, %ne3A_331 : i1
      %sub3A_333 = arith.constant 1 : i32
      %sub3A_334 = arith.subi %div3A_313, %sub3A_333 : i32
      %select_n3A_335 = arith.select %and3A_332, %sub3A_334, %div3A_313 : i32
      %add3A_336 = arith.constant 0 : i32
      %add3A_337 = arith.addi %mul3A_177, %add3A_336 : i32
      %jit3A_338 = arith.constant 2 : i32
      %eq3A_339 = arith.constant 0 : i32
      %eq3A_340 = arith.cmpi eq, %jit3A_338, %eq3A_339 : i32
      %jit3A_341 = arith.constant 1 : i32
      %select_n3A_342 = arith.select %eq3A_340, %jit3A_341, %jit3A_338 : i32
      %rem3A_343 = arith.remsi %add3A_337, %select_n3A_342 : i32
      %ne3A_344 = arith.constant 0 : i32
      %ne3A_345 = arith.cmpi ne, %rem3A_343, %ne3A_344 : i32
      %lt3A_346 = arith.constant 0 : i32
      %lt3A_347 = arith.cmpi slt, %rem3A_343, %lt3A_346 : i32
      %lt3A_348 = arith.constant 0 : i32
      %lt3A_349 = arith.cmpi slt, %select_n3A_342, %lt3A_348 : i32
      %ne3A_350 = arith.xori %lt3A_347, %lt3A_349 : i1
      %and3A_351 = arith.andi %ne3A_350, %ne3A_345 : i1
      %add3A_352 = arith.addi %rem3A_343, %select_n3A_342 : i32
      %select_n3A_353 = arith.select %and3A_351, %add3A_352, %rem3A_343 : i32
      %mul3A_354 = arith.constant 64 : i32
      %mul3A_355 = arith.muli %select_n3A_353, %mul3A_354 : i32
      %add3A_356 = arith.constant 0 : i32
      %add3A_357 = arith.addi %mul3A_355, %add3A_356 : i32
      %get3A_358 = arith.index_cast %select_n3A_335 : i32 to index
      %get3A_359 = arith.index_cast %add3A_357 : i32 to index
      %get3A_360 = tpu.vector_load %arg8[%get3A_358, %get3A_359] {strides = array<i32>} : memref<72x128xi32, #tpu.memory_space<vmem>>, vector<1x16xi32>,
      %get3A_361 = vector.shape_cast %get3A_360 : vector<1x16xi32> to vector<16xi32>
      %and3A_362 = arith.constant 65535 : i32
      %and3A_363 = vector.broadcast %and3A_362 : i32 to vector<16xi32>
      %and3A_364 = arith.andi %get3A_361, %and3A_363 : vector<16xi32>
      %swap3A_365 = arith.constant 0 : index
      %swap3A_366 = tpu.vector_load %arg10[%swap3A_365] {strides = array<i32>} : memref<128xi32, #tpu.memory_space<vmem>>, vector<16xi32>,
      %swap3A_367 = vector.shape_cast %swap3A_366 : vector<16xi32> to vector<16xi32>
      %swap3A_368 = vector.shape_cast %and3A_364 : vector<16xi32> to vector<16xi32>
      tpu.vector_store %arg10[%swap3A_365], %swap3A_368 {strides = array<i32>} : memref<128xi32, #tpu.memory_space<vmem>>, vector<16xi32>,
      %shift_right_arithmetic3A_369 = arith.constant 16 : i32
      %shift_right_arithmetic3A_370 = vector.broadcast %shift_right_arithmetic3A_369 : i32 to vector<16xi32>
      %shift_right_arithmetic3A_371 = arith.shrsi %get3A_361, %shift_right_arithmetic3A_370 : vector<16xi32>
      %swap3A_372 = arith.constant 16 : index
      %swap3A_373 = tpu.vector_load %arg10[%swap3A_372] {strides = array<i32>} : memref<128xi32, #tpu.memory_space<vmem>>, vector<16xi32>,
      %swap3A_374 = vector.shape_cast %swap3A_373 : vector<16xi32> to vector<16xi32>
      %swap3A_375 = vector.shape_cast %shift_right_arithmetic3A_371 : vector<16xi32> to vector<16xi32>
      tpu.vector_store %arg10[%swap3A_372], %swap3A_375 {strides = array<i32>} : memref<128xi32, #tpu.memory_space<vmem>>, vector<16xi32>,
      %mul3A_376 = arith.constant 64 : i32
      %mul3A_377 = arith.muli %select_n3A_353, %mul3A_376 : i32
      %add3A_378 = arith.constant 16 : i32
      %add3A_379 = arith.addi %mul3A_377, %add3A_378 : i32
      %get3A_380 = arith.index_cast %select_n3A_335 : i32 to index
      %get3A_381 = arith.index_cast %add3A_379 : i32 to index
      %get3A_382 = tpu.vector_load %arg8[%get3A_380, %get3A_381] {strides = array<i32>} : memref<72x128xi32, #tpu.memory_space<vmem>>, vector<1x16xi32>,
      %get3A_383 = vector.shape_cast %get3A_382 : vector<1x16xi32> to vector<16xi32>
      %and3A_384 = arith.constant 65535 : i32
      %and3A_385 = vector.broadcast %and3A_384 : i32 to vector<16xi32>
      %and3A_386 = arith.andi %get3A_383, %and3A_385 : vector<16xi32>
      %swap3A_387 = arith.constant 32 : index
      %swap3A_388 = tpu.vector_load %arg10[%swap3A_387] {strides = array<i32>} : memref<128xi32, #tpu.memory_space<vmem>>, vector<16xi32>,
      %swap3A_389 = vector.shape_cast %swap3A_388 : vector<16xi32> to vector<16xi32>
      %swap3A_390 = vector.shape_cast %and3A_386 : vector<16xi32> to vector<16xi32>
      tpu.vector_store %arg10[%swap3A_387], %swap3A_390 {strides = array<i32>} : memref<128xi32, #tpu.memory_space<vmem>>, vector<16xi32>,
      %shift_right_arithmetic3A_391 = arith.constant 16 : i32
      %shift_right_arithmetic3A_392 = vector.broadcast %shift_right_arithmetic3A_391 : i32 to vector<16xi32>
      %shift_right_arithmetic3A_393 = arith.shrsi %get3A_383, %shift_right_arithmetic3A_392 : vector<16xi32>
      %swap3A_394 = arith.constant 48 : index
      %swap3A_395 = tpu.vector_load %arg10[%swap3A_394] {strides = array<i32>} : memref<128xi32, #tpu.memory_space<vmem>>, vector<16xi32>,
      %swap3A_396 = vector.shape_cast %swap3A_395 : vector<16xi32> to vector<16xi32>
      %swap3A_397 = vector.shape_cast %shift_right_arithmetic3A_393 : vector<16xi32> to vector<16xi32>
      tpu.vector_store %arg10[%swap3A_394], %swap3A_397 {strides = array<i32>} : memref<128xi32, #tpu.memory_space<vmem>>, vector<16xi32>,
      %mul3A_398 = arith.constant 64 : i32
      %mul3A_399 = arith.muli %select_n3A_353, %mul3A_398 : i32
      %add3A_400 = arith.constant 32 : i32
      %add3A_401 = arith.addi %mul3A_399, %add3A_400 : i32
      %get3A_402 = arith.index_cast %select_n3A_335 : i32 to index
      %get3A_403 = arith.index_cast %add3A_401 : i32 to index
      %get3A_404 = tpu.vector_load %arg8[%get3A_402, %get3A_403] {strides = array<i32>} : memref<72x128xi32, #tpu.memory_space<vmem>>, vector<1x16xi32>,
      %get3A_405 = vector.shape_cast %get3A_404 : vector<1x16xi32> to vector<16xi32>
      %and3A_406 = arith.constant 65535 : i32
      %and3A_407 = vector.broadcast %and3A_406 : i32 to vector<16xi32>
      %and3A_408 = arith.andi %get3A_405, %and3A_407 : vector<16xi32>
      %swap3A_409 = arith.constant 64 : index
      %swap3A_410 = tpu.vector_load %arg10[%swap3A_409] {strides = array<i32>} : memref<128xi32, #tpu.memory_space<vmem>>, vector<16xi32>,
      %swap3A_411 = vector.shape_cast %swap3A_410 : vector<16xi32> to vector<16xi32>
      %swap3A_412 = vector.shape_cast %and3A_408 : vector<16xi32> to vector<16xi32>
      tpu.vector_store %arg10[%swap3A_409], %swap3A_412 {strides = array<i32>} : memref<128xi32, #tpu.memory_space<vmem>>, vector<16xi32>,
      %shift_right_arithmetic3A_413 = arith.constant 16 : i32
      %shift_right_arithmetic3A_414 = vector.broadcast %shift_right_arithmetic3A_413 : i32 to vector<16xi32>
      %shift_right_arithmetic3A_415 = arith.shrsi %get3A_405, %shift_right_arithmetic3A_414 : vector<16xi32>
      %swap3A_416 = arith.constant 80 : index
      %swap3A_417 = tpu.vector_load %arg10[%swap3A_416] {strides = array<i32>} : memref<128xi32, #tpu.memory_space<vmem>>, vector<16xi32>,
      %swap3A_418 = vector.shape_cast %swap3A_417 : vector<16xi32> to vector<16xi32>
      %swap3A_419 = vector.shape_cast %shift_right_arithmetic3A_415 : vector<16xi32> to vector<16xi32>
      tpu.vector_store %arg10[%swap3A_416], %swap3A_419 {strides = array<i32>} : memref<128xi32, #tpu.memory_space<vmem>>, vector<16xi32>,
      %mul3A_420 = arith.constant 64 : i32
      %mul3A_421 = arith.muli %select_n3A_353, %mul3A_420 : i32
      %add3A_422 = arith.constant 48 : i32
      %add3A_423 = arith.addi %mul3A_421, %add3A_422 : i32
      %get3A_424 = arith.index_cast %select_n3A_335 : i32 to index
      %get3A_425 = arith.index_cast %add3A_423 : i32 to index
      %get3A_426 = tpu.vector_load %arg8[%get3A_424, %get3A_425] {strides = array<i32>} : memref<72x128xi32, #tpu.memory_space<vmem>>, vector<1x16xi32>,
      %get3A_427 = vector.shape_cast %get3A_426 : vector<1x16xi32> to vector<16xi32>
      %and3A_428 = arith.constant 65535 : i32
      %and3A_429 = vector.broadcast %and3A_428 : i32 to vector<16xi32>
      %and3A_430 = arith.andi %get3A_427, %and3A_429 : vector<16xi32>
      %swap3A_431 = arith.constant 96 : index
      %swap3A_432 = tpu.vector_load %arg10[%swap3A_431] {strides = array<i32>} : memref<128xi32, #tpu.memory_space<vmem>>, vector<16xi32>,
      %swap3A_433 = vector.shape_cast %swap3A_432 : vector<16xi32> to vector<16xi32>
      %swap3A_434 = vector.shape_cast %and3A_430 : vector<16xi32> to vector<16xi32>
      tpu.vector_store %arg10[%swap3A_431], %swap3A_434 {strides = array<i32>} : memref<128xi32, #tpu.memory_space<vmem>>, vector<16xi32>,
      %shift_right_arithmetic3A_435 = arith.constant 16 : i32
      %shift_right_arithmetic3A_436 = vector.broadcast %shift_right_arithmetic3A_435 : i32 to vector<16xi32>
      %shift_right_arithmetic3A_437 = arith.shrsi %get3A_427, %shift_right_arithmetic3A_436 : vector<16xi32>
      %swap3A_438 = arith.constant 112 : index
      %swap3A_439 = tpu.vector_load %arg10[%swap3A_438] {strides = array<i32>} : memref<128xi32, #tpu.memory_space<vmem>>, vector<16xi32>,
      %swap3A_440 = vector.shape_cast %swap3A_439 : vector<16xi32> to vector<16xi32>
      %swap3A_441 = vector.shape_cast %shift_right_arithmetic3A_437 : vector<16xi32> to vector<16xi32>
      tpu.vector_store %arg10[%swap3A_438], %swap3A_441 {strides = array<i32>} : memref<128xi32, #tpu.memory_space<vmem>>, vector<16xi32>,
    }
    %while3A_163 = arith.constant 1 : i32
    scf.for %while3A_173 = %while3A_161 to %while3A_157 step %while3A_163  : i32 {
      %add3A_174 = arith.constant 1 : i32
      %add3A_175 = arith.addi %while3A_173, %add3A_174 : i32
      %mul3A_176 = arith.constant 1 : i32
      %mul3A_177 = arith.muli %add3A_175, %mul3A_176 : i32
      %dma_start3A_178 = arith.constant 0 : i32
      %dma_start3A_179 = arith.constant 0 : i32
      %dma_start3A_180 = tpu.memref_slice %arg2[%dma_start3A_178, %dma_start3A_179] : memref<10000x128xf32, #tpu.memory_space<hbm>> -> memref<10000x128xf32, #tpu.memory_space<hbm>>
      tpu.enqueue_indirect_dma source(%dma_start3A_180 : memref<10000x128xf32, #tpu.memory_space<hbm>>) target(%arg11 : memref<128x128xf32, #tpu.memory_space<vmem>>) offsets(%arg9 : memref<128xi32, #tpu.memory_space<vmem>>) semaphore(%arg13 : memref<!tpu.dma_semaphore, #tpu.memory_space<semaphore_mem>>)
      %dma_wait3A_181 = arith.constant 0 : i32
      %dma_wait3A_182 = arith.constant 0 : i32
      %dma_wait3A_183 = tpu.memref_slice %arg2[%dma_wait3A_181, %dma_wait3A_182] : memref<10000x128xf32, #tpu.memory_space<hbm>> -> memref<10000x128xf32, #tpu.memory_space<hbm>>
      tpu.wait_indirect_dma semaphore(%arg13 : memref<!tpu.dma_semaphore, #tpu.memory_space<semaphore_mem>>) src(%dma_wait3A_183 : memref<10000x128xf32, #tpu.memory_space<hbm>>) dst(%arg11 : memref<128x128xf32, #tpu.memory_space<vmem>>)
      %add3A_184 = arith.constant 0 : i32
      %add3A_185 = arith.addi %mul3A_177, %add3A_184 : i32
      %jit3A = arith.constant 2 : i32
      %div3A = arith.divsi %add3A_185, %jit3A : i32
      %sign3A = arith.constant 0 : i32
      %sign3A_186 = arith.cmpi sgt, %add3A_185, %sign3A : i32
      %sign3A_187 = arith.extui %sign3A_186 : i1 to i32
      %sign3A_188 = arith.constant 0 : i32
      %sign3A_189 = arith.cmpi slt, %add3A_185, %sign3A_188 : i32
      %sign3A_190 = arith.extui %sign3A_189 : i1 to i32
      %sign3A_191 = arith.subi %sign3A_187, %sign3A_190 : i32
      %sign3A_192 = arith.constant 0 : i32
      %sign3A_193 = arith.cmpi sgt, %jit3A, %sign3A_192 : i32
      %sign3A_194 = arith.extui %sign3A_193 : i1 to i32
      %sign3A_195 = arith.constant 0 : i32
      %sign3A_196 = arith.cmpi slt, %jit3A, %sign3A_195 : i32
      %sign3A_197 = arith.extui %sign3A_196 : i1 to i32
      %sign3A_198 = arith.subi %sign3A_194, %sign3A_197 : i32
      %ne3A = arith.cmpi ne, %sign3A_191, %sign3A_198 : i32
      %rem3A = arith.remsi %add3A_185, %jit3A : i32
      %ne3A_199 = arith.constant 0 : i32
      %ne3A_200 = arith.cmpi ne, %rem3A, %ne3A_199 : i32
      %and3A_201 = arith.andi %ne3A, %ne3A_200 : i1
      %sub3A_202 = arith.constant 1 : i32
      %sub3A_203 = arith.subi %div3A, %sub3A_202 : i32
      %select_n3A_204 = arith.select %and3A_201, %sub3A_203, %div3A : i32
      %add3A_205 = arith.constant 0 : i32
      %add3A_206 = arith.addi %mul3A_177, %add3A_205 : i32
      %jit3A_207 = arith.constant 2 : i32
      %eq3A_208 = arith.constant 0 : i32
      %eq3A_209 = arith.cmpi eq, %jit3A_207, %eq3A_208 : i32
      %jit3A_210 = arith.constant 1 : i32
      %select_n3A_211 = arith.select %eq3A_209, %jit3A_210, %jit3A_207 : i32
      %rem3A_212 = arith.remsi %add3A_206, %select_n3A_211 : i32
      %ne3A_213 = arith.constant 0 : i32
      %ne3A_214 = arith.cmpi ne, %rem3A_212, %ne3A_213 : i32
      %lt3A = arith.constant 0 : i32
      %lt3A_215 = arith.cmpi slt, %rem3A_212, %lt3A : i32
      %lt3A_216 = arith.constant 0 : i32
      %lt3A_217 = arith.cmpi slt, %select_n3A_211, %lt3A_216 : i32
      %ne3A_218 = arith.xori %lt3A_215, %lt3A_217 : i1
      %and3A_219 = arith.andi %ne3A_218, %ne3A_214 : i1
      %add3A_220 = arith.addi %rem3A_212, %select_n3A_211 : i32
      %select_n3A_221 = arith.select %and3A_219, %add3A_220, %rem3A_212 : i32
      %mul3A_222 = arith.constant 64 : i32
      %mul3A_223 = arith.muli %select_n3A_221, %mul3A_222 : i32
      %add3A_224 = arith.constant 0 : i32
      %add3A_225 = arith.addi %mul3A_223, %add3A_224 : i32
      %get3A_226 = arith.index_cast %select_n3A_204 : i32 to index
      %get3A_227 = arith.index_cast %add3A_225 : i32 to index
      %get3A_228 = tpu.vector_load %arg7[%get3A_226, %get3A_227] {strides = array<i32>} : memref<72x128xi32, #tpu.memory_space<vmem>>, vector<1x16xi32>,
      %get3A_229 = vector.shape_cast %get3A_228 : vector<1x16xi32> to vector<16xi32>
      %and3A_230 = arith.constant 65535 : i32
      %and3A_231 = vector.broadcast %and3A_230 : i32 to vector<16xi32>
      %and3A_232 = arith.andi %get3A_229, %and3A_231 : vector<16xi32>
      %swap3A_233 = arith.constant 0 : index
      %swap3A_234 = tpu.vector_load %arg9[%swap3A_233] {strides = array<i32>} : memref<128xi32, #tpu.memory_space<vmem>>, vector<16xi32>,
      %swap3A_235 = vector.shape_cast %swap3A_234 : vector<16xi32> to vector<16xi32>
      %swap3A_236 = vector.shape_cast %and3A_232 : vector<16xi32> to vector<16xi32>
      tpu.vector_store %arg9[%swap3A_233], %swap3A_236 {strides = array<i32>} : memref<128xi32, #tpu.memory_space<vmem>>, vector<16xi32>,
      %shift_right_arithmetic3A_237 = arith.constant 16 : i32
      %shift_right_arithmetic3A_238 = vector.broadcast %shift_right_arithmetic3A_237 : i32 to vector<16xi32>
      %shift_right_arithmetic3A_239 = arith.shrsi %get3A_229, %shift_right_arithmetic3A_238 : vector<16xi32>
      %swap3A_240 = arith.constant 16 : index
      %swap3A_241 = tpu.vector_load %arg9[%swap3A_240] {strides = array<i32>} : memref<128xi32, #tpu.memory_space<vmem>>, vector<16xi32>,
      %swap3A_242 = vector.shape_cast %swap3A_241 : vector<16xi32> to vector<16xi32>
      %swap3A_243 = vector.shape_cast %shift_right_arithmetic3A_239 : vector<16xi32> to vector<16xi32>
      tpu.vector_store %arg9[%swap3A_240], %swap3A_243 {strides = array<i32>} : memref<128xi32, #tpu.memory_space<vmem>>, vector<16xi32>,
      %mul3A_244 = arith.constant 64 : i32
      %mul3A_245 = arith.muli %select_n3A_221, %mul3A_244 : i32
      %add3A_246 = arith.constant 16 : i32
      %add3A_247 = arith.addi %mul3A_245, %add3A_246 : i32
      %get3A_248 = arith.index_cast %select_n3A_204 : i32 to index
      %get3A_249 = arith.index_cast %add3A_247 : i32 to index
      %get3A_250 = tpu.vector_load %arg7[%get3A_248, %get3A_249] {strides = array<i32>} : memref<72x128xi32, #tpu.memory_space<vmem>>, vector<1x16xi32>,
      %get3A_251 = vector.shape_cast %get3A_250 : vector<1x16xi32> to vector<16xi32>
      %and3A_252 = arith.constant 65535 : i32
      %and3A_253 = vector.broadcast %and3A_252 : i32 to vector<16xi32>
      %and3A_254 = arith.andi %get3A_251, %and3A_253 : vector<16xi32>
      %swap3A_255 = arith.constant 32 : index
      %swap3A_256 = tpu.vector_load %arg9[%swap3A_255] {strides = array<i32>} : memref<128xi32, #tpu.memory_space<vmem>>, vector<16xi32>,
      %swap3A_257 = vector.shape_cast %swap3A_256 : vector<16xi32> to vector<16xi32>
      %swap3A_258 = vector.shape_cast %and3A_254 : vector<16xi32> to vector<16xi32>
      tpu.vector_store %arg9[%swap3A_255], %swap3A_258 {strides = array<i32>} : memref<128xi32, #tpu.memory_space<vmem>>, vector<16xi32>,
      %shift_right_arithmetic3A_259 = arith.constant 16 : i32
      %shift_right_arithmetic3A_260 = vector.broadcast %shift_right_arithmetic3A_259 : i32 to vector<16xi32>
      %shift_right_arithmetic3A_261 = arith.shrsi %get3A_251, %shift_right_arithmetic3A_260 : vector<16xi32>
      %swap3A_262 = arith.constant 48 : index
      %swap3A_263 = tpu.vector_load %arg9[%swap3A_262] {strides = array<i32>} : memref<128xi32, #tpu.memory_space<vmem>>, vector<16xi32>,
      %swap3A_264 = vector.shape_cast %swap3A_263 : vector<16xi32> to vector<16xi32>
      %swap3A_265 = vector.shape_cast %shift_right_arithmetic3A_261 : vector<16xi32> to vector<16xi32>
      tpu.vector_store %arg9[%swap3A_262], %swap3A_265 {strides = array<i32>} : memref<128xi32, #tpu.memory_space<vmem>>, vector<16xi32>,
      %mul3A_266 = arith.constant 64 : i32
      %mul3A_267 = arith.muli %select_n3A_221, %mul3A_266 : i32
      %add3A_268 = arith.constant 32 : i32
      %add3A_269 = arith.addi %mul3A_267, %add3A_268 : i32
      %get3A_270 = arith.index_cast %select_n3A_204 : i32 to index
      %get3A_271 = arith.index_cast %add3A_269 : i32 to index
      %get3A_272 = tpu.vector_load %arg7[%get3A_270, %get3A_271] {strides = array<i32>} : memref<72x128xi32, #tpu.memory_space<vmem>>, vector<1x16xi32>,
      %get3A_273 = vector.shape_cast %get3A_272 : vector<1x16xi32> to vector<16xi32>
      %and3A_274 = arith.constant 65535 : i32
      %and3A_275 = vector.broadcast %and3A_274 : i32 to vector<16xi32>
      %and3A_276 = arith.andi %get3A_273, %and3A_275 : vector<16xi32>
      %swap3A_277 = arith.constant 64 : index
      %swap3A_278 = tpu.vector_load %arg9[%swap3A_277] {strides = array<i32>} : memref<128xi32, #tpu.memory_space<vmem>>, vector<16xi32>,
      %swap3A_279 = vector.shape_cast %swap3A_278 : vector<16xi32> to vector<16xi32>
      %swap3A_280 = vector.shape_cast %and3A_276 : vector<16xi32> to vector<16xi32>
      tpu.vector_store %arg9[%swap3A_277], %swap3A_280 {strides = array<i32>} : memref<128xi32, #tpu.memory_space<vmem>>, vector<16xi32>,
      %shift_right_arithmetic3A_281 = arith.constant 16 : i32
      %shift_right_arithmetic3A_282 = vector.broadcast %shift_right_arithmetic3A_281 : i32 to vector<16xi32>
      %shift_right_arithmetic3A_283 = arith.shrsi %get3A_273, %shift_right_arithmetic3A_282 : vector<16xi32>
      %swap3A_284 = arith.constant 80 : index
      %swap3A_285 = tpu.vector_load %arg9[%swap3A_284] {strides = array<i32>} : memref<128xi32, #tpu.memory_space<vmem>>, vector<16xi32>,
      %swap3A_286 = vector.shape_cast %swap3A_285 : vector<16xi32> to vector<16xi32>
      %swap3A_287 = vector.shape_cast %shift_right_arithmetic3A_283 : vector<16xi32> to vector<16xi32>
      tpu.vector_store %arg9[%swap3A_284], %swap3A_287 {strides = array<i32>} : memref<128xi32, #tpu.memory_space<vmem>>, vector<16xi32>,
      %mul3A_288 = arith.constant 64 : i32
      %mul3A_289 = arith.muli %select_n3A_221, %mul3A_288 : i32
      %add3A_290 = arith.constant 48 : i32
      %add3A_291 = arith.addi %mul3A_289, %add3A_290 : i32
      %get3A_292 = arith.index_cast %select_n3A_204 : i32 to index
      %get3A_293 = arith.index_cast %add3A_291 : i32 to index
      %get3A_294 = tpu.vector_load %arg7[%get3A_292, %get3A_293] {strides = array<i32>} : memref<72x128xi32, #tpu.memory_space<vmem>>, vector<1x16xi32>,
      %get3A_295 = vector.shape_cast %get3A_294 : vector<1x16xi32> to vector<16xi32>
      %and3A_296 = arith.constant 65535 : i32
      %and3A_297 = vector.broadcast %and3A_296 : i32 to vector<16xi32>
      %and3A_298 = arith.andi %get3A_295, %and3A_297 : vector<16xi32>
      %swap3A_299 = arith.constant 96 : index
      %swap3A_300 = tpu.vector_load %arg9[%swap3A_299] {strides = array<i32>} : memref<128xi32, #tpu.memory_space<vmem>>, vector<16xi32>,
      %swap3A_301 = vector.shape_cast %swap3A_300 : vector<16xi32> to vector<16xi32>
      %swap3A_302 = vector.shape_cast %and3A_298 : vector<16xi32> to vector<16xi32>
      tpu.vector_store %arg9[%swap3A_299], %swap3A_302 {strides = array<i32>} : memref<128xi32, #tpu.memory_space<vmem>>, vector<16xi32>,
      %shift_right_arithmetic3A_303 = arith.constant 16 : i32
      %shift_right_arithmetic3A_304 = vector.broadcast %shift_right_arithmetic3A_303 : i32 to vector<16xi32>
      %shift_right_arithmetic3A_305 = arith.shrsi %get3A_295, %shift_right_arithmetic3A_304 : vector<16xi32>
      %swap3A_306 = arith.constant 112 : index
      %swap3A_307 = tpu.vector_load %arg9[%swap3A_306] {strides = array<i32>} : memref<128xi32, #tpu.memory_space<vmem>>, vector<16xi32>,
      %swap3A_308 = vector.shape_cast %swap3A_307 : vector<16xi32> to vector<16xi32>
      %swap3A_309 = vector.shape_cast %shift_right_arithmetic3A_305 : vector<16xi32> to vector<16xi32>
      tpu.vector_store %arg9[%swap3A_306], %swap3A_309 {strides = array<i32>} : memref<128xi32, #tpu.memory_space<vmem>>, vector<16xi32>,
      "tpu.region"() ({
        %run_scoped3A = tpu.sem_alloc : memref<!tpu.dma_semaphore, #tpu.memory_space<semaphore_mem>>
        %dma_start3A_442 = arith.constant 0 : i32
        %dma_start3A_443 = arith.constant 0 : i32
        %dma_start3A_444 = tpu.memref_slice %arg12[%dma_start3A_442, %dma_start3A_443] : memref<10112x128xf32, #tpu.memory_space<vmem_shared>> -> memref<10112x128xf32, #tpu.memory_space<vmem_shared>>
        tpu.enqueue_indirect_dma source(%arg11 : memref<128x128xf32, #tpu.memory_space<vmem>>) target(%dma_start3A_444 : memref<10112x128xf32, #tpu.memory_space<vmem_shared>>) offsets(%arg10 : memref<128xi32, #tpu.memory_space<vmem>>) semaphore(%run_scoped3A : memref<!tpu.dma_semaphore, #tpu.memory_space<semaphore_mem>>) {add = true}
        %dma_wait3A_445 = arith.constant 0 : i32
        %dma_wait3A_446 = arith.constant 0 : i32
        %dma_wait3A_447 = tpu.memref_slice %arg12[%dma_wait3A_445, %dma_wait3A_446] : memref<10112x128xf32, #tpu.memory_space<vmem_shared>> -> memref<10112x128xf32, #tpu.memory_space<vmem_shared>>
        tpu.wait_indirect_dma semaphore(%run_scoped3A : memref<!tpu.dma_semaphore, #tpu.memory_space<semaphore_mem>>) src(%arg11 : memref<128x128xf32, #tpu.memory_space<vmem>>) dst(%dma_wait3A_447 : memref<10112x128xf32, #tpu.memory_space<vmem_shared>>)
        tpu.yield
      }) : () -> ()
      %add3A_310 = arith.constant 0 : i32
      %add3A_311 = arith.addi %mul3A_177, %add3A_310 : i32
      %jit3A_312 = arith.constant 2 : i32
      %div3A_313 = arith.divsi %add3A_311, %jit3A_312 : i32
      %sign3A_314 = arith.constant 0 : i32
      %sign3A_315 = arith.cmpi sgt, %add3A_311, %sign3A_314 : i32
      %sign3A_316 = arith.extui %sign3A_315 : i1 to i32
      %sign3A_317 = arith.constant 0 : i32
      %sign3A_318 = arith.cmpi slt, %add3A_311, %sign3A_317 : i32
      %sign3A_319 = arith.extui %sign3A_318 : i1 to i32
      %sign3A_320 = arith.subi %sign3A_316, %sign3A_319 : i32
      %sign3A_321 = arith.constant 0 : i32
      %sign3A_322 = arith.cmpi sgt, %jit3A_312, %sign3A_321 : i32
      %sign3A_323 = arith.extui %sign3A_322 : i1 to i32
      %sign3A_324 = arith.constant 0 : i32
      %sign3A_325 = arith.cmpi slt, %jit3A_312, %sign3A_324 : i32
      %sign3A_326 = arith.extui %sign3A_325 : i1 to i32
      %sign3A_327 = arith.subi %sign3A_323, %sign3A_326 : i32
      %ne3A_328 = arith.cmpi ne, %sign3A_320, %sign3A_327 : i32
      %rem3A_329 = arith.remsi %add3A_311, %jit3A_312 : i32
      %ne3A_330 = arith.constant 0 : i32
      %ne3A_331 = arith.cmpi ne, %rem3A_329, %ne3A_330 : i32
      %and3A_332 = arith.andi %ne3A_328, %ne3A_331 : i1
      %sub3A_333 = arith.constant 1 : i32
      %sub3A_334 = arith.subi %div3A_313, %sub3A_333 : i32
      %select_n3A_335 = arith.select %and3A_332, %sub3A_334, %div3A_313 : i32
      %add3A_336 = arith.constant 0 : i32
      %add3A_337 = arith.addi %mul3A_177, %add3A_336 : i32
      %jit3A_338 = arith.constant 2 : i32
      %eq3A_339 = arith.constant 0 : i32
      %eq3A_340 = arith.cmpi eq, %jit3A_338, %eq3A_339 : i32
      %jit3A_341 = arith.constant 1 : i32
      %select_n3A_342 = arith.select %eq3A_340, %jit3A_341, %jit3A_338 : i32
      %rem3A_343 = arith.remsi %add3A_337, %select_n3A_342 : i32
      %ne3A_344 = arith.constant 0 : i32
      %ne3A_345 = arith.cmpi ne, %rem3A_343, %ne3A_344 : i32
      %lt3A_346 = arith.constant 0 : i32
      %lt3A_347 = arith.cmpi slt, %rem3A_343, %lt3A_346 : i32
      %lt3A_348 = arith.constant 0 : i32
      %lt3A_349 = arith.cmpi slt, %select_n3A_342, %lt3A_348 : i32
      %ne3A_350 = arith.xori %lt3A_347, %lt3A_349 : i1
      %and3A_351 = arith.andi %ne3A_350, %ne3A_345 : i1
      %add3A_352 = arith.addi %rem3A_343, %select_n3A_342 : i32
      %select_n3A_353 = arith.select %and3A_351, %add3A_352, %rem3A_343 : i32
      %mul3A_354 = arith.constant 64 : i32
      %mul3A_355 = arith.muli %select_n3A_353, %mul3A_354 : i32
      %add3A_356 = arith.constant 0 : i32
      %add3A_357 = arith.addi %mul3A_355, %add3A_356 : i32
      %get3A_358 = arith.index_cast %select_n3A_335 : i32 to index
      %get3A_359 = arith.index_cast %add3A_357 : i32 to index
      %get3A_360 = tpu.vector_load %arg8[%get3A_358, %get3A_359] {strides = array<i32>} : memref<72x128xi32, #tpu.memory_space<vmem>>, vector<1x16xi32>,
      %get3A_361 = vector.shape_cast %get3A_360 : vector<1x16xi32> to vector<16xi32>
      %and3A_362 = arith.constant 65535 : i32
      %and3A_363 = vector.broadcast %and3A_362 : i32 to vector<16xi32>
      %and3A_364 = arith.andi %get3A_361, %and3A_363 : vector<16xi32>
      %swap3A_365 = arith.constant 0 : index
      %swap3A_366 = tpu.vector_load %arg10[%swap3A_365] {strides = array<i32>} : memref<128xi32, #tpu.memory_space<vmem>>, vector<16xi32>,
      %swap3A_367 = vector.shape_cast %swap3A_366 : vector<16xi32> to vector<16xi32>
      %swap3A_368 = vector.shape_cast %and3A_364 : vector<16xi32> to vector<16xi32>
      tpu.vector_store %arg10[%swap3A_365], %swap3A_368 {strides = array<i32>} : memref<128xi32, #tpu.memory_space<vmem>>, vector<16xi32>,
      %shift_right_arithmetic3A_369 = arith.constant 16 : i32
      %shift_right_arithmetic3A_370 = vector.broadcast %shift_right_arithmetic3A_369 : i32 to vector<16xi32>
      %shift_right_arithmetic3A_371 = arith.shrsi %get3A_361, %shift_right_arithmetic3A_370 : vector<16xi32>
      %swap3A_372 = arith.constant 16 : index
      %swap3A_373 = tpu.vector_load %arg10[%swap3A_372] {strides = array<i32>} : memref<128xi32, #tpu.memory_space<vmem>>, vector<16xi32>,
      %swap3A_374 = vector.shape_cast %swap3A_373 : vector<16xi32> to vector<16xi32>
      %swap3A_375 = vector.shape_cast %shift_right_arithmetic3A_371 : vector<16xi32> to vector<16xi32>
      tpu.vector_store %arg10[%swap3A_372], %swap3A_375 {strides = array<i32>} : memref<128xi32, #tpu.memory_space<vmem>>, vector<16xi32>,
      %mul3A_376 = arith.constant 64 : i32
      %mul3A_377 = arith.muli %select_n3A_353, %mul3A_376 : i32
      %add3A_378 = arith.constant 16 : i32
      %add3A_379 = arith.addi %mul3A_377, %add3A_378 : i32
      %get3A_380 = arith.index_cast %select_n3A_335 : i32 to index
      %get3A_381 = arith.index_cast %add3A_379 : i32 to index
      %get3A_382 = tpu.vector_load %arg8[%get3A_380, %get3A_381] {strides = array<i32>} : memref<72x128xi32, #tpu.memory_space<vmem>>, vector<1x16xi32>,
      %get3A_383 = vector.shape_cast %get3A_382 : vector<1x16xi32> to vector<16xi32>
      %and3A_384 = arith.constant 65535 : i32
      %and3A_385 = vector.broadcast %and3A_384 : i32 to vector<16xi32>
      %and3A_386 = arith.andi %get3A_383, %and3A_385 : vector<16xi32>
      %swap3A_387 = arith.constant 32 : index
      %swap3A_388 = tpu.vector_load %arg10[%swap3A_387] {strides = array<i32>} : memref<128xi32, #tpu.memory_space<vmem>>, vector<16xi32>,
      %swap3A_389 = vector.shape_cast %swap3A_388 : vector<16xi32> to vector<16xi32>
      %swap3A_390 = vector.shape_cast %and3A_386 : vector<16xi32> to vector<16xi32>
      tpu.vector_store %arg10[%swap3A_387], %swap3A_390 {strides = array<i32>} : memref<128xi32, #tpu.memory_space<vmem>>, vector<16xi32>,
      %shift_right_arithmetic3A_391 = arith.constant 16 : i32
      %shift_right_arithmetic3A_392 = vector.broadcast %shift_right_arithmetic3A_391 : i32 to vector<16xi32>
      %shift_right_arithmetic3A_393 = arith.shrsi %get3A_383, %shift_right_arithmetic3A_392 : vector<16xi32>
      %swap3A_394 = arith.constant 48 : index
      %swap3A_395 = tpu.vector_load %arg10[%swap3A_394] {strides = array<i32>} : memref<128xi32, #tpu.memory_space<vmem>>, vector<16xi32>,
      %swap3A_396 = vector.shape_cast %swap3A_395 : vector<16xi32> to vector<16xi32>
      %swap3A_397 = vector.shape_cast %shift_right_arithmetic3A_393 : vector<16xi32> to vector<16xi32>
      tpu.vector_store %arg10[%swap3A_394], %swap3A_397 {strides = array<i32>} : memref<128xi32, #tpu.memory_space<vmem>>, vector<16xi32>,
      %mul3A_398 = arith.constant 64 : i32
      %mul3A_399 = arith.muli %select_n3A_353, %mul3A_398 : i32
      %add3A_400 = arith.constant 32 : i32
      %add3A_401 = arith.addi %mul3A_399, %add3A_400 : i32
      %get3A_402 = arith.index_cast %select_n3A_335 : i32 to index
      %get3A_403 = arith.index_cast %add3A_401 : i32 to index
      %get3A_404 = tpu.vector_load %arg8[%get3A_402, %get3A_403] {strides = array<i32>} : memref<72x128xi32, #tpu.memory_space<vmem>>, vector<1x16xi32>,
      %get3A_405 = vector.shape_cast %get3A_404 : vector<1x16xi32> to vector<16xi32>
      %and3A_406 = arith.constant 65535 : i32
      %and3A_407 = vector.broadcast %and3A_406 : i32 to vector<16xi32>
      %and3A_408 = arith.andi %get3A_405, %and3A_407 : vector<16xi32>
      %swap3A_409 = arith.constant 64 : index
      %swap3A_410 = tpu.vector_load %arg10[%swap3A_409] {strides = array<i32>} : memref<128xi32, #tpu.memory_space<vmem>>, vector<16xi32>,
      %swap3A_411 = vector.shape_cast %swap3A_410 : vector<16xi32> to vector<16xi32>
      %swap3A_412 = vector.shape_cast %and3A_408 : vector<16xi32> to vector<16xi32>
      tpu.vector_store %arg10[%swap3A_409], %swap3A_412 {strides = array<i32>} : memref<128xi32, #tpu.memory_space<vmem>>, vector<16xi32>,
      %shift_right_arithmetic3A_413 = arith.constant 16 : i32
      %shift_right_arithmetic3A_414 = vector.broadcast %shift_right_arithmetic3A_413 : i32 to vector<16xi32>
      %shift_right_arithmetic3A_415 = arith.shrsi %get3A_405, %shift_right_arithmetic3A_414 : vector<16xi32>
      %swap3A_416 = arith.constant 80 : index
      %swap3A_417 = tpu.vector_load %arg10[%swap3A_416] {strides = array<i32>} : memref<128xi32, #tpu.memory_space<vmem>>, vector<16xi32>,
      %swap3A_418 = vector.shape_cast %swap3A_417 : vector<16xi32> to vector<16xi32>
      %swap3A_419 = vector.shape_cast %shift_right_arithmetic3A_415 : vector<16xi32> to vector<16xi32>
      tpu.vector_store %arg10[%swap3A_416], %swap3A_419 {strides = array<i32>} : memref<128xi32, #tpu.memory_space<vmem>>, vector<16xi32>,
      %mul3A_420 = arith.constant 64 : i32
      %mul3A_421 = arith.muli %select_n3A_353, %mul3A_420 : i32
      %add3A_422 = arith.constant 48 : i32
      %add3A_423 = arith.addi %mul3A_421, %add3A_422 : i32
      %get3A_424 = arith.index_cast %select_n3A_335 : i32 to index
      %get3A_425 = arith.index_cast %add3A_423 : i32 to index
      %get3A_426 = tpu.vector_load %arg8[%get3A_424, %get3A_425] {strides = array<i32>} : memref<72x128xi32, #tpu.memory_space<vmem>>, vector<1x16xi32>,
      %get3A_427 = vector.shape_cast %get3A_426 : vector<1x16xi32> to vector<16xi32>
      %and3A_428 = arith.constant 65535 : i32
      %and3A_429 = vector.broadcast %and3A_428 : i32 to vector<16xi32>
      %and3A_430 = arith.andi %get3A_427, %and3A_429 : vector<16xi32>
      %swap3A_431 = arith.constant 96 : index
      %swap3A_432 = tpu.vector_load %arg10[%swap3A_431] {strides = array<i32>} : memref<128xi32, #tpu.memory_space<vmem>>, vector<16xi32>,
      %swap3A_433 = vector.shape_cast %swap3A_432 : vector<16xi32> to vector<16xi32>
      %swap3A_434 = vector.shape_cast %and3A_430 : vector<16xi32> to vector<16xi32>
      tpu.vector_store %arg10[%swap3A_431], %swap3A_434 {strides = array<i32>} : memref<128xi32, #tpu.memory_space<vmem>>, vector<16xi32>,
      %shift_right_arithmetic3A_435 = arith.constant 16 : i32
      %shift_right_arithmetic3A_436 = vector.broadcast %shift_right_arithmetic3A_435 : i32 to vector<16xi32>
      %shift_right_arithmetic3A_437 = arith.shrsi %get3A_427, %shift_right_arithmetic3A_436 : vector<16xi32>
      %swap3A_438 = arith.constant 112 : index
      %swap3A_439 = tpu.vector_load %arg10[%swap3A_438] {strides = array<i32>} : memref<128xi32, #tpu.memory_space<vmem>>, vector<16xi32>,
      %swap3A_440 = vector.shape_cast %swap3A_439 : vector<16xi32> to vector<16xi32>
      %swap3A_441 = vector.shape_cast %shift_right_arithmetic3A_437 : vector<16xi32> to vector<16xi32>
      tpu.vector_store %arg10[%swap3A_438], %swap3A_441 {strides = array<i32>} : memref<128xi32, #tpu.memory_space<vmem>>, vector<16xi32>,
    }
    %dma_start3A = arith.constant 0 : i32
    %dma_start3A_164 = arith.constant 0 : i32
    %dma_start3A_165 = tpu.memref_slice %arg2[%dma_start3A, %dma_start3A_164] : memref<10000x128xf32, #tpu.memory_space<hbm>> -> memref<10000x128xf32, #tpu.memory_space<hbm>>
    tpu.enqueue_indirect_dma source(%dma_start3A_165 : memref<10000x128xf32, #tpu.memory_space<hbm>>) target(%arg11 : memref<128x128xf32, #tpu.memory_space<vmem>>) offsets(%arg9 : memref<128xi32, #tpu.memory_space<vmem>>) semaphore(%arg13 : memref<!tpu.dma_semaphore, #tpu.memory_space<semaphore_mem>>)
    %dma_wait3A = arith.constant 0 : i32
    %dma_wait3A_166 = arith.constant 0 : i32
    %dma_wait3A_167 = tpu.memref_slice %arg2[%dma_wait3A, %dma_wait3A_166] : memref<10000x128xf32, #tpu.memory_space<hbm>> -> memref<10000x128xf32, #tpu.memory_space<hbm>>
    tpu.wait_indirect_dma semaphore(%arg13 : memref<!tpu.dma_semaphore, #tpu.memory_space<semaphore_mem>>) src(%dma_wait3A_167 : memref<10000x128xf32, #tpu.memory_space<hbm>>) dst(%arg11 : memref<128x128xf32, #tpu.memory_space<vmem>>)
    "tpu.region"() ({
      %run_scoped3A = tpu.sem_alloc : memref<!tpu.dma_semaphore, #tpu.memory_space<semaphore_mem>>
      %dma_start3A_173 = arith.constant 0 : i32
      %dma_start3A_174 = arith.constant 0 : i32
      %dma_start3A_175 = tpu.memref_slice %arg12[%dma_start3A_173, %dma_start3A_174] : memref<10112x128xf32, #tpu.memory_space<vmem_shared>> -> memref<10112x128xf32, #tpu.memory_space<vmem_shared>>
      tpu.enqueue_indirect_dma source(%arg11 : memref<128x128xf32, #tpu.memory_space<vmem>>) target(%dma_start3A_175 : memref<10112x128xf32, #tpu.memory_space<vmem_shared>>) offsets(%arg10 : memref<128xi32, #tpu.memory_space<vmem>>) semaphore(%run_scoped3A : memref<!tpu.dma_semaphore, #tpu.memory_space<semaphore_mem>>) {add = true}
      %dma_wait3A_176 = arith.constant 0 : i32
      %dma_wait3A_177 = arith.constant 0 : i32
      %dma_wait3A_178 = tpu.memref_slice %arg12[%dma_wait3A_176, %dma_wait3A_177] : memref<10112x128xf32, #tpu.memory_space<vmem_shared>> -> memref<10112x128xf32, #tpu.memory_space<vmem_shared>>
      tpu.wait_indirect_dma semaphore(%run_scoped3A : memref<!tpu.dma_semaphore, #tpu.memory_space<semaphore_mem>>) src(%arg11 : memref<128x128xf32, #tpu.memory_space<vmem>>) dst(%dma_wait3A_178 : memref<10112x128xf32, #tpu.memory_space<vmem_shared>>)
      tpu.yield
    }) : () -> ()
    %barrier3A_168 = arith.constant 0 : index
    tpu.barrier barrier_id(%barrier3A_168)
    %mul3A_169 = arith.constant 632 : i32
    %mul3A_170 = arith.muli %arg1, %mul3A_169 : i32
    %mul3A_171 = arith.constant 632 : i32
    %mul3A_172 = arith.muli %arg1, %mul3A_171 : i32
    "tpu.region"() ({
      %run_scoped3A = tpu.sem_alloc : memref<!tpu.dma_semaphore, #tpu.memory_space<semaphore_mem>>
      %dma_start3A_173 = arith.constant 0 : i32
      %dma_start3A_174 = tpu.memref_slice %arg6[%arg0, %mul3A_172, %dma_start3A_173] : memref<2x10112x128xf32, #tpu.memory_space<hbm>> -> memref<1x632x128xf32, #tpu.memory_space<hbm>>
      %dma_start3A_175 = tpu.memref_squeeze %dma_start3A_174 : memref<1x632x128xf32, #tpu.memory_space<hbm>> -> memref<632x128xf32, #tpu.memory_space<hbm>>
      %dma_start3A_176 = arith.constant 0 : i32
      %dma_start3A_177 = tpu.memref_slice %arg12[%mul3A_170, %dma_start3A_176] : memref<10112x128xf32, #tpu.memory_space<vmem_shared>> -> memref<632x128xf32, #tpu.memory_space<vmem_shared>>
      tpu.enqueue_dma source(%dma_start3A_177 : memref<632x128xf32, #tpu.memory_space<vmem_shared>>) target(%dma_start3A_175 : memref<632x128xf32, #tpu.memory_space<hbm>>) target_semaphore(%run_scoped3A : memref<!tpu.dma_semaphore, #tpu.memory_space<semaphore_mem>>)
      %dma_wait3A_178 = arith.constant 0 : i32
      %dma_wait3A_179 = tpu.memref_slice %arg6[%arg0, %mul3A_172, %dma_wait3A_178] : memref<2x10112x128xf32, #tpu.memory_space<hbm>> -> memref<1x632x128xf32, #tpu.memory_space<hbm>>
      %dma_wait3A_180 = tpu.memref_squeeze %dma_wait3A_179 : memref<1x632x128xf32, #tpu.memory_space<hbm>> -> memref<632x128xf32, #tpu.memory_space<hbm>>
      %dma_wait3A_181 = arith.constant 0 : i32
      %dma_wait3A_182 = tpu.memref_slice %arg12[%mul3A_170, %dma_wait3A_181] : memref<10112x128xf32, #tpu.memory_space<vmem_shared>> -> memref<632x128xf32, #tpu.memory_space<vmem_shared>>
      tpu.wait_dma2 semaphore(%run_scoped3A : memref<!tpu.dma_semaphore, #tpu.memory_space<semaphore_mem>>) src(%dma_wait3A_182 : memref<632x128xf32, #tpu.memory_space<vmem_shared>>) dst(%dma_wait3A_180 : memref<632x128xf32, #tpu.memory_space<hbm>>)
      tpu.yield
    }) : () -> ()
    return
  }
}

module attributes {stable_mosaic.version = 14 : i64} {
  func.func @_sn_prep_body(%arg0: memref<6x128x128xf32, #tpu.memory_space<vmem>>, %arg1: memref<6x128x128xf32, #tpu.memory_space<vmem>>) attributes {dimension_semantics = [], scalar_prefetch = 0 : i64, scratch_operands = 0 : i64, tpu.core_type = #tpu.core_type<tc>} {
    %get3A = arith.constant 0 : index
    %get3A_0 = arith.constant 0 : index
    %get3A_1 = arith.constant 0 : index
    %get3A_2 = vector.load %arg0[%get3A, %get3A_0, %get3A_1] : memref<6x128x128xf32, #tpu.memory_space<vmem>>, vector<1x128x128xf32>
    %get3A_3 = vector.shape_cast %get3A_2 : vector<1x128x128xf32> to vector<128x128xf32>
    %sqrt3A = arith.constant 1.280000e+02 : f32
    %sqrt3A_4 = math.sqrt %sqrt3A : f32
    %div3A = arith.constant 1.000000e+00 : f32
    %div3A_5 = arith.divf %div3A, %sqrt3A_4 : f32
    %broadcast_in_dim3A = vector.broadcast %div3A_5 : f32 to vector<1x128xf32>
    %dot_general3A = arith.constant dense<0.000000e+00> : vector<1x128xf32>
    %dot_general3A_6 = tpu.matmul %broadcast_in_dim3A, %get3A_3, %dot_general3A {dimension_numbers = #tpu.dot_dimension_numbers<[1], [0], [0], [1], [0, 0, 1, 1], [], []>, transpose_lhs_hint = false} : vector<1x128xf32>, vector<128x128xf32>, vector<1x128xf32> -> vector<1x128xf32>
    %mul3A = arith.mulf %dot_general3A_6, %dot_general3A_6 : vector<1x128xf32>
    %reduce_sum3A = vector.shape_cast %mul3A : vector<1x128xf32> to vector<1x1x128xf32>
    %reduce_sum3A_7 = arith.constant dense<0.000000e+00> : vector<1xf32>
    %reduce_sum3A_8 = vector.multi_reduction <add>, %reduce_sum3A, %reduce_sum3A_7 [1, 2] : vector<1x1x128xf32> to vector<1xf32>
    %reduce_sum3A_9 = vector.shape_cast %reduce_sum3A_8 : vector<1xf32> to vector<1x1x1xf32>
    %reduce_sum3A_10 = vector.extract %reduce_sum3A_9[0, 0, 0] : f32 from vector<1x1x1xf32>
    %sqrt3A_11 = math.sqrt %reduce_sum3A_10 : f32
    %add3A = arith.constant 9.99999996E-13 : f32
    %add3A_12 = arith.addf %sqrt3A_11, %add3A : f32
    %div3A_13 = vector.broadcast %add3A_12 : f32 to vector<1x128xf32>
    %div3A_14 = arith.divf %dot_general3A_6, %div3A_13 : vector<1x128xf32>
    %dot_general3A_15 = arith.constant dense<0.000000e+00> : vector<1x128xf32>
    %dot_general3A_16 = tpu.matmul %div3A_14, %get3A_3, %dot_general3A_15 {dimension_numbers = #tpu.dot_dimension_numbers<[1], [1], [0], [0], [0, 0, 1, 0], [], []>, transpose_lhs_hint = false} : vector<1x128xf32>, vector<128x128xf32>, vector<1x128xf32> -> vector<1x128xf32>
    %mul3A_17 = arith.mulf %dot_general3A_16, %dot_general3A_16 : vector<1x128xf32>
    %reduce_sum3A_18 = vector.shape_cast %mul3A_17 : vector<1x128xf32> to vector<1x1x128xf32>
    %reduce_sum3A_19 = arith.constant dense<0.000000e+00> : vector<1xf32>
    %reduce_sum3A_20 = vector.multi_reduction <add>, %reduce_sum3A_18, %reduce_sum3A_19 [1, 2] : vector<1x1x128xf32> to vector<1xf32>
    %reduce_sum3A_21 = vector.shape_cast %reduce_sum3A_20 : vector<1xf32> to vector<1x1x1xf32>
    %reduce_sum3A_22 = vector.extract %reduce_sum3A_21[0, 0, 0] : f32 from vector<1x1x1xf32>
    %sqrt3A_23 = math.sqrt %reduce_sum3A_22 : f32
    %add3A_24 = arith.constant 9.99999996E-13 : f32
    %add3A_25 = arith.addf %sqrt3A_23, %add3A_24 : f32
    %div3A_26 = vector.broadcast %add3A_25 : f32 to vector<1x128xf32>
    %div3A_27 = arith.divf %dot_general3A_16, %div3A_26 : vector<1x128xf32>
    %dot_general3A_28 = arith.constant dense<0.000000e+00> : vector<1x128xf32>
    %dot_general3A_29 = tpu.matmul %div3A_27, %get3A_3, %dot_general3A_28 {dimension_numbers = #tpu.dot_dimension_numbers<[1], [0], [0], [1], [0, 0, 1, 1], [], []>, transpose_lhs_hint = false} : vector<1x128xf32>, vector<128x128xf32>, vector<1x128xf32> -> vector<1x128xf32>
    %mul3A_30 = arith.mulf %dot_general3A_29, %dot_general3A_29 : vector<1x128xf32>
    %reduce_sum3A_31 = vector.shape_cast %mul3A_30 : vector<1x128xf32> to vector<1x1x128xf32>
    %reduce_sum3A_32 = arith.constant dense<0.000000e+00> : vector<1xf32>
    %reduce_sum3A_33 = vector.multi_reduction <add>, %reduce_sum3A_31, %reduce_sum3A_32 [1, 2] : vector<1x1x128xf32> to vector<1xf32>
    %reduce_sum3A_34 = vector.shape_cast %reduce_sum3A_33 : vector<1xf32> to vector<1x1x1xf32>
    %reduce_sum3A_35 = vector.extract %reduce_sum3A_34[0, 0, 0] : f32 from vector<1x1x1xf32>
    %sqrt3A_36 = math.sqrt %reduce_sum3A_35 : f32
    %add3A_37 = arith.constant 9.99999996E-13 : f32
    %add3A_38 = arith.addf %sqrt3A_36, %add3A_37 : f32
    %div3A_39 = vector.broadcast %add3A_38 : f32 to vector<1x128xf32>
    %div3A_40 = arith.divf %dot_general3A_29, %div3A_39 : vector<1x128xf32>
    %dot_general3A_41 = arith.constant dense<0.000000e+00> : vector<1x128xf32>
    %dot_general3A_42 = tpu.matmul %div3A_40, %get3A_3, %dot_general3A_41 {dimension_numbers = #tpu.dot_dimension_numbers<[1], [1], [0], [0], [0, 0, 1, 0], [], []>, transpose_lhs_hint = false} : vector<1x128xf32>, vector<128x128xf32>, vector<1x128xf32> -> vector<1x128xf32>
    %mul3A_43 = arith.mulf %dot_general3A_42, %dot_general3A_42 : vector<1x128xf32>
    %reduce_sum3A_44 = vector.shape_cast %mul3A_43 : vector<1x128xf32> to vector<1x1x128xf32>
    %reduce_sum3A_45 = arith.constant dense<0.000000e+00> : vector<1xf32>
    %reduce_sum3A_46 = vector.multi_reduction <add>, %reduce_sum3A_44, %reduce_sum3A_45 [1, 2] : vector<1x1x128xf32> to vector<1xf32>
    %reduce_sum3A_47 = vector.shape_cast %reduce_sum3A_46 : vector<1xf32> to vector<1x1x1xf32>
    %reduce_sum3A_48 = vector.extract %reduce_sum3A_47[0, 0, 0] : f32 from vector<1x1x1xf32>
    %sqrt3A_49 = math.sqrt %reduce_sum3A_48 : f32
    %add3A_50 = arith.constant 9.99999996E-13 : f32
    %add3A_51 = arith.addf %sqrt3A_49, %add3A_50 : f32
    %div3A_52 = vector.broadcast %add3A_51 : f32 to vector<1x128xf32>
    %div3A_53 = arith.divf %dot_general3A_42, %div3A_52 : vector<1x128xf32>
    %dot_general3A_54 = arith.constant dense<0.000000e+00> : vector<1x128xf32>
    %dot_general3A_55 = tpu.matmul %div3A_53, %get3A_3, %dot_general3A_54 {dimension_numbers = #tpu.dot_dimension_numbers<[1], [0], [0], [1], [0, 0, 1, 1], [], []>, transpose_lhs_hint = false} : vector<1x128xf32>, vector<128x128xf32>, vector<1x128xf32> -> vector<1x128xf32>
    %mul3A_56 = arith.mulf %dot_general3A_55, %dot_general3A_55 : vector<1x128xf32>
    %reduce_sum3A_57 = vector.shape_cast %mul3A_56 : vector<1x128xf32> to vector<1x1x128xf32>
    %reduce_sum3A_58 = arith.constant dense<0.000000e+00> : vector<1xf32>
    %reduce_sum3A_59 = vector.multi_reduction <add>, %reduce_sum3A_57, %reduce_sum3A_58 [1, 2] : vector<1x1x128xf32> to vector<1xf32>
    %reduce_sum3A_60 = vector.shape_cast %reduce_sum3A_59 : vector<1xf32> to vector<1x1x1xf32>
    %reduce_sum3A_61 = vector.extract %reduce_sum3A_60[0, 0, 0] : f32 from vector<1x1x1xf32>
    %sqrt3A_62 = math.sqrt %reduce_sum3A_61 : f32
    %add3A_63 = arith.constant 9.99999996E-13 : f32
    %add3A_64 = arith.addf %sqrt3A_62, %add3A_63 : f32
    %div3A_65 = vector.broadcast %add3A_64 : f32 to vector<1x128xf32>
    %div3A_66 = arith.divf %dot_general3A_55, %div3A_65 : vector<1x128xf32>
    %dot_general3A_67 = arith.constant dense<0.000000e+00> : vector<1x128xf32>
    %dot_general3A_68 = tpu.matmul %div3A_66, %get3A_3, %dot_general3A_67 {dimension_numbers = #tpu.dot_dimension_numbers<[1], [1], [0], [0], [0, 0, 1, 0], [], []>, transpose_lhs_hint = false} : vector<1x128xf32>, vector<128x128xf32>, vector<1x128xf32> -> vector<1x128xf32>
    %mul3A_69 = arith.mulf %dot_general3A_68, %dot_general3A_68 : vector<1x128xf32>
    %reduce_sum3A_70 = vector.shape_cast %mul3A_69 : vector<1x128xf32> to vector<1x1x128xf32>
    %reduce_sum3A_71 = arith.constant dense<0.000000e+00> : vector<1xf32>
    %reduce_sum3A_72 = vector.multi_reduction <add>, %reduce_sum3A_70, %reduce_sum3A_71 [1, 2] : vector<1x1x128xf32> to vector<1xf32>
    %reduce_sum3A_73 = vector.shape_cast %reduce_sum3A_72 : vector<1xf32> to vector<1x1x1xf32>
    %reduce_sum3A_74 = vector.extract %reduce_sum3A_73[0, 0, 0] : f32 from vector<1x1x1xf32>
    %sqrt3A_75 = math.sqrt %reduce_sum3A_74 : f32
    %add3A_76 = arith.constant 9.99999996E-13 : f32
    %add3A_77 = arith.addf %sqrt3A_75, %add3A_76 : f32
    %div3A_78 = vector.broadcast %add3A_77 : f32 to vector<1x128xf32>
    %div3A_79 = arith.divf %dot_general3A_68, %div3A_78 : vector<1x128xf32>
    %dot_general3A_80 = arith.constant dense<0.000000e+00> : vector<1x128xf32>
    %dot_general3A_81 = tpu.matmul %div3A_66, %get3A_3, %dot_general3A_80 {dimension_numbers = #tpu.dot_dimension_numbers<[1], [1], [0], [0], [0, 0, 1, 0], [], []>, transpose_lhs_hint = false} : vector<1x128xf32>, vector<128x128xf32>, vector<1x128xf32> -> vector<1x128xf32>
    %mul3A_82 = arith.mulf %div3A_79, %dot_general3A_81 : vector<1x128xf32>
    %reduce_sum3A_83 = vector.shape_cast %mul3A_82 : vector<1x128xf32> to vector<1x1x128xf32>
    %reduce_sum3A_84 = arith.constant dense<0.000000e+00> : vector<1xf32>
    %reduce_sum3A_85 = vector.multi_reduction <add>, %reduce_sum3A_83, %reduce_sum3A_84 [1, 2] : vector<1x1x128xf32> to vector<1xf32>
    %reduce_sum3A_86 = vector.shape_cast %reduce_sum3A_85 : vector<1xf32> to vector<1x1x1xf32>
    %reduce_sum3A_87 = vector.extract %reduce_sum3A_86[0, 0, 0] : f32 from vector<1x1x1xf32>
    %div3A_88 = vector.broadcast %reduce_sum3A_87 : f32 to vector<128x128xf32>
    %div3A_89 = arith.divf %get3A_3, %div3A_88 : vector<128x128xf32>
    %swap3A = arith.constant 0 : index
    %swap3A_90 = arith.constant 0 : index
    %swap3A_91 = arith.constant 0 : index
    %swap3A_92 = vector.load %arg1[%swap3A, %swap3A_90, %swap3A_91] : memref<6x128x128xf32, #tpu.memory_space<vmem>>, vector<1x128x128xf32>
    %swap3A_93 = vector.shape_cast %swap3A_92 : vector<1x128x128xf32> to vector<128x128xf32>
    %swap3A_94 = vector.shape_cast %div3A_89 : vector<128x128xf32> to vector<1x128x128xf32>
    tpu.vector_store %arg1[%swap3A, %swap3A_90, %swap3A_91], %swap3A_94 {strides = array<i32>} : memref<6x128x128xf32, #tpu.memory_space<vmem>>, vector<1x128x128xf32>,
    %get3A_95 = arith.constant 1 : index
    %get3A_96 = arith.constant 0 : index
    %get3A_97 = arith.constant 0 : index
    %get3A_98 = vector.load %arg0[%get3A_95, %get3A_96, %get3A_97] : memref<6x128x128xf32, #tpu.memory_space<vmem>>, vector<1x128x128xf32>
    %get3A_99 = vector.shape_cast %get3A_98 : vector<1x128x128xf32> to vector<128x128xf32>
    %sqrt3A_100 = arith.constant 1.280000e+02 : f32
    %sqrt3A_101 = math.sqrt %sqrt3A_100 : f32
    %div3A_102 = arith.constant 1.000000e+00 : f32
    %div3A_103 = arith.divf %div3A_102, %sqrt3A_101 : f32
    %broadcast_in_dim3A_104 = vector.broadcast %div3A_103 : f32 to vector<1x128xf32>
    %dot_general3A_105 = arith.constant dense<0.000000e+00> : vector<1x128xf32>
    %dot_general3A_106 = tpu.matmul %broadcast_in_dim3A_104, %get3A_99, %dot_general3A_105 {dimension_numbers = #tpu.dot_dimension_numbers<[1], [0], [0], [1], [0, 0, 1, 1], [], []>, transpose_lhs_hint = false} : vector<1x128xf32>, vector<128x128xf32>, vector<1x128xf32> -> vector<1x128xf32>
    %mul3A_107 = arith.mulf %dot_general3A_106, %dot_general3A_106 : vector<1x128xf32>
    %reduce_sum3A_108 = vector.shape_cast %mul3A_107 : vector<1x128xf32> to vector<1x1x128xf32>
    %reduce_sum3A_109 = arith.constant dense<0.000000e+00> : vector<1xf32>
    %reduce_sum3A_110 = vector.multi_reduction <add>, %reduce_sum3A_108, %reduce_sum3A_109 [1, 2] : vector<1x1x128xf32> to vector<1xf32>
    %reduce_sum3A_111 = vector.shape_cast %reduce_sum3A_110 : vector<1xf32> to vector<1x1x1xf32>
    %reduce_sum3A_112 = vector.extract %reduce_sum3A_111[0, 0, 0] : f32 from vector<1x1x1xf32>
    %sqrt3A_113 = math.sqrt %reduce_sum3A_112 : f32
    %add3A_114 = arith.constant 9.99999996E-13 : f32
    %add3A_115 = arith.addf %sqrt3A_113, %add3A_114 : f32
    %div3A_116 = vector.broadcast %add3A_115 : f32 to vector<1x128xf32>
    %div3A_117 = arith.divf %dot_general3A_106, %div3A_116 : vector<1x128xf32>
    %dot_general3A_118 = arith.constant dense<0.000000e+00> : vector<1x128xf32>
    %dot_general3A_119 = tpu.matmul %div3A_117, %get3A_99, %dot_general3A_118 {dimension_numbers = #tpu.dot_dimension_numbers<[1], [1], [0], [0], [0, 0, 1, 0], [], []>, transpose_lhs_hint = false} : vector<1x128xf32>, vector<128x128xf32>, vector<1x128xf32> -> vector<1x128xf32>
    %mul3A_120 = arith.mulf %dot_general3A_119, %dot_general3A_119 : vector<1x128xf32>
    %reduce_sum3A_121 = vector.shape_cast %mul3A_120 : vector<1x128xf32> to vector<1x1x128xf32>
    %reduce_sum3A_122 = arith.constant dense<0.000000e+00> : vector<1xf32>
    %reduce_sum3A_123 = vector.multi_reduction <add>, %reduce_sum3A_121, %reduce_sum3A_122 [1, 2] : vector<1x1x128xf32> to vector<1xf32>
    %reduce_sum3A_124 = vector.shape_cast %reduce_sum3A_123 : vector<1xf32> to vector<1x1x1xf32>
    %reduce_sum3A_125 = vector.extract %reduce_sum3A_124[0, 0, 0] : f32 from vector<1x1x1xf32>
    %sqrt3A_126 = math.sqrt %reduce_sum3A_125 : f32
    %add3A_127 = arith.constant 9.99999996E-13 : f32
    %add3A_128 = arith.addf %sqrt3A_126, %add3A_127 : f32
    %div3A_129 = vector.broadcast %add3A_128 : f32 to vector<1x128xf32>
    %div3A_130 = arith.divf %dot_general3A_119, %div3A_129 : vector<1x128xf32>
    %dot_general3A_131 = arith.constant dense<0.000000e+00> : vector<1x128xf32>
    %dot_general3A_132 = tpu.matmul %div3A_130, %get3A_99, %dot_general3A_131 {dimension_numbers = #tpu.dot_dimension_numbers<[1], [0], [0], [1], [0, 0, 1, 1], [], []>, transpose_lhs_hint = false} : vector<1x128xf32>, vector<128x128xf32>, vector<1x128xf32> -> vector<1x128xf32>
    %mul3A_133 = arith.mulf %dot_general3A_132, %dot_general3A_132 : vector<1x128xf32>
    %reduce_sum3A_134 = vector.shape_cast %mul3A_133 : vector<1x128xf32> to vector<1x1x128xf32>
    %reduce_sum3A_135 = arith.constant dense<0.000000e+00> : vector<1xf32>
    %reduce_sum3A_136 = vector.multi_reduction <add>, %reduce_sum3A_134, %reduce_sum3A_135 [1, 2] : vector<1x1x128xf32> to vector<1xf32>
    %reduce_sum3A_137 = vector.shape_cast %reduce_sum3A_136 : vector<1xf32> to vector<1x1x1xf32>
    %reduce_sum3A_138 = vector.extract %reduce_sum3A_137[0, 0, 0] : f32 from vector<1x1x1xf32>
    %sqrt3A_139 = math.sqrt %reduce_sum3A_138 : f32
    %add3A_140 = arith.constant 9.99999996E-13 : f32
    %add3A_141 = arith.addf %sqrt3A_139, %add3A_140 : f32
    %div3A_142 = vector.broadcast %add3A_141 : f32 to vector<1x128xf32>
    %div3A_143 = arith.divf %dot_general3A_132, %div3A_142 : vector<1x128xf32>
    %dot_general3A_144 = arith.constant dense<0.000000e+00> : vector<1x128xf32>
    %dot_general3A_145 = tpu.matmul %div3A_143, %get3A_99, %dot_general3A_144 {dimension_numbers = #tpu.dot_dimension_numbers<[1], [1], [0], [0], [0, 0, 1, 0], [], []>, transpose_lhs_hint = false} : vector<1x128xf32>, vector<128x128xf32>, vector<1x128xf32> -> vector<1x128xf32>
    %mul3A_146 = arith.mulf %dot_general3A_145, %dot_general3A_145 : vector<1x128xf32>
    %reduce_sum3A_147 = vector.shape_cast %mul3A_146 : vector<1x128xf32> to vector<1x1x128xf32>
    %reduce_sum3A_148 = arith.constant dense<0.000000e+00> : vector<1xf32>
    %reduce_sum3A_149 = vector.multi_reduction <add>, %reduce_sum3A_147, %reduce_sum3A_148 [1, 2] : vector<1x1x128xf32> to vector<1xf32>
    %reduce_sum3A_150 = vector.shape_cast %reduce_sum3A_149 : vector<1xf32> to vector<1x1x1xf32>
    %reduce_sum3A_151 = vector.extract %reduce_sum3A_150[0, 0, 0] : f32 from vector<1x1x1xf32>
    %sqrt3A_152 = math.sqrt %reduce_sum3A_151 : f32
    %add3A_153 = arith.constant 9.99999996E-13 : f32
    %add3A_154 = arith.addf %sqrt3A_152, %add3A_153 : f32
    %div3A_155 = vector.broadcast %add3A_154 : f32 to vector<1x128xf32>
    %div3A_156 = arith.divf %dot_general3A_145, %div3A_155 : vector<1x128xf32>
    %dot_general3A_157 = arith.constant dense<0.000000e+00> : vector<1x128xf32>
    %dot_general3A_158 = tpu.matmul %div3A_156, %get3A_99, %dot_general3A_157 {dimension_numbers = #tpu.dot_dimension_numbers<[1], [0], [0], [1], [0, 0, 1, 1], [], []>, transpose_lhs_hint = false} : vector<1x128xf32>, vector<128x128xf32>, vector<1x128xf32> -> vector<1x128xf32>
    %mul3A_159 = arith.mulf %dot_general3A_158, %dot_general3A_158 : vector<1x128xf32>
    %reduce_sum3A_160 = vector.shape_cast %mul3A_159 : vector<1x128xf32> to vector<1x1x128xf32>
    %reduce_sum3A_161 = arith.constant dense<0.000000e+00> : vector<1xf32>
    %reduce_sum3A_162 = vector.multi_reduction <add>, %reduce_sum3A_160, %reduce_sum3A_161 [1, 2] : vector<1x1x128xf32> to vector<1xf32>
    %reduce_sum3A_163 = vector.shape_cast %reduce_sum3A_162 : vector<1xf32> to vector<1x1x1xf32>
    %reduce_sum3A_164 = vector.extract %reduce_sum3A_163[0, 0, 0] : f32 from vector<1x1x1xf32>
    %sqrt3A_165 = math.sqrt %reduce_sum3A_164 : f32
    %add3A_166 = arith.constant 9.99999996E-13 : f32
    %add3A_167 = arith.addf %sqrt3A_165, %add3A_166 : f32
    %div3A_168 = vector.broadcast %add3A_167 : f32 to vector<1x128xf32>
    %div3A_169 = arith.divf %dot_general3A_158, %div3A_168 : vector<1x128xf32>
    %dot_general3A_170 = arith.constant dense<0.000000e+00> : vector<1x128xf32>
    %dot_general3A_171 = tpu.matmul %div3A_169, %get3A_99, %dot_general3A_170 {dimension_numbers = #tpu.dot_dimension_numbers<[1], [1], [0], [0], [0, 0, 1, 0], [], []>, transpose_lhs_hint = false} : vector<1x128xf32>, vector<128x128xf32>, vector<1x128xf32> -> vector<1x128xf32>
    %mul3A_172 = arith.mulf %dot_general3A_171, %dot_general3A_171 : vector<1x128xf32>
    %reduce_sum3A_173 = vector.shape_cast %mul3A_172 : vector<1x128xf32> to vector<1x1x128xf32>
    %reduce_sum3A_174 = arith.constant dense<0.000000e+00> : vector<1xf32>
    %reduce_sum3A_175 = vector.multi_reduction <add>, %reduce_sum3A_173, %reduce_sum3A_174 [1, 2] : vector<1x1x128xf32> to vector<1xf32>
    %reduce_sum3A_176 = vector.shape_cast %reduce_sum3A_175 : vector<1xf32> to vector<1x1x1xf32>
    %reduce_sum3A_177 = vector.extract %reduce_sum3A_176[0, 0, 0] : f32 from vector<1x1x1xf32>
    %sqrt3A_178 = math.sqrt %reduce_sum3A_177 : f32
    %add3A_179 = arith.constant 9.99999996E-13 : f32
    %add3A_180 = arith.addf %sqrt3A_178, %add3A_179 : f32
    %div3A_181 = vector.broadcast %add3A_180 : f32 to vector<1x128xf32>
    %div3A_182 = arith.divf %dot_general3A_171, %div3A_181 : vector<1x128xf32>
    %dot_general3A_183 = arith.constant dense<0.000000e+00> : vector<1x128xf32>
    %dot_general3A_184 = tpu.matmul %div3A_169, %get3A_99, %dot_general3A_183 {dimension_numbers = #tpu.dot_dimension_numbers<[1], [1], [0], [0], [0, 0, 1, 0], [], []>, transpose_lhs_hint = false} : vector<1x128xf32>, vector<128x128xf32>, vector<1x128xf32> -> vector<1x128xf32>
    %mul3A_185 = arith.mulf %div3A_182, %dot_general3A_184 : vector<1x128xf32>
    %reduce_sum3A_186 = vector.shape_cast %mul3A_185 : vector<1x128xf32> to vector<1x1x128xf32>
    %reduce_sum3A_187 = arith.constant dense<0.000000e+00> : vector<1xf32>
    %reduce_sum3A_188 = vector.multi_reduction <add>, %reduce_sum3A_186, %reduce_sum3A_187 [1, 2] : vector<1x1x128xf32> to vector<1xf32>
    %reduce_sum3A_189 = vector.shape_cast %reduce_sum3A_188 : vector<1xf32> to vector<1x1x1xf32>
    %reduce_sum3A_190 = vector.extract %reduce_sum3A_189[0, 0, 0] : f32 from vector<1x1x1xf32>
    %div3A_191 = vector.broadcast %reduce_sum3A_190 : f32 to vector<128x128xf32>
    %div3A_192 = arith.divf %get3A_99, %div3A_191 : vector<128x128xf32>
    %swap3A_193 = arith.constant 1 : index
    %swap3A_194 = arith.constant 0 : index
    %swap3A_195 = arith.constant 0 : index
    %swap3A_196 = vector.load %arg1[%swap3A_193, %swap3A_194, %swap3A_195] : memref<6x128x128xf32, #tpu.memory_space<vmem>>, vector<1x128x128xf32>
    %swap3A_197 = vector.shape_cast %swap3A_196 : vector<1x128x128xf32> to vector<128x128xf32>
    %swap3A_198 = vector.shape_cast %div3A_192 : vector<128x128xf32> to vector<1x128x128xf32>
    tpu.vector_store %arg1[%swap3A_193, %swap3A_194, %swap3A_195], %swap3A_198 {strides = array<i32>} : memref<6x128x128xf32, #tpu.memory_space<vmem>>, vector<1x128x128xf32>,
    %get3A_199 = arith.constant 2 : index
    %get3A_200 = arith.constant 0 : index
    %get3A_201 = arith.constant 0 : index
    %get3A_202 = vector.load %arg0[%get3A_199, %get3A_200, %get3A_201] : memref<6x128x128xf32, #tpu.memory_space<vmem>>, vector<1x128x128xf32>
    %get3A_203 = vector.shape_cast %get3A_202 : vector<1x128x128xf32> to vector<128x128xf32>
    %sqrt3A_204 = arith.constant 1.280000e+02 : f32
    %sqrt3A_205 = math.sqrt %sqrt3A_204 : f32
    %div3A_206 = arith.constant 1.000000e+00 : f32
    %div3A_207 = arith.divf %div3A_206, %sqrt3A_205 : f32
    %broadcast_in_dim3A_208 = vector.broadcast %div3A_207 : f32 to vector<1x128xf32>
    %dot_general3A_209 = arith.constant dense<0.000000e+00> : vector<1x128xf32>
    %dot_general3A_210 = tpu.matmul %broadcast_in_dim3A_208, %get3A_203, %dot_general3A_209 {dimension_numbers = #tpu.dot_dimension_numbers<[1], [0], [0], [1], [0, 0, 1, 1], [], []>, transpose_lhs_hint = false} : vector<1x128xf32>, vector<128x128xf32>, vector<1x128xf32> -> vector<1x128xf32>
    %mul3A_211 = arith.mulf %dot_general3A_210, %dot_general3A_210 : vector<1x128xf32>
    %reduce_sum3A_212 = vector.shape_cast %mul3A_211 : vector<1x128xf32> to vector<1x1x128xf32>
    %reduce_sum3A_213 = arith.constant dense<0.000000e+00> : vector<1xf32>
    %reduce_sum3A_214 = vector.multi_reduction <add>, %reduce_sum3A_212, %reduce_sum3A_213 [1, 2] : vector<1x1x128xf32> to vector<1xf32>
    %reduce_sum3A_215 = vector.shape_cast %reduce_sum3A_214 : vector<1xf32> to vector<1x1x1xf32>
    %reduce_sum3A_216 = vector.extract %reduce_sum3A_215[0, 0, 0] : f32 from vector<1x1x1xf32>
    %sqrt3A_217 = math.sqrt %reduce_sum3A_216 : f32
    %add3A_218 = arith.constant 9.99999996E-13 : f32
    %add3A_219 = arith.addf %sqrt3A_217, %add3A_218 : f32
    %div3A_220 = vector.broadcast %add3A_219 : f32 to vector<1x128xf32>
    %div3A_221 = arith.divf %dot_general3A_210, %div3A_220 : vector<1x128xf32>
    %dot_general3A_222 = arith.constant dense<0.000000e+00> : vector<1x128xf32>
    %dot_general3A_223 = tpu.matmul %div3A_221, %get3A_203, %dot_general3A_222 {dimension_numbers = #tpu.dot_dimension_numbers<[1], [1], [0], [0], [0, 0, 1, 0], [], []>, transpose_lhs_hint = false} : vector<1x128xf32>, vector<128x128xf32>, vector<1x128xf32> -> vector<1x128xf32>
    %mul3A_224 = arith.mulf %dot_general3A_223, %dot_general3A_223 : vector<1x128xf32>
    %reduce_sum3A_225 = vector.shape_cast %mul3A_224 : vector<1x128xf32> to vector<1x1x128xf32>
    %reduce_sum3A_226 = arith.constant dense<0.000000e+00> : vector<1xf32>
    %reduce_sum3A_227 = vector.multi_reduction <add>, %reduce_sum3A_225, %reduce_sum3A_226 [1, 2] : vector<1x1x128xf32> to vector<1xf32>
    %reduce_sum3A_228 = vector.shape_cast %reduce_sum3A_227 : vector<1xf32> to vector<1x1x1xf32>
    %reduce_sum3A_229 = vector.extract %reduce_sum3A_228[0, 0, 0] : f32 from vector<1x1x1xf32>
    %sqrt3A_230 = math.sqrt %reduce_sum3A_229 : f32
    %add3A_231 = arith.constant 9.99999996E-13 : f32
    %add3A_232 = arith.addf %sqrt3A_230, %add3A_231 : f32
    %div3A_233 = vector.broadcast %add3A_232 : f32 to vector<1x128xf32>
    %div3A_234 = arith.divf %dot_general3A_223, %div3A_233 : vector<1x128xf32>
    %dot_general3A_235 = arith.constant dense<0.000000e+00> : vector<1x128xf32>
    %dot_general3A_236 = tpu.matmul %div3A_234, %get3A_203, %dot_general3A_235 {dimension_numbers = #tpu.dot_dimension_numbers<[1], [0], [0], [1], [0, 0, 1, 1], [], []>, transpose_lhs_hint = false} : vector<1x128xf32>, vector<128x128xf32>, vector<1x128xf32> -> vector<1x128xf32>
    %mul3A_237 = arith.mulf %dot_general3A_236, %dot_general3A_236 : vector<1x128xf32>
    %reduce_sum3A_238 = vector.shape_cast %mul3A_237 : vector<1x128xf32> to vector<1x1x128xf32>
    %reduce_sum3A_239 = arith.constant dense<0.000000e+00> : vector<1xf32>
    %reduce_sum3A_240 = vector.multi_reduction <add>, %reduce_sum3A_238, %reduce_sum3A_239 [1, 2] : vector<1x1x128xf32> to vector<1xf32>
    %reduce_sum3A_241 = vector.shape_cast %reduce_sum3A_240 : vector<1xf32> to vector<1x1x1xf32>
    %reduce_sum3A_242 = vector.extract %reduce_sum3A_241[0, 0, 0] : f32 from vector<1x1x1xf32>
    %sqrt3A_243 = math.sqrt %reduce_sum3A_242 : f32
    %add3A_244 = arith.constant 9.99999996E-13 : f32
    %add3A_245 = arith.addf %sqrt3A_243, %add3A_244 : f32
    %div3A_246 = vector.broadcast %add3A_245 : f32 to vector<1x128xf32>
    %div3A_247 = arith.divf %dot_general3A_236, %div3A_246 : vector<1x128xf32>
    %dot_general3A_248 = arith.constant dense<0.000000e+00> : vector<1x128xf32>
    %dot_general3A_249 = tpu.matmul %div3A_247, %get3A_203, %dot_general3A_248 {dimension_numbers = #tpu.dot_dimension_numbers<[1], [1], [0], [0], [0, 0, 1, 0], [], []>, transpose_lhs_hint = false} : vector<1x128xf32>, vector<128x128xf32>, vector<1x128xf32> -> vector<1x128xf32>
    %mul3A_250 = arith.mulf %dot_general3A_249, %dot_general3A_249 : vector<1x128xf32>
    %reduce_sum3A_251 = vector.shape_cast %mul3A_250 : vector<1x128xf32> to vector<1x1x128xf32>
    %reduce_sum3A_252 = arith.constant dense<0.000000e+00> : vector<1xf32>
    %reduce_sum3A_253 = vector.multi_reduction <add>, %reduce_sum3A_251, %reduce_sum3A_252 [1, 2] : vector<1x1x128xf32> to vector<1xf32>
    %reduce_sum3A_254 = vector.shape_cast %reduce_sum3A_253 : vector<1xf32> to vector<1x1x1xf32>
    %reduce_sum3A_255 = vector.extract %reduce_sum3A_254[0, 0, 0] : f32 from vector<1x1x1xf32>
    %sqrt3A_256 = math.sqrt %reduce_sum3A_255 : f32
    %add3A_257 = arith.constant 9.99999996E-13 : f32
    %add3A_258 = arith.addf %sqrt3A_256, %add3A_257 : f32
    %div3A_259 = vector.broadcast %add3A_258 : f32 to vector<1x128xf32>
    %div3A_260 = arith.divf %dot_general3A_249, %div3A_259 : vector<1x128xf32>
    %dot_general3A_261 = arith.constant dense<0.000000e+00> : vector<1x128xf32>
    %dot_general3A_262 = tpu.matmul %div3A_260, %get3A_203, %dot_general3A_261 {dimension_numbers = #tpu.dot_dimension_numbers<[1], [0], [0], [1], [0, 0, 1, 1], [], []>, transpose_lhs_hint = false} : vector<1x128xf32>, vector<128x128xf32>, vector<1x128xf32> -> vector<1x128xf32>
    %mul3A_263 = arith.mulf %dot_general3A_262, %dot_general3A_262 : vector<1x128xf32>
    %reduce_sum3A_264 = vector.shape_cast %mul3A_263 : vector<1x128xf32> to vector<1x1x128xf32>
    %reduce_sum3A_265 = arith.constant dense<0.000000e+00> : vector<1xf32>
    %reduce_sum3A_266 = vector.multi_reduction <add>, %reduce_sum3A_264, %reduce_sum3A_265 [1, 2] : vector<1x1x128xf32> to vector<1xf32>
    %reduce_sum3A_267 = vector.shape_cast %reduce_sum3A_266 : vector<1xf32> to vector<1x1x1xf32>
    %reduce_sum3A_268 = vector.extract %reduce_sum3A_267[0, 0, 0] : f32 from vector<1x1x1xf32>
    %sqrt3A_269 = math.sqrt %reduce_sum3A_268 : f32
    %add3A_270 = arith.constant 9.99999996E-13 : f32
    %add3A_271 = arith.addf %sqrt3A_269, %add3A_270 : f32
    %div3A_272 = vector.broadcast %add3A_271 : f32 to vector<1x128xf32>
    %div3A_273 = arith.divf %dot_general3A_262, %div3A_272 : vector<1x128xf32>
    %dot_general3A_274 = arith.constant dense<0.000000e+00> : vector<1x128xf32>
    %dot_general3A_275 = tpu.matmul %div3A_273, %get3A_203, %dot_general3A_274 {dimension_numbers = #tpu.dot_dimension_numbers<[1], [1], [0], [0], [0, 0, 1, 0], [], []>, transpose_lhs_hint = false} : vector<1x128xf32>, vector<128x128xf32>, vector<1x128xf32> -> vector<1x128xf32>
    %mul3A_276 = arith.mulf %dot_general3A_275, %dot_general3A_275 : vector<1x128xf32>
    %reduce_sum3A_277 = vector.shape_cast %mul3A_276 : vector<1x128xf32> to vector<1x1x128xf32>
    %reduce_sum3A_278 = arith.constant dense<0.000000e+00> : vector<1xf32>
    %reduce_sum3A_279 = vector.multi_reduction <add>, %reduce_sum3A_277, %reduce_sum3A_278 [1, 2] : vector<1x1x128xf32> to vector<1xf32>
    %reduce_sum3A_280 = vector.shape_cast %reduce_sum3A_279 : vector<1xf32> to vector<1x1x1xf32>
    %reduce_sum3A_281 = vector.extract %reduce_sum3A_280[0, 0, 0] : f32 from vector<1x1x1xf32>
    %sqrt3A_282 = math.sqrt %reduce_sum3A_281 : f32
    %add3A_283 = arith.constant 9.99999996E-13 : f32
    %add3A_284 = arith.addf %sqrt3A_282, %add3A_283 : f32
    %div3A_285 = vector.broadcast %add3A_284 : f32 to vector<1x128xf32>
    %div3A_286 = arith.divf %dot_general3A_275, %div3A_285 : vector<1x128xf32>
    %dot_general3A_287 = arith.constant dense<0.000000e+00> : vector<1x128xf32>
    %dot_general3A_288 = tpu.matmul %div3A_273, %get3A_203, %dot_general3A_287 {dimension_numbers = #tpu.dot_dimension_numbers<[1], [1], [0], [0], [0, 0, 1, 0], [], []>, transpose_lhs_hint = false} : vector<1x128xf32>, vector<128x128xf32>, vector<1x128xf32> -> vector<1x128xf32>
    %mul3A_289 = arith.mulf %div3A_286, %dot_general3A_288 : vector<1x128xf32>
    %reduce_sum3A_290 = vector.shape_cast %mul3A_289 : vector<1x128xf32> to vector<1x1x128xf32>
    %reduce_sum3A_291 = arith.constant dense<0.000000e+00> : vector<1xf32>
    %reduce_sum3A_292 = vector.multi_reduction <add>, %reduce_sum3A_290, %reduce_sum3A_291 [1, 2] : vector<1x1x128xf32> to vector<1xf32>
    %reduce_sum3A_293 = vector.shape_cast %reduce_sum3A_292 : vector<1xf32> to vector<1x1x1xf32>
    %reduce_sum3A_294 = vector.extract %reduce_sum3A_293[0, 0, 0] : f32 from vector<1x1x1xf32>
    %div3A_295 = vector.broadcast %reduce_sum3A_294 : f32 to vector<128x128xf32>
    %div3A_296 = arith.divf %get3A_203, %div3A_295 : vector<128x128xf32>
    %swap3A_297 = arith.constant 2 : index
    %swap3A_298 = arith.constant 0 : index
    %swap3A_299 = arith.constant 0 : index
    %swap3A_300 = vector.load %arg1[%swap3A_297, %swap3A_298, %swap3A_299] : memref<6x128x128xf32, #tpu.memory_space<vmem>>, vector<1x128x128xf32>
    %swap3A_301 = vector.shape_cast %swap3A_300 : vector<1x128x128xf32> to vector<128x128xf32>
    %swap3A_302 = vector.shape_cast %div3A_296 : vector<128x128xf32> to vector<1x128x128xf32>
    tpu.vector_store %arg1[%swap3A_297, %swap3A_298, %swap3A_299], %swap3A_302 {strides = array<i32>} : memref<6x128x128xf32, #tpu.memory_space<vmem>>, vector<1x128x128xf32>,
    %get3A_303 = arith.constant 3 : index
    %get3A_304 = arith.constant 0 : index
    %get3A_305 = arith.constant 0 : index
    %get3A_306 = vector.load %arg0[%get3A_303, %get3A_304, %get3A_305] : memref<6x128x128xf32, #tpu.memory_space<vmem>>, vector<1x128x128xf32>
    %get3A_307 = vector.shape_cast %get3A_306 : vector<1x128x128xf32> to vector<128x128xf32>
    %sqrt3A_308 = arith.constant 1.280000e+02 : f32
    %sqrt3A_309 = math.sqrt %sqrt3A_308 : f32
    %div3A_310 = arith.constant 1.000000e+00 : f32
    %div3A_311 = arith.divf %div3A_310, %sqrt3A_309 : f32
    %broadcast_in_dim3A_312 = vector.broadcast %div3A_311 : f32 to vector<1x128xf32>
    %dot_general3A_313 = arith.constant dense<0.000000e+00> : vector<1x128xf32>
    %dot_general3A_314 = tpu.matmul %broadcast_in_dim3A_312, %get3A_307, %dot_general3A_313 {dimension_numbers = #tpu.dot_dimension_numbers<[1], [0], [0], [1], [0, 0, 1, 1], [], []>, transpose_lhs_hint = false} : vector<1x128xf32>, vector<128x128xf32>, vector<1x128xf32> -> vector<1x128xf32>
    %mul3A_315 = arith.mulf %dot_general3A_314, %dot_general3A_314 : vector<1x128xf32>
    %reduce_sum3A_316 = vector.shape_cast %mul3A_315 : vector<1x128xf32> to vector<1x1x128xf32>
    %reduce_sum3A_317 = arith.constant dense<0.000000e+00> : vector<1xf32>
    %reduce_sum3A_318 = vector.multi_reduction <add>, %reduce_sum3A_316, %reduce_sum3A_317 [1, 2] : vector<1x1x128xf32> to vector<1xf32>
    %reduce_sum3A_319 = vector.shape_cast %reduce_sum3A_318 : vector<1xf32> to vector<1x1x1xf32>
    %reduce_sum3A_320 = vector.extract %reduce_sum3A_319[0, 0, 0] : f32 from vector<1x1x1xf32>
    %sqrt3A_321 = math.sqrt %reduce_sum3A_320 : f32
    %add3A_322 = arith.constant 9.99999996E-13 : f32
    %add3A_323 = arith.addf %sqrt3A_321, %add3A_322 : f32
    %div3A_324 = vector.broadcast %add3A_323 : f32 to vector<1x128xf32>
    %div3A_325 = arith.divf %dot_general3A_314, %div3A_324 : vector<1x128xf32>
    %dot_general3A_326 = arith.constant dense<0.000000e+00> : vector<1x128xf32>
    %dot_general3A_327 = tpu.matmul %div3A_325, %get3A_307, %dot_general3A_326 {dimension_numbers = #tpu.dot_dimension_numbers<[1], [1], [0], [0], [0, 0, 1, 0], [], []>, transpose_lhs_hint = false} : vector<1x128xf32>, vector<128x128xf32>, vector<1x128xf32> -> vector<1x128xf32>
    %mul3A_328 = arith.mulf %dot_general3A_327, %dot_general3A_327 : vector<1x128xf32>
    %reduce_sum3A_329 = vector.shape_cast %mul3A_328 : vector<1x128xf32> to vector<1x1x128xf32>
    %reduce_sum3A_330 = arith.constant dense<0.000000e+00> : vector<1xf32>
    %reduce_sum3A_331 = vector.multi_reduction <add>, %reduce_sum3A_329, %reduce_sum3A_330 [1, 2] : vector<1x1x128xf32> to vector<1xf32>
    %reduce_sum3A_332 = vector.shape_cast %reduce_sum3A_331 : vector<1xf32> to vector<1x1x1xf32>
    %reduce_sum3A_333 = vector.extract %reduce_sum3A_332[0, 0, 0] : f32 from vector<1x1x1xf32>
    %sqrt3A_334 = math.sqrt %reduce_sum3A_333 : f32
    %add3A_335 = arith.constant 9.99999996E-13 : f32
    %add3A_336 = arith.addf %sqrt3A_334, %add3A_335 : f32
    %div3A_337 = vector.broadcast %add3A_336 : f32 to vector<1x128xf32>
    %div3A_338 = arith.divf %dot_general3A_327, %div3A_337 : vector<1x128xf32>
    %dot_general3A_339 = arith.constant dense<0.000000e+00> : vector<1x128xf32>
    %dot_general3A_340 = tpu.matmul %div3A_338, %get3A_307, %dot_general3A_339 {dimension_numbers = #tpu.dot_dimension_numbers<[1], [0], [0], [1], [0, 0, 1, 1], [], []>, transpose_lhs_hint = false} : vector<1x128xf32>, vector<128x128xf32>, vector<1x128xf32> -> vector<1x128xf32>
    %mul3A_341 = arith.mulf %dot_general3A_340, %dot_general3A_340 : vector<1x128xf32>
    %reduce_sum3A_342 = vector.shape_cast %mul3A_341 : vector<1x128xf32> to vector<1x1x128xf32>
    %reduce_sum3A_343 = arith.constant dense<0.000000e+00> : vector<1xf32>
    %reduce_sum3A_344 = vector.multi_reduction <add>, %reduce_sum3A_342, %reduce_sum3A_343 [1, 2] : vector<1x1x128xf32> to vector<1xf32>
    %reduce_sum3A_345 = vector.shape_cast %reduce_sum3A_344 : vector<1xf32> to vector<1x1x1xf32>
    %reduce_sum3A_346 = vector.extract %reduce_sum3A_345[0, 0, 0] : f32 from vector<1x1x1xf32>
    %sqrt3A_347 = math.sqrt %reduce_sum3A_346 : f32
    %add3A_348 = arith.constant 9.99999996E-13 : f32
    %add3A_349 = arith.addf %sqrt3A_347, %add3A_348 : f32
    %div3A_350 = vector.broadcast %add3A_349 : f32 to vector<1x128xf32>
    %div3A_351 = arith.divf %dot_general3A_340, %div3A_350 : vector<1x128xf32>
    %dot_general3A_352 = arith.constant dense<0.000000e+00> : vector<1x128xf32>
    %dot_general3A_353 = tpu.matmul %div3A_351, %get3A_307, %dot_general3A_352 {dimension_numbers = #tpu.dot_dimension_numbers<[1], [1], [0], [0], [0, 0, 1, 0], [], []>, transpose_lhs_hint = false} : vector<1x128xf32>, vector<128x128xf32>, vector<1x128xf32> -> vector<1x128xf32>
    %mul3A_354 = arith.mulf %dot_general3A_353, %dot_general3A_353 : vector<1x128xf32>
    %reduce_sum3A_355 = vector.shape_cast %mul3A_354 : vector<1x128xf32> to vector<1x1x128xf32>
    %reduce_sum3A_356 = arith.constant dense<0.000000e+00> : vector<1xf32>
    %reduce_sum3A_357 = vector.multi_reduction <add>, %reduce_sum3A_355, %reduce_sum3A_356 [1, 2] : vector<1x1x128xf32> to vector<1xf32>
    %reduce_sum3A_358 = vector.shape_cast %reduce_sum3A_357 : vector<1xf32> to vector<1x1x1xf32>
    %reduce_sum3A_359 = vector.extract %reduce_sum3A_358[0, 0, 0] : f32 from vector<1x1x1xf32>
    %sqrt3A_360 = math.sqrt %reduce_sum3A_359 : f32
    %add3A_361 = arith.constant 9.99999996E-13 : f32
    %add3A_362 = arith.addf %sqrt3A_360, %add3A_361 : f32
    %div3A_363 = vector.broadcast %add3A_362 : f32 to vector<1x128xf32>
    %div3A_364 = arith.divf %dot_general3A_353, %div3A_363 : vector<1x128xf32>
    %dot_general3A_365 = arith.constant dense<0.000000e+00> : vector<1x128xf32>
    %dot_general3A_366 = tpu.matmul %div3A_364, %get3A_307, %dot_general3A_365 {dimension_numbers = #tpu.dot_dimension_numbers<[1], [0], [0], [1], [0, 0, 1, 1], [], []>, transpose_lhs_hint = false} : vector<1x128xf32>, vector<128x128xf32>, vector<1x128xf32> -> vector<1x128xf32>
    %mul3A_367 = arith.mulf %dot_general3A_366, %dot_general3A_366 : vector<1x128xf32>
    %reduce_sum3A_368 = vector.shape_cast %mul3A_367 : vector<1x128xf32> to vector<1x1x128xf32>
    %reduce_sum3A_369 = arith.constant dense<0.000000e+00> : vector<1xf32>
    %reduce_sum3A_370 = vector.multi_reduction <add>, %reduce_sum3A_368, %reduce_sum3A_369 [1, 2] : vector<1x1x128xf32> to vector<1xf32>
    %reduce_sum3A_371 = vector.shape_cast %reduce_sum3A_370 : vector<1xf32> to vector<1x1x1xf32>
    %reduce_sum3A_372 = vector.extract %reduce_sum3A_371[0, 0, 0] : f32 from vector<1x1x1xf32>
    %sqrt3A_373 = math.sqrt %reduce_sum3A_372 : f32
    %add3A_374 = arith.constant 9.99999996E-13 : f32
    %add3A_375 = arith.addf %sqrt3A_373, %add3A_374 : f32
    %div3A_376 = vector.broadcast %add3A_375 : f32 to vector<1x128xf32>
    %div3A_377 = arith.divf %dot_general3A_366, %div3A_376 : vector<1x128xf32>
    %dot_general3A_378 = arith.constant dense<0.000000e+00> : vector<1x128xf32>
    %dot_general3A_379 = tpu.matmul %div3A_377, %get3A_307, %dot_general3A_378 {dimension_numbers = #tpu.dot_dimension_numbers<[1], [1], [0], [0], [0, 0, 1, 0], [], []>, transpose_lhs_hint = false} : vector<1x128xf32>, vector<128x128xf32>, vector<1x128xf32> -> vector<1x128xf32>
    %mul3A_380 = arith.mulf %dot_general3A_379, %dot_general3A_379 : vector<1x128xf32>
    %reduce_sum3A_381 = vector.shape_cast %mul3A_380 : vector<1x128xf32> to vector<1x1x128xf32>
    %reduce_sum3A_382 = arith.constant dense<0.000000e+00> : vector<1xf32>
    %reduce_sum3A_383 = vector.multi_reduction <add>, %reduce_sum3A_381, %reduce_sum3A_382 [1, 2] : vector<1x1x128xf32> to vector<1xf32>
    %reduce_sum3A_384 = vector.shape_cast %reduce_sum3A_383 : vector<1xf32> to vector<1x1x1xf32>
    %reduce_sum3A_385 = vector.extract %reduce_sum3A_384[0, 0, 0] : f32 from vector<1x1x1xf32>
    %sqrt3A_386 = math.sqrt %reduce_sum3A_385 : f32
    %add3A_387 = arith.constant 9.99999996E-13 : f32
    %add3A_388 = arith.addf %sqrt3A_386, %add3A_387 : f32
    %div3A_389 = vector.broadcast %add3A_388 : f32 to vector<1x128xf32>
    %div3A_390 = arith.divf %dot_general3A_379, %div3A_389 : vector<1x128xf32>
    %dot_general3A_391 = arith.constant dense<0.000000e+00> : vector<1x128xf32>
    %dot_general3A_392 = tpu.matmul %div3A_377, %get3A_307, %dot_general3A_391 {dimension_numbers = #tpu.dot_dimension_numbers<[1], [1], [0], [0], [0, 0, 1, 0], [], []>, transpose_lhs_hint = false} : vector<1x128xf32>, vector<128x128xf32>, vector<1x128xf32> -> vector<1x128xf32>
    %mul3A_393 = arith.mulf %div3A_390, %dot_general3A_392 : vector<1x128xf32>
    %reduce_sum3A_394 = vector.shape_cast %mul3A_393 : vector<1x128xf32> to vector<1x1x128xf32>
    %reduce_sum3A_395 = arith.constant dense<0.000000e+00> : vector<1xf32>
    %reduce_sum3A_396 = vector.multi_reduction <add>, %reduce_sum3A_394, %reduce_sum3A_395 [1, 2] : vector<1x1x128xf32> to vector<1xf32>
    %reduce_sum3A_397 = vector.shape_cast %reduce_sum3A_396 : vector<1xf32> to vector<1x1x1xf32>
    %reduce_sum3A_398 = vector.extract %reduce_sum3A_397[0, 0, 0] : f32 from vector<1x1x1xf32>
    %div3A_399 = vector.broadcast %reduce_sum3A_398 : f32 to vector<128x128xf32>
    %div3A_400 = arith.divf %get3A_307, %div3A_399 : vector<128x128xf32>
    %swap3A_401 = arith.constant 3 : index
    %swap3A_402 = arith.constant 0 : index
    %swap3A_403 = arith.constant 0 : index
    %swap3A_404 = vector.load %arg1[%swap3A_401, %swap3A_402, %swap3A_403] : memref<6x128x128xf32, #tpu.memory_space<vmem>>, vector<1x128x128xf32>
    %swap3A_405 = vector.shape_cast %swap3A_404 : vector<1x128x128xf32> to vector<128x128xf32>
    %swap3A_406 = vector.shape_cast %div3A_400 : vector<128x128xf32> to vector<1x128x128xf32>
    tpu.vector_store %arg1[%swap3A_401, %swap3A_402, %swap3A_403], %swap3A_406 {strides = array<i32>} : memref<6x128x128xf32, #tpu.memory_space<vmem>>, vector<1x128x128xf32>,
    %get3A_407 = arith.constant 4 : index
    %get3A_408 = arith.constant 0 : index
    %get3A_409 = arith.constant 0 : index
    %get3A_410 = vector.load %arg0[%get3A_407, %get3A_408, %get3A_409] : memref<6x128x128xf32, #tpu.memory_space<vmem>>, vector<1x128x128xf32>
    %get3A_411 = vector.shape_cast %get3A_410 : vector<1x128x128xf32> to vector<128x128xf32>
    %sqrt3A_412 = arith.constant 1.280000e+02 : f32
    %sqrt3A_413 = math.sqrt %sqrt3A_412 : f32
    %div3A_414 = arith.constant 1.000000e+00 : f32
    %div3A_415 = arith.divf %div3A_414, %sqrt3A_413 : f32
    %broadcast_in_dim3A_416 = vector.broadcast %div3A_415 : f32 to vector<1x128xf32>
    %dot_general3A_417 = arith.constant dense<0.000000e+00> : vector<1x128xf32>
    %dot_general3A_418 = tpu.matmul %broadcast_in_dim3A_416, %get3A_411, %dot_general3A_417 {dimension_numbers = #tpu.dot_dimension_numbers<[1], [0], [0], [1], [0, 0, 1, 1], [], []>, transpose_lhs_hint = false} : vector<1x128xf32>, vector<128x128xf32>, vector<1x128xf32> -> vector<1x128xf32>
    %mul3A_419 = arith.mulf %dot_general3A_418, %dot_general3A_418 : vector<1x128xf32>
    %reduce_sum3A_420 = vector.shape_cast %mul3A_419 : vector<1x128xf32> to vector<1x1x128xf32>
    %reduce_sum3A_421 = arith.constant dense<0.000000e+00> : vector<1xf32>
    %reduce_sum3A_422 = vector.multi_reduction <add>, %reduce_sum3A_420, %reduce_sum3A_421 [1, 2] : vector<1x1x128xf32> to vector<1xf32>
    %reduce_sum3A_423 = vector.shape_cast %reduce_sum3A_422 : vector<1xf32> to vector<1x1x1xf32>
    %reduce_sum3A_424 = vector.extract %reduce_sum3A_423[0, 0, 0] : f32 from vector<1x1x1xf32>
    %sqrt3A_425 = math.sqrt %reduce_sum3A_424 : f32
    %add3A_426 = arith.constant 9.99999996E-13 : f32
    %add3A_427 = arith.addf %sqrt3A_425, %add3A_426 : f32
    %div3A_428 = vector.broadcast %add3A_427 : f32 to vector<1x128xf32>
    %div3A_429 = arith.divf %dot_general3A_418, %div3A_428 : vector<1x128xf32>
    %dot_general3A_430 = arith.constant dense<0.000000e+00> : vector<1x128xf32>
    %dot_general3A_431 = tpu.matmul %div3A_429, %get3A_411, %dot_general3A_430 {dimension_numbers = #tpu.dot_dimension_numbers<[1], [1], [0], [0], [0, 0, 1, 0], [], []>, transpose_lhs_hint = false} : vector<1x128xf32>, vector<128x128xf32>, vector<1x128xf32> -> vector<1x128xf32>
    %mul3A_432 = arith.mulf %dot_general3A_431, %dot_general3A_431 : vector<1x128xf32>
    %reduce_sum3A_433 = vector.shape_cast %mul3A_432 : vector<1x128xf32> to vector<1x1x128xf32>
    %reduce_sum3A_434 = arith.constant dense<0.000000e+00> : vector<1xf32>
    %reduce_sum3A_435 = vector.multi_reduction <add>, %reduce_sum3A_433, %reduce_sum3A_434 [1, 2] : vector<1x1x128xf32> to vector<1xf32>
    %reduce_sum3A_436 = vector.shape_cast %reduce_sum3A_435 : vector<1xf32> to vector<1x1x1xf32>
    %reduce_sum3A_437 = vector.extract %reduce_sum3A_436[0, 0, 0] : f32 from vector<1x1x1xf32>
    %sqrt3A_438 = math.sqrt %reduce_sum3A_437 : f32
    %add3A_439 = arith.constant 9.99999996E-13 : f32
    %add3A_440 = arith.addf %sqrt3A_438, %add3A_439 : f32
    %div3A_441 = vector.broadcast %add3A_440 : f32 to vector<1x128xf32>
    %div3A_442 = arith.divf %dot_general3A_431, %div3A_441 : vector<1x128xf32>
    %dot_general3A_443 = arith.constant dense<0.000000e+00> : vector<1x128xf32>
    %dot_general3A_444 = tpu.matmul %div3A_442, %get3A_411, %dot_general3A_443 {dimension_numbers = #tpu.dot_dimension_numbers<[1], [0], [0], [1], [0, 0, 1, 1], [], []>, transpose_lhs_hint = false} : vector<1x128xf32>, vector<128x128xf32>, vector<1x128xf32> -> vector<1x128xf32>
    %mul3A_445 = arith.mulf %dot_general3A_444, %dot_general3A_444 : vector<1x128xf32>
    %reduce_sum3A_446 = vector.shape_cast %mul3A_445 : vector<1x128xf32> to vector<1x1x128xf32>
    %reduce_sum3A_447 = arith.constant dense<0.000000e+00> : vector<1xf32>
    %reduce_sum3A_448 = vector.multi_reduction <add>, %reduce_sum3A_446, %reduce_sum3A_447 [1, 2] : vector<1x1x128xf32> to vector<1xf32>
    %reduce_sum3A_449 = vector.shape_cast %reduce_sum3A_448 : vector<1xf32> to vector<1x1x1xf32>
    %reduce_sum3A_450 = vector.extract %reduce_sum3A_449[0, 0, 0] : f32 from vector<1x1x1xf32>
    %sqrt3A_451 = math.sqrt %reduce_sum3A_450 : f32
    %add3A_452 = arith.constant 9.99999996E-13 : f32
    %add3A_453 = arith.addf %sqrt3A_451, %add3A_452 : f32
    %div3A_454 = vector.broadcast %add3A_453 : f32 to vector<1x128xf32>
    %div3A_455 = arith.divf %dot_general3A_444, %div3A_454 : vector<1x128xf32>
    %dot_general3A_456 = arith.constant dense<0.000000e+00> : vector<1x128xf32>
    %dot_general3A_457 = tpu.matmul %div3A_455, %get3A_411, %dot_general3A_456 {dimension_numbers = #tpu.dot_dimension_numbers<[1], [1], [0], [0], [0, 0, 1, 0], [], []>, transpose_lhs_hint = false} : vector<1x128xf32>, vector<128x128xf32>, vector<1x128xf32> -> vector<1x128xf32>
    %mul3A_458 = arith.mulf %dot_general3A_457, %dot_general3A_457 : vector<1x128xf32>
    %reduce_sum3A_459 = vector.shape_cast %mul3A_458 : vector<1x128xf32> to vector<1x1x128xf32>
    %reduce_sum3A_460 = arith.constant dense<0.000000e+00> : vector<1xf32>
    %reduce_sum3A_461 = vector.multi_reduction <add>, %reduce_sum3A_459, %reduce_sum3A_460 [1, 2] : vector<1x1x128xf32> to vector<1xf32>
    %reduce_sum3A_462 = vector.shape_cast %reduce_sum3A_461 : vector<1xf32> to vector<1x1x1xf32>
    %reduce_sum3A_463 = vector.extract %reduce_sum3A_462[0, 0, 0] : f32 from vector<1x1x1xf32>
    %sqrt3A_464 = math.sqrt %reduce_sum3A_463 : f32
    %add3A_465 = arith.constant 9.99999996E-13 : f32
    %add3A_466 = arith.addf %sqrt3A_464, %add3A_465 : f32
    %div3A_467 = vector.broadcast %add3A_466 : f32 to vector<1x128xf32>
    %div3A_468 = arith.divf %dot_general3A_457, %div3A_467 : vector<1x128xf32>
    %dot_general3A_469 = arith.constant dense<0.000000e+00> : vector<1x128xf32>
    %dot_general3A_470 = tpu.matmul %div3A_468, %get3A_411, %dot_general3A_469 {dimension_numbers = #tpu.dot_dimension_numbers<[1], [0], [0], [1], [0, 0, 1, 1], [], []>, transpose_lhs_hint = false} : vector<1x128xf32>, vector<128x128xf32>, vector<1x128xf32> -> vector<1x128xf32>
    %mul3A_471 = arith.mulf %dot_general3A_470, %dot_general3A_470 : vector<1x128xf32>
    %reduce_sum3A_472 = vector.shape_cast %mul3A_471 : vector<1x128xf32> to vector<1x1x128xf32>
    %reduce_sum3A_473 = arith.constant dense<0.000000e+00> : vector<1xf32>
    %reduce_sum3A_474 = vector.multi_reduction <add>, %reduce_sum3A_472, %reduce_sum3A_473 [1, 2] : vector<1x1x128xf32> to vector<1xf32>
    %reduce_sum3A_475 = vector.shape_cast %reduce_sum3A_474 : vector<1xf32> to vector<1x1x1xf32>
    %reduce_sum3A_476 = vector.extract %reduce_sum3A_475[0, 0, 0] : f32 from vector<1x1x1xf32>
    %sqrt3A_477 = math.sqrt %reduce_sum3A_476 : f32
    %add3A_478 = arith.constant 9.99999996E-13 : f32
    %add3A_479 = arith.addf %sqrt3A_477, %add3A_478 : f32
    %div3A_480 = vector.broadcast %add3A_479 : f32 to vector<1x128xf32>
    %div3A_481 = arith.divf %dot_general3A_470, %div3A_480 : vector<1x128xf32>
    %dot_general3A_482 = arith.constant dense<0.000000e+00> : vector<1x128xf32>
    %dot_general3A_483 = tpu.matmul %div3A_481, %get3A_411, %dot_general3A_482 {dimension_numbers = #tpu.dot_dimension_numbers<[1], [1], [0], [0], [0, 0, 1, 0], [], []>, transpose_lhs_hint = false} : vector<1x128xf32>, vector<128x128xf32>, vector<1x128xf32> -> vector<1x128xf32>
    %mul3A_484 = arith.mulf %dot_general3A_483, %dot_general3A_483 : vector<1x128xf32>
    %reduce_sum3A_485 = vector.shape_cast %mul3A_484 : vector<1x128xf32> to vector<1x1x128xf32>
    %reduce_sum3A_486 = arith.constant dense<0.000000e+00> : vector<1xf32>
    %reduce_sum3A_487 = vector.multi_reduction <add>, %reduce_sum3A_485, %reduce_sum3A_486 [1, 2] : vector<1x1x128xf32> to vector<1xf32>
    %reduce_sum3A_488 = vector.shape_cast %reduce_sum3A_487 : vector<1xf32> to vector<1x1x1xf32>
    %reduce_sum3A_489 = vector.extract %reduce_sum3A_488[0, 0, 0] : f32 from vector<1x1x1xf32>
    %sqrt3A_490 = math.sqrt %reduce_sum3A_489 : f32
    %add3A_491 = arith.constant 9.99999996E-13 : f32
    %add3A_492 = arith.addf %sqrt3A_490, %add3A_491 : f32
    %div3A_493 = vector.broadcast %add3A_492 : f32 to vector<1x128xf32>
    %div3A_494 = arith.divf %dot_general3A_483, %div3A_493 : vector<1x128xf32>
    %dot_general3A_495 = arith.constant dense<0.000000e+00> : vector<1x128xf32>
    %dot_general3A_496 = tpu.matmul %div3A_481, %get3A_411, %dot_general3A_495 {dimension_numbers = #tpu.dot_dimension_numbers<[1], [1], [0], [0], [0, 0, 1, 0], [], []>, transpose_lhs_hint = false} : vector<1x128xf32>, vector<128x128xf32>, vector<1x128xf32> -> vector<1x128xf32>
    %mul3A_497 = arith.mulf %div3A_494, %dot_general3A_496 : vector<1x128xf32>
    %reduce_sum3A_498 = vector.shape_cast %mul3A_497 : vector<1x128xf32> to vector<1x1x128xf32>
    %reduce_sum3A_499 = arith.constant dense<0.000000e+00> : vector<1xf32>
    %reduce_sum3A_500 = vector.multi_reduction <add>, %reduce_sum3A_498, %reduce_sum3A_499 [1, 2] : vector<1x1x128xf32> to vector<1xf32>
    %reduce_sum3A_501 = vector.shape_cast %reduce_sum3A_500 : vector<1xf32> to vector<1x1x1xf32>
    %reduce_sum3A_502 = vector.extract %reduce_sum3A_501[0, 0, 0] : f32 from vector<1x1x1xf32>
    %div3A_503 = vector.broadcast %reduce_sum3A_502 : f32 to vector<128x128xf32>
    %div3A_504 = arith.divf %get3A_411, %div3A_503 : vector<128x128xf32>
    %swap3A_505 = arith.constant 4 : index
    %swap3A_506 = arith.constant 0 : index
    %swap3A_507 = arith.constant 0 : index
    %swap3A_508 = vector.load %arg1[%swap3A_505, %swap3A_506, %swap3A_507] : memref<6x128x128xf32, #tpu.memory_space<vmem>>, vector<1x128x128xf32>
    %swap3A_509 = vector.shape_cast %swap3A_508 : vector<1x128x128xf32> to vector<128x128xf32>
    %swap3A_510 = vector.shape_cast %div3A_504 : vector<128x128xf32> to vector<1x128x128xf32>
    tpu.vector_store %arg1[%swap3A_505, %swap3A_506, %swap3A_507], %swap3A_510 {strides = array<i32>} : memref<6x128x128xf32, #tpu.memory_space<vmem>>, vector<1x128x128xf32>,
    %get3A_511 = arith.constant 5 : index
    %get3A_512 = arith.constant 0 : index
    %get3A_513 = arith.constant 0 : index
    %get3A_514 = vector.load %arg0[%get3A_511, %get3A_512, %get3A_513] : memref<6x128x128xf32, #tpu.memory_space<vmem>>, vector<1x128x128xf32>
    %get3A_515 = vector.shape_cast %get3A_514 : vector<1x128x128xf32> to vector<128x128xf32>
    %sqrt3A_516 = arith.constant 1.280000e+02 : f32
    %sqrt3A_517 = math.sqrt %sqrt3A_516 : f32
    %div3A_518 = arith.constant 1.000000e+00 : f32
    %div3A_519 = arith.divf %div3A_518, %sqrt3A_517 : f32
    %broadcast_in_dim3A_520 = vector.broadcast %div3A_519 : f32 to vector<1x128xf32>
    %dot_general3A_521 = arith.constant dense<0.000000e+00> : vector<1x128xf32>
    %dot_general3A_522 = tpu.matmul %broadcast_in_dim3A_520, %get3A_515, %dot_general3A_521 {dimension_numbers = #tpu.dot_dimension_numbers<[1], [0], [0], [1], [0, 0, 1, 1], [], []>, transpose_lhs_hint = false} : vector<1x128xf32>, vector<128x128xf32>, vector<1x128xf32> -> vector<1x128xf32>
    %mul3A_523 = arith.mulf %dot_general3A_522, %dot_general3A_522 : vector<1x128xf32>
    %reduce_sum3A_524 = vector.shape_cast %mul3A_523 : vector<1x128xf32> to vector<1x1x128xf32>
    %reduce_sum3A_525 = arith.constant dense<0.000000e+00> : vector<1xf32>
    %reduce_sum3A_526 = vector.multi_reduction <add>, %reduce_sum3A_524, %reduce_sum3A_525 [1, 2] : vector<1x1x128xf32> to vector<1xf32>
    %reduce_sum3A_527 = vector.shape_cast %reduce_sum3A_526 : vector<1xf32> to vector<1x1x1xf32>
    %reduce_sum3A_528 = vector.extract %reduce_sum3A_527[0, 0, 0] : f32 from vector<1x1x1xf32>
    %sqrt3A_529 = math.sqrt %reduce_sum3A_528 : f32
    %add3A_530 = arith.constant 9.99999996E-13 : f32
    %add3A_531 = arith.addf %sqrt3A_529, %add3A_530 : f32
    %div3A_532 = vector.broadcast %add3A_531 : f32 to vector<1x128xf32>
    %div3A_533 = arith.divf %dot_general3A_522, %div3A_532 : vector<1x128xf32>
    %dot_general3A_534 = arith.constant dense<0.000000e+00> : vector<1x128xf32>
    %dot_general3A_535 = tpu.matmul %div3A_533, %get3A_515, %dot_general3A_534 {dimension_numbers = #tpu.dot_dimension_numbers<[1], [1], [0], [0], [0, 0, 1, 0], [], []>, transpose_lhs_hint = false} : vector<1x128xf32>, vector<128x128xf32>, vector<1x128xf32> -> vector<1x128xf32>
    %mul3A_536 = arith.mulf %dot_general3A_535, %dot_general3A_535 : vector<1x128xf32>
    %reduce_sum3A_537 = vector.shape_cast %mul3A_536 : vector<1x128xf32> to vector<1x1x128xf32>
    %reduce_sum3A_538 = arith.constant dense<0.000000e+00> : vector<1xf32>
    %reduce_sum3A_539 = vector.multi_reduction <add>, %reduce_sum3A_537, %reduce_sum3A_538 [1, 2] : vector<1x1x128xf32> to vector<1xf32>
    %reduce_sum3A_540 = vector.shape_cast %reduce_sum3A_539 : vector<1xf32> to vector<1x1x1xf32>
    %reduce_sum3A_541 = vector.extract %reduce_sum3A_540[0, 0, 0] : f32 from vector<1x1x1xf32>
    %sqrt3A_542 = math.sqrt %reduce_sum3A_541 : f32
    %add3A_543 = arith.constant 9.99999996E-13 : f32
    %add3A_544 = arith.addf %sqrt3A_542, %add3A_543 : f32
    %div3A_545 = vector.broadcast %add3A_544 : f32 to vector<1x128xf32>
    %div3A_546 = arith.divf %dot_general3A_535, %div3A_545 : vector<1x128xf32>
    %dot_general3A_547 = arith.constant dense<0.000000e+00> : vector<1x128xf32>
    %dot_general3A_548 = tpu.matmul %div3A_546, %get3A_515, %dot_general3A_547 {dimension_numbers = #tpu.dot_dimension_numbers<[1], [0], [0], [1], [0, 0, 1, 1], [], []>, transpose_lhs_hint = false} : vector<1x128xf32>, vector<128x128xf32>, vector<1x128xf32> -> vector<1x128xf32>
    %mul3A_549 = arith.mulf %dot_general3A_548, %dot_general3A_548 : vector<1x128xf32>
    %reduce_sum3A_550 = vector.shape_cast %mul3A_549 : vector<1x128xf32> to vector<1x1x128xf32>
    %reduce_sum3A_551 = arith.constant dense<0.000000e+00> : vector<1xf32>
    %reduce_sum3A_552 = vector.multi_reduction <add>, %reduce_sum3A_550, %reduce_sum3A_551 [1, 2] : vector<1x1x128xf32> to vector<1xf32>
    %reduce_sum3A_553 = vector.shape_cast %reduce_sum3A_552 : vector<1xf32> to vector<1x1x1xf32>
    %reduce_sum3A_554 = vector.extract %reduce_sum3A_553[0, 0, 0] : f32 from vector<1x1x1xf32>
    %sqrt3A_555 = math.sqrt %reduce_sum3A_554 : f32
    %add3A_556 = arith.constant 9.99999996E-13 : f32
    %add3A_557 = arith.addf %sqrt3A_555, %add3A_556 : f32
    %div3A_558 = vector.broadcast %add3A_557 : f32 to vector<1x128xf32>
    %div3A_559 = arith.divf %dot_general3A_548, %div3A_558 : vector<1x128xf32>
    %dot_general3A_560 = arith.constant dense<0.000000e+00> : vector<1x128xf32>
    %dot_general3A_561 = tpu.matmul %div3A_559, %get3A_515, %dot_general3A_560 {dimension_numbers = #tpu.dot_dimension_numbers<[1], [1], [0], [0], [0, 0, 1, 0], [], []>, transpose_lhs_hint = false} : vector<1x128xf32>, vector<128x128xf32>, vector<1x128xf32> -> vector<1x128xf32>
    %mul3A_562 = arith.mulf %dot_general3A_561, %dot_general3A_561 : vector<1x128xf32>
    %reduce_sum3A_563 = vector.shape_cast %mul3A_562 : vector<1x128xf32> to vector<1x1x128xf32>
    %reduce_sum3A_564 = arith.constant dense<0.000000e+00> : vector<1xf32>
    %reduce_sum3A_565 = vector.multi_reduction <add>, %reduce_sum3A_563, %reduce_sum3A_564 [1, 2] : vector<1x1x128xf32> to vector<1xf32>
    %reduce_sum3A_566 = vector.shape_cast %reduce_sum3A_565 : vector<1xf32> to vector<1x1x1xf32>
    %reduce_sum3A_567 = vector.extract %reduce_sum3A_566[0, 0, 0] : f32 from vector<1x1x1xf32>
    %sqrt3A_568 = math.sqrt %reduce_sum3A_567 : f32
    %add3A_569 = arith.constant 9.99999996E-13 : f32
    %add3A_570 = arith.addf %sqrt3A_568, %add3A_569 : f32
    %div3A_571 = vector.broadcast %add3A_570 : f32 to vector<1x128xf32>
    %div3A_572 = arith.divf %dot_general3A_561, %div3A_571 : vector<1x128xf32>
    %dot_general3A_573 = arith.constant dense<0.000000e+00> : vector<1x128xf32>
    %dot_general3A_574 = tpu.matmul %div3A_572, %get3A_515, %dot_general3A_573 {dimension_numbers = #tpu.dot_dimension_numbers<[1], [0], [0], [1], [0, 0, 1, 1], [], []>, transpose_lhs_hint = false} : vector<1x128xf32>, vector<128x128xf32>, vector<1x128xf32> -> vector<1x128xf32>
    %mul3A_575 = arith.mulf %dot_general3A_574, %dot_general3A_574 : vector<1x128xf32>
    %reduce_sum3A_576 = vector.shape_cast %mul3A_575 : vector<1x128xf32> to vector<1x1x128xf32>
    %reduce_sum3A_577 = arith.constant dense<0.000000e+00> : vector<1xf32>
    %reduce_sum3A_578 = vector.multi_reduction <add>, %reduce_sum3A_576, %reduce_sum3A_577 [1, 2] : vector<1x1x128xf32> to vector<1xf32>
    %reduce_sum3A_579 = vector.shape_cast %reduce_sum3A_578 : vector<1xf32> to vector<1x1x1xf32>
    %reduce_sum3A_580 = vector.extract %reduce_sum3A_579[0, 0, 0] : f32 from vector<1x1x1xf32>
    %sqrt3A_581 = math.sqrt %reduce_sum3A_580 : f32
    %add3A_582 = arith.constant 9.99999996E-13 : f32
    %add3A_583 = arith.addf %sqrt3A_581, %add3A_582 : f32
    %div3A_584 = vector.broadcast %add3A_583 : f32 to vector<1x128xf32>
    %div3A_585 = arith.divf %dot_general3A_574, %div3A_584 : vector<1x128xf32>
    %dot_general3A_586 = arith.constant dense<0.000000e+00> : vector<1x128xf32>
    %dot_general3A_587 = tpu.matmul %div3A_585, %get3A_515, %dot_general3A_586 {dimension_numbers = #tpu.dot_dimension_numbers<[1], [1], [0], [0], [0, 0, 1, 0], [], []>, transpose_lhs_hint = false} : vector<1x128xf32>, vector<128x128xf32>, vector<1x128xf32> -> vector<1x128xf32>
    %mul3A_588 = arith.mulf %dot_general3A_587, %dot_general3A_587 : vector<1x128xf32>
    %reduce_sum3A_589 = vector.shape_cast %mul3A_588 : vector<1x128xf32> to vector<1x1x128xf32>
    %reduce_sum3A_590 = arith.constant dense<0.000000e+00> : vector<1xf32>
    %reduce_sum3A_591 = vector.multi_reduction <add>, %reduce_sum3A_589, %reduce_sum3A_590 [1, 2] : vector<1x1x128xf32> to vector<1xf32>
    %reduce_sum3A_592 = vector.shape_cast %reduce_sum3A_591 : vector<1xf32> to vector<1x1x1xf32>
    %reduce_sum3A_593 = vector.extract %reduce_sum3A_592[0, 0, 0] : f32 from vector<1x1x1xf32>
    %sqrt3A_594 = math.sqrt %reduce_sum3A_593 : f32
    %add3A_595 = arith.constant 9.99999996E-13 : f32
    %add3A_596 = arith.addf %sqrt3A_594, %add3A_595 : f32
    %div3A_597 = vector.broadcast %add3A_596 : f32 to vector<1x128xf32>
    %div3A_598 = arith.divf %dot_general3A_587, %div3A_597 : vector<1x128xf32>
    %dot_general3A_599 = arith.constant dense<0.000000e+00> : vector<1x128xf32>
    %dot_general3A_600 = tpu.matmul %div3A_585, %get3A_515, %dot_general3A_599 {dimension_numbers = #tpu.dot_dimension_numbers<[1], [1], [0], [0], [0, 0, 1, 0], [], []>, transpose_lhs_hint = false} : vector<1x128xf32>, vector<128x128xf32>, vector<1x128xf32> -> vector<1x128xf32>
    %mul3A_601 = arith.mulf %div3A_598, %dot_general3A_600 : vector<1x128xf32>
    %reduce_sum3A_602 = vector.shape_cast %mul3A_601 : vector<1x128xf32> to vector<1x1x128xf32>
    %reduce_sum3A_603 = arith.constant dense<0.000000e+00> : vector<1xf32>
    %reduce_sum3A_604 = vector.multi_reduction <add>, %reduce_sum3A_602, %reduce_sum3A_603 [1, 2] : vector<1x1x128xf32> to vector<1xf32>
    %reduce_sum3A_605 = vector.shape_cast %reduce_sum3A_604 : vector<1xf32> to vector<1x1x1xf32>
    %reduce_sum3A_606 = vector.extract %reduce_sum3A_605[0, 0, 0] : f32 from vector<1x1x1xf32>
    %div3A_607 = vector.broadcast %reduce_sum3A_606 : f32 to vector<128x128xf32>
    %div3A_608 = arith.divf %get3A_515, %div3A_607 : vector<128x128xf32>
    %swap3A_609 = arith.constant 5 : index
    %swap3A_610 = arith.constant 0 : index
    %swap3A_611 = arith.constant 0 : index
    %swap3A_612 = vector.load %arg1[%swap3A_609, %swap3A_610, %swap3A_611] : memref<6x128x128xf32, #tpu.memory_space<vmem>>, vector<1x128x128xf32>
    %swap3A_613 = vector.shape_cast %swap3A_612 : vector<1x128x128xf32> to vector<128x128xf32>
    %swap3A_614 = vector.shape_cast %div3A_608 : vector<128x128xf32> to vector<1x128x128xf32>
    tpu.vector_store %arg1[%swap3A_609, %swap3A_610, %swap3A_611], %swap3A_614 {strides = array<i32>} : memref<6x128x128xf32, #tpu.memory_space<vmem>>, vector<1x128x128xf32>,
    return
  }
}

module attributes {stable_mosaic.version = 14 : i64} {
  func.func @_mlp_body(%arg0: i32, %arg1: memref<2000x128xf32, #tpu.memory_space<vmem>>, %arg2: memref<1x2000x128xf32, #tpu.memory_space<vmem>>, %arg3: memref<1x2000x128xf32, #tpu.memory_space<vmem>>, %arg4: memref<128x128xf32, #tpu.memory_space<vmem>>, %arg5: memref<1x128xf32, #tpu.memory_space<vmem>>, %arg6: memref<128x128xf32, #tpu.memory_space<vmem>>, %arg7: memref<1x128xf32, #tpu.memory_space<vmem>>, %arg8: memref<2000x128xf32, #tpu.memory_space<vmem>>) attributes {dimension_semantics = [#tpu.dimension_semantics<arbitrary>], iteration_bounds = array<i64: 5>, scalar_prefetch = 0 : i64, scratch_operands = 0 : i64, tpu.core_type = #tpu.core_type<tc>, window_params = [{transform_indices = @transform_0, window_bounds = array<i64: 2000, 128>}, {transform_indices = @transform_1, window_bounds = array<i64: 1, 2000, 128>}, {transform_indices = @transform_2, window_bounds = array<i64: 1, 2000, 128>}, {pipeline_mode = #tpu.pipeline_mode<synchronous>, transform_indices = @transform_3, window_bounds = array<i64: 128, 128>}, {pipeline_mode = #tpu.pipeline_mode<synchronous>, transform_indices = @transform_4, window_bounds = array<i64: 1, 128>}, {pipeline_mode = #tpu.pipeline_mode<synchronous>, transform_indices = @transform_5, window_bounds = array<i64: 128, 128>}, {pipeline_mode = #tpu.pipeline_mode<synchronous>, transform_indices = @transform_6, window_bounds = array<i64: 1, 128>}, {transform_indices = @transform_7, window_bounds = array<i64: 2000, 128>}]} {
    %get3A = arith.constant 0 : index
    %get3A_0 = arith.constant 0 : index
    %get3A_1 = vector.load %arg1[%get3A, %get3A_0] : memref<2000x128xf32, #tpu.memory_space<vmem>>, vector<2000x128xf32>
    %get3A_2 = arith.constant 0 : index
    %get3A_3 = arith.constant 0 : index
    %get3A_4 = arith.constant 0 : index
    %get3A_5 = vector.load %arg2[%get3A_2, %get3A_3, %get3A_4] : memref<1x2000x128xf32, #tpu.memory_space<vmem>>, vector<1x2000x128xf32>
    %get3A_6 = vector.shape_cast %get3A_5 : vector<1x2000x128xf32> to vector<2000x128xf32>
    %add3A = arith.addf %get3A_1, %get3A_6 : vector<2000x128xf32>
    %get3A_7 = arith.constant 0 : index
    %get3A_8 = arith.constant 0 : index
    %get3A_9 = arith.constant 0 : index
    %get3A_10 = vector.load %arg3[%get3A_7, %get3A_8, %get3A_9] : memref<1x2000x128xf32, #tpu.memory_space<vmem>>, vector<1x2000x128xf32>
    %get3A_11 = vector.shape_cast %get3A_10 : vector<1x2000x128xf32> to vector<2000x128xf32>
    %add3A_12 = arith.addf %add3A, %get3A_11 : vector<2000x128xf32>
    %get3A_13 = arith.constant 0 : index
    %get3A_14 = arith.constant 0 : index
    %get3A_15 = vector.load %arg4[%get3A_13, %get3A_14] : memref<128x128xf32, #tpu.memory_space<vmem>>, vector<128x128xf32>
    %dot_general3A = arith.constant dense<0.000000e+00> : vector<2000x128xf32>
    %dot_general3A_16 = tpu.matmul %add3A_12, %get3A_15, %dot_general3A {dimension_numbers = #tpu.dot_dimension_numbers<[1], [1], [0], [0], [0, 0, 1, 0], [], []>, transpose_lhs_hint = false} : vector<2000x128xf32>, vector<128x128xf32>, vector<2000x128xf32> -> vector<2000x128xf32>
    %get3A_17 = arith.constant 0 : index
    %get3A_18 = arith.constant 0 : index
    %get3A_19 = vector.load %arg5[%get3A_17, %get3A_18] : memref<1x128xf32, #tpu.memory_space<vmem>>, vector<1x128xf32>
    %add3A_20 = vector.broadcast %get3A_19 : vector<1x128xf32> to vector<2000x128xf32>
    %add3A_21 = arith.addf %dot_general3A_16, %add3A_20 : vector<2000x128xf32>
    %max3A = arith.constant 0.000000e+00 : f32
    %max3A_22 = vector.broadcast %max3A : f32 to vector<2000x128xf32>
    %max3A_23 = arith.maximumf %add3A_21, %max3A_22 : vector<2000x128xf32>
    %get3A_24 = arith.constant 0 : index
    %get3A_25 = arith.constant 0 : index
    %get3A_26 = vector.load %arg6[%get3A_24, %get3A_25] : memref<128x128xf32, #tpu.memory_space<vmem>>, vector<128x128xf32>
    %dot_general3A_27 = arith.constant dense<0.000000e+00> : vector<2000x128xf32>
    %dot_general3A_28 = tpu.matmul %max3A_23, %get3A_26, %dot_general3A_27 {dimension_numbers = #tpu.dot_dimension_numbers<[1], [1], [0], [0], [0, 0, 1, 0], [], []>, transpose_lhs_hint = false} : vector<2000x128xf32>, vector<128x128xf32>, vector<2000x128xf32> -> vector<2000x128xf32>
    %get3A_29 = arith.constant 0 : index
    %get3A_30 = arith.constant 0 : index
    %get3A_31 = vector.load %arg7[%get3A_29, %get3A_30] : memref<1x128xf32, #tpu.memory_space<vmem>>, vector<1x128xf32>
    %add3A_32 = vector.broadcast %get3A_31 : vector<1x128xf32> to vector<2000x128xf32>
    %add3A_33 = arith.addf %dot_general3A_28, %add3A_32 : vector<2000x128xf32>
    %swap3A = arith.constant 0 : index
    %swap3A_34 = arith.constant 0 : index
    %swap3A_35 = vector.load %arg8[%swap3A, %swap3A_34] : memref<2000x128xf32, #tpu.memory_space<vmem>>, vector<2000x128xf32>
    tpu.vector_store %arg8[%swap3A, %swap3A_34], %add3A_33 {strides = array<i32>} : memref<2000x128xf32, #tpu.memory_space<vmem>>, vector<2000x128xf32>,
    return
  }
  func.func @transform_0(%arg0: i32) -> (i32, i32) {
    %c0_i32 = arith.constant 0 : i32
    %c0_i32_0 = arith.constant 0 : i32
    return %arg0, %c0_i32 : i32, i32
  }
  func.func @transform_1(%arg0: i32) -> (i32, i32, i32) {
    %c0_i32 = arith.constant 0 : i32
    %c0_i32_0 = arith.constant 0 : i32
    %c0_i32_1 = arith.constant 0 : i32
    return %c0_i32, %arg0, %c0_i32_0 : i32, i32, i32
  }
  func.func @transform_2(%arg0: i32) -> (i32, i32, i32) {
    %c1_i32 = arith.constant 1 : i32
    %c0_i32 = arith.constant 0 : i32
    %c0_i32_0 = arith.constant 0 : i32
    return %c1_i32, %arg0, %c0_i32 : i32, i32, i32
  }
  func.func @transform_3(%arg0: i32) -> (i32, i32) {
    %c0_i32 = arith.constant 0 : i32
    %c0_i32_0 = arith.constant 0 : i32
    %c0_i32_1 = arith.constant 0 : i32
    return %c0_i32, %c0_i32_0 : i32, i32
  }
  func.func @transform_4(%arg0: i32) -> (i32, i32) {
    %c0_i32 = arith.constant 0 : i32
    %c0_i32_0 = arith.constant 0 : i32
    %c0_i32_1 = arith.constant 0 : i32
    return %c0_i32, %c0_i32_0 : i32, i32
  }
  func.func @transform_5(%arg0: i32) -> (i32, i32) {
    %c0_i32 = arith.constant 0 : i32
    %c0_i32_0 = arith.constant 0 : i32
    %c0_i32_1 = arith.constant 0 : i32
    return %c0_i32, %c0_i32_0 : i32, i32
  }
  func.func @transform_6(%arg0: i32) -> (i32, i32) {
    %c0_i32 = arith.constant 0 : i32
    %c0_i32_0 = arith.constant 0 : i32
    %c0_i32_1 = arith.constant 0 : i32
    return %c0_i32, %c0_i32_0 : i32, i32
  }
  func.func @transform_7(%arg0: i32) -> (i32, i32) {
    %c0_i32 = arith.constant 0 : i32
    %c0_i32_0 = arith.constant 0 : i32
    return %arg0, %c0_i32 : i32, i32
  }
}

module attributes {stable_mosaic.version = 14 : i64} {
  func.func @_pool_body(%arg0: i32, %arg1: memref<2000x128xf32, #tpu.memory_space<vmem>>, %arg2: memref<1x1x2000xi32, #tpu.memory_space<vmem>>, %arg3: memref<1x128xf32, #tpu.memory_space<vmem>>, %arg4: memref<1x1xf32, #tpu.memory_space<vmem>>, %arg5: memref<64x1xf32, #tpu.memory_space<vmem>>, %arg6: memref<64x128xf32, #tpu.memory_space<vmem>>, %arg7: memref<64x128xf32, #tpu.memory_space<vmem>>) attributes {dimension_semantics = [#tpu.dimension_semantics<arbitrary>], iteration_bounds = array<i64: 5>, scalar_prefetch = 0 : i64, scratch_operands = 2 : i64, tpu.core_type = #tpu.core_type<tc>, window_params = [{transform_indices = @transform_0, window_bounds = array<i64: 2000, 128>}, {transform_indices = @transform_1, window_bounds = array<i64: 1, 1, 2000>}, {pipeline_mode = #tpu.pipeline_mode<synchronous>, transform_indices = @transform_2, window_bounds = array<i64: 1, 128>}, {pipeline_mode = #tpu.pipeline_mode<synchronous>, transform_indices = @transform_3, window_bounds = array<i64: 1, 1>}, {pipeline_mode = #tpu.pipeline_mode<synchronous>, transform_indices = @transform_4, window_bounds = array<i64: 64, 1>}]} {
    %eq3A = arith.constant 0 : i32
    %eq3A_0 = arith.cmpi eq, %arg0, %eq3A : i32
    %convert_element_type3A = arith.extui %eq3A_0 : i1 to i32
    %cond3A = arith.constant 0 : i32
    %cond3A_1 = arith.cmpi ne, %convert_element_type3A, %cond3A : i32
    scf.if %cond3A_1 {
      %broadcast_in_dim3A_35 = arith.constant 0.000000e+00 : f32
      %broadcast_in_dim3A_36 = vector.broadcast %broadcast_in_dim3A_35 : f32 to vector<64x128xf32>
      %swap3A_37 = arith.constant 0 : index
      %swap3A_38 = arith.constant 0 : index
      %swap3A_39 = vector.load %arg6[%swap3A_37, %swap3A_38] : memref<64x128xf32, #tpu.memory_space<vmem>>, vector<64x128xf32>
      tpu.vector_store %arg6[%swap3A_37, %swap3A_38], %broadcast_in_dim3A_36 {strides = array<i32>} : memref<64x128xf32, #tpu.memory_space<vmem>>, vector<64x128xf32>,
      %broadcast_in_dim3A_40 = arith.constant 0.000000e+00 : f32
      %broadcast_in_dim3A_41 = vector.broadcast %broadcast_in_dim3A_40 : f32 to vector<64x128xf32>
      %swap3A_42 = arith.constant 0 : index
      %swap3A_43 = arith.constant 0 : index
      %swap3A_44 = vector.load %arg7[%swap3A_42, %swap3A_43] : memref<64x128xf32, #tpu.memory_space<vmem>>, vector<64x128xf32>
      tpu.vector_store %arg7[%swap3A_42, %swap3A_43], %broadcast_in_dim3A_41 {strides = array<i32>} : memref<64x128xf32, #tpu.memory_space<vmem>>, vector<64x128xf32>,
    } else {
    }
    %iota3A = tpu.iota {dimensions = array<i32: 0>} : vector<64x2000xi32>
    %get3A = arith.constant 0 : index
    %get3A_2 = arith.constant 0 : index
    %get3A_3 = arith.constant 0 : index
    %get3A_4 = vector.load %arg2[%get3A, %get3A_2, %get3A_3] : memref<1x1x2000xi32, #tpu.memory_space<vmem>>, vector<1x1x2000xi32>
    %get3A_5 = vector.shape_cast %get3A_4 : vector<1x1x2000xi32> to vector<2000xi32>
    %broadcast_in_dim3A = vector.shape_cast %get3A_5 : vector<2000xi32> to vector<1x2000xi32>
    %eq3A_6 = vector.broadcast %broadcast_in_dim3A : vector<1x2000xi32> to vector<64x2000xi32>
    %eq3A_7 = arith.cmpi eq, %iota3A, %eq3A_6 : vector<64x2000xi32>
    %convert_element_type3A_8 = arith.extui %eq3A_7 : vector<64x2000xi1> to vector<64x2000xi32>
    %convert_element_type3A_9 = arith.sitofp %convert_element_type3A_8 : vector<64x2000xi32> to vector<64x2000xf32>
    %get3A_10 = arith.constant 0 : index
    %get3A_11 = arith.constant 0 : index
    %get3A_12 = vector.load %arg6[%get3A_10, %get3A_11] : memref<64x128xf32, #tpu.memory_space<vmem>>, vector<64x128xf32>
    %get3A_13 = arith.constant 0 : index
    %get3A_14 = arith.constant 0 : index
    %get3A_15 = vector.load %arg1[%get3A_13, %get3A_14] : memref<2000x128xf32, #tpu.memory_space<vmem>>, vector<2000x128xf32>
    %dot_general3A = arith.constant dense<0.000000e+00> : vector<64x128xf32>
    %dot_general3A_16 = tpu.matmul %convert_element_type3A_9, %get3A_15, %dot_general3A {dimension_numbers = #tpu.dot_dimension_numbers<[1], [0], [0], [1], [0, 0, 1, 1], [], []>, transpose_lhs_hint = false} : vector<64x2000xf32>, vector<2000x128xf32>, vector<64x128xf32> -> vector<64x128xf32>
    %add3A = arith.addf %get3A_12, %dot_general3A_16 : vector<64x128xf32>
    %swap3A = arith.constant 0 : index
    %swap3A_17 = arith.constant 0 : index
    %swap3A_18 = vector.load %arg6[%swap3A, %swap3A_17] : memref<64x128xf32, #tpu.memory_space<vmem>>, vector<64x128xf32>
    tpu.vector_store %arg6[%swap3A, %swap3A_17], %add3A {strides = array<i32>} : memref<64x128xf32, #tpu.memory_space<vmem>>, vector<64x128xf32>,
    %get3A_19 = arith.constant 0 : index
    %get3A_20 = arith.constant 0 : index
    %get3A_21 = vector.load %arg7[%get3A_19, %get3A_20] : memref<64x128xf32, #tpu.memory_space<vmem>>, vector<64x128xf32>
    %reduce_sum3A = arith.constant dense<0.000000e+00> : vector<64xf32>
    %reduce_sum3A_22 = vector.multi_reduction <add>, %convert_element_type3A_9, %reduce_sum3A [1] : vector<64x2000xf32> to vector<64xf32>
    %broadcast_in_dim3A_23 = vector.shape_cast %reduce_sum3A_22 : vector<64xf32> to vector<64x1xf32>
    %broadcast_in_dim3A_24 = vector.shape_cast %broadcast_in_dim3A_23 : vector<64x1xf32> to vector<64x1xf32>
    %broadcast_in_dim3A_25 = vector.broadcast %broadcast_in_dim3A_24 : vector<64x1xf32> to vector<64x128xf32>
    %add3A_26 = arith.addf %get3A_21, %broadcast_in_dim3A_25 : vector<64x128xf32>
    %swap3A_27 = arith.constant 0 : index
    %swap3A_28 = arith.constant 0 : index
    %swap3A_29 = vector.load %arg7[%swap3A_27, %swap3A_28] : memref<64x128xf32, #tpu.memory_space<vmem>>, vector<64x128xf32>
    tpu.vector_store %arg7[%swap3A_27, %swap3A_28], %add3A_26 {strides = array<i32>} : memref<64x128xf32, #tpu.memory_space<vmem>>, vector<64x128xf32>,
    %eq3A_30 = arith.constant 4 : i32
    %eq3A_31 = arith.cmpi eq, %arg0, %eq3A_30 : i32
    %convert_element_type3A_32 = arith.extui %eq3A_31 : i1 to i32
    %cond3A_33 = arith.constant 0 : i32
    %cond3A_34 = arith.cmpi ne, %convert_element_type3A_32, %cond3A_33 : i32
    scf.if %cond3A_34 {
      %get3A_35 = arith.constant 0 : index
      %get3A_36 = arith.constant 0 : index
      %get3A_37 = vector.load %arg6[%get3A_35, %get3A_36] : memref<64x128xf32, #tpu.memory_space<vmem>>, vector<64x128xf32>
      %get3A_38 = arith.constant 0 : index
      %get3A_39 = arith.constant 0 : index
      %get3A_40 = vector.load %arg7[%get3A_38, %get3A_39] : memref<64x128xf32, #tpu.memory_space<vmem>>, vector<64x128xf32>
      %max3A = arith.constant 1.000000e+00 : f32
      %max3A_41 = vector.broadcast %max3A : f32 to vector<64x128xf32>
      %max3A_42 = arith.maximumf %get3A_40, %max3A_41 : vector<64x128xf32>
      %div3A = arith.divf %get3A_37, %max3A_42 : vector<64x128xf32>
      %get3A_43 = arith.constant 0 : index
      %get3A_44 = arith.constant 0 : index
      %get3A_45 = vector.load %arg3[%get3A_43, %get3A_44] : memref<1x128xf32, #tpu.memory_space<vmem>>, vector<1x128xf32>
      %mul3A = vector.broadcast %get3A_45 : vector<1x128xf32> to vector<64x128xf32>
      %mul3A_46 = arith.mulf %div3A, %mul3A : vector<64x128xf32>
      %reduce_sum3A_47 = arith.constant dense<0.000000e+00> : vector<64xf32>
      %reduce_sum3A_48 = vector.multi_reduction <add>, %mul3A_46, %reduce_sum3A_47 [1] : vector<64x128xf32> to vector<64xf32>
      %broadcast_in_dim3A_49 = vector.shape_cast %reduce_sum3A_48 : vector<64xf32> to vector<64x1xf32>
      %get3A_50 = arith.constant 0 : index
      %get3A_51 = arith.constant 0 : index
      %get3A_52 = vector.load %arg4[%get3A_50, %get3A_51] : memref<1x1xf32, #tpu.memory_space<vmem>>, vector<1x1xf32>
      %get3A_53 = vector.extract %get3A_52[0, 0] : f32 from vector<1x1xf32>
      %add3A_54 = vector.broadcast %get3A_53 : f32 to vector<64x1xf32>
      %add3A_55 = arith.addf %broadcast_in_dim3A_49, %add3A_54 : vector<64x1xf32>
      %logistic3A = arith.negf %add3A_55 : vector<64x1xf32>
      %logistic3A_56 = math.exp %logistic3A : vector<64x1xf32>
      %logistic3A_57 = arith.constant 1.000000e+00 : f32
      %logistic3A_58 = vector.broadcast %logistic3A_57 : f32 to vector<64x1xf32>
      %logistic3A_59 = arith.addf %logistic3A_58, %logistic3A_56 : vector<64x1xf32>
      %logistic3A_60 = arith.divf %logistic3A_58, %logistic3A_59 : vector<64x1xf32>
      %swap3A_61 = arith.constant 0 : index
      %swap3A_62 = arith.constant 0 : index
      %swap3A_63 = vector.load %arg5[%swap3A_61, %swap3A_62] : memref<64x1xf32, #tpu.memory_space<vmem>>, vector<64x1xf32>
      tpu.vector_store %arg5[%swap3A_61, %swap3A_62], %logistic3A_60 {strides = array<i32>} : memref<64x1xf32, #tpu.memory_space<vmem>>, vector<64x1xf32>,
    } else {
    }
    return
  }
  func.func @transform_0(%arg0: i32) -> (i32, i32) {
    %c0_i32 = arith.constant 0 : i32
    %c0_i32_0 = arith.constant 0 : i32
    return %arg0, %c0_i32 : i32, i32
  }
  func.func @transform_1(%arg0: i32) -> (i32, i32, i32) {
    %c0_i32 = arith.constant 0 : i32
    %c0_i32_0 = arith.constant 0 : i32
    %c0_i32_1 = arith.constant 0 : i32
    return %arg0, %c0_i32, %c0_i32_0 : i32, i32, i32
  }
  func.func @transform_2(%arg0: i32) -> (i32, i32) {
    %c0_i32 = arith.constant 0 : i32
    %c0_i32_0 = arith.constant 0 : i32
    %c0_i32_1 = arith.constant 0 : i32
    return %c0_i32, %c0_i32_0 : i32, i32
  }
  func.func @transform_3(%arg0: i32) -> (i32, i32) {
    %c0_i32 = arith.constant 0 : i32
    %c0_i32_0 = arith.constant 0 : i32
    %c0_i32_1 = arith.constant 0 : i32
    return %c0_i32, %c0_i32_0 : i32, i32
  }
  func.func @transform_4(%arg0: i32) -> (i32, i32) {
    %c0_i32 = arith.constant 0 : i32
    %c0_i32_0 = arith.constant 0 : i32
    %c0_i32_1 = arith.constant 0 : i32
    return %c0_i32, %c0_i32_0 : i32, i32
  }
}

</mosaic_0001>

<sc_bundles>
// kernel: kernel.10.cloned.1.call-start
scs
__scs_entry_jumppad:
0x0: {  	(pc) =	sbr.rel $0x88, $3  }
0x1: {  	(tag) =	ssettag $0x0;
	lr =	simm.s32 $0x1  }
0x2: {  	[smem:$0x3F90] =	sst lr;
	_ =	strace $0xD0000000  }
0x3: {  	_ = 	snop  }
0x4: {  	_ = 	snop  }
0x5: {  	_ = 	snop  }
0x6: {  	_ = 	snop  }
0x7: {  	_ = 	snop  }
__scs_overlays_trampoline_lowered:
0x8: {  	[smem:$0x3F9F] =	sst s0  }
0x9: {  	[smem:$0x3FA0] =	sst s1  }
0xa: {  	[smem:$0x3FA1] =	sst s2  }
0xb: {  	[smem:$0x3FA2] =	sst s3  }
0xc: {  	[smem:$0x3FA3] =	sst s4  }
0xd: {  	[smem:$0x3FA4] =	sst s5  }
0xe: {  	[smem:$0x3FA5] =	sst s6  }
0xf: {  	[smem:$0x3FA6] =	sst s7  }
0x10: {  	[smem:$0x3FA7] =	sst s8  }
0x11: {  	[smem:$0x3FA8] =	sst s9;
	s0 =	simm.s32 @!p0 $0x0  }
0x12: {  	s1 =	sld [smem:$0x3F8E];
	s0 =	simm.s32 @p0 $0x1  }
0x13: {  	[smem:$0x3FA9] =	sst s0;
	s0 =	simm.s32 @!p1 $0x0  }
0x14: {  	s2 =	sld [smem:$0x3F8D];
	s0 =	simm.s32 @p1 $0x1  }
0x15: {  	[smem:$0x3FAA] =	sst s0;
	s0 =	simm.s32 @!p2 $0x0  }
0x16: {  	s3 =	sld [smem:$0x3FDB];
	s0 =	simm.s32 @p2 $0x1  }
0x17: {  	s4 =	simm.s32 $0x1BF5;
	[smem:$0x3FAC] =	sst s0  }
0x18: {  	s0 =	sld [smem:$0x3F8F];
	_ =	swait.ge [sflag:s4], $0x0  }
0x19: {  	s7 =	sld [smem:$0x3F90]  }
0x1a: {  	s8 =	sadd.s32 $0xFFFFE003, lr  }
0x1b: {  	s9 =	sadd.s32 $0xFFFFFEF7, lr;
	s5 =	simm.s32 $0xFFFFFFFF;
	p2 =	slt.u32 s8, $0xFFFFF086  }
0x1c: {  	p1 =	slt.u32 s9, $0xF7A;
	s5 =	simm.s32 @!p2 $0x0  }
0x1d: {  	s5 =	simm.s32 @p1 $0x1;
	p0 =	seq.s32 s7, s2  }
0x1e: {  	s7 =	smul.u32 @!p0 $0xF7A, s2;
	p2 =	seq.s32 @!p0 s5, $0x0  }
0x1f: {  	s9 =	smul.u32 $0xF7A, s1;
	s8 =	simm.s32 @!p0 $0x1BF5;
	p2 =	por !p2, p0  }
0x20: {  	[sflag:s8] =	ssyncset.s32 @!p0 $0xFFFFF086;
	s6 =	sadd.s32 @!p0 s3, s7;
	s7 =	simm.s32 @!p0 $0x108  }
0x21: {  	s3 =	sadd.s32 s3, s9;
	s6 =	sadd.s32 @!p0 $0x88, s6;
	s7 =	simm.s32 @p2 $0x1082  }
0x22: {  	[simem:s7], [sflag:s8] =	dma.local @!p0 [hbm:s6], $0xF7A  }
0x23: {  	s9 =	sor.u32 $0xD0000000, s2;
	s6 =	simm.s32 $0x108;
	_ =	swait.ge @!p0 [sflag:s8], $0x0  }
0x24: {  	s3 =	sadd.s32 $0x88, s3;
	s6 =	simm.s32 @!p1 $0x1082;
	[sflag:s4] =	ssyncset.s32 $0xFFFFF086  }
0x25: {  	[simem:s6], [sflag:s4] =	dma.local [hbm:s3], $0xF7A  }
0x26: {  	[smem:$0x3F90] =	sst s1;
	(tag) =	ssettag s2;
	_ =	strace s9  }
0x27: {  	s1 =	sld [smem:$0x3FA0]  }
0x28: {  	s2 =	sld [smem:$0x3FA1]  }
0x29: {  	s4 =	sld [smem:$0x3FA3]  }
0x2a: {  	p0 =	seq.s32 s5, $0x0;
	s5 =	sld [smem:$0x3FA4]  }
0x2b: {  	s6 =	sld [smem:$0x3FA5]  }
0x2c: {  	s7 =	sld [smem:$0x3FA6]  }
0x2d: {  	s3 =	simm.s32 $0x108;
	s8 =	sld [smem:$0x3FA7]  }
0x2e: {  	s3 =	simm.s32 @!p0 $0x1082;
	s9 =	sld [smem:$0x3FA8]  }
0x2f: {  	lr =	sadd.s32 s0, s3;
	s0 =	sld [smem:$0x3F9F]  }
0x30: {  	s3 =	sld [smem:$0x3FA2]  }
0x31: {  	[smem:$0x3FAB] =	sst s10  }
0x32: {  	s10 =	sld [smem:$0x3FA9];
	_ =	sdelay $0x3  }
0x33: {  	p0 =	seq.s32 s10, $0x1;
	s10 =	sld [smem:$0x3FAB];
	_ =	sdelay $0x3  }
0x34: {  	[smem:$0x3FAB] =	sst s10  }
0x35: {  	s10 =	sld [smem:$0x3FAA];
	_ =	sdelay $0x3  }
0x36: {  	p1 =	seq.s32 s10, $0x1;
	s10 =	sld [smem:$0x3FAB];
	_ =	sdelay $0x3  }
0x37: {  	[smem:$0x3FAB] =	sst s10  }
0x38: {  	s10 =	sld [smem:$0x3FAC]  }
0x39: {  	_ = 	snop;
	(pc) =	sbr.ind lr, $3  }
0x3a: {  	_ = 	snop  }
0x3b: {  	_ = 	snop  }
0x3c: {  	p2 =	seq.s32 s10, $0x1;
	s10 =	sld [smem:$0x3FAB]  }
0x3d: {  	_ =	shalt  }
0x3e: {  	_ =	shalt  }
0x3f: {  	_ =	shalt  }
0x40: {  	_ =	shalt  }
0x41: {  	_ =	shalt  }
0x42: {  	_ =	shalt  }
0x43: {  	_ =	shalt  }
0x44: {  	_ =	shalt  }
0x45: {  	_ =	shalt  }
0x46: {  	_ =	shalt  }
0x47: {  	_ =	shalt  }
0x48: {  	_ =	shalt  }
0x49: {  	_ =	shalt  }
0x4a: {  	_ =	shalt  }
0x4b: {  	_ =	shalt  }
0x4c: {  	_ =	shalt  }
0x4d: {  	_ =	shalt  }
0x4e: {  	_ =	shalt  }
0x4f: {  	_ =	shalt  }
0x50: {  	_ =	shalt  }
0x51: {  	_ =	shalt  }
0x52: {  	_ =	shalt  }
0x53: {  	_ =	shalt  }
0x54: {  	_ =	shalt  }
0x55: {  	_ =	shalt  }
0x56: {  	_ =	shalt  }
0x57: {  	_ =	shalt  }
0x58: {  	_ =	shalt  }
0x59: {  	_ =	shalt  }
0x5a: {  	_ =	shalt  }
0x5b: {  	_ =	shalt  }
0x5c: {  	_ =	shalt  }
0x5d: {  	_ =	shalt  }
0x5e: {  	_ =	shalt  }
0x5f: {  	_ =	shalt  }
0x60: {  	_ =	shalt  }
0x61: {  	_ =	shalt  }
0x62: {  	_ =	shalt  }
0x63: {  	_ =	shalt  }
0x64: {  	_ =	shalt  }
0x65: {  	_ =	shalt  }
0x66: {  	_ =	shalt  }
0x67: {  	_ =	shalt  }
0x68: {  	_ =	shalt  }
0x69: {  	_ =	shalt  }
0x6a: {  	_ =	shalt  }
0x6b: {  	_ =	shalt  }
0x6c: {  	_ =	shalt  }
0x6d: {  	_ =	shalt  }
0x6e: {  	_ =	shalt  }
0x6f: {  	_ =	shalt  }
0x70: {  	_ =	shalt  }
0x71: {  	_ =	shalt  }
0x72: {  	_ =	shalt  }
0x73: {  	_ =	shalt  }
0x74: {  	_ =	shalt  }
0x75: {  	_ =	shalt  }
0x76: {  	_ =	shalt  }
0x77: {  	_ =	shalt  }
0x78: {  	_ =	shalt  }
0x79: {  	_ =	shalt  }
0x7a: {  	_ =	shalt  }
0x7b: {  	_ =	shalt  }
0x7c: {  	_ =	shalt  }
0x7d: {  	_ =	shalt  }
0x7e: {  	_ =	shalt  }
0x7f: {  	_ =	shalt  }
0x80: {  	_ =	shalt  }
0x81: {  	_ =	shalt  }
0x82: {  	_ =	shalt  }
0x83: {  	_ =	shalt  }
0x84: {  	_ =	shalt  }
0x85: {  	_ =	shalt  }
0x86: {  	_ =	shalt  }
0x87: {  	_ =	shalt  }
.Lfunc_end0:
.L_simem_size_0:
called_computation_lowered:
.L_overlay_start_0:
0x88: {  	s2 =	sld [smem:$0x3FD9]  }
0x89: {  	s3 =	sld [smem:$0x3FFE];
	_ =	sdelay $0x1  }
0x8a: {  	s1 =	srdreg.scid  }
0x8b: {  	s0 =	sand.u32 $0x1, s1  }
0x8c: {  	s17 =	sshll.u32 s0, $0xA;
	s2 =	sadd.s32 s3, s2  }
0x8d: {  	s2 =	sadd.s32 s2, s17  }
0x8e: {  	[smem:$0x3FB7] =	sst s2  }
0x8f: {  	_ = 	snop  }
0x90: {  	s2 =	sld [smem:$0x3FC9];
	(tm) =	ssettm $0x1  }
0x91: {  	s18 =	sld [smem:$0x3FFB];
	_ =	sdelay $0x3  }
0x92: {  	_ =	strace s18  }
0x93: {  	s3 =	sld [smem:$0x3FFC];
	_ =	sdelay $0x3  }
0x94: {  	_ =	strace s3  }
0x95: {  	s3 =	sld [smem:$0x3FFD];
	_ =	sdelay $0x3  }
0x96: {  	_ =	strace s3  }
0x97: {  	_ =	strace $0x8FFFFFFF  }
0x98: {  	s19 =	sld [smem:$0x3FDB];
	_ =	sdelay $0x1  }
0x99: {  	s4 =	simm.s32 $_scs_section_size  }
0x9a: {  	s5 =	simm.s32 $_size__tile_overlayer_lowered;
	s6 =	simm.s32 $_tile_overlayer_lowered  }
0x9b: {  	s22 =	simm.s32 $0x1BFF;
	s21 =	sshll.u32 s6, $0x1;
	s3 =	sadd.s32 s4, s19  }
0x9c: {  	s7 =	simm.s32 $0x0;
	s20 =	sshll.u32 s5, $0x1;
	s5 =	sadd.s32 s21, s3  }
0x9d: {  	[timem:s7], [sflag:s22] =	dma.local [hbm:s5], s20  }
0x9e: {  	_ =	swait.ge [sflag:s22], s20  }
0x9f: {  	s4 =	ssub.s32 $0x0, s20;
	[sflag:s22] =	ssyncset.done $0x0  }
0xa0: {  	[sflag:s22] =	ssyncadd.s32 s4;
	_ =	sdelay $0x1  }
0xa1: {  	s23 =	simm.s32 $0x1B8B  }
0xa2: {  	_ =	swait.ge [sflag:s23], $0x1  }
0xa3: {  	[sflag:s23] =	ssyncset.done $0x0  }
0xa4: {  	s25 =	simm.s32 $0x1B8E;
	s24 =	sld [smem:$0x3FFE];
	[sflag:s23] =	ssyncadd.s32 $0xFFFFFFFF  }
0xa5: {  	s26 =	simm.s32 $execute0_lowered;
	[smem:$0x3FD2] =	sst s25  }
0xa6: {  	s5 =	sshll.u32 s26, $0x1;
	_ =	strace $0x80000046;
	[dreg:$0x1] =	wrdreg $0xFFFFFFFF  }
0xa7: {  	s28 =	simm.s32 $_size_execute0_lowered;
	s3 =	sadd.s32 s3, s5;
	[dreg:$0x0] =	wrdreg $0x0  }
0xa8: {  	s5 =	sshll.u32 s28, $0x1;
	[dreg:$0x2] =	wrdreg s3  }
0xa9: {  	[dreg:$0x3] =	wrdreg s5  }
0xaa: {  	[dreg:$0x4] =	wrdreg $0xC0  }
0xab: {  	_ =	task [dreg:s7], $0x5FFFF  }
0xac: {  	[dreg:$0x1] =	wrdreg $0xFFFFFFFF  }
0xad: {  	[dreg:$0x0] =	wrdreg $0x60  }
0xae: {  	[dreg:$0x2] =	wrdreg s2  }
0xaf: {  	[dreg:$0x3] =	wrdreg s24  }
0xb0: {  	[dreg:$0x4] =	wrdreg $0x89000  }
0xb1: {  	[dreg:$0x5] =	wrdreg $0x9  }
0xb2: {  	_ =	task.clear_ibuf [dreg:s7], $0x6FFFF;
	_ =	strace $0x90000046  }
0xb3: {  	s29 =	simm.s32 $0x9;
	_ =	strace $0x80000048  }
0xb4: {  	_ =	swait.ge [sflag:s29], $0x1  }
0xb5: {  	[sflag:s29] =	ssyncadd.s32 $0xFFFFFFFF  }
0xb6: {  	_ =	strace $0x90000048  }
0xb7: {  	_ =	sfence  }
0xb8: {  	s30 =	sld [smem:$0x0];
	_ =	sdelay $0x2  }
0xb9: {  	s31 =	sshll.u32 s1, $0xD;
	s1 =	sshrl.u32 s1, $0x2  }
0xba: {  	s3 =	sand.u32 $0x4000, s31;
	s1 =	sadd.s32 s1, s30  }
0xbb: {  	s0 =	sor.u32 s3, s0;
	s1 =	sshll.u32 s1, $0x11  }
0xbc: {  	s0 =	sor.u32 s1, s0  }
0xbd: {  	s0 =	sadd.s32 $0x8F2B, s0  }
0xbe: {  	[sflag:s0] =	ssyncadd.remote.s32 $0x1  }
0xbf: {  	_ =	sfence.sel $0xFFFF  }
0xc0: {  	[dreg:$0x0] =	wrdreg $0xFFFFFFFF;
	(pc) =	sbr.abs _section_cstart, $3  }
0xc1: {  	[dreg:$0x1] =	wrdreg $0xFFFFFFFF  }
0xc2: {  	_ =	task.clear_ibuf [dreg:s7], $0x2FFFF;
	_ =	strace $0x9FFFFFFF  }
0xc3: {  	(tm) =	ssettm $0x7FFFFFFF  }
tec
execute0_lowered:
.L_overlay_start_1:
0x0: {  	(tag) =	ssettag $0x1  }
0x1: {  	s2 =	rddreg [dreg:$0x0]  }
0x2: {  	s6 =	rddreg [dreg:$0x1]  }
0x3: {  	s0 =	srdreg.scid;
	s3 =	rddreg [dreg:$0x2];
	s4 =	simm.s32 $0x0  }
0x4: {  	s15 =	simm.s32 $0x80;
	s16 =	simm.s32 $0x4800;
	s17 =	simm.s32 $0x4900  }
0x5: {  	s18 =	simm.s32 $0x1;
	s19 =	simm.s32 $0x4880;
	s8 =	sand.u32 $0x1, s0  }
0x6: {  	s20 =	simm.s32 $0x0;
	s0 =	stileid.u32;
	s7 =	smul.u32 $0x13C000, s8  }
0x7: {  	[smem:$0x7FF] =	sst s4;
	s1 =	sshll.u32 s8, $0x4;
	s9 =	smul.u32 $0x13C00, s0  }
0x8: {  	s28 =	ssub.s32 $0x2, s8;
	s12 =	smul.u32 $0x4F000, s0;
	p0 =	seq.s32 s8, $0x0  }
0x9: {  	s8 =	simm.s32 $0x8F;
	s31 =	sshll.u32 s0, $0x6;
	s1 =	sor.u32 s0, s1  }
0xa: {  	s29 =	sshrl.u32 s28, $0x1;
	s8 =	simm.s32 @!p0 $0xF;
	s5 =	smul.u32 $0x480, s1  }
0xb: {  	s1 =	rddreg [dreg:$0x3];
	_ =	strace $0x80000047;
	s7 =	sadd.s32 s9, s7  }
0xc: {  	s13 =	ssub.s32 s28, s29;
	s30 =	sshrl.u32 s12, $0x2;
	s12 =	simm.s32 $0x2400  }
0xd: {  	s7 =	sshrl.u32 s7, $0x3;
	s14 =	sadd.s32 s30, s3;
	s10 =	sadd.s32 s5, s6  }
0xe: {  	s5 =	sadd.s32 $0x13C00, s6;
	s11 =	sadd.s32 s7, s6;
	s14 =	sshrl.u32 s14, $0x3  }
0xf: {  	s6 =	sadd.s32 $0xAC00, s10;
	s7 =	sadd.s32 $0x1C00, s10;
	s9 =	sadd.s32 $0x16400, s11  }
0x10: {  	s10 =	smax.u32 s13, $0x1;
	s11 =	simm.s32 $0x2;
	s13 =	sor.u32 $0x1C02, s31  }
.LBB2_1:
0x11: {  	[tilespmem:s4], [sflag:$0x2] =	stream.linear.gather [hbm4b:s6+s4], $0x2400, $0x38;
	[tilespmem:$0x1C500] =	vst v63  }
0x12: {  	_ =	swait.ge [sflag:s11], $0x2400  }
0x13: {  	[sflag:s11] =	ssyncset.done $0x0  }
0x14: {  	[sflag:s11] =	ssyncadd.s32 $0xFFFFDC00  }
0x15: {  	[tilespmem:s12], [sflag:$0x2] =	stream.linear.gather [hbm4b:s7+s4], $0x2400, $0x38;
	[tilespmem:$0x1C500] =	vst v63  }
0x16: {  	_ =	swait.ge [sflag:s11], $0x2400  }
0x17: {  	[sflag:s11] =	ssyncset.done $0x0  }
0x18: {  	[sflag:s11] =	ssyncadd.s32 $0xFFFFDC00  }
0x19: {  	v0 =	vld [tilespmem:$0x0];
	_ =	sdelay $0x1  }
0x1a: {  	v1 =	vld [tilespmem:$0x10];
	_ =	sdelay $0x1  }
0x1b: {  	v2 =	vld [tilespmem:$0x20]  }
0x1c: {  	v3 =	vand.u32 $0xFFFF, v0  }
0x1d: {  	v0 =	vshra.s32 v0, $0x10;
	[tilespmem:$0x4800] =	vst v3;
	v3 =	vld [tilespmem:$0x30]  }
0x1e: {  	[tilespmem:$0x4810] =	vst v0;
	v0 =	vand.u32 $0xFFFF, v1  }
0x1f: {  	[tilespmem:$0x4820] =	vst v0;
	v0 =	vshra.s32 v1, $0x10;
	v1 =	vld [tilespmem:$0x2400]  }
0x20: {  	[tilespmem:$0x4830] =	vst v0;
	v0 =	vand.u32 $0xFFFF, v2  }
0x21: {  	[tilespmem:$0x4840] =	vst v0;
	v0 =	vshra.s32 v2, $0x10;
	v2 =	vld [tilespmem:$0x2410]  }
0x22: {  	[tilespmem:$0x4850] =	vst v0;
	v0 =	vand.u32 $0xFFFF, v3  }
0x23: {  	[tilespmem:$0x4860] =	vst v0;
	v0 =	vshra.s32 v3, $0x10;
	v3 =	vld [tilespmem:$0x2420]  }
0x24: {  	[tilespmem:$0x4870] =	vst v0;
	v0 =	vand.u32 $0xFFFF, v1  }
0x25: {  	[tilespmem:$0x4880] =	vst v0;
	v0 =	vshra.s32 v1, $0x10;
	v1 =	vld [tilespmem:$0x2430]  }
0x26: {  	[tilespmem:$0x4890] =	vst v0;
	v0 =	vand.u32 $0xFFFF, v2  }
0x27: {  	[tilespmem:$0x48A0] =	vst v0;
	v0 =	vshra.s32 v2, $0x10  }
0x28: {  	[tilespmem:$0x48B0] =	vst v0;
	v0 =	vand.u32 $0xFFFF, v3  }
0x29: {  	[tilespmem:$0x48C0] =	vst v0;
	v0 =	vshra.s32 v3, $0x10  }
0x2a: {  	[tilespmem:$0x48D0] =	vst v0;
	v0 =	vand.u32 $0xFFFF, v1  }
0x2b: {  	[tilespmem:$0x48E0] =	vst v0;
	v0 =	vshra.s32 v1, $0x10  }
0x2c: {  	[tilespmem:$0x48F0] =	vst v0  }
0x2d: {  	[spmem:s14], [sflag:s13] =	dma.local [hbm:s5], $0x2780  }
0x2e: {  	_ =	swait.ge [sflag:s11], $0x2780  }
0x2f: {  	[sflag:s11] =	ssyncset.done $0x0  }
0x30: {  	[sflag:s11] =	ssyncadd.s32 $0xFFFFD880  }
0x31: {  	[bflag:$0x0] =	sbarrier.arrive $0xFFFF  }
0x32: {  	[tilespmem:s17], [sflag:$0x1] =	stream.indirect.gather [hbm4b:s2+s15], $0x80, s16, s15, $0xb8;
	[tilespmem:$0x1C500] =	vst v63  }
0x33: {  	_ =	swait.ge [sflag:s18], $0x4000  }
0x34: {  	[sflag:s18] =	ssyncset.done $0x0  }
0x35: {  	s21 =	simm.s32 $0x70;
	[sflag:s18] =	ssyncadd.s32 $0xFFFFC000  }
0x36: {  	v0 =	vld [tilespmem:s21+$0xFFFFFFD0];
	_ =	sdelay $0x4  }
0x37: {  	v1 =	vand.u32 $0xFFFF, v0  }
0x38: {  	v0 =	vshra.s32 v0, $0x10;
	[tilespmem:$0x4800] =	vst v1  }
0x39: {  	[tilespmem:$0x4810] =	vst v0  }
0x3a: {  	v0 =	vld [tilespmem:s21+$0xFFFFFFE0];
	_ =	sdelay $0x4  }
0x3b: {  	v1 =	vand.u32 $0xFFFF, v0  }
0x3c: {  	v0 =	vshra.s32 v0, $0x10;
	[tilespmem:$0x4820] =	vst v1  }
0x3d: {  	[tilespmem:$0x4830] =	vst v0  }
0x3e: {  	v0 =	vld [tilespmem:s21+$0xFFFFFFF0];
	_ =	sdelay $0x4  }
0x3f: {  	v1 =	vand.u32 $0xFFFF, v0  }
0x40: {  	v0 =	vshra.s32 v0, $0x10;
	[tilespmem:$0x4840] =	vst v1  }
0x41: {  	[tilespmem:$0x4850] =	vst v0  }
0x42: {  	v0 =	vld [tilespmem:s21+$0x0];
	_ =	sdelay $0x4  }
0x43: {  	v1 =	vand.u32 $0xFFFF, v0  }
0x44: {  	v0 =	vshra.s32 v0, $0x10;
	[tilespmem:$0x4860] =	vst v1  }
0x45: {  	[tilespmem:$0x4870] =	vst v0  }
0x46: {  	[spmem:s3] =	stream.indirect.scatter.add.f32 [tilespmem:s17], [sflag:$0x2], $0x80, s19, s15, $0xb8;
	[tilespmem:$0x1C500] =	vst v63  }
0x47: {  	_ =	swait.ge [sflag:s11], $0x4000  }
0x48: {  	[sflag:s11] =	ssyncset.done $0x0  }
0x49: {  	s22 =	simm.s32 $0x2470;
	[sflag:s11] =	ssyncadd.s32 $0xFFFFC000  }
0x4a: {  	v0 =	vld [tilespmem:s22+$0xFFFFFFD0];
	_ =	sdelay $0x4  }
0x4b: {  	v1 =	vand.u32 $0xFFFF, v0  }
0x4c: {  	v0 =	vshra.s32 v0, $0x10;
	[tilespmem:$0x4880] =	vst v1  }
0x4d: {  	[tilespmem:$0x4890] =	vst v0  }
0x4e: {  	v0 =	vld [tilespmem:s22+$0xFFFFFFE0];
	_ =	sdelay $0x4  }
0x4f: {  	v1 =	vand.u32 $0xFFFF, v0  }
0x50: {  	v0 =	vshra.s32 v0, $0x10;
	[tilespmem:$0x48A0] =	vst v1  }
0x51: {  	[tilespmem:$0x48B0] =	vst v0  }
0x52: {  	v0 =	vld [tilespmem:s22+$0xFFFFFFF0]  }
0x53: {  	p0 =	sne.s32 s8, $0x1  }
.Ltmp0:
0x54: {  	_ = 	snop;
	(pc) =	sbr.rel @!p0 .LBB2_3-.Ltmp0, $3  }
0x55: {  	_ =	sdelay $0x1  }
0x56: {  	v1 =	vand.u32 $0xFFFF, v0  }
0x57: {  	s23 =	sadd.s32 $0xFFFFFFFF, s8;
	s24 =	simm.s32 $0x2470;
	v0 =	vshra.s32 v0, $0x10;
	[tilespmem:$0x48C0] =	vst v1  }
.LBB2_2:
0x58: {  	p0 =	sne.s32 s23, $0x1;
	[tilespmem:$0x48D0] =	vst v0;
	s21 =	sadd.s32 $0x40, s21;
	s24 =	sadd.s32 $0x40, s24  }
0x59: {  	s23 =	sadd.s32 $0xFFFFFFFF, s23;
	v0 =	vld [tilespmem:s22+$0x0];
	s22 =	smov.u32 s24;
	_ =	sdelay $0x4  }
0x5a: {  	v1 =	vand.u32 $0xFFFF, v0;
	v0 =	vshra.s32 v0, $0x10  }
0x5b: {  	[tilespmem:$0x48E0] =	vst v1  }
0x5c: {  	[tilespmem:$0x48F0] =	vst v0  }
0x5d: {  	[tilespmem:s17], [sflag:$0x1] =	stream.indirect.gather [hbm4b:s2+s15], $0x80, s16, s15, $0xb8;
	[tilespmem:$0x1C500] =	vst v63  }
0x5e: {  	_ =	swait.ge [sflag:s18], $0x4000  }
0x5f: {  	[sflag:s18] =	ssyncset.done $0x0  }
0x60: {  	[sflag:s18] =	ssyncadd.s32 $0xFFFFC000  }
0x61: {  	v0 =	vld [tilespmem:s21+$0xFFFFFFD0];
	_ =	sdelay $0x4  }
0x62: {  	v1 =	vand.u32 $0xFFFF, v0;
	v0 =	vshra.s32 v0, $0x10  }
0x63: {  	[tilespmem:$0x4800] =	vst v1  }
0x64: {  	[tilespmem:$0x4810] =	vst v0  }
0x65: {  	v0 =	vld [tilespmem:s21+$0xFFFFFFE0];
	_ =	sdelay $0x4  }
0x66: {  	v1 =	vand.u32 $0xFFFF, v0;
	v0 =	vshra.s32 v0, $0x10  }
0x67: {  	[tilespmem:$0x4820] =	vst v1  }
0x68: {  	[tilespmem:$0x4830] =	vst v0  }
0x69: {  	v0 =	vld [tilespmem:s21+$0xFFFFFFF0];
	_ =	sdelay $0x4  }
0x6a: {  	v1 =	vand.u32 $0xFFFF, v0;
	v0 =	vshra.s32 v0, $0x10  }
0x6b: {  	[tilespmem:$0x4840] =	vst v1  }
0x6c: {  	[tilespmem:$0x4850] =	vst v0  }
0x6d: {  	v0 =	vld [tilespmem:s21+$0x0];
	_ =	sdelay $0x4  }
0x6e: {  	v1 =	vand.u32 $0xFFFF, v0;
	v0 =	vshra.s32 v0, $0x10  }
0x6f: {  	[tilespmem:$0x4860] =	vst v1  }
0x70: {  	[tilespmem:$0x4870] =	vst v0  }
0x71: {  	[spmem:s3] =	stream.indirect.scatter.add.f32 [tilespmem:s17], [sflag:$0x2], $0x80, s19, s15, $0xb8;
	[tilespmem:$0x1C500] =	vst v63  }
0x72: {  	_ =	swait.ge [sflag:s11], $0x4000  }
0x73: {  	[sflag:s11] =	ssyncset.done $0x0  }
0x74: {  	[sflag:s11] =	ssyncadd.s32 $0xFFFFC000  }
0x75: {  	v0 =	vld [tilespmem:s24+$0xFFFFFFD0];
	_ =	sdelay $0x4  }
0x76: {  	v1 =	vand.u32 $0xFFFF, v0;
	v0 =	vshra.s32 v0, $0x10  }
0x77: {  	[tilespmem:$0x4880] =	vst v1  }
0x78: {  	[tilespmem:$0x4890] =	vst v0  }
0x79: {  	v0 =	vld [tilespmem:s24+$0xFFFFFFE0];
	_ =	sdelay $0x4  }
0x7a: {  	v1 =	vand.u32 $0xFFFF, v0;
	v0 =	vshra.s32 v0, $0x10  }
0x7b: {  	[tilespmem:$0x48A0] =	vst v1  }
0x7c: {  	[tilespmem:$0x48B0] =	vst v0  }
0x7d: {  	v0 =	vld [tilespmem:s24+$0xFFFFFFF0];
	_ =	sdelay $0x1  }
.Ltmp1:
0x7e: {  	(pc) =	sbr.rel @p0 .LBB2_2-.Ltmp1, $3  }
0x7f: {  	_ =	sdelay $0x1  }
0x80: {  	v1 =	vand.u32 $0xFFFF, v0;
	v0 =	vshra.s32 v0, $0x10  }
0x81: {  	[tilespmem:$0x48C0] =	vst v1  }
.LBB2_3:
0x82: {  	[tilespmem:$0x48D0] =	vst v0  }
0x83: {  	v0 =	vld [tilespmem:s22+$0x0];
	_ =	sdelay $0x4  }
0x84: {  	v1 =	vand.u32 $0xFFFF, v0  }
0x85: {  	v0 =	vshra.s32 v0, $0x10;
	[tilespmem:$0x48E0] =	vst v1  }
0x86: {  	[tilespmem:$0x48F0] =	vst v0  }
0x87: {  	[tilespmem:s17], [sflag:$0x1] =	stream.indirect.gather [hbm4b:s2+s15], $0x80, s16, s15, $0xb8;
	[tilespmem:$0x1C500] =	vst v63  }
0x88: {  	_ =	swait.ge [sflag:s18], $0x4000  }
0x89: {  	[sflag:s18] =	ssyncset.done $0x0  }
0x8a: {  	[sflag:s18] =	ssyncadd.s32 $0xFFFFC000  }
0x8b: {  	[spmem:s3] =	stream.indirect.scatter.add.f32 [tilespmem:s17], [sflag:$0x2], $0x80, s19, s15, $0xb8;
	[tilespmem:$0x1C500] =	vst v63  }
0x8c: {  	_ =	swait.ge [sflag:s11], $0x4000  }
0x8d: {  	s20 =	sadd.s32 $0x1, s20;
	[sflag:s11] =	ssyncset.done $0x0  }
0x8e: {  	p0 =	sne.s32 s20, s10;
	[sflag:s11] =	ssyncadd.s32 $0xFFFFC000  }
.Ltmp2:
0x8f: {  	[bflag:$0x0] =	sbarrier.arrive $0xFFFF;
	(pc) =	sbr.rel @p0 .LBB2_1-.Ltmp2, $4  }
0x90: {  	[hbm:s9], [sflag:s13] =	dma.local [spmem:s14], $0x2780  }
0x91: {  	_ =	swait.ge [sflag:s11], $0x2780  }
0x92: {  	[sflag:s11] =	ssyncset.done $0x0  }
0x93: {  	[sflag:s11] =	ssyncadd.s32 $0xFFFFD880  }
0x94: {  	_ =	sfence.sel $0x180000  }
0x95: {  	[bflag:$0x0] =	sbarrier.arrive $0xFFFF  }
0x96: {  	p0 =	sne.s32 s0, $0x0;
	_ =	strace $0x90000047  }
0x97: {  	s0 =	sadd.s32 @!p0 $0x100000, s1;
	[bflag:$0x2] =	sbarrier.arrive $0xFFFF  }
0x98: {  	[sflag:s0] =	ssyncadd.tile.s32 @!p0 $0x1;
	_ =	shalt  }
.Lfunc_end2:
_tile_overlayer_lowered:
.L_overlay_start_2:
0x99: {  	(tag) =	ssettag $0x2  }
0x9a: {  	s0 =	rddreg [dreg:$0x0];
	s2 =	stileid.u32  }
0x9b: {  	s1 =	rddreg [dreg:$0x1];
	p0 =	sne.s32 s2, $0x0  }
0x9c: {  	s3 =	rddreg [dreg:$0x2];
	[bflag:$0x3] =	sbarrier.arrive $0xFFFF;
	s2 =	simm.s32 @!p0 $0x1C02  }
0x9d: {  	[timem:s3], [sflag:s2] =	dma.local @!p0 [hbm:s0], s1  }
0x9e: {  	s0 =	simm.s32 @!p0 $0x2  }
0x9f: {  	_ =	swait.ge @!p0 [sflag:s0], s1  }
0xa0: {  	s1 =	ssub.s32 @!p0 $0x0, s1;
	[sflag:s0] =	ssyncset.done @!p0 $0x0  }
0xa1: {  	[sflag:s0] =	ssyncadd.s32 @!p0 s1  }
0xa2: {  	[bflag:$0x3] =	sbarrier.arrive $0xFFFF  }
0xa3: {  	_ =	shalt  }

// kernel: kernel.13.cloned.1.call-start
scs
__scs_entry_jumppad:
0x0: {  	(pc) =	sbr.rel $0x88, $3  }
0x1: {  	(tag) =	ssettag $0x0;
	lr =	simm.s32 $0x1  }
0x2: {  	[smem:$0x3F90] =	sst lr;
	_ =	strace $0xD0000000  }
0x3: {  	_ = 	snop  }
0x4: {  	_ = 	snop  }
0x5: {  	_ = 	snop  }
0x6: {  	_ = 	snop  }
0x7: {  	_ = 	snop  }
__scs_overlays_trampoline_lowered:
0x8: {  	[smem:$0x3F9F] =	sst s0  }
0x9: {  	[smem:$0x3FA0] =	sst s1  }
0xa: {  	[smem:$0x3FA1] =	sst s2  }
0xb: {  	[smem:$0x3FA2] =	sst s3  }
0xc: {  	[smem:$0x3FA3] =	sst s4  }
0xd: {  	[smem:$0x3FA4] =	sst s5  }
0xe: {  	[smem:$0x3FA5] =	sst s6  }
0xf: {  	[smem:$0x3FA6] =	sst s7  }
0x10: {  	[smem:$0x3FA7] =	sst s8  }
0x11: {  	[smem:$0x3FA8] =	sst s9;
	s0 =	simm.s32 @!p0 $0x0  }
0x12: {  	s1 =	sld [smem:$0x3F8E];
	s0 =	simm.s32 @p0 $0x1  }
0x13: {  	[smem:$0x3FA9] =	sst s0;
	s0 =	simm.s32 @!p1 $0x0  }
0x14: {  	s2 =	sld [smem:$0x3F8D];
	s0 =	simm.s32 @p1 $0x1  }
0x15: {  	[smem:$0x3FAA] =	sst s0;
	s0 =	simm.s32 @!p2 $0x0  }
0x16: {  	s3 =	sld [smem:$0x3FDB];
	s0 =	simm.s32 @p2 $0x1  }
0x17: {  	s4 =	simm.s32 $0x1BF5;
	[smem:$0x3FAC] =	sst s0  }
0x18: {  	s0 =	sld [smem:$0x3F8F];
	_ =	swait.ge [sflag:s4], $0x0  }
0x19: {  	s7 =	sld [smem:$0x3F90]  }
0x1a: {  	s8 =	sadd.s32 $0xFFFFE003, lr  }
0x1b: {  	s9 =	sadd.s32 $0xFFFFFEF7, lr;
	s5 =	simm.s32 $0xFFFFFFFF;
	p2 =	slt.u32 s8, $0xFFFFF086  }
0x1c: {  	p1 =	slt.u32 s9, $0xF7A;
	s5 =	simm.s32 @!p2 $0x0  }
0x1d: {  	s5 =	simm.s32 @p1 $0x1;
	p0 =	seq.s32 s7, s2  }
0x1e: {  	s7 =	smul.u32 @!p0 $0xF7A, s2;
	p2 =	seq.s32 @!p0 s5, $0x0  }
0x1f: {  	s9 =	smul.u32 $0xF7A, s1;
	s8 =	simm.s32 @!p0 $0x1BF5;
	p2 =	por !p2, p0  }
0x20: {  	[sflag:s8] =	ssyncset.s32 @!p0 $0xFFFFF086;
	s6 =	sadd.s32 @!p0 s3, s7;
	s7 =	simm.s32 @!p0 $0x108  }
0x21: {  	s3 =	sadd.s32 s3, s9;
	s6 =	sadd.s32 @!p0 $0x88, s6;
	s7 =	simm.s32 @p2 $0x1082  }
0x22: {  	[simem:s7], [sflag:s8] =	dma.local @!p0 [hbm:s6], $0xF7A  }
0x23: {  	s9 =	sor.u32 $0xD0000000, s2;
	s6 =	simm.s32 $0x108;
	_ =	swait.ge @!p0 [sflag:s8], $0x0  }
0x24: {  	s3 =	sadd.s32 $0x88, s3;
	s6 =	simm.s32 @!p1 $0x1082;
	[sflag:s4] =	ssyncset.s32 $0xFFFFF086  }
0x25: {  	[simem:s6], [sflag:s4] =	dma.local [hbm:s3], $0xF7A  }
0x26: {  	[smem:$0x3F90] =	sst s1;
	(tag) =	ssettag s2;
	_ =	strace s9  }
0x27: {  	s1 =	sld [smem:$0x3FA0]  }
0x28: {  	s2 =	sld [smem:$0x3FA1]  }
0x29: {  	s4 =	sld [smem:$0x3FA3]  }
0x2a: {  	p0 =	seq.s32 s5, $0x0;
	s5 =	sld [smem:$0x3FA4]  }
0x2b: {  	s6 =	sld [smem:$0x3FA5]  }
0x2c: {  	s7 =	sld [smem:$0x3FA6]  }
0x2d: {  	s3 =	simm.s32 $0x108;
	s8 =	sld [smem:$0x3FA7]  }
0x2e: {  	s3 =	simm.s32 @!p0 $0x1082;
	s9 =	sld [smem:$0x3FA8]  }
0x2f: {  	lr =	sadd.s32 s0, s3;
	s0 =	sld [smem:$0x3F9F]  }
0x30: {  	s3 =	sld [smem:$0x3FA2]  }
0x31: {  	[smem:$0x3FAB] =	sst s10  }
0x32: {  	s10 =	sld [smem:$0x3FA9];
	_ =	sdelay $0x3  }
0x33: {  	p0 =	seq.s32 s10, $0x1;
	s10 =	sld [smem:$0x3FAB];
	_ =	sdelay $0x3  }
0x34: {  	[smem:$0x3FAB] =	sst s10  }
0x35: {  	s10 =	sld [smem:$0x3FAA];
	_ =	sdelay $0x3  }
0x36: {  	p1 =	seq.s32 s10, $0x1;
	s10 =	sld [smem:$0x3FAB];
	_ =	sdelay $0x3  }
0x37: {  	[smem:$0x3FAB] =	sst s10  }
0x38: {  	s10 =	sld [smem:$0x3FAC]  }
0x39: {  	_ = 	snop;
	(pc) =	sbr.ind lr, $3  }
0x3a: {  	_ = 	snop  }
0x3b: {  	_ = 	snop  }
0x3c: {  	p2 =	seq.s32 s10, $0x1;
	s10 =	sld [smem:$0x3FAB]  }
0x3d: {  	_ =	shalt  }
0x3e: {  	_ =	shalt  }
0x3f: {  	_ =	shalt  }
0x40: {  	_ =	shalt  }
0x41: {  	_ =	shalt  }
0x42: {  	_ =	shalt  }
0x43: {  	_ =	shalt  }
0x44: {  	_ =	shalt  }
0x45: {  	_ =	shalt  }
0x46: {  	_ =	shalt  }
0x47: {  	_ =	shalt  }
0x48: {  	_ =	shalt  }
0x49: {  	_ =	shalt  }
0x4a: {  	_ =	shalt  }
0x4b: {  	_ =	shalt  }
0x4c: {  	_ =	shalt  }
0x4d: {  	_ =	shalt  }
0x4e: {  	_ =	shalt  }
0x4f: {  	_ =	shalt  }
0x50: {  	_ =	shalt  }
0x51: {  	_ =	shalt  }
0x52: {  	_ =	shalt  }
0x53: {  	_ =	shalt  }
0x54: {  	_ =	shalt  }
0x55: {  	_ =	shalt  }
0x56: {  	_ =	shalt  }
0x57: {  	_ =	shalt  }
0x58: {  	_ =	shalt  }
0x59: {  	_ =	shalt  }
0x5a: {  	_ =	shalt  }
0x5b: {  	_ =	shalt  }
0x5c: {  	_ =	shalt  }
0x5d: {  	_ =	shalt  }
0x5e: {  	_ =	shalt  }
0x5f: {  	_ =	shalt  }
0x60: {  	_ =	shalt  }
0x61: {  	_ =	shalt  }
0x62: {  	_ =	shalt  }
0x63: {  	_ =	shalt  }
0x64: {  	_ =	shalt  }
0x65: {  	_ =	shalt  }
0x66: {  	_ =	shalt  }
0x67: {  	_ =	shalt  }
0x68: {  	_ =	shalt  }
0x69: {  	_ =	shalt  }
0x6a: {  	_ =	shalt  }
0x6b: {  	_ =	shalt  }
0x6c: {  	_ =	shalt  }
0x6d: {  	_ =	shalt  }
0x6e: {  	_ =	shalt  }
0x6f: {  	_ =	shalt  }
0x70: {  	_ =	shalt  }
0x71: {  	_ =	shalt  }
0x72: {  	_ =	shalt  }
0x73: {  	_ =	shalt  }
0x74: {  	_ =	shalt  }
0x75: {  	_ =	shalt  }
0x76: {  	_ =	shalt  }
0x77: {  	_ =	shalt  }
0x78: {  	_ =	shalt  }
0x79: {  	_ =	shalt  }
0x7a: {  	_ =	shalt  }
0x7b: {  	_ =	shalt  }
0x7c: {  	_ =	shalt  }
0x7d: {  	_ =	shalt  }
0x7e: {  	_ =	shalt  }
0x7f: {  	_ =	shalt  }
0x80: {  	_ =	shalt  }
0x81: {  	_ =	shalt  }
0x82: {  	_ =	shalt  }
0x83: {  	_ =	shalt  }
0x84: {  	_ =	shalt  }
0x85: {  	_ =	shalt  }
0x86: {  	_ =	shalt  }
0x87: {  	_ =	shalt  }
.Lfunc_end0:
.L_simem_size_0:
called_computation.1_lowered:
.L_overlay_start_0:
0x88: {  	s2 =	sld [smem:$0x3FD9]  }
0x89: {  	s3 =	sld [smem:$0x3FFE];
	_ =	sdelay $0x1  }
0x8a: {  	s1 =	srdreg.scid  }
0x8b: {  	s0 =	sand.u32 $0x1, s1  }
0x8c: {  	s16 =	sshll.u32 s0, $0xA;
	s2 =	sadd.s32 s3, s2  }
0x8d: {  	s2 =	sadd.s32 s2, s16  }
0x8e: {  	[smem:$0x3FB7] =	sst s2  }
0x8f: {  	_ = 	snop  }
0x90: {  	(tm) =	ssettm $0x1  }
0x91: {  	s17 =	sld [smem:$0x3FFB];
	_ =	sdelay $0x3  }
0x92: {  	_ =	strace s17  }
0x93: {  	s2 =	sld [smem:$0x3FFC];
	_ =	sdelay $0x3  }
0x94: {  	_ =	strace s2  }
0x95: {  	s2 =	sld [smem:$0x3FFD];
	_ =	sdelay $0x3  }
0x96: {  	_ =	strace s2  }
0x97: {  	_ =	strace $0x8FFFFFFF  }
0x98: {  	s18 =	sld [smem:$0x3FDB];
	_ =	sdelay $0x1  }
0x99: {  	s19 =	simm.s32 $_scs_section_size  }
0x9a: {  	s4 =	simm.s32 $_size__tile_overlayer_lowered;
	s5 =	simm.s32 $_tile_overlayer_lowered  }
0x9b: {  	s22 =	simm.s32 $0x1BFF;
	s21 =	sshll.u32 s5, $0x1;
	s2 =	sadd.s32 s19, s18  }
0x9c: {  	s6 =	simm.s32 $0x0;
	s20 =	sshll.u32 s4, $0x1;
	s4 =	sadd.s32 s21, s2  }
0x9d: {  	[timem:s6], [sflag:s22] =	dma.local [hbm:s4], s20  }
0x9e: {  	_ =	swait.ge [sflag:s22], s20  }
0x9f: {  	s3 =	ssub.s32 $0x0, s20;
	[sflag:s22] =	ssyncset.done $0x0  }
0xa0: {  	[sflag:s22] =	ssyncadd.s32 s3;
	_ =	sdelay $0x1  }
0xa1: {  	s23 =	simm.s32 $0x1B8B  }
0xa2: {  	_ =	swait.ge [sflag:s23], $0x1  }
0xa3: {  	[sflag:s23] =	ssyncset.done $0x0  }
0xa4: {  	s25 =	simm.s32 $0x1B8E;
	s24 =	sld [smem:$0x3FFE];
	[sflag:s23] =	ssyncadd.s32 $0xFFFFFFFF  }
0xa5: {  	s26 =	simm.s32 $execute0_lowered;
	[smem:$0x3FD2] =	sst s25  }
0xa6: {  	s4 =	sshll.u32 s26, $0x1;
	_ =	strace $0x80000049;
	[dreg:$0x1] =	wrdreg $0xFFFFFFFF  }
0xa7: {  	s28 =	simm.s32 $_size_execute0_lowered;
	s2 =	sadd.s32 s2, s4;
	[dreg:$0x0] =	wrdreg $0x0  }
0xa8: {  	s4 =	sshll.u32 s28, $0x1;
	[dreg:$0x2] =	wrdreg s2  }
0xa9: {  	[dreg:$0x3] =	wrdreg s4  }
0xaa: {  	[dreg:$0x4] =	wrdreg $0xC0  }
0xab: {  	_ =	task [dreg:s6], $0x5FFFF  }
0xac: {  	[dreg:$0x1] =	wrdreg $0xFFFFFFFF  }
0xad: {  	[dreg:$0x0] =	wrdreg $0x60  }
0xae: {  	[dreg:$0x2] =	wrdreg s24  }
0xaf: {  	[dreg:$0x3] =	wrdreg $0x89000  }
0xb0: {  	[dreg:$0x4] =	wrdreg $0x9  }
0xb1: {  	_ =	task.clear_ibuf [dreg:s6], $0x5FFFF;
	_ =	strace $0x90000049  }
0xb2: {  	s29 =	simm.s32 $0x9;
	_ =	strace $0x8000004B  }
0xb3: {  	_ =	swait.ge [sflag:s29], $0x1  }
0xb4: {  	[sflag:s29] =	ssyncadd.s32 $0xFFFFFFFF  }
0xb5: {  	_ =	strace $0x9000004B  }
0xb6: {  	_ =	sfence  }
0xb7: {  	s30 =	sld [smem:$0x0];
	_ =	sdelay $0x2  }
0xb8: {  	s31 =	sshll.u32 s1, $0xD;
	s1 =	sshrl.u32 s1, $0x2  }
0xb9: {  	s3 =	sand.u32 $0x4000, s31;
	s1 =	sadd.s32 s1, s30  }
0xba: {  	s0 =	sor.u32 s3, s0;
	s1 =	sshll.u32 s1, $0x11  }
0xbb: {  	s0 =	sor.u32 s1, s0  }
0xbc: {  	s0 =	sadd.s32 $0x8F2B, s0  }
0xbd: {  	[sflag:s0] =	ssyncadd.remote.s32 $0x1  }
0xbe: {  	_ =	sfence.sel $0xFFFF  }
0xbf: {  	[dreg:$0x0] =	wrdreg $0xFFFFFFFF;
	(pc) =	sbr.abs _section_cstart, $3  }
0xc0: {  	[dreg:$0x1] =	wrdreg $0xFFFFFFFF  }
0xc1: {  	_ =	task.clear_ibuf [dreg:s6], $0x2FFFF;
	_ =	strace $0x9FFFFFFF  }
0xc2: {  	(tm) =	ssettm $0x7FFFFFFF  }
0xc3: {  	_ =	shalt  }
tec
execute0_lowered:
.L_overlay_start_1:
0x0: {  	(tag) =	ssettag $0x1  }
0x1: {  	s0 =	srdreg.scid;
	s6 =	rddreg [dreg:$0x0]  }
0x2: {  	s2 =	rddreg [dreg:$0x1];
	s3 =	simm.s32 $0x0;
	s15 =	simm.s32 $0x80  }
0x3: {  	s16 =	simm.s32 $0x4800;
	s17 =	simm.s32 $0x4900;
	s18 =	simm.s32 $0x1  }
0x4: {  	s19 =	simm.s32 $0x4880;
	s8 =	sand.u32 $0x1, s0;
	s0 =	stileid.u32  }
0x5: {  	s20 =	simm.s32 $0x0;
	[smem:$0x7FF] =	sst s3;
	s7 =	smul.u32 $0x13C000, s8  }
0x6: {  	s4 =	sadd.s32 $0x16400, s6;
	s1 =	sshll.u32 s8, $0x4;
	s9 =	smul.u32 $0x13C00, s0  }
0x7: {  	s28 =	ssub.s32 $0x2, s8;
	s12 =	smul.u32 $0x4F000, s0;
	p0 =	seq.s32 s8, $0x0  }
0x8: {  	s8 =	simm.s32 $0x8F;
	s31 =	sshll.u32 s0, $0x6;
	s1 =	sor.u32 s0, s1  }
0x9: {  	s29 =	sshrl.u32 s28, $0x1;
	s8 =	simm.s32 @!p0 $0xF;
	s5 =	smul.u32 $0x480, s1  }
0xa: {  	s1 =	rddreg [dreg:$0x2];
	_ =	strace $0x8000004A;
	s7 =	sadd.s32 s9, s7  }
0xb: {  	s13 =	ssub.s32 s28, s29;
	s30 =	sshrl.u32 s12, $0x2;
	s12 =	simm.s32 $0x2400  }
0xc: {  	s7 =	sshrl.u32 s7, $0x3;
	s14 =	sadd.s32 s30, s2;
	s10 =	sadd.s32 s5, s6  }
0xd: {  	s5 =	sadd.s32 $0x13C00, s6;
	s11 =	sadd.s32 s7, s6;
	s14 =	sshrl.u32 s14, $0x3  }
0xe: {  	s6 =	sadd.s32 $0xAC00, s10;
	s7 =	sadd.s32 $0x1C00, s10;
	s9 =	sadd.s32 $0x3D600, s11  }
0xf: {  	s10 =	smax.u32 s13, $0x1;
	s11 =	simm.s32 $0x2;
	s13 =	sor.u32 $0x1C02, s31  }
.LBB2_1:
0x10: {  	[tilespmem:s3], [sflag:$0x2] =	stream.linear.gather [hbm4b:s6+s3], $0x2400, $0x38;
	[tilespmem:$0x1C500] =	vst v63  }
0x11: {  	_ =	swait.ge [sflag:s11], $0x2400  }
0x12: {  	[sflag:s11] =	ssyncset.done $0x0  }
0x13: {  	[sflag:s11] =	ssyncadd.s32 $0xFFFFDC00  }
0x14: {  	[tilespmem:s12], [sflag:$0x2] =	stream.linear.gather [hbm4b:s7+s3], $0x2400, $0x38;
	[tilespmem:$0x1C500] =	vst v63  }
0x15: {  	_ =	swait.ge [sflag:s11], $0x2400  }
0x16: {  	[sflag:s11] =	ssyncset.done $0x0  }
0x17: {  	[sflag:s11] =	ssyncadd.s32 $0xFFFFDC00  }
0x18: {  	v0 =	vld [tilespmem:$0x0];
	_ =	sdelay $0x1  }
0x19: {  	v1 =	vld [tilespmem:$0x10];
	_ =	sdelay $0x1  }
0x1a: {  	v2 =	vld [tilespmem:$0x20]  }
0x1b: {  	v3 =	vand.u32 $0xFFFF, v0  }
0x1c: {  	v0 =	vshra.s32 v0, $0x10;
	[tilespmem:$0x4800] =	vst v3;
	v3 =	vld [tilespmem:$0x30]  }
0x1d: {  	[tilespmem:$0x4810] =	vst v0;
	v0 =	vand.u32 $0xFFFF, v1  }
0x1e: {  	[tilespmem:$0x4820] =	vst v0;
	v0 =	vshra.s32 v1, $0x10;
	v1 =	vld [tilespmem:$0x2400]  }
0x1f: {  	[tilespmem:$0x4830] =	vst v0;
	v0 =	vand.u32 $0xFFFF, v2  }
0x20: {  	[tilespmem:$0x4840] =	vst v0;
	v0 =	vshra.s32 v2, $0x10;
	v2 =	vld [tilespmem:$0x2410]  }
0x21: {  	[tilespmem:$0x4850] =	vst v0;
	v0 =	vand.u32 $0xFFFF, v3  }
0x22: {  	[tilespmem:$0x4860] =	vst v0;
	v0 =	vshra.s32 v3, $0x10;
	v3 =	vld [tilespmem:$0x2420]  }
0x23: {  	[tilespmem:$0x4870] =	vst v0;
	v0 =	vand.u32 $0xFFFF, v1  }
0x24: {  	[tilespmem:$0x4880] =	vst v0;
	v0 =	vshra.s32 v1, $0x10;
	v1 =	vld [tilespmem:$0x2430]  }
0x25: {  	[tilespmem:$0x4890] =	vst v0;
	v0 =	vand.u32 $0xFFFF, v2  }
0x26: {  	[tilespmem:$0x48A0] =	vst v0;
	v0 =	vshra.s32 v2, $0x10  }
0x27: {  	[tilespmem:$0x48B0] =	vst v0;
	v0 =	vand.u32 $0xFFFF, v3  }
0x28: {  	[tilespmem:$0x48C0] =	vst v0;
	v0 =	vshra.s32 v3, $0x10  }
0x29: {  	[tilespmem:$0x48D0] =	vst v0;
	v0 =	vand.u32 $0xFFFF, v1  }
0x2a: {  	[tilespmem:$0x48E0] =	vst v0;
	v0 =	vshra.s32 v1, $0x10  }
0x2b: {  	[tilespmem:$0x48F0] =	vst v0  }
0x2c: {  	[spmem:s14], [sflag:s13] =	dma.local [hbm:s5], $0x2780  }
0x2d: {  	_ =	swait.ge [sflag:s11], $0x2780  }
0x2e: {  	[sflag:s11] =	ssyncset.done $0x0  }
0x2f: {  	[sflag:s11] =	ssyncadd.s32 $0xFFFFD880  }
0x30: {  	[bflag:$0x0] =	sbarrier.arrive $0xFFFF  }
0x31: {  	[tilespmem:s17], [sflag:$0x1] =	stream.indirect.gather [hbm4b:s4+s15], $0x80, s16, s15, $0xb8;
	[tilespmem:$0x1C500] =	vst v63  }
0x32: {  	_ =	swait.ge [sflag:s18], $0x4000  }
0x33: {  	[sflag:s18] =	ssyncset.done $0x0  }
0x34: {  	s21 =	simm.s32 $0x70;
	[sflag:s18] =	ssyncadd.s32 $0xFFFFC000  }
0x35: {  	v0 =	vld [tilespmem:s21+$0xFFFFFFD0];
	_ =	sdelay $0x4  }
0x36: {  	v1 =	vand.u32 $0xFFFF, v0  }
0x37: {  	v0 =	vshra.s32 v0, $0x10;
	[tilespmem:$0x4800] =	vst v1  }
0x38: {  	[tilespmem:$0x4810] =	vst v0  }
0x39: {  	v0 =	vld [tilespmem:s21+$0xFFFFFFE0];
	_ =	sdelay $0x4  }
0x3a: {  	v1 =	vand.u32 $0xFFFF, v0  }
0x3b: {  	v0 =	vshra.s32 v0, $0x10;
	[tilespmem:$0x4820] =	vst v1  }
0x3c: {  	[tilespmem:$0x4830] =	vst v0  }
0x3d: {  	v0 =	vld [tilespmem:s21+$0xFFFFFFF0];
	_ =	sdelay $0x4  }
0x3e: {  	v1 =	vand.u32 $0xFFFF, v0  }
0x3f: {  	v0 =	vshra.s32 v0, $0x10;
	[tilespmem:$0x4840] =	vst v1  }
0x40: {  	[tilespmem:$0x4850] =	vst v0  }
0x41: {  	v0 =	vld [tilespmem:s21+$0x0];
	_ =	sdelay $0x4  }
0x42: {  	v1 =	vand.u32 $0xFFFF, v0  }
0x43: {  	v0 =	vshra.s32 v0, $0x10;
	[tilespmem:$0x4860] =	vst v1  }
0x44: {  	[tilespmem:$0x4870] =	vst v0  }
0x45: {  	[spmem:s2] =	stream.indirect.scatter.add.f32 [tilespmem:s17], [sflag:$0x2], $0x80, s19, s15, $0xb8;
	[tilespmem:$0x1C500] =	vst v63  }
0x46: {  	_ =	swait.ge [sflag:s11], $0x4000  }
0x47: {  	[sflag:s11] =	ssyncset.done $0x0  }
0x48: {  	s22 =	simm.s32 $0x2470;
	[sflag:s11] =	ssyncadd.s32 $0xFFFFC000  }
0x49: {  	v0 =	vld [tilespmem:s22+$0xFFFFFFD0];
	_ =	sdelay $0x4  }
0x4a: {  	v1 =	vand.u32 $0xFFFF, v0  }
0x4b: {  	v0 =	vshra.s32 v0, $0x10;
	[tilespmem:$0x4880] =	vst v1  }
0x4c: {  	[tilespmem:$0x4890] =	vst v0  }
0x4d: {  	v0 =	vld [tilespmem:s22+$0xFFFFFFE0];
	_ =	sdelay $0x4  }
0x4e: {  	v1 =	vand.u32 $0xFFFF, v0  }
0x4f: {  	v0 =	vshra.s32 v0, $0x10;
	[tilespmem:$0x48A0] =	vst v1  }
0x50: {  	[tilespmem:$0x48B0] =	vst v0  }
0x51: {  	v0 =	vld [tilespmem:s22+$0xFFFFFFF0]  }
0x52: {  	p0 =	sne.s32 s8, $0x1  }
.Ltmp0:
0x53: {  	_ = 	snop;
	(pc) =	sbr.rel @!p0 .LBB2_3-.Ltmp0, $3  }
0x54: {  	_ =	sdelay $0x1  }
0x55: {  	v1 =	vand.u32 $0xFFFF, v0  }
0x56: {  	s23 =	sadd.s32 $0xFFFFFFFF, s8;
	s24 =	simm.s32 $0x2470;
	v0 =	vshra.s32 v0, $0x10;
	[tilespmem:$0x48C0] =	vst v1  }
.LBB2_2:
0x57: {  	p0 =	sne.s32 s23, $0x1;
	[tilespmem:$0x48D0] =	vst v0;
	s21 =	sadd.s32 $0x40, s21;
	s24 =	sadd.s32 $0x40, s24  }
0x58: {  	s23 =	sadd.s32 $0xFFFFFFFF, s23;
	v0 =	vld [tilespmem:s22+$0x0];
	s22 =	smov.u32 s24;
	_ =	sdelay $0x4  }
0x59: {  	v1 =	vand.u32 $0xFFFF, v0;
	v0 =	vshra.s32 v0, $0x10  }
0x5a: {  	[tilespmem:$0x48E0] =	vst v1  }
0x5b: {  	[tilespmem:$0x48F0] =	vst v0  }
0x5c: {  	[tilespmem:s17], [sflag:$0x1] =	stream.indirect.gather [hbm4b:s4+s15], $0x80, s16, s15, $0xb8;
	[tilespmem:$0x1C500] =	vst v63  }
0x5d: {  	_ =	swait.ge [sflag:s18], $0x4000  }
0x5e: {  	[sflag:s18] =	ssyncset.done $0x0  }
0x5f: {  	[sflag:s18] =	ssyncadd.s32 $0xFFFFC000  }
0x60: {  	v0 =	vld [tilespmem:s21+$0xFFFFFFD0];
	_ =	sdelay $0x4  }
0x61: {  	v1 =	vand.u32 $0xFFFF, v0;
	v0 =	vshra.s32 v0, $0x10  }
0x62: {  	[tilespmem:$0x4800] =	vst v1  }
0x63: {  	[tilespmem:$0x4810] =	vst v0  }
0x64: {  	v0 =	vld [tilespmem:s21+$0xFFFFFFE0];
	_ =	sdelay $0x4  }
0x65: {  	v1 =	vand.u32 $0xFFFF, v0;
	v0 =	vshra.s32 v0, $0x10  }
0x66: {  	[tilespmem:$0x4820] =	vst v1  }
0x67: {  	[tilespmem:$0x4830] =	vst v0  }
0x68: {  	v0 =	vld [tilespmem:s21+$0xFFFFFFF0];
	_ =	sdelay $0x4  }
0x69: {  	v1 =	vand.u32 $0xFFFF, v0;
	v0 =	vshra.s32 v0, $0x10  }
0x6a: {  	[tilespmem:$0x4840] =	vst v1  }
0x6b: {  	[tilespmem:$0x4850] =	vst v0  }
0x6c: {  	v0 =	vld [tilespmem:s21+$0x0];
	_ =	sdelay $0x4  }
0x6d: {  	v1 =	vand.u32 $0xFFFF, v0;
	v0 =	vshra.s32 v0, $0x10  }
0x6e: {  	[tilespmem:$0x4860] =	vst v1  }
0x6f: {  	[tilespmem:$0x4870] =	vst v0  }
0x70: {  	[spmem:s2] =	stream.indirect.scatter.add.f32 [tilespmem:s17], [sflag:$0x2], $0x80, s19, s15, $0xb8;
	[tilespmem:$0x1C500] =	vst v63  }
0x71: {  	_ =	swait.ge [sflag:s11], $0x4000  }
0x72: {  	[sflag:s11] =	ssyncset.done $0x0  }
0x73: {  	[sflag:s11] =	ssyncadd.s32 $0xFFFFC000  }
0x74: {  	v0 =	vld [tilespmem:s24+$0xFFFFFFD0];
	_ =	sdelay $0x4  }
0x75: {  	v1 =	vand.u32 $0xFFFF, v0;
	v0 =	vshra.s32 v0, $0x10  }
0x76: {  	[tilespmem:$0x4880] =	vst v1  }
0x77: {  	[tilespmem:$0x4890] =	vst v0  }
0x78: {  	v0 =	vld [tilespmem:s24+$0xFFFFFFE0];
	_ =	sdelay $0x4  }
0x79: {  	v1 =	vand.u32 $0xFFFF, v0;
	v0 =	vshra.s32 v0, $0x10  }
0x7a: {  	[tilespmem:$0x48A0] =	vst v1  }
0x7b: {  	[tilespmem:$0x48B0] =	vst v0  }
0x7c: {  	v0 =	vld [tilespmem:s24+$0xFFFFFFF0];
	_ =	sdelay $0x1  }
.Ltmp1:
0x7d: {  	(pc) =	sbr.rel @p0 .LBB2_2-.Ltmp1, $3  }
0x7e: {  	_ =	sdelay $0x1  }
0x7f: {  	v1 =	vand.u32 $0xFFFF, v0;
	v0 =	vshra.s32 v0, $0x10  }
0x80: {  	[tilespmem:$0x48C0] =	vst v1  }
.LBB2_3:
0x81: {  	[tilespmem:$0x48D0] =	vst v0  }
0x82: {  	v0 =	vld [tilespmem:s22+$0x0];
	_ =	sdelay $0x4  }
0x83: {  	v1 =	vand.u32 $0xFFFF, v0  }
0x84: {  	v0 =	vshra.s32 v0, $0x10;
	[tilespmem:$0x48E0] =	vst v1  }
0x85: {  	[tilespmem:$0x48F0] =	vst v0  }
0x86: {  	[tilespmem:s17], [sflag:$0x1] =	stream.indirect.gather [hbm4b:s4+s15], $0x80, s16, s15, $0xb8;
	[tilespmem:$0x1C500] =	vst v63  }
0x87: {  	_ =	swait.ge [sflag:s18], $0x4000  }
0x88: {  	[sflag:s18] =	ssyncset.done $0x0  }
0x89: {  	[sflag:s18] =	ssyncadd.s32 $0xFFFFC000  }
0x8a: {  	[spmem:s2] =	stream.indirect.scatter.add.f32 [tilespmem:s17], [sflag:$0x2], $0x80, s19, s15, $0xb8;
	[tilespmem:$0x1C500] =	vst v63  }
0x8b: {  	_ =	swait.ge [sflag:s11], $0x4000  }
0x8c: {  	s20 =	sadd.s32 $0x1, s20;
	[sflag:s11] =	ssyncset.done $0x0  }
0x8d: {  	p0 =	sne.s32 s20, s10;
	[sflag:s11] =	ssyncadd.s32 $0xFFFFC000  }
.Ltmp2:
0x8e: {  	[bflag:$0x0] =	sbarrier.arrive $0xFFFF;
	(pc) =	sbr.rel @p0 .LBB2_1-.Ltmp2, $4  }
0x8f: {  	[hbm:s9], [sflag:s13] =	dma.local [spmem:s14], $0x2780  }
0x90: {  	_ =	swait.ge [sflag:s11], $0x2780  }
0x91: {  	[sflag:s11] =	ssyncset.done $0x0  }
0x92: {  	[sflag:s11] =	ssyncadd.s32 $0xFFFFD880  }
0x93: {  	_ =	sfence.sel $0x180000  }
0x94: {  	[bflag:$0x0] =	sbarrier.arrive $0xFFFF  }
0x95: {  	p0 =	sne.s32 s0, $0x0;
	_ =	strace $0x9000004A  }
0x96: {  	s0 =	sadd.s32 @!p0 $0x100000, s1;
	[bflag:$0x2] =	sbarrier.arrive $0xFFFF  }
0x97: {  	[sflag:s0] =	ssyncadd.tile.s32 @!p0 $0x1;
	_ =	shalt  }
.Lfunc_end2:
_tile_overlayer_lowered:
.L_overlay_start_2:
0x98: {  	(tag) =	ssettag $0x2  }
0x99: {  	s0 =	rddreg [dreg:$0x0];
	s2 =	stileid.u32  }
0x9a: {  	s1 =	rddreg [dreg:$0x1];
	p0 =	sne.s32 s2, $0x0  }
0x9b: {  	s3 =	rddreg [dreg:$0x2];
	[bflag:$0x3] =	sbarrier.arrive $0xFFFF;
	s2 =	simm.s32 @!p0 $0x1C02  }
0x9c: {  	[timem:s3], [sflag:s2] =	dma.local @!p0 [hbm:s0], s1  }
0x9d: {  	s0 =	simm.s32 @!p0 $0x2  }
0x9e: {  	_ =	swait.ge @!p0 [sflag:s0], s1  }
0x9f: {  	s1 =	ssub.s32 @!p0 $0x0, s1;
	[sflag:s0] =	ssyncset.done @!p0 $0x0  }
0xa0: {  	[sflag:s0] =	ssyncadd.s32 @!p0 s1  }
0xa1: {  	[bflag:$0x3] =	sbarrier.arrive $0xFFFF  }
0xa2: {  	_ =	shalt  }

// kernel: kernel.16.cloned.1.call-start
scs
__scs_entry_jumppad:
0x0: {  	(pc) =	sbr.rel $0x88, $3  }
0x1: {  	(tag) =	ssettag $0x0;
	lr =	simm.s32 $0x1  }
0x2: {  	[smem:$0x3F90] =	sst lr;
	_ =	strace $0xD0000000  }
0x3: {  	_ = 	snop  }
0x4: {  	_ = 	snop  }
0x5: {  	_ = 	snop  }
0x6: {  	_ = 	snop  }
0x7: {  	_ = 	snop  }
__scs_overlays_trampoline_lowered:
0x8: {  	[smem:$0x3F9F] =	sst s0  }
0x9: {  	[smem:$0x3FA0] =	sst s1  }
0xa: {  	[smem:$0x3FA1] =	sst s2  }
0xb: {  	[smem:$0x3FA2] =	sst s3  }
0xc: {  	[smem:$0x3FA3] =	sst s4  }
0xd: {  	[smem:$0x3FA4] =	sst s5  }
0xe: {  	[smem:$0x3FA5] =	sst s6  }
0xf: {  	[smem:$0x3FA6] =	sst s7  }
0x10: {  	[smem:$0x3FA7] =	sst s8  }
0x11: {  	[smem:$0x3FA8] =	sst s9;
	s0 =	simm.s32 @!p0 $0x0  }
0x12: {  	s1 =	sld [smem:$0x3F8E];
	s0 =	simm.s32 @p0 $0x1  }
0x13: {  	[smem:$0x3FA9] =	sst s0;
	s0 =	simm.s32 @!p1 $0x0  }
0x14: {  	s2 =	sld [smem:$0x3F8D];
	s0 =	simm.s32 @p1 $0x1  }
0x15: {  	[smem:$0x3FAA] =	sst s0;
	s0 =	simm.s32 @!p2 $0x0  }
0x16: {  	s3 =	sld [smem:$0x3FDB];
	s0 =	simm.s32 @p2 $0x1  }
0x17: {  	s4 =	simm.s32 $0x1BF5;
	[smem:$0x3FAC] =	sst s0  }
0x18: {  	s0 =	sld [smem:$0x3F8F];
	_ =	swait.ge [sflag:s4], $0x0  }
0x19: {  	s7 =	sld [smem:$0x3F90]  }
0x1a: {  	s8 =	sadd.s32 $0xFFFFE003, lr  }
0x1b: {  	s9 =	sadd.s32 $0xFFFFFEF7, lr;
	s5 =	simm.s32 $0xFFFFFFFF;
	p2 =	slt.u32 s8, $0xFFFFF086  }
0x1c: {  	p1 =	slt.u32 s9, $0xF7A;
	s5 =	simm.s32 @!p2 $0x0  }
0x1d: {  	s5 =	simm.s32 @p1 $0x1;
	p0 =	seq.s32 s7, s2  }
0x1e: {  	s7 =	smul.u32 @!p0 $0xF7A, s2;
	p2 =	seq.s32 @!p0 s5, $0x0  }
0x1f: {  	s9 =	smul.u32 $0xF7A, s1;
	s8 =	simm.s32 @!p0 $0x1BF5;
	p2 =	por !p2, p0  }
0x20: {  	[sflag:s8] =	ssyncset.s32 @!p0 $0xFFFFF086;
	s6 =	sadd.s32 @!p0 s3, s7;
	s7 =	simm.s32 @!p0 $0x108  }
0x21: {  	s3 =	sadd.s32 s3, s9;
	s6 =	sadd.s32 @!p0 $0x88, s6;
	s7 =	simm.s32 @p2 $0x1082  }
0x22: {  	[simem:s7], [sflag:s8] =	dma.local @!p0 [hbm:s6], $0xF7A  }
0x23: {  	s9 =	sor.u32 $0xD0000000, s2;
	s6 =	simm.s32 $0x108;
	_ =	swait.ge @!p0 [sflag:s8], $0x0  }
0x24: {  	s3 =	sadd.s32 $0x88, s3;
	s6 =	simm.s32 @!p1 $0x1082;
	[sflag:s4] =	ssyncset.s32 $0xFFFFF086  }
0x25: {  	[simem:s6], [sflag:s4] =	dma.local [hbm:s3], $0xF7A  }
0x26: {  	[smem:$0x3F90] =	sst s1;
	(tag) =	ssettag s2;
	_ =	strace s9  }
0x27: {  	s1 =	sld [smem:$0x3FA0]  }
0x28: {  	s2 =	sld [smem:$0x3FA1]  }
0x29: {  	s4 =	sld [smem:$0x3FA3]  }
0x2a: {  	p0 =	seq.s32 s5, $0x0;
	s5 =	sld [smem:$0x3FA4]  }
0x2b: {  	s6 =	sld [smem:$0x3FA5]  }
0x2c: {  	s7 =	sld [smem:$0x3FA6]  }
0x2d: {  	s3 =	simm.s32 $0x108;
	s8 =	sld [smem:$0x3FA7]  }
0x2e: {  	s3 =	simm.s32 @!p0 $0x1082;
	s9 =	sld [smem:$0x3FA8]  }
0x2f: {  	lr =	sadd.s32 s0, s3;
	s0 =	sld [smem:$0x3F9F]  }
0x30: {  	s3 =	sld [smem:$0x3FA2]  }
0x31: {  	[smem:$0x3FAB] =	sst s10  }
0x32: {  	s10 =	sld [smem:$0x3FA9];
	_ =	sdelay $0x3  }
0x33: {  	p0 =	seq.s32 s10, $0x1;
	s10 =	sld [smem:$0x3FAB];
	_ =	sdelay $0x3  }
0x34: {  	[smem:$0x3FAB] =	sst s10  }
0x35: {  	s10 =	sld [smem:$0x3FAA];
	_ =	sdelay $0x3  }
0x36: {  	p1 =	seq.s32 s10, $0x1;
	s10 =	sld [smem:$0x3FAB];
	_ =	sdelay $0x3  }
0x37: {  	[smem:$0x3FAB] =	sst s10  }
0x38: {  	s10 =	sld [smem:$0x3FAC]  }
0x39: {  	_ = 	snop;
	(pc) =	sbr.ind lr, $3  }
0x3a: {  	_ = 	snop  }
0x3b: {  	_ = 	snop  }
0x3c: {  	p2 =	seq.s32 s10, $0x1;
	s10 =	sld [smem:$0x3FAB]  }
0x3d: {  	_ =	shalt  }
0x3e: {  	_ =	shalt  }
0x3f: {  	_ =	shalt  }
0x40: {  	_ =	shalt  }
0x41: {  	_ =	shalt  }
0x42: {  	_ =	shalt  }
0x43: {  	_ =	shalt  }
0x44: {  	_ =	shalt  }
0x45: {  	_ =	shalt  }
0x46: {  	_ =	shalt  }
0x47: {  	_ =	shalt  }
0x48: {  	_ =	shalt  }
0x49: {  	_ =	shalt  }
0x4a: {  	_ =	shalt  }
0x4b: {  	_ =	shalt  }
0x4c: {  	_ =	shalt  }
0x4d: {  	_ =	shalt  }
0x4e: {  	_ =	shalt  }
0x4f: {  	_ =	shalt  }
0x50: {  	_ =	shalt  }
0x51: {  	_ =	shalt  }
0x52: {  	_ =	shalt  }
0x53: {  	_ =	shalt  }
0x54: {  	_ =	shalt  }
0x55: {  	_ =	shalt  }
0x56: {  	_ =	shalt  }
0x57: {  	_ =	shalt  }
0x58: {  	_ =	shalt  }
0x59: {  	_ =	shalt  }
0x5a: {  	_ =	shalt  }
0x5b: {  	_ =	shalt  }
0x5c: {  	_ =	shalt  }
0x5d: {  	_ =	shalt  }
0x5e: {  	_ =	shalt  }
0x5f: {  	_ =	shalt  }
0x60: {  	_ =	shalt  }
0x61: {  	_ =	shalt  }
0x62: {  	_ =	shalt  }
0x63: {  	_ =	shalt  }
0x64: {  	_ =	shalt  }
0x65: {  	_ =	shalt  }
0x66: {  	_ =	shalt  }
0x67: {  	_ =	shalt  }
0x68: {  	_ =	shalt  }
0x69: {  	_ =	shalt  }
0x6a: {  	_ =	shalt  }
0x6b: {  	_ =	shalt  }
0x6c: {  	_ =	shalt  }
0x6d: {  	_ =	shalt  }
0x6e: {  	_ =	shalt  }
0x6f: {  	_ =	shalt  }
0x70: {  	_ =	shalt  }
0x71: {  	_ =	shalt  }
0x72: {  	_ =	shalt  }
0x73: {  	_ =	shalt  }
0x74: {  	_ =	shalt  }
0x75: {  	_ =	shalt  }
0x76: {  	_ =	shalt  }
0x77: {  	_ =	shalt  }
0x78: {  	_ =	shalt  }
0x79: {  	_ =	shalt  }
0x7a: {  	_ =	shalt  }
0x7b: {  	_ =	shalt  }
0x7c: {  	_ =	shalt  }
0x7d: {  	_ =	shalt  }
0x7e: {  	_ =	shalt  }
0x7f: {  	_ =	shalt  }
0x80: {  	_ =	shalt  }
0x81: {  	_ =	shalt  }
0x82: {  	_ =	shalt  }
0x83: {  	_ =	shalt  }
0x84: {  	_ =	shalt  }
0x85: {  	_ =	shalt  }
0x86: {  	_ =	shalt  }
0x87: {  	_ =	shalt  }
.Lfunc_end0:
.L_simem_size_0:
called_computation.2_lowered:
.L_overlay_start_0:
0x88: {  	s2 =	sld [smem:$0x3FD9]  }
0x89: {  	s3 =	sld [smem:$0x3FFE];
	_ =	sdelay $0x1  }
0x8a: {  	s1 =	srdreg.scid  }
0x8b: {  	s0 =	sand.u32 $0x1, s1  }
0x8c: {  	s16 =	sshll.u32 s0, $0xA;
	s2 =	sadd.s32 s3, s2  }
0x8d: {  	s2 =	sadd.s32 s2, s16  }
0x8e: {  	[smem:$0x3FB7] =	sst s2  }
0x8f: {  	_ = 	snop  }
0x90: {  	(tm) =	ssettm $0x1  }
0x91: {  	s17 =	sld [smem:$0x3FFB];
	_ =	sdelay $0x3  }
0x92: {  	_ =	strace s17  }
0x93: {  	s2 =	sld [smem:$0x3FFC];
	_ =	sdelay $0x3  }
0x94: {  	_ =	strace s2  }
0x95: {  	s2 =	sld [smem:$0x3FFD];
	_ =	sdelay $0x3  }
0x96: {  	_ =	strace s2  }
0x97: {  	_ =	strace $0x8FFFFFFF  }
0x98: {  	s18 =	sld [smem:$0x3FDB];
	_ =	sdelay $0x1  }
0x99: {  	s19 =	simm.s32 $_scs_section_size  }
0x9a: {  	s4 =	simm.s32 $_size__tile_overlayer_lowered;
	s5 =	simm.s32 $_tile_overlayer_lowered  }
0x9b: {  	s22 =	simm.s32 $0x1BFF;
	s21 =	sshll.u32 s5, $0x1;
	s2 =	sadd.s32 s19, s18  }
0x9c: {  	s6 =	simm.s32 $0x0;
	s20 =	sshll.u32 s4, $0x1;
	s4 =	sadd.s32 s21, s2  }
0x9d: {  	[timem:s6], [sflag:s22] =	dma.local [hbm:s4], s20  }
0x9e: {  	_ =	swait.ge [sflag:s22], s20  }
0x9f: {  	s3 =	ssub.s32 $0x0, s20;
	[sflag:s22] =	ssyncset.done $0x0  }
0xa0: {  	[sflag:s22] =	ssyncadd.s32 s3;
	_ =	sdelay $0x1  }
0xa1: {  	s23 =	simm.s32 $0x1B8B  }
0xa2: {  	_ =	swait.ge [sflag:s23], $0x1  }
0xa3: {  	[sflag:s23] =	ssyncset.done $0x0  }
0xa4: {  	s25 =	simm.s32 $0x1B8E;
	s24 =	sld [smem:$0x3FFE];
	[sflag:s23] =	ssyncadd.s32 $0xFFFFFFFF  }
0xa5: {  	s26 =	simm.s32 $execute0_lowered;
	[smem:$0x3FD2] =	sst s25  }
0xa6: {  	s4 =	sshll.u32 s26, $0x1;
	_ =	strace $0x8000004C;
	[dreg:$0x1] =	wrdreg $0xFFFFFFFF  }
0xa7: {  	s28 =	simm.s32 $_size_execute0_lowered;
	s2 =	sadd.s32 s2, s4;
	[dreg:$0x0] =	wrdreg $0x0  }
0xa8: {  	s4 =	sshll.u32 s28, $0x1;
	[dreg:$0x2] =	wrdreg s2  }
0xa9: {  	[dreg:$0x3] =	wrdreg s4  }
0xaa: {  	[dreg:$0x4] =	wrdreg $0xC0  }
0xab: {  	_ =	task [dreg:s6], $0x5FFFF  }
0xac: {  	[dreg:$0x1] =	wrdreg $0xFFFFFFFF  }
0xad: {  	[dreg:$0x0] =	wrdreg $0x60  }
0xae: {  	[dreg:$0x2] =	wrdreg s24  }
0xaf: {  	[dreg:$0x3] =	wrdreg $0x89000  }
0xb0: {  	[dreg:$0x4] =	wrdreg $0x9  }
0xb1: {  	_ =	task.clear_ibuf [dreg:s6], $0x5FFFF;
	_ =	strace $0x9000004C  }
0xb2: {  	s29 =	simm.s32 $0x9;
	_ =	strace $0x8000004E  }
0xb3: {  	_ =	swait.ge [sflag:s29], $0x1  }
0xb4: {  	[sflag:s29] =	ssyncadd.s32 $0xFFFFFFFF  }
0xb5: {  	_ =	strace $0x9000004E  }
0xb6: {  	_ =	sfence  }
0xb7: {  	s30 =	sld [smem:$0x0];
	_ =	sdelay $0x2  }
0xb8: {  	s31 =	sshll.u32 s1, $0xD;
	s1 =	sshrl.u32 s1, $0x2  }
0xb9: {  	s3 =	sand.u32 $0x4000, s31;
	s1 =	sadd.s32 s1, s30  }
0xba: {  	s0 =	sor.u32 s3, s0;
	s1 =	sshll.u32 s1, $0x11  }
0xbb: {  	s0 =	sor.u32 s1, s0  }
0xbc: {  	s0 =	sadd.s32 $0x8F2B, s0  }
0xbd: {  	[sflag:s0] =	ssyncadd.remote.s32 $0x1  }
0xbe: {  	_ =	sfence.sel $0xFFFF  }
0xbf: {  	[dreg:$0x0] =	wrdreg $0xFFFFFFFF;
	(pc) =	sbr.abs _section_cstart, $3  }
0xc0: {  	[dreg:$0x1] =	wrdreg $0xFFFFFFFF  }
0xc1: {  	_ =	task.clear_ibuf [dreg:s6], $0x2FFFF;
	_ =	strace $0x9FFFFFFF  }
0xc2: {  	(tm) =	ssettm $0x7FFFFFFF  }
0xc3: {  	_ =	shalt  }
tec
execute0_lowered:
.L_overlay_start_1:
0x0: {  	(tag) =	ssettag $0x1  }
0x1: {  	s0 =	srdreg.scid;
	s6 =	rddreg [dreg:$0x0]  }
0x2: {  	s2 =	rddreg [dreg:$0x1];
	s3 =	simm.s32 $0x0;
	s15 =	simm.s32 $0x80  }
0x3: {  	s16 =	simm.s32 $0x4800;
	s17 =	simm.s32 $0x4900;
	s18 =	simm.s32 $0x1  }
0x4: {  	s19 =	simm.s32 $0x4880;
	s8 =	sand.u32 $0x1, s0;
	s0 =	stileid.u32  }
0x5: {  	s20 =	simm.s32 $0x0;
	[smem:$0x7FF] =	sst s3;
	s7 =	smul.u32 $0x13C000, s8  }
0x6: {  	s4 =	sadd.s32 $0x16400, s6;
	s1 =	sshll.u32 s8, $0x4;
	s9 =	smul.u32 $0x13C00, s0  }
0x7: {  	s28 =	ssub.s32 $0x2, s8;
	s12 =	smul.u32 $0x4F000, s0;
	p0 =	seq.s32 s8, $0x0  }
0x8: {  	s8 =	simm.s32 $0x8F;
	s31 =	sshll.u32 s0, $0x6;
	s1 =	sor.u32 s0, s1  }
0x9: {  	s29 =	sshrl.u32 s28, $0x1;
	s8 =	simm.s32 @!p0 $0xF;
	s5 =	smul.u32 $0x480, s1  }
0xa: {  	s1 =	rddreg [dreg:$0x2];
	_ =	strace $0x8000004D;
	s7 =	sadd.s32 s9, s7  }
0xb: {  	s13 =	ssub.s32 s28, s29;
	s30 =	sshrl.u32 s12, $0x2;
	s12 =	simm.s32 $0x2400  }
0xc: {  	s7 =	sshrl.u32 s7, $0x3;
	s14 =	sadd.s32 s30, s2;
	s10 =	sadd.s32 s5, s6  }
0xd: {  	s5 =	sadd.s32 $0x13C00, s6;
	s11 =	sadd.s32 s7, s6;
	s14 =	sshrl.u32 s14, $0x3  }
0xe: {  	s6 =	sadd.s32 $0xAC00, s10;
	s7 =	sadd.s32 $0x1C00, s10;
	s9 =	sadd.s32 $0x3D600, s11  }
0xf: {  	s10 =	smax.u32 s13, $0x1;
	s11 =	simm.s32 $0x2;
	s13 =	sor.u32 $0x1C02, s31  }
.LBB2_1:
0x10: {  	[tilespmem:s3], [sflag:$0x2] =	stream.linear.gather [hbm4b:s6+s3], $0x2400, $0x38;
	[tilespmem:$0x1C500] =	vst v63  }
0x11: {  	_ =	swait.ge [sflag:s11], $0x2400  }
0x12: {  	[sflag:s11] =	ssyncset.done $0x0  }
0x13: {  	[sflag:s11] =	ssyncadd.s32 $0xFFFFDC00  }
0x14: {  	[tilespmem:s12], [sflag:$0x2] =	stream.linear.gather [hbm4b:s7+s3], $0x2400, $0x38;
	[tilespmem:$0x1C500] =	vst v63  }
0x15: {  	_ =	swait.ge [sflag:s11], $0x2400  }
0x16: {  	[sflag:s11] =	ssyncset.done $0x0  }
0x17: {  	[sflag:s11] =	ssyncadd.s32 $0xFFFFDC00  }
0x18: {  	v0 =	vld [tilespmem:$0x0];
	_ =	sdelay $0x1  }
0x19: {  	v1 =	vld [tilespmem:$0x10];
	_ =	sdelay $0x1  }
0x1a: {  	v2 =	vld [tilespmem:$0x20]  }
0x1b: {  	v3 =	vand.u32 $0xFFFF, v0  }
0x1c: {  	v0 =	vshra.s32 v0, $0x10;
	[tilespmem:$0x4800] =	vst v3;
	v3 =	vld [tilespmem:$0x30]  }
0x1d: {  	[tilespmem:$0x4810] =	vst v0;
	v0 =	vand.u32 $0xFFFF, v1  }
0x1e: {  	[tilespmem:$0x4820] =	vst v0;
	v0 =	vshra.s32 v1, $0x10;
	v1 =	vld [tilespmem:$0x2400]  }
0x1f: {  	[tilespmem:$0x4830] =	vst v0;
	v0 =	vand.u32 $0xFFFF, v2  }
0x20: {  	[tilespmem:$0x4840] =	vst v0;
	v0 =	vshra.s32 v2, $0x10;
	v2 =	vld [tilespmem:$0x2410]  }
0x21: {  	[tilespmem:$0x4850] =	vst v0;
	v0 =	vand.u32 $0xFFFF, v3  }
0x22: {  	[tilespmem:$0x4860] =	vst v0;
	v0 =	vshra.s32 v3, $0x10;
	v3 =	vld [tilespmem:$0x2420]  }
0x23: {  	[tilespmem:$0x4870] =	vst v0;
	v0 =	vand.u32 $0xFFFF, v1  }
0x24: {  	[tilespmem:$0x4880] =	vst v0;
	v0 =	vshra.s32 v1, $0x10;
	v1 =	vld [tilespmem:$0x2430]  }
0x25: {  	[tilespmem:$0x4890] =	vst v0;
	v0 =	vand.u32 $0xFFFF, v2  }
0x26: {  	[tilespmem:$0x48A0] =	vst v0;
	v0 =	vshra.s32 v2, $0x10  }
0x27: {  	[tilespmem:$0x48B0] =	vst v0;
	v0 =	vand.u32 $0xFFFF, v3  }
0x28: {  	[tilespmem:$0x48C0] =	vst v0;
	v0 =	vshra.s32 v3, $0x10  }
0x29: {  	[tilespmem:$0x48D0] =	vst v0;
	v0 =	vand.u32 $0xFFFF, v1  }
0x2a: {  	[tilespmem:$0x48E0] =	vst v0;
	v0 =	vshra.s32 v1, $0x10  }
0x2b: {  	[tilespmem:$0x48F0] =	vst v0  }
0x2c: {  	[spmem:s14], [sflag:s13] =	dma.local [hbm:s5], $0x2780  }
0x2d: {  	_ =	swait.ge [sflag:s11], $0x2780  }
0x2e: {  	[sflag:s11] =	ssyncset.done $0x0  }
0x2f: {  	[sflag:s11] =	ssyncadd.s32 $0xFFFFD880  }
0x30: {  	[bflag:$0x0] =	sbarrier.arrive $0xFFFF  }
0x31: {  	[tilespmem:s17], [sflag:$0x1] =	stream.indirect.gather [hbm4b:s4+s15], $0x80, s16, s15, $0xb8;
	[tilespmem:$0x1C500] =	vst v63  }
0x32: {  	_ =	swait.ge [sflag:s18], $0x4000  }
0x33: {  	[sflag:s18] =	ssyncset.done $0x0  }
0x34: {  	s21 =	simm.s32 $0x70;
	[sflag:s18] =	ssyncadd.s32 $0xFFFFC000  }
0x35: {  	v0 =	vld [tilespmem:s21+$0xFFFFFFD0];
	_ =	sdelay $0x4  }
0x36: {  	v1 =	vand.u32 $0xFFFF, v0  }
0x37: {  	v0 =	vshra.s32 v0, $0x10;
	[tilespmem:$0x4800] =	vst v1  }
0x38: {  	[tilespmem:$0x4810] =	vst v0  }
0x39: {  	v0 =	vld [tilespmem:s21+$0xFFFFFFE0];
	_ =	sdelay $0x4  }
0x3a: {  	v1 =	vand.u32 $0xFFFF, v0  }
0x3b: {  	v0 =	vshra.s32 v0, $0x10;
	[tilespmem:$0x4820] =	vst v1  }
0x3c: {  	[tilespmem:$0x4830] =	vst v0  }
0x3d: {  	v0 =	vld [tilespmem:s21+$0xFFFFFFF0];
	_ =	sdelay $0x4  }
0x3e: {  	v1 =	vand.u32 $0xFFFF, v0  }
0x3f: {  	v0 =	vshra.s32 v0, $0x10;
	[tilespmem:$0x4840] =	vst v1  }
0x40: {  	[tilespmem:$0x4850] =	vst v0  }
0x41: {  	v0 =	vld [tilespmem:s21+$0x0];
	_ =	sdelay $0x4  }
0x42: {  	v1 =	vand.u32 $0xFFFF, v0  }
0x43: {  	v0 =	vshra.s32 v0, $0x10;
	[tilespmem:$0x4860] =	vst v1  }
0x44: {  	[tilespmem:$0x4870] =	vst v0  }
0x45: {  	[spmem:s2] =	stream.indirect.scatter.add.f32 [tilespmem:s17], [sflag:$0x2], $0x80, s19, s15, $0xb8;
	[tilespmem:$0x1C500] =	vst v63  }
0x46: {  	_ =	swait.ge [sflag:s11], $0x4000  }
0x47: {  	[sflag:s11] =	ssyncset.done $0x0  }
0x48: {  	s22 =	simm.s32 $0x2470;
	[sflag:s11] =	ssyncadd.s32 $0xFFFFC000  }
0x49: {  	v0 =	vld [tilespmem:s22+$0xFFFFFFD0];
	_ =	sdelay $0x4  }
0x4a: {  	v1 =	vand.u32 $0xFFFF, v0  }
0x4b: {  	v0 =	vshra.s32 v0, $0x10;
	[tilespmem:$0x4880] =	vst v1  }
0x4c: {  	[tilespmem:$0x4890] =	vst v0  }
0x4d: {  	v0 =	vld [tilespmem:s22+$0xFFFFFFE0];
	_ =	sdelay $0x4  }
0x4e: {  	v1 =	vand.u32 $0xFFFF, v0  }
0x4f: {  	v0 =	vshra.s32 v0, $0x10;
	[tilespmem:$0x48A0] =	vst v1  }
0x50: {  	[tilespmem:$0x48B0] =	vst v0  }
0x51: {  	v0 =	vld [tilespmem:s22+$0xFFFFFFF0]  }
0x52: {  	p0 =	sne.s32 s8, $0x1  }
.Ltmp0:
0x53: {  	_ = 	snop;
	(pc) =	sbr.rel @!p0 .LBB2_3-.Ltmp0, $3  }
0x54: {  	_ =	sdelay $0x1  }
0x55: {  	v1 =	vand.u32 $0xFFFF, v0  }
0x56: {  	s23 =	sadd.s32 $0xFFFFFFFF, s8;
	s24 =	simm.s32 $0x2470;
	v0 =	vshra.s32 v0, $0x10;
	[tilespmem:$0x48C0] =	vst v1  }
.LBB2_2:
0x57: {  	p0 =	sne.s32 s23, $0x1;
	[tilespmem:$0x48D0] =	vst v0;
	s21 =	sadd.s32 $0x40, s21;
	s24 =	sadd.s32 $0x40, s24  }
0x58: {  	s23 =	sadd.s32 $0xFFFFFFFF, s23;
	v0 =	vld [tilespmem:s22+$0x0];
	s22 =	smov.u32 s24;
	_ =	sdelay $0x4  }
0x59: {  	v1 =	vand.u32 $0xFFFF, v0;
	v0 =	vshra.s32 v0, $0x10  }
0x5a: {  	[tilespmem:$0x48E0] =	vst v1  }
0x5b: {  	[tilespmem:$0x48F0] =	vst v0  }
0x5c: {  	[tilespmem:s17], [sflag:$0x1] =	stream.indirect.gather [hbm4b:s4+s15], $0x80, s16, s15, $0xb8;
	[tilespmem:$0x1C500] =	vst v63  }
0x5d: {  	_ =	swait.ge [sflag:s18], $0x4000  }
0x5e: {  	[sflag:s18] =	ssyncset.done $0x0  }
0x5f: {  	[sflag:s18] =	ssyncadd.s32 $0xFFFFC000  }
0x60: {  	v0 =	vld [tilespmem:s21+$0xFFFFFFD0];
	_ =	sdelay $0x4  }
0x61: {  	v1 =	vand.u32 $0xFFFF, v0;
	v0 =	vshra.s32 v0, $0x10  }
0x62: {  	[tilespmem:$0x4800] =	vst v1  }
0x63: {  	[tilespmem:$0x4810] =	vst v0  }
0x64: {  	v0 =	vld [tilespmem:s21+$0xFFFFFFE0];
	_ =	sdelay $0x4  }
0x65: {  	v1 =	vand.u32 $0xFFFF, v0;
	v0 =	vshra.s32 v0, $0x10  }
0x66: {  	[tilespmem:$0x4820] =	vst v1  }
0x67: {  	[tilespmem:$0x4830] =	vst v0  }
0x68: {  	v0 =	vld [tilespmem:s21+$0xFFFFFFF0];
	_ =	sdelay $0x4  }
0x69: {  	v1 =	vand.u32 $0xFFFF, v0;
	v0 =	vshra.s32 v0, $0x10  }
0x6a: {  	[tilespmem:$0x4840] =	vst v1  }
0x6b: {  	[tilespmem:$0x4850] =	vst v0  }
0x6c: {  	v0 =	vld [tilespmem:s21+$0x0];
	_ =	sdelay $0x4  }
0x6d: {  	v1 =	vand.u32 $0xFFFF, v0;
	v0 =	vshra.s32 v0, $0x10  }
0x6e: {  	[tilespmem:$0x4860] =	vst v1  }
0x6f: {  	[tilespmem:$0x4870] =	vst v0  }
0x70: {  	[spmem:s2] =	stream.indirect.scatter.add.f32 [tilespmem:s17], [sflag:$0x2], $0x80, s19, s15, $0xb8;
	[tilespmem:$0x1C500] =	vst v63  }
0x71: {  	_ =	swait.ge [sflag:s11], $0x4000  }
0x72: {  	[sflag:s11] =	ssyncset.done $0x0  }
0x73: {  	[sflag:s11] =	ssyncadd.s32 $0xFFFFC000  }
0x74: {  	v0 =	vld [tilespmem:s24+$0xFFFFFFD0];
	_ =	sdelay $0x4  }
0x75: {  	v1 =	vand.u32 $0xFFFF, v0;
	v0 =	vshra.s32 v0, $0x10  }
0x76: {  	[tilespmem:$0x4880] =	vst v1  }
0x77: {  	[tilespmem:$0x4890] =	vst v0  }
0x78: {  	v0 =	vld [tilespmem:s24+$0xFFFFFFE0];
	_ =	sdelay $0x4  }
0x79: {  	v1 =	vand.u32 $0xFFFF, v0;
	v0 =	vshra.s32 v0, $0x10  }
0x7a: {  	[tilespmem:$0x48A0] =	vst v1  }
0x7b: {  	[tilespmem:$0x48B0] =	vst v0  }
0x7c: {  	v0 =	vld [tilespmem:s24+$0xFFFFFFF0];
	_ =	sdelay $0x1  }
.Ltmp1:
0x7d: {  	(pc) =	sbr.rel @p0 .LBB2_2-.Ltmp1, $3  }
0x7e: {  	_ =	sdelay $0x1  }
0x7f: {  	v1 =	vand.u32 $0xFFFF, v0;
	v0 =	vshra.s32 v0, $0x10  }
0x80: {  	[tilespmem:$0x48C0] =	vst v1  }
.LBB2_3:
0x81: {  	[tilespmem:$0x48D0] =	vst v0  }
0x82: {  	v0 =	vld [tilespmem:s22+$0x0];
	_ =	sdelay $0x4  }
0x83: {  	v1 =	vand.u32 $0xFFFF, v0  }
0x84: {  	v0 =	vshra.s32 v0, $0x10;
	[tilespmem:$0x48E0] =	vst v1  }
0x85: {  	[tilespmem:$0x48F0] =	vst v0  }
0x86: {  	[tilespmem:s17], [sflag:$0x1] =	stream.indirect.gather [hbm4b:s4+s15], $0x80, s16, s15, $0xb8;
	[tilespmem:$0x1C500] =	vst v63  }
0x87: {  	_ =	swait.ge [sflag:s18], $0x4000  }
0x88: {  	[sflag:s18] =	ssyncset.done $0x0  }
0x89: {  	[sflag:s18] =	ssyncadd.s32 $0xFFFFC000  }
0x8a: {  	[spmem:s2] =	stream.indirect.scatter.add.f32 [tilespmem:s17], [sflag:$0x2], $0x80, s19, s15, $0xb8;
	[tilespmem:$0x1C500] =	vst v63  }
0x8b: {  	_ =	swait.ge [sflag:s11], $0x4000  }
0x8c: {  	s20 =	sadd.s32 $0x1, s20;
	[sflag:s11] =	ssyncset.done $0x0  }
0x8d: {  	p0 =	sne.s32 s20, s10;
	[sflag:s11] =	ssyncadd.s32 $0xFFFFC000  }
.Ltmp2:
0x8e: {  	[bflag:$0x0] =	sbarrier.arrive $0xFFFF;
	(pc) =	sbr.rel @p0 .LBB2_1-.Ltmp2, $4  }
0x8f: {  	[hbm:s9], [sflag:s13] =	dma.local [spmem:s14], $0x2780  }
0x90: {  	_ =	swait.ge [sflag:s11], $0x2780  }
0x91: {  	[sflag:s11] =	ssyncset.done $0x0  }
0x92: {  	[sflag:s11] =	ssyncadd.s32 $0xFFFFD880  }
0x93: {  	_ =	sfence.sel $0x180000  }
0x94: {  	[bflag:$0x0] =	sbarrier.arrive $0xFFFF  }
0x95: {  	p0 =	sne.s32 s0, $0x0;
	_ =	strace $0x9000004D  }
0x96: {  	s0 =	sadd.s32 @!p0 $0x100000, s1;
	[bflag:$0x2] =	sbarrier.arrive $0xFFFF  }
0x97: {  	[sflag:s0] =	ssyncadd.tile.s32 @!p0 $0x1;
	_ =	shalt  }
.Lfunc_end2:
_tile_overlayer_lowered:
.L_overlay_start_2:
0x98: {  	(tag) =	ssettag $0x2  }
0x99: {  	s0 =	rddreg [dreg:$0x0];
	s2 =	stileid.u32  }
0x9a: {  	s1 =	rddreg [dreg:$0x1];
	p0 =	sne.s32 s2, $0x0  }
0x9b: {  	s3 =	rddreg [dreg:$0x2];
	[bflag:$0x3] =	sbarrier.arrive $0xFFFF;
	s2 =	simm.s32 @!p0 $0x1C02  }
0x9c: {  	[timem:s3], [sflag:s2] =	dma.local @!p0 [hbm:s0], s1  }
0x9d: {  	s0 =	simm.s32 @!p0 $0x2  }
0x9e: {  	_ =	swait.ge @!p0 [sflag:s0], s1  }
0x9f: {  	s1 =	ssub.s32 @!p0 $0x0, s1;
	[sflag:s0] =	ssyncset.done @!p0 $0x0  }
0xa0: {  	[sflag:s0] =	ssyncadd.s32 @!p0 s1  }
0xa1: {  	[bflag:$0x3] =	sbarrier.arrive $0xFFFF  }
0xa2: {  	_ =	shalt  }

</sc_bundles>
